<compile_context>
chip_gen: v7x
topology: tpu7x:2x2x1
jax: 0.10.2.dev20260603
libtpu: 0.0.44.dev20260713+nightly
codegen_flags: <defaults>
</compile_context>

<pallas_src>
import jax
import jax.numpy as jnp
from jax import lax
from jax.experimental import pallas as pl
from jax.experimental.pallas import tpu as pltpu
from jax.experimental.pallas import tpu_sc as plsc

N_ASSETS = 10
SUB_SIZE = 100000
TOTAL_VOCAB = N_ASSETS * SUB_SIZE
EMBED_DIM = 32
BATCH = 16384

_INFO = plsc.get_sparse_core_info()
_NC = _INFO.num_cores
_NS = _INFO.num_subcores
_LANES = _INFO.num_lanes
_NW = _NC * _NS
_BPW = BATCH // _NW
_NBLK = _BPW // _LANES

_LAST_TILE = (TOTAL_VOCAB // 128) - 1
_TAIL_START = (_LAST_TILE + 1) * 128
_TAIL_LEN = TOTAL_VOCAB - _TAIL_START


_G = 8
_NG = _BPW // _G


def _sc_body(asset_hbm, shape_hbm, tt_hbm, outt_hbm,
             asset_v, shape_v, idx_v, jc_v, slots_v, tail_v, rows_v,
             sem_a, sem_b, sem_c):
    wid = lax.axis_index("s") * _NC + lax.axis_index("c")
    base = wid * _BPW

    pltpu.sync_copy(asset_hbm.at[pl.ds(base, _BPW)], asset_v)
    pltpu.sync_copy(shape_hbm.at[pl.ds(base, _BPW)], shape_v)
    pltpu.sync_copy(tt_hbm.at[:, pl.ds(_TAIL_START, _TAIL_LEN)], tail_v)

    lane = lax.iota(jnp.int32, _LANES)

    for i in range(_NBLK):
        off = i * _LANES
        a = asset_v[pl.ds(off, _LANES)]
        s = shape_v[pl.ds(off, _LANES)]
        idx = a * SUB_SIZE + s
        idx_v[pl.ds(off, _LANES)] = idx
        jc_v[pl.ds(off, _LANES)] = jnp.minimum(
            lax.shift_right_logical(idx, 7), jnp.int32(_LAST_TILE))
    idx_v[pl.ds(_BPW, _LANES)] = lane * 0
    idx_v[pl.ds(_BPW + _LANES, _LANES)] = lane * 0
    jc_v[pl.ds(_BPW, _LANES)] = lane * 0
    jc_v[pl.ds(_BPW + _LANES, _LANES)] = lane * 0

    def _fire(g, slot_base, sem):
        jcs = jc_v[pl.ds(g * _G, _LANES)]
        for l in range(_G):
            wstart = pl.multiple_of(jcs[l] * 128, 128)
            pltpu.make_async_copy(
                tt_hbm.at[:, pl.ds(wstart, 128)],
                slots_v.at[slot_base + l],
                sem,
            ).start()

    def _drain(slot_base, sem):
        for l in range(_G):
            pltpu.make_async_copy(
                tt_hbm.at[:, pl.ds(0, 128)],
                slots_v.at[slot_base + l],
                sem,
            ).wait()

    def _extract(g, slot_base):
        vec = idx_v[pl.ds(g * _G, _LANES)]
        for l in range(_G):
            i = vec[l]
            cvec = lane * 0 + (i & 127)
            jvec = lane * 0 + (g * _G + l)
            is_tail = i >= _TAIL_START
            trow = lane * 0 + jnp.maximum(i - _TAIL_START, 0)
            slot = slots_v.at[slot_base + l]
            for h in range(EMBED_DIM // _LANES):
                e16 = h * _LANES + lane
                vm = plsc.load_gather(slot, [e16, cvec])
                vt = plsc.load_gather(tail_v, [e16, trow])
                val = jnp.where(is_tail, vt, vm)
                plsc.store_scatter(rows_v, [e16, jvec], val)

    _fire(0, 0, sem_a)
    _fire(1, _G, sem_b)
    _fire(2, 2 * _G, sem_c)

    def _triple(t, _):
        g = 3 * t
        for ph, sem in ((0, sem_a), (1, sem_b), (2, sem_c)):
            _drain(ph * _G, sem)
            _extract(g + ph, ph * _G)

            @pl.when(g + ph + 3 < _NG)
            def _(ph=ph, sem=sem):
                _fire(g + ph + 3, ph * _G, sem)

        return 0

    lax.fori_loop(0, _NG // 3, _triple, 0)

    for g in range((_NG // 3) * 3, _NG):
        ph = g % 3
        sem = (sem_a, sem_b, sem_c)[ph]
        _drain(ph * _G, sem)
        _extract(g, ph * _G)

    pltpu.sync_copy(rows_v, outt_hbm.at[:, pl.ds(base, _BPW)])


@jax.jit
def _lookup(asset_index, shape_index, table_t):
    mesh = plsc.VectorSubcoreMesh(core_axis_name="c", subcore_axis_name="s")
    fn = pl.kernel(
        _sc_body,
        out_type=jax.ShapeDtypeStruct((EMBED_DIM, BATCH), jnp.float32),
        mesh=mesh,
        scratch_types=[
            pltpu.VMEM((_BPW,), jnp.int32),
            pltpu.VMEM((_BPW,), jnp.int32),
            pltpu.VMEM((_BPW + 2 * _LANES,), jnp.int32),
            pltpu.VMEM((_BPW + 2 * _LANES,), jnp.int32),
            pltpu.VMEM((3 * _G, EMBED_DIM, 128), jnp.float32),
            pltpu.VMEM((EMBED_DIM, _TAIL_LEN), jnp.float32),
            pltpu.VMEM((EMBED_DIM, _BPW), jnp.float32),
            pltpu.SemaphoreType.DMA,
            pltpu.SemaphoreType.DMA,
            pltpu.SemaphoreType.DMA,
        ],
        compiler_params=pltpu.CompilerParams(needs_layout_passes=False),
    )
    return fn(asset_index, shape_index, table_t)


def kernel(asset_index, shape_index, table):
    out_t = _lookup(asset_index.astype(jnp.int32),
                    shape_index.astype(jnp.int32),
                    table.T)
    return out_t.T

# --- scband reference (transcript-rebuilt; emitter-appended) ---
"""Pipeline reference for scband-double-embedding-61581241090137 (READ-ONLY COPY).

The authoritative reference and input builder live on the scoring server;
editing this copy changes nothing except your own understanding.
"""

import jax, jax.numpy as jnp
import numpy as np

N_ASSETS = 10
SUB_SIZE = 100000
TOTAL_VOCAB = N_ASSETS * SUB_SIZE
EMBED_DIM = 32
BATCH = 16384


def setup_inputs(seed: int = 0) -> dict:
    key = jax.random.key(seed)
    k1, k2, k3 = jax.random.split(key, 3)
    asset_index = jax.random.randint(k1, (BATCH,), 0, N_ASSETS)
    shape_index = jax.random.randint(k2, (BATCH,), 0, SUB_SIZE)
    table = jax.random.normal(k3, (TOTAL_VOCAB, EMBED_DIM), dtype=jnp.float32) * 0.02
    return {"asset_index": asset_index, "shape_index": shape_index, "table": table}


def reference(asset_index, shape_index, table):
    sub_embedding_sizes = jnp.full((N_ASSETS,), SUB_SIZE, dtype=jnp.int32)
    offsets = jnp.concatenate([
        jnp.zeros((1,), dtype=jnp.int32),
        jnp.cumsum(sub_embedding_sizes[:-1], dtype=jnp.int32),
    ], axis=0)
    indices = jnp.take(offsets, asset_index, axis=0) + shape_index
    embedding = jnp.take(table, indices, axis=0)
    return embedding

if __name__ == "__main__":
    import jax
    _d = setup_inputs()
    print(jax.jit(kernel)(*tuple(_d.values())))

</pallas_src>

<mosaic_0001>
#map = affine_map<(d0, d1) -> (0)>
#map1 = affine_map<(d0, d1) -> (0, 0)>
module attributes {stable_mosaic.version = 14 : i64} {
  func.func @_sc_body(%arg0: i32, %arg1: i32, %arg2: memref<16384xi32, #tpu.memory_space<hbm>>, %arg3: memref<16384xi32, #tpu.memory_space<hbm>>, %arg4: memref<32x1000000xf32, #tpu.memory_space<hbm>>, %arg5: memref<32x16384xf32, #tpu.memory_space<hbm>>, %arg6: memref<512xi32, #tpu.memory_space<vmem>>, %arg7: memref<512xi32, #tpu.memory_space<vmem>>, %arg8: memref<544xi32, #tpu.memory_space<vmem>>, %arg9: memref<544xi32, #tpu.memory_space<vmem>>, %arg10: memref<24x32x128xf32, #tpu.memory_space<vmem>>, %arg11: memref<32x64xf32, #tpu.memory_space<vmem>>, %arg12: memref<32x512xf32, #tpu.memory_space<vmem>>, %arg13: memref<!tpu.dma_semaphore, #tpu.memory_space<semaphore_mem>>, %arg14: memref<!tpu.dma_semaphore, #tpu.memory_space<semaphore_mem>>, %arg15: memref<!tpu.dma_semaphore, #tpu.memory_space<semaphore_mem>>) attributes {dimension_semantics = [#tpu.dimension_semantics<core_parallel>, #tpu.dimension_semantics<subcore_parallel>], iteration_bounds = array<i64: 2, 16>, scalar_prefetch = 0 : i64, scratch_operands = 10 : i64, tpu.core_type = #tpu.core_type<sc_vector_subcore>, window_params = [{transform_indices = #map}, {transform_indices = #map}, {transform_indices = #map1}, {transform_indices = #map1}]} {
    %mul3A = arith.constant 2 : i32
    %mul3A_0 = arith.muli %arg1, %mul3A : i32
    %add3A = arith.addi %mul3A_0, %arg0 : i32
    %mul3A_1 = arith.constant 512 : i32
    %mul3A_2 = arith.muli %add3A, %mul3A_1 : i32
    "tpu.region"() ({
      %run_scoped3A = tpu.sem_alloc : memref<!tpu.dma_semaphore, #tpu.memory_space<semaphore_mem>>
      %dma_start3A_1534 = tpu.memref_slice %arg2[%mul3A_2] : memref<16384xi32, #tpu.memory_space<hbm>> -> memref<512xi32, #tpu.memory_space<hbm>>
      %dma_start3A_1535 = tpu.memref_slice %arg2[%mul3A_2] : memref<16384xi32, #tpu.memory_space<hbm>> -> memref<512xi32, #tpu.memory_space<hbm>>
      tpu.enqueue_dma source(%dma_start3A_1535 : memref<512xi32, #tpu.memory_space<hbm>>) target(%arg6 : memref<512xi32, #tpu.memory_space<vmem>>) target_semaphore(%run_scoped3A : memref<!tpu.dma_semaphore, #tpu.memory_space<semaphore_mem>>)
      %dma_wait3A_1536 = tpu.memref_slice %arg2[%mul3A_2] : memref<16384xi32, #tpu.memory_space<hbm>> -> memref<512xi32, #tpu.memory_space<hbm>>
      %dma_wait3A_1537 = tpu.memref_slice %arg2[%mul3A_2] : memref<16384xi32, #tpu.memory_space<hbm>> -> memref<512xi32, #tpu.memory_space<hbm>>
      tpu.wait_dma2 semaphore(%run_scoped3A : memref<!tpu.dma_semaphore, #tpu.memory_space<semaphore_mem>>) src(%dma_wait3A_1537 : memref<512xi32, #tpu.memory_space<hbm>>) dst(%arg6 : memref<512xi32, #tpu.memory_space<vmem>>)
      tpu.yield
    }) : () -> ()
    "tpu.region"() ({
      %run_scoped3A = tpu.sem_alloc : memref<!tpu.dma_semaphore, #tpu.memory_space<semaphore_mem>>
      %dma_start3A_1534 = tpu.memref_slice %arg3[%mul3A_2] : memref<16384xi32, #tpu.memory_space<hbm>> -> memref<512xi32, #tpu.memory_space<hbm>>
      %dma_start3A_1535 = tpu.memref_slice %arg3[%mul3A_2] : memref<16384xi32, #tpu.memory_space<hbm>> -> memref<512xi32, #tpu.memory_space<hbm>>
      tpu.enqueue_dma source(%dma_start3A_1535 : memref<512xi32, #tpu.memory_space<hbm>>) target(%arg7 : memref<512xi32, #tpu.memory_space<vmem>>) target_semaphore(%run_scoped3A : memref<!tpu.dma_semaphore, #tpu.memory_space<semaphore_mem>>)
      %dma_wait3A_1536 = tpu.memref_slice %arg3[%mul3A_2] : memref<16384xi32, #tpu.memory_space<hbm>> -> memref<512xi32, #tpu.memory_space<hbm>>
      %dma_wait3A_1537 = tpu.memref_slice %arg3[%mul3A_2] : memref<16384xi32, #tpu.memory_space<hbm>> -> memref<512xi32, #tpu.memory_space<hbm>>
      tpu.wait_dma2 semaphore(%run_scoped3A : memref<!tpu.dma_semaphore, #tpu.memory_space<semaphore_mem>>) src(%dma_wait3A_1537 : memref<512xi32, #tpu.memory_space<hbm>>) dst(%arg7 : memref<512xi32, #tpu.memory_space<vmem>>)
      tpu.yield
    }) : () -> ()
    "tpu.region"() ({
      %run_scoped3A = tpu.sem_alloc : memref<!tpu.dma_semaphore, #tpu.memory_space<semaphore_mem>>
      %dma_start3A_1534 = arith.constant 0 : i32
      %dma_start3A_1535 = arith.constant 999936 : i32
      %dma_start3A_1536 = tpu.memref_slice %arg4[%dma_start3A_1534, %dma_start3A_1535] : memref<32x1000000xf32, #tpu.memory_space<hbm>> -> memref<32x64xf32, #tpu.memory_space<hbm>>
      %dma_start3A_1537 = arith.constant 0 : i32
      %dma_start3A_1538 = arith.constant 999936 : i32
      %dma_start3A_1539 = tpu.memref_slice %arg4[%dma_start3A_1537, %dma_start3A_1538] : memref<32x1000000xf32, #tpu.memory_space<hbm>> -> memref<32x64xf32, #tpu.memory_space<hbm>>
      tpu.enqueue_dma source(%dma_start3A_1539 : memref<32x64xf32, #tpu.memory_space<hbm>>) target(%arg11 : memref<32x64xf32, #tpu.memory_space<vmem>>) target_semaphore(%run_scoped3A : memref<!tpu.dma_semaphore, #tpu.memory_space<semaphore_mem>>)
      %dma_wait3A_1540 = arith.constant 0 : i32
      %dma_wait3A_1541 = arith.constant 999936 : i32
      %dma_wait3A_1542 = tpu.memref_slice %arg4[%dma_wait3A_1540, %dma_wait3A_1541] : memref<32x1000000xf32, #tpu.memory_space<hbm>> -> memref<32x64xf32, #tpu.memory_space<hbm>>
      %dma_wait3A_1543 = arith.constant 0 : i32
      %dma_wait3A_1544 = arith.constant 999936 : i32
      %dma_wait3A_1545 = tpu.memref_slice %arg4[%dma_wait3A_1543, %dma_wait3A_1544] : memref<32x1000000xf32, #tpu.memory_space<hbm>> -> memref<32x64xf32, #tpu.memory_space<hbm>>
      tpu.wait_dma2 semaphore(%run_scoped3A : memref<!tpu.dma_semaphore, #tpu.memory_space<semaphore_mem>>) src(%dma_wait3A_1545 : memref<32x64xf32, #tpu.memory_space<hbm>>) dst(%arg11 : memref<32x64xf32, #tpu.memory_space<vmem>>)
      tpu.yield
    }) : () -> ()
    %iota3A = tpu.iota {dimensions = array<i32: 0>} : vector<16xi32>
    %get3A = arith.constant 0 : index
    %get3A_3 = tpu.vector_load %arg6[%get3A] {strides = array<i32>} : memref<512xi32, #tpu.memory_space<vmem>>, vector<16xi32>,
    %get3A_4 = arith.constant 0 : index
    %get3A_5 = tpu.vector_load %arg7[%get3A_4] {strides = array<i32>} : memref<512xi32, #tpu.memory_space<vmem>>, vector<16xi32>,
    %mul3A_6 = arith.constant 100000 : i32
    %mul3A_7 = vector.broadcast %mul3A_6 : i32 to vector<16xi32>
    %mul3A_8 = arith.muli %get3A_3, %mul3A_7 : vector<16xi32>
    %add3A_9 = arith.addi %mul3A_8, %get3A_5 : vector<16xi32>
    %swap3A = arith.constant 0 : index
    %swap3A_10 = tpu.vector_load %arg8[%swap3A] {strides = array<i32>} : memref<544xi32, #tpu.memory_space<vmem>>, vector<16xi32>,
    tpu.vector_store %arg8[%swap3A], %add3A_9 {strides = array<i32>} : memref<544xi32, #tpu.memory_space<vmem>>, vector<16xi32>,
    %shift_right_logical3A = arith.constant 7 : i32
    %shift_right_logical3A_11 = vector.broadcast %shift_right_logical3A : i32 to vector<16xi32>
    %shift_right_logical3A_12 = arith.shrui %add3A_9, %shift_right_logical3A_11 : vector<16xi32>
    %min3A = arith.constant 7811 : i32
    %min3A_13 = vector.broadcast %min3A : i32 to vector<16xi32>
    %min3A_14 = arith.minsi %shift_right_logical3A_12, %min3A_13 : vector<16xi32>
    %swap3A_15 = arith.constant 0 : index
    %swap3A_16 = tpu.vector_load %arg9[%swap3A_15] {strides = array<i32>} : memref<544xi32, #tpu.memory_space<vmem>>, vector<16xi32>,
    tpu.vector_store %arg9[%swap3A_15], %min3A_14 {strides = array<i32>} : memref<544xi32, #tpu.memory_space<vmem>>, vector<16xi32>,
    %get3A_17 = arith.constant 16 : index
    %get3A_18 = tpu.vector_load %arg6[%get3A_17] {strides = array<i32>} : memref<512xi32, #tpu.memory_space<vmem>>, vector<16xi32>,
    %get3A_19 = arith.constant 16 : index
    %get3A_20 = tpu.vector_load %arg7[%get3A_19] {strides = array<i32>} : memref<512xi32, #tpu.memory_space<vmem>>, vector<16xi32>,
    %mul3A_21 = arith.constant 100000 : i32
    %mul3A_22 = vector.broadcast %mul3A_21 : i32 to vector<16xi32>
    %mul3A_23 = arith.muli %get3A_18, %mul3A_22 : vector<16xi32>
    %add3A_24 = arith.addi %mul3A_23, %get3A_20 : vector<16xi32>
    %swap3A_25 = arith.constant 16 : index
    %swap3A_26 = tpu.vector_load %arg8[%swap3A_25] {strides = array<i32>} : memref<544xi32, #tpu.memory_space<vmem>>, vector<16xi32>,
    tpu.vector_store %arg8[%swap3A_25], %add3A_24 {strides = array<i32>} : memref<544xi32, #tpu.memory_space<vmem>>, vector<16xi32>,
    %shift_right_logical3A_27 = arith.constant 7 : i32
    %shift_right_logical3A_28 = vector.broadcast %shift_right_logical3A_27 : i32 to vector<16xi32>
    %shift_right_logical3A_29 = arith.shrui %add3A_24, %shift_right_logical3A_28 : vector<16xi32>
    %min3A_30 = arith.constant 7811 : i32
    %min3A_31 = vector.broadcast %min3A_30 : i32 to vector<16xi32>
    %min3A_32 = arith.minsi %shift_right_logical3A_29, %min3A_31 : vector<16xi32>
    %swap3A_33 = arith.constant 16 : index
    %swap3A_34 = tpu.vector_load %arg9[%swap3A_33] {strides = array<i32>} : memref<544xi32, #tpu.memory_space<vmem>>, vector<16xi32>,
    tpu.vector_store %arg9[%swap3A_33], %min3A_32 {strides = array<i32>} : memref<544xi32, #tpu.memory_space<vmem>>, vector<16xi32>,
    %get3A_35 = arith.constant 32 : index
    %get3A_36 = tpu.vector_load %arg6[%get3A_35] {strides = array<i32>} : memref<512xi32, #tpu.memory_space<vmem>>, vector<16xi32>,
    %get3A_37 = arith.constant 32 : index
    %get3A_38 = tpu.vector_load %arg7[%get3A_37] {strides = array<i32>} : memref<512xi32, #tpu.memory_space<vmem>>, vector<16xi32>,
    %mul3A_39 = arith.constant 100000 : i32
    %mul3A_40 = vector.broadcast %mul3A_39 : i32 to vector<16xi32>
    %mul3A_41 = arith.muli %get3A_36, %mul3A_40 : vector<16xi32>
    %add3A_42 = arith.addi %mul3A_41, %get3A_38 : vector<16xi32>
    %swap3A_43 = arith.constant 32 : index
    %swap3A_44 = tpu.vector_load %arg8[%swap3A_43] {strides = array<i32>} : memref<544xi32, #tpu.memory_space<vmem>>, vector<16xi32>,
    tpu.vector_store %arg8[%swap3A_43], %add3A_42 {strides = array<i32>} : memref<544xi32, #tpu.memory_space<vmem>>, vector<16xi32>,
    %shift_right_logical3A_45 = arith.constant 7 : i32
    %shift_right_logical3A_46 = vector.broadcast %shift_right_logical3A_45 : i32 to vector<16xi32>
    %shift_right_logical3A_47 = arith.shrui %add3A_42, %shift_right_logical3A_46 : vector<16xi32>
    %min3A_48 = arith.constant 7811 : i32
    %min3A_49 = vector.broadcast %min3A_48 : i32 to vector<16xi32>
    %min3A_50 = arith.minsi %shift_right_logical3A_47, %min3A_49 : vector<16xi32>
    %swap3A_51 = arith.constant 32 : index
    %swap3A_52 = tpu.vector_load %arg9[%swap3A_51] {strides = array<i32>} : memref<544xi32, #tpu.memory_space<vmem>>, vector<16xi32>,
    tpu.vector_store %arg9[%swap3A_51], %min3A_50 {strides = array<i32>} : memref<544xi32, #tpu.memory_space<vmem>>, vector<16xi32>,
    %get3A_53 = arith.constant 48 : index
    %get3A_54 = tpu.vector_load %arg6[%get3A_53] {strides = array<i32>} : memref<512xi32, #tpu.memory_space<vmem>>, vector<16xi32>,
    %get3A_55 = arith.constant 48 : index
    %get3A_56 = tpu.vector_load %arg7[%get3A_55] {strides = array<i32>} : memref<512xi32, #tpu.memory_space<vmem>>, vector<16xi32>,
    %mul3A_57 = arith.constant 100000 : i32
    %mul3A_58 = vector.broadcast %mul3A_57 : i32 to vector<16xi32>
    %mul3A_59 = arith.muli %get3A_54, %mul3A_58 : vector<16xi32>
    %add3A_60 = arith.addi %mul3A_59, %get3A_56 : vector<16xi32>
    %swap3A_61 = arith.constant 48 : index
    %swap3A_62 = tpu.vector_load %arg8[%swap3A_61] {strides = array<i32>} : memref<544xi32, #tpu.memory_space<vmem>>, vector<16xi32>,
    tpu.vector_store %arg8[%swap3A_61], %add3A_60 {strides = array<i32>} : memref<544xi32, #tpu.memory_space<vmem>>, vector<16xi32>,
    %shift_right_logical3A_63 = arith.constant 7 : i32
    %shift_right_logical3A_64 = vector.broadcast %shift_right_logical3A_63 : i32 to vector<16xi32>
    %shift_right_logical3A_65 = arith.shrui %add3A_60, %shift_right_logical3A_64 : vector<16xi32>
    %min3A_66 = arith.constant 7811 : i32
    %min3A_67 = vector.broadcast %min3A_66 : i32 to vector<16xi32>
    %min3A_68 = arith.minsi %shift_right_logical3A_65, %min3A_67 : vector<16xi32>
    %swap3A_69 = arith.constant 48 : index
    %swap3A_70 = tpu.vector_load %arg9[%swap3A_69] {strides = array<i32>} : memref<544xi32, #tpu.memory_space<vmem>>, vector<16xi32>,
    tpu.vector_store %arg9[%swap3A_69], %min3A_68 {strides = array<i32>} : memref<544xi32, #tpu.memory_space<vmem>>, vector<16xi32>,
    %get3A_71 = arith.constant 64 : index
    %get3A_72 = tpu.vector_load %arg6[%get3A_71] {strides = array<i32>} : memref<512xi32, #tpu.memory_space<vmem>>, vector<16xi32>,
    %get3A_73 = arith.constant 64 : index
    %get3A_74 = tpu.vector_load %arg7[%get3A_73] {strides = array<i32>} : memref<512xi32, #tpu.memory_space<vmem>>, vector<16xi32>,
    %mul3A_75 = arith.constant 100000 : i32
    %mul3A_76 = vector.broadcast %mul3A_75 : i32 to vector<16xi32>
    %mul3A_77 = arith.muli %get3A_72, %mul3A_76 : vector<16xi32>
    %add3A_78 = arith.addi %mul3A_77, %get3A_74 : vector<16xi32>
    %swap3A_79 = arith.constant 64 : index
    %swap3A_80 = tpu.vector_load %arg8[%swap3A_79] {strides = array<i32>} : memref<544xi32, #tpu.memory_space<vmem>>, vector<16xi32>,
    tpu.vector_store %arg8[%swap3A_79], %add3A_78 {strides = array<i32>} : memref<544xi32, #tpu.memory_space<vmem>>, vector<16xi32>,
    %shift_right_logical3A_81 = arith.constant 7 : i32
    %shift_right_logical3A_82 = vector.broadcast %shift_right_logical3A_81 : i32 to vector<16xi32>
    %shift_right_logical3A_83 = arith.shrui %add3A_78, %shift_right_logical3A_82 : vector<16xi32>
    %min3A_84 = arith.constant 7811 : i32
    %min3A_85 = vector.broadcast %min3A_84 : i32 to vector<16xi32>
    %min3A_86 = arith.minsi %shift_right_logical3A_83, %min3A_85 : vector<16xi32>
    %swap3A_87 = arith.constant 64 : index
    %swap3A_88 = tpu.vector_load %arg9[%swap3A_87] {strides = array<i32>} : memref<544xi32, #tpu.memory_space<vmem>>, vector<16xi32>,
    tpu.vector_store %arg9[%swap3A_87], %min3A_86 {strides = array<i32>} : memref<544xi32, #tpu.memory_space<vmem>>, vector<16xi32>,
    %get3A_89 = arith.constant 80 : index
    %get3A_90 = tpu.vector_load %arg6[%get3A_89] {strides = array<i32>} : memref<512xi32, #tpu.memory_space<vmem>>, vector<16xi32>,
    %get3A_91 = arith.constant 80 : index
    %get3A_92 = tpu.vector_load %arg7[%get3A_91] {strides = array<i32>} : memref<512xi32, #tpu.memory_space<vmem>>, vector<16xi32>,
    %mul3A_93 = arith.constant 100000 : i32
    %mul3A_94 = vector.broadcast %mul3A_93 : i32 to vector<16xi32>
    %mul3A_95 = arith.muli %get3A_90, %mul3A_94 : vector<16xi32>
    %add3A_96 = arith.addi %mul3A_95, %get3A_92 : vector<16xi32>
    %swap3A_97 = arith.constant 80 : index
    %swap3A_98 = tpu.vector_load %arg8[%swap3A_97] {strides = array<i32>} : memref<544xi32, #tpu.memory_space<vmem>>, vector<16xi32>,
    tpu.vector_store %arg8[%swap3A_97], %add3A_96 {strides = array<i32>} : memref<544xi32, #tpu.memory_space<vmem>>, vector<16xi32>,
    %shift_right_logical3A_99 = arith.constant 7 : i32
    %shift_right_logical3A_100 = vector.broadcast %shift_right_logical3A_99 : i32 to vector<16xi32>
    %shift_right_logical3A_101 = arith.shrui %add3A_96, %shift_right_logical3A_100 : vector<16xi32>
    %min3A_102 = arith.constant 7811 : i32
    %min3A_103 = vector.broadcast %min3A_102 : i32 to vector<16xi32>
    %min3A_104 = arith.minsi %shift_right_logical3A_101, %min3A_103 : vector<16xi32>
    %swap3A_105 = arith.constant 80 : index
    %swap3A_106 = tpu.vector_load %arg9[%swap3A_105] {strides = array<i32>} : memref<544xi32, #tpu.memory_space<vmem>>, vector<16xi32>,
    tpu.vector_store %arg9[%swap3A_105], %min3A_104 {strides = array<i32>} : memref<544xi32, #tpu.memory_space<vmem>>, vector<16xi32>,
    %get3A_107 = arith.constant 96 : index
    %get3A_108 = tpu.vector_load %arg6[%get3A_107] {strides = array<i32>} : memref<512xi32, #tpu.memory_space<vmem>>, vector<16xi32>,
    %get3A_109 = arith.constant 96 : index
    %get3A_110 = tpu.vector_load %arg7[%get3A_109] {strides = array<i32>} : memref<512xi32, #tpu.memory_space<vmem>>, vector<16xi32>,
    %mul3A_111 = arith.constant 100000 : i32
    %mul3A_112 = vector.broadcast %mul3A_111 : i32 to vector<16xi32>
    %mul3A_113 = arith.muli %get3A_108, %mul3A_112 : vector<16xi32>
    %add3A_114 = arith.addi %mul3A_113, %get3A_110 : vector<16xi32>
    %swap3A_115 = arith.constant 96 : index
    %swap3A_116 = tpu.vector_load %arg8[%swap3A_115] {strides = array<i32>} : memref<544xi32, #tpu.memory_space<vmem>>, vector<16xi32>,
    tpu.vector_store %arg8[%swap3A_115], %add3A_114 {strides = array<i32>} : memref<544xi32, #tpu.memory_space<vmem>>, vector<16xi32>,
    %shift_right_logical3A_117 = arith.constant 7 : i32
    %shift_right_logical3A_118 = vector.broadcast %shift_right_logical3A_117 : i32 to vector<16xi32>
    %shift_right_logical3A_119 = arith.shrui %add3A_114, %shift_right_logical3A_118 : vector<16xi32>
    %min3A_120 = arith.constant 7811 : i32
    %min3A_121 = vector.broadcast %min3A_120 : i32 to vector<16xi32>
    %min3A_122 = arith.minsi %shift_right_logical3A_119, %min3A_121 : vector<16xi32>
    %swap3A_123 = arith.constant 96 : index
    %swap3A_124 = tpu.vector_load %arg9[%swap3A_123] {strides = array<i32>} : memref<544xi32, #tpu.memory_space<vmem>>, vector<16xi32>,
    tpu.vector_store %arg9[%swap3A_123], %min3A_122 {strides = array<i32>} : memref<544xi32, #tpu.memory_space<vmem>>, vector<16xi32>,
    %get3A_125 = arith.constant 112 : index
    %get3A_126 = tpu.vector_load %arg6[%get3A_125] {strides = array<i32>} : memref<512xi32, #tpu.memory_space<vmem>>, vector<16xi32>,
    %get3A_127 = arith.constant 112 : index
    %get3A_128 = tpu.vector_load %arg7[%get3A_127] {strides = array<i32>} : memref<512xi32, #tpu.memory_space<vmem>>, vector<16xi32>,
    %mul3A_129 = arith.constant 100000 : i32
    %mul3A_130 = vector.broadcast %mul3A_129 : i32 to vector<16xi32>
    %mul3A_131 = arith.muli %get3A_126, %mul3A_130 : vector<16xi32>
    %add3A_132 = arith.addi %mul3A_131, %get3A_128 : vector<16xi32>
    %swap3A_133 = arith.constant 112 : index
    %swap3A_134 = tpu.vector_load %arg8[%swap3A_133] {strides = array<i32>} : memref<544xi32, #tpu.memory_space<vmem>>, vector<16xi32>,
    tpu.vector_store %arg8[%swap3A_133], %add3A_132 {strides = array<i32>} : memref<544xi32, #tpu.memory_space<vmem>>, vector<16xi32>,
    %shift_right_logical3A_135 = arith.constant 7 : i32
    %shift_right_logical3A_136 = vector.broadcast %shift_right_logical3A_135 : i32 to vector<16xi32>
    %shift_right_logical3A_137 = arith.shrui %add3A_132, %shift_right_logical3A_136 : vector<16xi32>
    %min3A_138 = arith.constant 7811 : i32
    %min3A_139 = vector.broadcast %min3A_138 : i32 to vector<16xi32>
    %min3A_140 = arith.minsi %shift_right_logical3A_137, %min3A_139 : vector<16xi32>
    %swap3A_141 = arith.constant 112 : index
    %swap3A_142 = tpu.vector_load %arg9[%swap3A_141] {strides = array<i32>} : memref<544xi32, #tpu.memory_space<vmem>>, vector<16xi32>,
    tpu.vector_store %arg9[%swap3A_141], %min3A_140 {strides = array<i32>} : memref<544xi32, #tpu.memory_space<vmem>>, vector<16xi32>,
    %get3A_143 = arith.constant 128 : index
    %get3A_144 = tpu.vector_load %arg6[%get3A_143] {strides = array<i32>} : memref<512xi32, #tpu.memory_space<vmem>>, vector<16xi32>,
    %get3A_145 = arith.constant 128 : index
    %get3A_146 = tpu.vector_load %arg7[%get3A_145] {strides = array<i32>} : memref<512xi32, #tpu.memory_space<vmem>>, vector<16xi32>,
    %mul3A_147 = arith.constant 100000 : i32
    %mul3A_148 = vector.broadcast %mul3A_147 : i32 to vector<16xi32>
    %mul3A_149 = arith.muli %get3A_144, %mul3A_148 : vector<16xi32>
    %add3A_150 = arith.addi %mul3A_149, %get3A_146 : vector<16xi32>
    %swap3A_151 = arith.constant 128 : index
    %swap3A_152 = tpu.vector_load %arg8[%swap3A_151] {strides = array<i32>} : memref<544xi32, #tpu.memory_space<vmem>>, vector<16xi32>,
    tpu.vector_store %arg8[%swap3A_151], %add3A_150 {strides = array<i32>} : memref<544xi32, #tpu.memory_space<vmem>>, vector<16xi32>,
    %shift_right_logical3A_153 = arith.constant 7 : i32
    %shift_right_logical3A_154 = vector.broadcast %shift_right_logical3A_153 : i32 to vector<16xi32>
    %shift_right_logical3A_155 = arith.shrui %add3A_150, %shift_right_logical3A_154 : vector<16xi32>
    %min3A_156 = arith.constant 7811 : i32
    %min3A_157 = vector.broadcast %min3A_156 : i32 to vector<16xi32>
    %min3A_158 = arith.minsi %shift_right_logical3A_155, %min3A_157 : vector<16xi32>
    %swap3A_159 = arith.constant 128 : index
    %swap3A_160 = tpu.vector_load %arg9[%swap3A_159] {strides = array<i32>} : memref<544xi32, #tpu.memory_space<vmem>>, vector<16xi32>,
    tpu.vector_store %arg9[%swap3A_159], %min3A_158 {strides = array<i32>} : memref<544xi32, #tpu.memory_space<vmem>>, vector<16xi32>,
    %get3A_161 = arith.constant 144 : index
    %get3A_162 = tpu.vector_load %arg6[%get3A_161] {strides = array<i32>} : memref<512xi32, #tpu.memory_space<vmem>>, vector<16xi32>,
    %get3A_163 = arith.constant 144 : index
    %get3A_164 = tpu.vector_load %arg7[%get3A_163] {strides = array<i32>} : memref<512xi32, #tpu.memory_space<vmem>>, vector<16xi32>,
    %mul3A_165 = arith.constant 100000 : i32
    %mul3A_166 = vector.broadcast %mul3A_165 : i32 to vector<16xi32>
    %mul3A_167 = arith.muli %get3A_162, %mul3A_166 : vector<16xi32>
    %add3A_168 = arith.addi %mul3A_167, %get3A_164 : vector<16xi32>
    %swap3A_169 = arith.constant 144 : index
    %swap3A_170 = tpu.vector_load %arg8[%swap3A_169] {strides = array<i32>} : memref<544xi32, #tpu.memory_space<vmem>>, vector<16xi32>,
    tpu.vector_store %arg8[%swap3A_169], %add3A_168 {strides = array<i32>} : memref<544xi32, #tpu.memory_space<vmem>>, vector<16xi32>,
    %shift_right_logical3A_171 = arith.constant 7 : i32
    %shift_right_logical3A_172 = vector.broadcast %shift_right_logical3A_171 : i32 to vector<16xi32>
    %shift_right_logical3A_173 = arith.shrui %add3A_168, %shift_right_logical3A_172 : vector<16xi32>
    %min3A_174 = arith.constant 7811 : i32
    %min3A_175 = vector.broadcast %min3A_174 : i32 to vector<16xi32>
    %min3A_176 = arith.minsi %shift_right_logical3A_173, %min3A_175 : vector<16xi32>
    %swap3A_177 = arith.constant 144 : index
    %swap3A_178 = tpu.vector_load %arg9[%swap3A_177] {strides = array<i32>} : memref<544xi32, #tpu.memory_space<vmem>>, vector<16xi32>,
    tpu.vector_store %arg9[%swap3A_177], %min3A_176 {strides = array<i32>} : memref<544xi32, #tpu.memory_space<vmem>>, vector<16xi32>,
    %get3A_179 = arith.constant 160 : index
    %get3A_180 = tpu.vector_load %arg6[%get3A_179] {strides = array<i32>} : memref<512xi32, #tpu.memory_space<vmem>>, vector<16xi32>,
    %get3A_181 = arith.constant 160 : index
    %get3A_182 = tpu.vector_load %arg7[%get3A_181] {strides = array<i32>} : memref<512xi32, #tpu.memory_space<vmem>>, vector<16xi32>,
    %mul3A_183 = arith.constant 100000 : i32
    %mul3A_184 = vector.broadcast %mul3A_183 : i32 to vector<16xi32>
    %mul3A_185 = arith.muli %get3A_180, %mul3A_184 : vector<16xi32>
    %add3A_186 = arith.addi %mul3A_185, %get3A_182 : vector<16xi32>
    %swap3A_187 = arith.constant 160 : index
    %swap3A_188 = tpu.vector_load %arg8[%swap3A_187] {strides = array<i32>} : memref<544xi32, #tpu.memory_space<vmem>>, vector<16xi32>,
    tpu.vector_store %arg8[%swap3A_187], %add3A_186 {strides = array<i32>} : memref<544xi32, #tpu.memory_space<vmem>>, vector<16xi32>,
    %shift_right_logical3A_189 = arith.constant 7 : i32
    %shift_right_logical3A_190 = vector.broadcast %shift_right_logical3A_189 : i32 to vector<16xi32>
    %shift_right_logical3A_191 = arith.shrui %add3A_186, %shift_right_logical3A_190 : vector<16xi32>
    %min3A_192 = arith.constant 7811 : i32
    %min3A_193 = vector.broadcast %min3A_192 : i32 to vector<16xi32>
    %min3A_194 = arith.minsi %shift_right_logical3A_191, %min3A_193 : vector<16xi32>
    %swap3A_195 = arith.constant 160 : index
    %swap3A_196 = tpu.vector_load %arg9[%swap3A_195] {strides = array<i32>} : memref<544xi32, #tpu.memory_space<vmem>>, vector<16xi32>,
    tpu.vector_store %arg9[%swap3A_195], %min3A_194 {strides = array<i32>} : memref<544xi32, #tpu.memory_space<vmem>>, vector<16xi32>,
    %get3A_197 = arith.constant 176 : index
    %get3A_198 = tpu.vector_load %arg6[%get3A_197] {strides = array<i32>} : memref<512xi32, #tpu.memory_space<vmem>>, vector<16xi32>,
    %get3A_199 = arith.constant 176 : index
    %get3A_200 = tpu.vector_load %arg7[%get3A_199] {strides = array<i32>} : memref<512xi32, #tpu.memory_space<vmem>>, vector<16xi32>,
    %mul3A_201 = arith.constant 100000 : i32
    %mul3A_202 = vector.broadcast %mul3A_201 : i32 to vector<16xi32>
    %mul3A_203 = arith.muli %get3A_198, %mul3A_202 : vector<16xi32>
    %add3A_204 = arith.addi %mul3A_203, %get3A_200 : vector<16xi32>
    %swap3A_205 = arith.constant 176 : index
    %swap3A_206 = tpu.vector_load %arg8[%swap3A_205] {strides = array<i32>} : memref<544xi32, #tpu.memory_space<vmem>>, vector<16xi32>,
    tpu.vector_store %arg8[%swap3A_205], %add3A_204 {strides = array<i32>} : memref<544xi32, #tpu.memory_space<vmem>>, vector<16xi32>,
    %shift_right_logical3A_207 = arith.constant 7 : i32
    %shift_right_logical3A_208 = vector.broadcast %shift_right_logical3A_207 : i32 to vector<16xi32>
    %shift_right_logical3A_209 = arith.shrui %add3A_204, %shift_right_logical3A_208 : vector<16xi32>
    %min3A_210 = arith.constant 7811 : i32
    %min3A_211 = vector.broadcast %min3A_210 : i32 to vector<16xi32>
    %min3A_212 = arith.minsi %shift_right_logical3A_209, %min3A_211 : vector<16xi32>
    %swap3A_213 = arith.constant 176 : index
    %swap3A_214 = tpu.vector_load %arg9[%swap3A_213] {strides = array<i32>} : memref<544xi32, #tpu.memory_space<vmem>>, vector<16xi32>,
    tpu.vector_store %arg9[%swap3A_213], %min3A_212 {strides = array<i32>} : memref<544xi32, #tpu.memory_space<vmem>>, vector<16xi32>,
    %get3A_215 = arith.constant 192 : index
    %get3A_216 = tpu.vector_load %arg6[%get3A_215] {strides = array<i32>} : memref<512xi32, #tpu.memory_space<vmem>>, vector<16xi32>,
    %get3A_217 = arith.constant 192 : index
    %get3A_218 = tpu.vector_load %arg7[%get3A_217] {strides = array<i32>} : memref<512xi32, #tpu.memory_space<vmem>>, vector<16xi32>,
    %mul3A_219 = arith.constant 100000 : i32
    %mul3A_220 = vector.broadcast %mul3A_219 : i32 to vector<16xi32>
    %mul3A_221 = arith.muli %get3A_216, %mul3A_220 : vector<16xi32>
    %add3A_222 = arith.addi %mul3A_221, %get3A_218 : vector<16xi32>
    %swap3A_223 = arith.constant 192 : index
    %swap3A_224 = tpu.vector_load %arg8[%swap3A_223] {strides = array<i32>} : memref<544xi32, #tpu.memory_space<vmem>>, vector<16xi32>,
    tpu.vector_store %arg8[%swap3A_223], %add3A_222 {strides = array<i32>} : memref<544xi32, #tpu.memory_space<vmem>>, vector<16xi32>,
    %shift_right_logical3A_225 = arith.constant 7 : i32
    %shift_right_logical3A_226 = vector.broadcast %shift_right_logical3A_225 : i32 to vector<16xi32>
    %shift_right_logical3A_227 = arith.shrui %add3A_222, %shift_right_logical3A_226 : vector<16xi32>
    %min3A_228 = arith.constant 7811 : i32
    %min3A_229 = vector.broadcast %min3A_228 : i32 to vector<16xi32>
    %min3A_230 = arith.minsi %shift_right_logical3A_227, %min3A_229 : vector<16xi32>
    %swap3A_231 = arith.constant 192 : index
    %swap3A_232 = tpu.vector_load %arg9[%swap3A_231] {strides = array<i32>} : memref<544xi32, #tpu.memory_space<vmem>>, vector<16xi32>,
    tpu.vector_store %arg9[%swap3A_231], %min3A_230 {strides = array<i32>} : memref<544xi32, #tpu.memory_space<vmem>>, vector<16xi32>,
    %get3A_233 = arith.constant 208 : index
    %get3A_234 = tpu.vector_load %arg6[%get3A_233] {strides = array<i32>} : memref<512xi32, #tpu.memory_space<vmem>>, vector<16xi32>,
    %get3A_235 = arith.constant 208 : index
    %get3A_236 = tpu.vector_load %arg7[%get3A_235] {strides = array<i32>} : memref<512xi32, #tpu.memory_space<vmem>>, vector<16xi32>,
    %mul3A_237 = arith.constant 100000 : i32
    %mul3A_238 = vector.broadcast %mul3A_237 : i32 to vector<16xi32>
    %mul3A_239 = arith.muli %get3A_234, %mul3A_238 : vector<16xi32>
    %add3A_240 = arith.addi %mul3A_239, %get3A_236 : vector<16xi32>
    %swap3A_241 = arith.constant 208 : index
    %swap3A_242 = tpu.vector_load %arg8[%swap3A_241] {strides = array<i32>} : memref<544xi32, #tpu.memory_space<vmem>>, vector<16xi32>,
    tpu.vector_store %arg8[%swap3A_241], %add3A_240 {strides = array<i32>} : memref<544xi32, #tpu.memory_space<vmem>>, vector<16xi32>,
    %shift_right_logical3A_243 = arith.constant 7 : i32
    %shift_right_logical3A_244 = vector.broadcast %shift_right_logical3A_243 : i32 to vector<16xi32>
    %shift_right_logical3A_245 = arith.shrui %add3A_240, %shift_right_logical3A_244 : vector<16xi32>
    %min3A_246 = arith.constant 7811 : i32
    %min3A_247 = vector.broadcast %min3A_246 : i32 to vector<16xi32>
    %min3A_248 = arith.minsi %shift_right_logical3A_245, %min3A_247 : vector<16xi32>
    %swap3A_249 = arith.constant 208 : index
    %swap3A_250 = tpu.vector_load %arg9[%swap3A_249] {strides = array<i32>} : memref<544xi32, #tpu.memory_space<vmem>>, vector<16xi32>,
    tpu.vector_store %arg9[%swap3A_249], %min3A_248 {strides = array<i32>} : memref<544xi32, #tpu.memory_space<vmem>>, vector<16xi32>,
    %get3A_251 = arith.constant 224 : index
    %get3A_252 = tpu.vector_load %arg6[%get3A_251] {strides = array<i32>} : memref<512xi32, #tpu.memory_space<vmem>>, vector<16xi32>,
    %get3A_253 = arith.constant 224 : index
    %get3A_254 = tpu.vector_load %arg7[%get3A_253] {strides = array<i32>} : memref<512xi32, #tpu.memory_space<vmem>>, vector<16xi32>,
    %mul3A_255 = arith.constant 100000 : i32
    %mul3A_256 = vector.broadcast %mul3A_255 : i32 to vector<16xi32>
    %mul3A_257 = arith.muli %get3A_252, %mul3A_256 : vector<16xi32>
    %add3A_258 = arith.addi %mul3A_257, %get3A_254 : vector<16xi32>
    %swap3A_259 = arith.constant 224 : index
    %swap3A_260 = tpu.vector_load %arg8[%swap3A_259] {strides = array<i32>} : memref<544xi32, #tpu.memory_space<vmem>>, vector<16xi32>,
    tpu.vector_store %arg8[%swap3A_259], %add3A_258 {strides = array<i32>} : memref<544xi32, #tpu.memory_space<vmem>>, vector<16xi32>,
    %shift_right_logical3A_261 = arith.constant 7 : i32
    %shift_right_logical3A_262 = vector.broadcast %shift_right_logical3A_261 : i32 to vector<16xi32>
    %shift_right_logical3A_263 = arith.shrui %add3A_258, %shift_right_logical3A_262 : vector<16xi32>
    %min3A_264 = arith.constant 7811 : i32
    %min3A_265 = vector.broadcast %min3A_264 : i32 to vector<16xi32>
    %min3A_266 = arith.minsi %shift_right_logical3A_263, %min3A_265 : vector<16xi32>
    %swap3A_267 = arith.constant 224 : index
    %swap3A_268 = tpu.vector_load %arg9[%swap3A_267] {strides = array<i32>} : memref<544xi32, #tpu.memory_space<vmem>>, vector<16xi32>,
    tpu.vector_store %arg9[%swap3A_267], %min3A_266 {strides = array<i32>} : memref<544xi32, #tpu.memory_space<vmem>>, vector<16xi32>,
    %get3A_269 = arith.constant 240 : index
    %get3A_270 = tpu.vector_load %arg6[%get3A_269] {strides = array<i32>} : memref<512xi32, #tpu.memory_space<vmem>>, vector<16xi32>,
    %get3A_271 = arith.constant 240 : index
    %get3A_272 = tpu.vector_load %arg7[%get3A_271] {strides = array<i32>} : memref<512xi32, #tpu.memory_space<vmem>>, vector<16xi32>,
    %mul3A_273 = arith.constant 100000 : i32
    %mul3A_274 = vector.broadcast %mul3A_273 : i32 to vector<16xi32>
    %mul3A_275 = arith.muli %get3A_270, %mul3A_274 : vector<16xi32>
    %add3A_276 = arith.addi %mul3A_275, %get3A_272 : vector<16xi32>
    %swap3A_277 = arith.constant 240 : index
    %swap3A_278 = tpu.vector_load %arg8[%swap3A_277] {strides = array<i32>} : memref<544xi32, #tpu.memory_space<vmem>>, vector<16xi32>,
    tpu.vector_store %arg8[%swap3A_277], %add3A_276 {strides = array<i32>} : memref<544xi32, #tpu.memory_space<vmem>>, vector<16xi32>,
    %shift_right_logical3A_279 = arith.constant 7 : i32
    %shift_right_logical3A_280 = vector.broadcast %shift_right_logical3A_279 : i32 to vector<16xi32>
    %shift_right_logical3A_281 = arith.shrui %add3A_276, %shift_right_logical3A_280 : vector<16xi32>
    %min3A_282 = arith.constant 7811 : i32
    %min3A_283 = vector.broadcast %min3A_282 : i32 to vector<16xi32>
    %min3A_284 = arith.minsi %shift_right_logical3A_281, %min3A_283 : vector<16xi32>
    %swap3A_285 = arith.constant 240 : index
    %swap3A_286 = tpu.vector_load %arg9[%swap3A_285] {strides = array<i32>} : memref<544xi32, #tpu.memory_space<vmem>>, vector<16xi32>,
    tpu.vector_store %arg9[%swap3A_285], %min3A_284 {strides = array<i32>} : memref<544xi32, #tpu.memory_space<vmem>>, vector<16xi32>,
    %get3A_287 = arith.constant 256 : index
    %get3A_288 = tpu.vector_load %arg6[%get3A_287] {strides = array<i32>} : memref<512xi32, #tpu.memory_space<vmem>>, vector<16xi32>,
    %get3A_289 = arith.constant 256 : index
    %get3A_290 = tpu.vector_load %arg7[%get3A_289] {strides = array<i32>} : memref<512xi32, #tpu.memory_space<vmem>>, vector<16xi32>,
    %mul3A_291 = arith.constant 100000 : i32
    %mul3A_292 = vector.broadcast %mul3A_291 : i32 to vector<16xi32>
    %mul3A_293 = arith.muli %get3A_288, %mul3A_292 : vector<16xi32>
    %add3A_294 = arith.addi %mul3A_293, %get3A_290 : vector<16xi32>
    %swap3A_295 = arith.constant 256 : index
    %swap3A_296 = tpu.vector_load %arg8[%swap3A_295] {strides = array<i32>} : memref<544xi32, #tpu.memory_space<vmem>>, vector<16xi32>,
    tpu.vector_store %arg8[%swap3A_295], %add3A_294 {strides = array<i32>} : memref<544xi32, #tpu.memory_space<vmem>>, vector<16xi32>,
    %shift_right_logical3A_297 = arith.constant 7 : i32
    %shift_right_logical3A_298 = vector.broadcast %shift_right_logical3A_297 : i32 to vector<16xi32>
    %shift_right_logical3A_299 = arith.shrui %add3A_294, %shift_right_logical3A_298 : vector<16xi32>
    %min3A_300 = arith.constant 7811 : i32
    %min3A_301 = vector.broadcast %min3A_300 : i32 to vector<16xi32>
    %min3A_302 = arith.minsi %shift_right_logical3A_299, %min3A_301 : vector<16xi32>
    %swap3A_303 = arith.constant 256 : index
    %swap3A_304 = tpu.vector_load %arg9[%swap3A_303] {strides = array<i32>} : memref<544xi32, #tpu.memory_space<vmem>>, vector<16xi32>,
    tpu.vector_store %arg9[%swap3A_303], %min3A_302 {strides = array<i32>} : memref<544xi32, #tpu.memory_space<vmem>>, vector<16xi32>,
    %get3A_305 = arith.constant 272 : index
    %get3A_306 = tpu.vector_load %arg6[%get3A_305] {strides = array<i32>} : memref<512xi32, #tpu.memory_space<vmem>>, vector<16xi32>,
    %get3A_307 = arith.constant 272 : index
    %get3A_308 = tpu.vector_load %arg7[%get3A_307] {strides = array<i32>} : memref<512xi32, #tpu.memory_space<vmem>>, vector<16xi32>,
    %mul3A_309 = arith.constant 100000 : i32
    %mul3A_310 = vector.broadcast %mul3A_309 : i32 to vector<16xi32>
    %mul3A_311 = arith.muli %get3A_306, %mul3A_310 : vector<16xi32>
    %add3A_312 = arith.addi %mul3A_311, %get3A_308 : vector<16xi32>
    %swap3A_313 = arith.constant 272 : index
    %swap3A_314 = tpu.vector_load %arg8[%swap3A_313] {strides = array<i32>} : memref<544xi32, #tpu.memory_space<vmem>>, vector<16xi32>,
    tpu.vector_store %arg8[%swap3A_313], %add3A_312 {strides = array<i32>} : memref<544xi32, #tpu.memory_space<vmem>>, vector<16xi32>,
    %shift_right_logical3A_315 = arith.constant 7 : i32
    %shift_right_logical3A_316 = vector.broadcast %shift_right_logical3A_315 : i32 to vector<16xi32>
    %shift_right_logical3A_317 = arith.shrui %add3A_312, %shift_right_logical3A_316 : vector<16xi32>
    %min3A_318 = arith.constant 7811 : i32
    %min3A_319 = vector.broadcast %min3A_318 : i32 to vector<16xi32>
    %min3A_320 = arith.minsi %shift_right_logical3A_317, %min3A_319 : vector<16xi32>
    %swap3A_321 = arith.constant 272 : index
    %swap3A_322 = tpu.vector_load %arg9[%swap3A_321] {strides = array<i32>} : memref<544xi32, #tpu.memory_space<vmem>>, vector<16xi32>,
    tpu.vector_store %arg9[%swap3A_321], %min3A_320 {strides = array<i32>} : memref<544xi32, #tpu.memory_space<vmem>>, vector<16xi32>,
    %get3A_323 = arith.constant 288 : index
    %get3A_324 = tpu.vector_load %arg6[%get3A_323] {strides = array<i32>} : memref<512xi32, #tpu.memory_space<vmem>>, vector<16xi32>,
    %get3A_325 = arith.constant 288 : index
    %get3A_326 = tpu.vector_load %arg7[%get3A_325] {strides = array<i32>} : memref<512xi32, #tpu.memory_space<vmem>>, vector<16xi32>,
    %mul3A_327 = arith.constant 100000 : i32
    %mul3A_328 = vector.broadcast %mul3A_327 : i32 to vector<16xi32>
    %mul3A_329 = arith.muli %get3A_324, %mul3A_328 : vector<16xi32>
    %add3A_330 = arith.addi %mul3A_329, %get3A_326 : vector<16xi32>
    %swap3A_331 = arith.constant 288 : index
    %swap3A_332 = tpu.vector_load %arg8[%swap3A_331] {strides = array<i32>} : memref<544xi32, #tpu.memory_space<vmem>>, vector<16xi32>,
    tpu.vector_store %arg8[%swap3A_331], %add3A_330 {strides = array<i32>} : memref<544xi32, #tpu.memory_space<vmem>>, vector<16xi32>,
    %shift_right_logical3A_333 = arith.constant 7 : i32
    %shift_right_logical3A_334 = vector.broadcast %shift_right_logical3A_333 : i32 to vector<16xi32>
    %shift_right_logical3A_335 = arith.shrui %add3A_330, %shift_right_logical3A_334 : vector<16xi32>
    %min3A_336 = arith.constant 7811 : i32
    %min3A_337 = vector.broadcast %min3A_336 : i32 to vector<16xi32>
    %min3A_338 = arith.minsi %shift_right_logical3A_335, %min3A_337 : vector<16xi32>
    %swap3A_339 = arith.constant 288 : index
    %swap3A_340 = tpu.vector_load %arg9[%swap3A_339] {strides = array<i32>} : memref<544xi32, #tpu.memory_space<vmem>>, vector<16xi32>,
    tpu.vector_store %arg9[%swap3A_339], %min3A_338 {strides = array<i32>} : memref<544xi32, #tpu.memory_space<vmem>>, vector<16xi32>,
    %get3A_341 = arith.constant 304 : index
    %get3A_342 = tpu.vector_load %arg6[%get3A_341] {strides = array<i32>} : memref<512xi32, #tpu.memory_space<vmem>>, vector<16xi32>,
    %get3A_343 = arith.constant 304 : index
    %get3A_344 = tpu.vector_load %arg7[%get3A_343] {strides = array<i32>} : memref<512xi32, #tpu.memory_space<vmem>>, vector<16xi32>,
    %mul3A_345 = arith.constant 100000 : i32
    %mul3A_346 = vector.broadcast %mul3A_345 : i32 to vector<16xi32>
    %mul3A_347 = arith.muli %get3A_342, %mul3A_346 : vector<16xi32>
    %add3A_348 = arith.addi %mul3A_347, %get3A_344 : vector<16xi32>
    %swap3A_349 = arith.constant 304 : index
    %swap3A_350 = tpu.vector_load %arg8[%swap3A_349] {strides = array<i32>} : memref<544xi32, #tpu.memory_space<vmem>>, vector<16xi32>,
    tpu.vector_store %arg8[%swap3A_349], %add3A_348 {strides = array<i32>} : memref<544xi32, #tpu.memory_space<vmem>>, vector<16xi32>,
    %shift_right_logical3A_351 = arith.constant 7 : i32
    %shift_right_logical3A_352 = vector.broadcast %shift_right_logical3A_351 : i32 to vector<16xi32>
    %shift_right_logical3A_353 = arith.shrui %add3A_348, %shift_right_logical3A_352 : vector<16xi32>
    %min3A_354 = arith.constant 7811 : i32
    %min3A_355 = vector.broadcast %min3A_354 : i32 to vector<16xi32>
    %min3A_356 = arith.minsi %shift_right_logical3A_353, %min3A_355 : vector<16xi32>
    %swap3A_357 = arith.constant 304 : index
    %swap3A_358 = tpu.vector_load %arg9[%swap3A_357] {strides = array<i32>} : memref<544xi32, #tpu.memory_space<vmem>>, vector<16xi32>,
    tpu.vector_store %arg9[%swap3A_357], %min3A_356 {strides = array<i32>} : memref<544xi32, #tpu.memory_space<vmem>>, vector<16xi32>,
    %get3A_359 = arith.constant 320 : index
    %get3A_360 = tpu.vector_load %arg6[%get3A_359] {strides = array<i32>} : memref<512xi32, #tpu.memory_space<vmem>>, vector<16xi32>,
    %get3A_361 = arith.constant 320 : index
    %get3A_362 = tpu.vector_load %arg7[%get3A_361] {strides = array<i32>} : memref<512xi32, #tpu.memory_space<vmem>>, vector<16xi32>,
    %mul3A_363 = arith.constant 100000 : i32
    %mul3A_364 = vector.broadcast %mul3A_363 : i32 to vector<16xi32>
    %mul3A_365 = arith.muli %get3A_360, %mul3A_364 : vector<16xi32>
    %add3A_366 = arith.addi %mul3A_365, %get3A_362 : vector<16xi32>
    %swap3A_367 = arith.constant 320 : index
    %swap3A_368 = tpu.vector_load %arg8[%swap3A_367] {strides = array<i32>} : memref<544xi32, #tpu.memory_space<vmem>>, vector<16xi32>,
    tpu.vector_store %arg8[%swap3A_367], %add3A_366 {strides = array<i32>} : memref<544xi32, #tpu.memory_space<vmem>>, vector<16xi32>,
    %shift_right_logical3A_369 = arith.constant 7 : i32
    %shift_right_logical3A_370 = vector.broadcast %shift_right_logical3A_369 : i32 to vector<16xi32>
    %shift_right_logical3A_371 = arith.shrui %add3A_366, %shift_right_logical3A_370 : vector<16xi32>
    %min3A_372 = arith.constant 7811 : i32
    %min3A_373 = vector.broadcast %min3A_372 : i32 to vector<16xi32>
    %min3A_374 = arith.minsi %shift_right_logical3A_371, %min3A_373 : vector<16xi32>
    %swap3A_375 = arith.constant 320 : index
    %swap3A_376 = tpu.vector_load %arg9[%swap3A_375] {strides = array<i32>} : memref<544xi32, #tpu.memory_space<vmem>>, vector<16xi32>,
    tpu.vector_store %arg9[%swap3A_375], %min3A_374 {strides = array<i32>} : memref<544xi32, #tpu.memory_space<vmem>>, vector<16xi32>,
    %get3A_377 = arith.constant 336 : index
    %get3A_378 = tpu.vector_load %arg6[%get3A_377] {strides = array<i32>} : memref<512xi32, #tpu.memory_space<vmem>>, vector<16xi32>,
    %get3A_379 = arith.constant 336 : index
    %get3A_380 = tpu.vector_load %arg7[%get3A_379] {strides = array<i32>} : memref<512xi32, #tpu.memory_space<vmem>>, vector<16xi32>,
    %mul3A_381 = arith.constant 100000 : i32
    %mul3A_382 = vector.broadcast %mul3A_381 : i32 to vector<16xi32>
    %mul3A_383 = arith.muli %get3A_378, %mul3A_382 : vector<16xi32>
    %add3A_384 = arith.addi %mul3A_383, %get3A_380 : vector<16xi32>
    %swap3A_385 = arith.constant 336 : index
    %swap3A_386 = tpu.vector_load %arg8[%swap3A_385] {strides = array<i32>} : memref<544xi32, #tpu.memory_space<vmem>>, vector<16xi32>,
    tpu.vector_store %arg8[%swap3A_385], %add3A_384 {strides = array<i32>} : memref<544xi32, #tpu.memory_space<vmem>>, vector<16xi32>,
    %shift_right_logical3A_387 = arith.constant 7 : i32
    %shift_right_logical3A_388 = vector.broadcast %shift_right_logical3A_387 : i32 to vector<16xi32>
    %shift_right_logical3A_389 = arith.shrui %add3A_384, %shift_right_logical3A_388 : vector<16xi32>
    %min3A_390 = arith.constant 7811 : i32
    %min3A_391 = vector.broadcast %min3A_390 : i32 to vector<16xi32>
    %min3A_392 = arith.minsi %shift_right_logical3A_389, %min3A_391 : vector<16xi32>
    %swap3A_393 = arith.constant 336 : index
    %swap3A_394 = tpu.vector_load %arg9[%swap3A_393] {strides = array<i32>} : memref<544xi32, #tpu.memory_space<vmem>>, vector<16xi32>,
    tpu.vector_store %arg9[%swap3A_393], %min3A_392 {strides = array<i32>} : memref<544xi32, #tpu.memory_space<vmem>>, vector<16xi32>,
    %get3A_395 = arith.constant 352 : index
    %get3A_396 = tpu.vector_load %arg6[%get3A_395] {strides = array<i32>} : memref<512xi32, #tpu.memory_space<vmem>>, vector<16xi32>,
    %get3A_397 = arith.constant 352 : index
    %get3A_398 = tpu.vector_load %arg7[%get3A_397] {strides = array<i32>} : memref<512xi32, #tpu.memory_space<vmem>>, vector<16xi32>,
    %mul3A_399 = arith.constant 100000 : i32
    %mul3A_400 = vector.broadcast %mul3A_399 : i32 to vector<16xi32>
    %mul3A_401 = arith.muli %get3A_396, %mul3A_400 : vector<16xi32>
    %add3A_402 = arith.addi %mul3A_401, %get3A_398 : vector<16xi32>
    %swap3A_403 = arith.constant 352 : index
    %swap3A_404 = tpu.vector_load %arg8[%swap3A_403] {strides = array<i32>} : memref<544xi32, #tpu.memory_space<vmem>>, vector<16xi32>,
    tpu.vector_store %arg8[%swap3A_403], %add3A_402 {strides = array<i32>} : memref<544xi32, #tpu.memory_space<vmem>>, vector<16xi32>,
    %shift_right_logical3A_405 = arith.constant 7 : i32
    %shift_right_logical3A_406 = vector.broadcast %shift_right_logical3A_405 : i32 to vector<16xi32>
    %shift_right_logical3A_407 = arith.shrui %add3A_402, %shift_right_logical3A_406 : vector<16xi32>
    %min3A_408 = arith.constant 7811 : i32
    %min3A_409 = vector.broadcast %min3A_408 : i32 to vector<16xi32>
    %min3A_410 = arith.minsi %shift_right_logical3A_407, %min3A_409 : vector<16xi32>
    %swap3A_411 = arith.constant 352 : index
    %swap3A_412 = tpu.vector_load %arg9[%swap3A_411] {strides = array<i32>} : memref<544xi32, #tpu.memory_space<vmem>>, vector<16xi32>,
    tpu.vector_store %arg9[%swap3A_411], %min3A_410 {strides = array<i32>} : memref<544xi32, #tpu.memory_space<vmem>>, vector<16xi32>,
    %get3A_413 = arith.constant 368 : index
    %get3A_414 = tpu.vector_load %arg6[%get3A_413] {strides = array<i32>} : memref<512xi32, #tpu.memory_space<vmem>>, vector<16xi32>,
    %get3A_415 = arith.constant 368 : index
    %get3A_416 = tpu.vector_load %arg7[%get3A_415] {strides = array<i32>} : memref<512xi32, #tpu.memory_space<vmem>>, vector<16xi32>,
    %mul3A_417 = arith.constant 100000 : i32
    %mul3A_418 = vector.broadcast %mul3A_417 : i32 to vector<16xi32>
    %mul3A_419 = arith.muli %get3A_414, %mul3A_418 : vector<16xi32>
    %add3A_420 = arith.addi %mul3A_419, %get3A_416 : vector<16xi32>
    %swap3A_421 = arith.constant 368 : index
    %swap3A_422 = tpu.vector_load %arg8[%swap3A_421] {strides = array<i32>} : memref<544xi32, #tpu.memory_space<vmem>>, vector<16xi32>,
    tpu.vector_store %arg8[%swap3A_421], %add3A_420 {strides = array<i32>} : memref<544xi32, #tpu.memory_space<vmem>>, vector<16xi32>,
    %shift_right_logical3A_423 = arith.constant 7 : i32
    %shift_right_logical3A_424 = vector.broadcast %shift_right_logical3A_423 : i32 to vector<16xi32>
    %shift_right_logical3A_425 = arith.shrui %add3A_420, %shift_right_logical3A_424 : vector<16xi32>
    %min3A_426 = arith.constant 7811 : i32
    %min3A_427 = vector.broadcast %min3A_426 : i32 to vector<16xi32>
    %min3A_428 = arith.minsi %shift_right_logical3A_425, %min3A_427 : vector<16xi32>
    %swap3A_429 = arith.constant 368 : index
    %swap3A_430 = tpu.vector_load %arg9[%swap3A_429] {strides = array<i32>} : memref<544xi32, #tpu.memory_space<vmem>>, vector<16xi32>,
    tpu.vector_store %arg9[%swap3A_429], %min3A_428 {strides = array<i32>} : memref<544xi32, #tpu.memory_space<vmem>>, vector<16xi32>,
    %get3A_431 = arith.constant 384 : index
    %get3A_432 = tpu.vector_load %arg6[%get3A_431] {strides = array<i32>} : memref<512xi32, #tpu.memory_space<vmem>>, vector<16xi32>,
    %get3A_433 = arith.constant 384 : index
    %get3A_434 = tpu.vector_load %arg7[%get3A_433] {strides = array<i32>} : memref<512xi32, #tpu.memory_space<vmem>>, vector<16xi32>,
    %mul3A_435 = arith.constant 100000 : i32
    %mul3A_436 = vector.broadcast %mul3A_435 : i32 to vector<16xi32>
    %mul3A_437 = arith.muli %get3A_432, %mul3A_436 : vector<16xi32>
    %add3A_438 = arith.addi %mul3A_437, %get3A_434 : vector<16xi32>
    %swap3A_439 = arith.constant 384 : index
    %swap3A_440 = tpu.vector_load %arg8[%swap3A_439] {strides = array<i32>} : memref<544xi32, #tpu.memory_space<vmem>>, vector<16xi32>,
    tpu.vector_store %arg8[%swap3A_439], %add3A_438 {strides = array<i32>} : memref<544xi32, #tpu.memory_space<vmem>>, vector<16xi32>,
    %shift_right_logical3A_441 = arith.constant 7 : i32
    %shift_right_logical3A_442 = vector.broadcast %shift_right_logical3A_441 : i32 to vector<16xi32>
    %shift_right_logical3A_443 = arith.shrui %add3A_438, %shift_right_logical3A_442 : vector<16xi32>
    %min3A_444 = arith.constant 7811 : i32
    %min3A_445 = vector.broadcast %min3A_444 : i32 to vector<16xi32>
    %min3A_446 = arith.minsi %shift_right_logical3A_443, %min3A_445 : vector<16xi32>
    %swap3A_447 = arith.constant 384 : index
    %swap3A_448 = tpu.vector_load %arg9[%swap3A_447] {strides = array<i32>} : memref<544xi32, #tpu.memory_space<vmem>>, vector<16xi32>,
    tpu.vector_store %arg9[%swap3A_447], %min3A_446 {strides = array<i32>} : memref<544xi32, #tpu.memory_space<vmem>>, vector<16xi32>,
    %get3A_449 = arith.constant 400 : index
    %get3A_450 = tpu.vector_load %arg6[%get3A_449] {strides = array<i32>} : memref<512xi32, #tpu.memory_space<vmem>>, vector<16xi32>,
    %get3A_451 = arith.constant 400 : index
    %get3A_452 = tpu.vector_load %arg7[%get3A_451] {strides = array<i32>} : memref<512xi32, #tpu.memory_space<vmem>>, vector<16xi32>,
    %mul3A_453 = arith.constant 100000 : i32
    %mul3A_454 = vector.broadcast %mul3A_453 : i32 to vector<16xi32>
    %mul3A_455 = arith.muli %get3A_450, %mul3A_454 : vector<16xi32>
    %add3A_456 = arith.addi %mul3A_455, %get3A_452 : vector<16xi32>
    %swap3A_457 = arith.constant 400 : index
    %swap3A_458 = tpu.vector_load %arg8[%swap3A_457] {strides = array<i32>} : memref<544xi32, #tpu.memory_space<vmem>>, vector<16xi32>,
    tpu.vector_store %arg8[%swap3A_457], %add3A_456 {strides = array<i32>} : memref<544xi32, #tpu.memory_space<vmem>>, vector<16xi32>,
    %shift_right_logical3A_459 = arith.constant 7 : i32
    %shift_right_logical3A_460 = vector.broadcast %shift_right_logical3A_459 : i32 to vector<16xi32>
    %shift_right_logical3A_461 = arith.shrui %add3A_456, %shift_right_logical3A_460 : vector<16xi32>
    %min3A_462 = arith.constant 7811 : i32
    %min3A_463 = vector.broadcast %min3A_462 : i32 to vector<16xi32>
    %min3A_464 = arith.minsi %shift_right_logical3A_461, %min3A_463 : vector<16xi32>
    %swap3A_465 = arith.constant 400 : index
    %swap3A_466 = tpu.vector_load %arg9[%swap3A_465] {strides = array<i32>} : memref<544xi32, #tpu.memory_space<vmem>>, vector<16xi32>,
    tpu.vector_store %arg9[%swap3A_465], %min3A_464 {strides = array<i32>} : memref<544xi32, #tpu.memory_space<vmem>>, vector<16xi32>,
    %get3A_467 = arith.constant 416 : index
    %get3A_468 = tpu.vector_load %arg6[%get3A_467] {strides = array<i32>} : memref<512xi32, #tpu.memory_space<vmem>>, vector<16xi32>,
    %get3A_469 = arith.constant 416 : index
    %get3A_470 = tpu.vector_load %arg7[%get3A_469] {strides = array<i32>} : memref<512xi32, #tpu.memory_space<vmem>>, vector<16xi32>,
    %mul3A_471 = arith.constant 100000 : i32
    %mul3A_472 = vector.broadcast %mul3A_471 : i32 to vector<16xi32>
    %mul3A_473 = arith.muli %get3A_468, %mul3A_472 : vector<16xi32>
    %add3A_474 = arith.addi %mul3A_473, %get3A_470 : vector<16xi32>
    %swap3A_475 = arith.constant 416 : index
    %swap3A_476 = tpu.vector_load %arg8[%swap3A_475] {strides = array<i32>} : memref<544xi32, #tpu.memory_space<vmem>>, vector<16xi32>,
    tpu.vector_store %arg8[%swap3A_475], %add3A_474 {strides = array<i32>} : memref<544xi32, #tpu.memory_space<vmem>>, vector<16xi32>,
    %shift_right_logical3A_477 = arith.constant 7 : i32
    %shift_right_logical3A_478 = vector.broadcast %shift_right_logical3A_477 : i32 to vector<16xi32>
    %shift_right_logical3A_479 = arith.shrui %add3A_474, %shift_right_logical3A_478 : vector<16xi32>
    %min3A_480 = arith.constant 7811 : i32
    %min3A_481 = vector.broadcast %min3A_480 : i32 to vector<16xi32>
    %min3A_482 = arith.minsi %shift_right_logical3A_479, %min3A_481 : vector<16xi32>
    %swap3A_483 = arith.constant 416 : index
    %swap3A_484 = tpu.vector_load %arg9[%swap3A_483] {strides = array<i32>} : memref<544xi32, #tpu.memory_space<vmem>>, vector<16xi32>,
    tpu.vector_store %arg9[%swap3A_483], %min3A_482 {strides = array<i32>} : memref<544xi32, #tpu.memory_space<vmem>>, vector<16xi32>,
    %get3A_485 = arith.constant 432 : index
    %get3A_486 = tpu.vector_load %arg6[%get3A_485] {strides = array<i32>} : memref<512xi32, #tpu.memory_space<vmem>>, vector<16xi32>,
    %get3A_487 = arith.constant 432 : index
    %get3A_488 = tpu.vector_load %arg7[%get3A_487] {strides = array<i32>} : memref<512xi32, #tpu.memory_space<vmem>>, vector<16xi32>,
    %mul3A_489 = arith.constant 100000 : i32
    %mul3A_490 = vector.broadcast %mul3A_489 : i32 to vector<16xi32>
    %mul3A_491 = arith.muli %get3A_486, %mul3A_490 : vector<16xi32>
    %add3A_492 = arith.addi %mul3A_491, %get3A_488 : vector<16xi32>
    %swap3A_493 = arith.constant 432 : index
    %swap3A_494 = tpu.vector_load %arg8[%swap3A_493] {strides = array<i32>} : memref<544xi32, #tpu.memory_space<vmem>>, vector<16xi32>,
    tpu.vector_store %arg8[%swap3A_493], %add3A_492 {strides = array<i32>} : memref<544xi32, #tpu.memory_space<vmem>>, vector<16xi32>,
    %shift_right_logical3A_495 = arith.constant 7 : i32
    %shift_right_logical3A_496 = vector.broadcast %shift_right_logical3A_495 : i32 to vector<16xi32>
    %shift_right_logical3A_497 = arith.shrui %add3A_492, %shift_right_logical3A_496 : vector<16xi32>
    %min3A_498 = arith.constant 7811 : i32
    %min3A_499 = vector.broadcast %min3A_498 : i32 to vector<16xi32>
    %min3A_500 = arith.minsi %shift_right_logical3A_497, %min3A_499 : vector<16xi32>
    %swap3A_501 = arith.constant 432 : index
    %swap3A_502 = tpu.vector_load %arg9[%swap3A_501] {strides = array<i32>} : memref<544xi32, #tpu.memory_space<vmem>>, vector<16xi32>,
    tpu.vector_store %arg9[%swap3A_501], %min3A_500 {strides = array<i32>} : memref<544xi32, #tpu.memory_space<vmem>>, vector<16xi32>,
    %get3A_503 = arith.constant 448 : index
    %get3A_504 = tpu.vector_load %arg6[%get3A_503] {strides = array<i32>} : memref<512xi32, #tpu.memory_space<vmem>>, vector<16xi32>,
    %get3A_505 = arith.constant 448 : index
    %get3A_506 = tpu.vector_load %arg7[%get3A_505] {strides = array<i32>} : memref<512xi32, #tpu.memory_space<vmem>>, vector<16xi32>,
    %mul3A_507 = arith.constant 100000 : i32
    %mul3A_508 = vector.broadcast %mul3A_507 : i32 to vector<16xi32>
    %mul3A_509 = arith.muli %get3A_504, %mul3A_508 : vector<16xi32>
    %add3A_510 = arith.addi %mul3A_509, %get3A_506 : vector<16xi32>
    %swap3A_511 = arith.constant 448 : index
    %swap3A_512 = tpu.vector_load %arg8[%swap3A_511] {strides = array<i32>} : memref<544xi32, #tpu.memory_space<vmem>>, vector<16xi32>,
    tpu.vector_store %arg8[%swap3A_511], %add3A_510 {strides = array<i32>} : memref<544xi32, #tpu.memory_space<vmem>>, vector<16xi32>,
    %shift_right_logical3A_513 = arith.constant 7 : i32
    %shift_right_logical3A_514 = vector.broadcast %shift_right_logical3A_513 : i32 to vector<16xi32>
    %shift_right_logical3A_515 = arith.shrui %add3A_510, %shift_right_logical3A_514 : vector<16xi32>
    %min3A_516 = arith.constant 7811 : i32
    %min3A_517 = vector.broadcast %min3A_516 : i32 to vector<16xi32>
    %min3A_518 = arith.minsi %shift_right_logical3A_515, %min3A_517 : vector<16xi32>
    %swap3A_519 = arith.constant 448 : index
    %swap3A_520 = tpu.vector_load %arg9[%swap3A_519] {strides = array<i32>} : memref<544xi32, #tpu.memory_space<vmem>>, vector<16xi32>,
    tpu.vector_store %arg9[%swap3A_519], %min3A_518 {strides = array<i32>} : memref<544xi32, #tpu.memory_space<vmem>>, vector<16xi32>,
    %get3A_521 = arith.constant 464 : index
    %get3A_522 = tpu.vector_load %arg6[%get3A_521] {strides = array<i32>} : memref<512xi32, #tpu.memory_space<vmem>>, vector<16xi32>,
    %get3A_523 = arith.constant 464 : index
    %get3A_524 = tpu.vector_load %arg7[%get3A_523] {strides = array<i32>} : memref<512xi32, #tpu.memory_space<vmem>>, vector<16xi32>,
    %mul3A_525 = arith.constant 100000 : i32
    %mul3A_526 = vector.broadcast %mul3A_525 : i32 to vector<16xi32>
    %mul3A_527 = arith.muli %get3A_522, %mul3A_526 : vector<16xi32>
    %add3A_528 = arith.addi %mul3A_527, %get3A_524 : vector<16xi32>
    %swap3A_529 = arith.constant 464 : index
    %swap3A_530 = tpu.vector_load %arg8[%swap3A_529] {strides = array<i32>} : memref<544xi32, #tpu.memory_space<vmem>>, vector<16xi32>,
    tpu.vector_store %arg8[%swap3A_529], %add3A_528 {strides = array<i32>} : memref<544xi32, #tpu.memory_space<vmem>>, vector<16xi32>,
    %shift_right_logical3A_531 = arith.constant 7 : i32
    %shift_right_logical3A_532 = vector.broadcast %shift_right_logical3A_531 : i32 to vector<16xi32>
    %shift_right_logical3A_533 = arith.shrui %add3A_528, %shift_right_logical3A_532 : vector<16xi32>
    %min3A_534 = arith.constant 7811 : i32
    %min3A_535 = vector.broadcast %min3A_534 : i32 to vector<16xi32>
    %min3A_536 = arith.minsi %shift_right_logical3A_533, %min3A_535 : vector<16xi32>
    %swap3A_537 = arith.constant 464 : index
    %swap3A_538 = tpu.vector_load %arg9[%swap3A_537] {strides = array<i32>} : memref<544xi32, #tpu.memory_space<vmem>>, vector<16xi32>,
    tpu.vector_store %arg9[%swap3A_537], %min3A_536 {strides = array<i32>} : memref<544xi32, #tpu.memory_space<vmem>>, vector<16xi32>,
    %get3A_539 = arith.constant 480 : index
    %get3A_540 = tpu.vector_load %arg6[%get3A_539] {strides = array<i32>} : memref<512xi32, #tpu.memory_space<vmem>>, vector<16xi32>,
    %get3A_541 = arith.constant 480 : index
    %get3A_542 = tpu.vector_load %arg7[%get3A_541] {strides = array<i32>} : memref<512xi32, #tpu.memory_space<vmem>>, vector<16xi32>,
    %mul3A_543 = arith.constant 100000 : i32
    %mul3A_544 = vector.broadcast %mul3A_543 : i32 to vector<16xi32>
    %mul3A_545 = arith.muli %get3A_540, %mul3A_544 : vector<16xi32>
    %add3A_546 = arith.addi %mul3A_545, %get3A_542 : vector<16xi32>
    %swap3A_547 = arith.constant 480 : index
    %swap3A_548 = tpu.vector_load %arg8[%swap3A_547] {strides = array<i32>} : memref<544xi32, #tpu.memory_space<vmem>>, vector<16xi32>,
    tpu.vector_store %arg8[%swap3A_547], %add3A_546 {strides = array<i32>} : memref<544xi32, #tpu.memory_space<vmem>>, vector<16xi32>,
    %shift_right_logical3A_549 = arith.constant 7 : i32
    %shift_right_logical3A_550 = vector.broadcast %shift_right_logical3A_549 : i32 to vector<16xi32>
    %shift_right_logical3A_551 = arith.shrui %add3A_546, %shift_right_logical3A_550 : vector<16xi32>
    %min3A_552 = arith.constant 7811 : i32
    %min3A_553 = vector.broadcast %min3A_552 : i32 to vector<16xi32>
    %min3A_554 = arith.minsi %shift_right_logical3A_551, %min3A_553 : vector<16xi32>
    %swap3A_555 = arith.constant 480 : index
    %swap3A_556 = tpu.vector_load %arg9[%swap3A_555] {strides = array<i32>} : memref<544xi32, #tpu.memory_space<vmem>>, vector<16xi32>,
    tpu.vector_store %arg9[%swap3A_555], %min3A_554 {strides = array<i32>} : memref<544xi32, #tpu.memory_space<vmem>>, vector<16xi32>,
    %get3A_557 = arith.constant 496 : index
    %get3A_558 = tpu.vector_load %arg6[%get3A_557] {strides = array<i32>} : memref<512xi32, #tpu.memory_space<vmem>>, vector<16xi32>,
    %get3A_559 = arith.constant 496 : index
    %get3A_560 = tpu.vector_load %arg7[%get3A_559] {strides = array<i32>} : memref<512xi32, #tpu.memory_space<vmem>>, vector<16xi32>,
    %mul3A_561 = arith.constant 100000 : i32
    %mul3A_562 = vector.broadcast %mul3A_561 : i32 to vector<16xi32>
    %mul3A_563 = arith.muli %get3A_558, %mul3A_562 : vector<16xi32>
    %add3A_564 = arith.addi %mul3A_563, %get3A_560 : vector<16xi32>
    %swap3A_565 = arith.constant 496 : index
    %swap3A_566 = tpu.vector_load %arg8[%swap3A_565] {strides = array<i32>} : memref<544xi32, #tpu.memory_space<vmem>>, vector<16xi32>,
    tpu.vector_store %arg8[%swap3A_565], %add3A_564 {strides = array<i32>} : memref<544xi32, #tpu.memory_space<vmem>>, vector<16xi32>,
    %shift_right_logical3A_567 = arith.constant 7 : i32
    %shift_right_logical3A_568 = vector.broadcast %shift_right_logical3A_567 : i32 to vector<16xi32>
    %shift_right_logical3A_569 = arith.shrui %add3A_564, %shift_right_logical3A_568 : vector<16xi32>
    %min3A_570 = arith.constant 7811 : i32
    %min3A_571 = vector.broadcast %min3A_570 : i32 to vector<16xi32>
    %min3A_572 = arith.minsi %shift_right_logical3A_569, %min3A_571 : vector<16xi32>
    %swap3A_573 = arith.constant 496 : index
    %swap3A_574 = tpu.vector_load %arg9[%swap3A_573] {strides = array<i32>} : memref<544xi32, #tpu.memory_space<vmem>>, vector<16xi32>,
    tpu.vector_store %arg9[%swap3A_573], %min3A_572 {strides = array<i32>} : memref<544xi32, #tpu.memory_space<vmem>>, vector<16xi32>,
    %mul3A_575 = arith.constant 0 : i32
    %mul3A_576 = vector.broadcast %mul3A_575 : i32 to vector<16xi32>
    %mul3A_577 = arith.muli %iota3A, %mul3A_576 : vector<16xi32>
    %swap3A_578 = arith.constant 512 : index
    %swap3A_579 = tpu.vector_load %arg8[%swap3A_578] {strides = array<i32>} : memref<544xi32, #tpu.memory_space<vmem>>, vector<16xi32>,
    tpu.vector_store %arg8[%swap3A_578], %mul3A_577 {strides = array<i32>} : memref<544xi32, #tpu.memory_space<vmem>>, vector<16xi32>,
    %mul3A_580 = arith.constant 0 : i32
    %mul3A_581 = vector.broadcast %mul3A_580 : i32 to vector<16xi32>
    %mul3A_582 = arith.muli %iota3A, %mul3A_581 : vector<16xi32>
    %swap3A_583 = arith.constant 528 : index
    %swap3A_584 = tpu.vector_load %arg8[%swap3A_583] {strides = array<i32>} : memref<544xi32, #tpu.memory_space<vmem>>, vector<16xi32>,
    tpu.vector_store %arg8[%swap3A_583], %mul3A_582 {strides = array<i32>} : memref<544xi32, #tpu.memory_space<vmem>>, vector<16xi32>,
    %mul3A_585 = arith.constant 0 : i32
    %mul3A_586 = vector.broadcast %mul3A_585 : i32 to vector<16xi32>
    %mul3A_587 = arith.muli %iota3A, %mul3A_586 : vector<16xi32>
    %swap3A_588 = arith.constant 512 : index
    %swap3A_589 = tpu.vector_load %arg9[%swap3A_588] {strides = array<i32>} : memref<544xi32, #tpu.memory_space<vmem>>, vector<16xi32>,
    tpu.vector_store %arg9[%swap3A_588], %mul3A_587 {strides = array<i32>} : memref<544xi32, #tpu.memory_space<vmem>>, vector<16xi32>,
    %mul3A_590 = arith.constant 0 : i32
    %mul3A_591 = vector.broadcast %mul3A_590 : i32 to vector<16xi32>
    %mul3A_592 = arith.muli %iota3A, %mul3A_591 : vector<16xi32>
    %swap3A_593 = arith.constant 528 : index
    %swap3A_594 = tpu.vector_load %arg9[%swap3A_593] {strides = array<i32>} : memref<544xi32, #tpu.memory_space<vmem>>, vector<16xi32>,
    tpu.vector_store %arg9[%swap3A_593], %mul3A_592 {strides = array<i32>} : memref<544xi32, #tpu.memory_space<vmem>>, vector<16xi32>,
    %get3A_595 = arith.constant 0 : index
    %get3A_596 = tpu.vector_load %arg9[%get3A_595] {strides = array<i32>} : memref<544xi32, #tpu.memory_space<vmem>>, vector<16xi32>,
    %slice3A = vector.extract_strided_slice %get3A_596 {offsets = [0], sizes = [1], strides = [1]} : vector<16xi32> to vector<1xi32>
    %squeeze3A = vector.extract %slice3A[0] : i32 from vector<1xi32>
    %mul3A_597 = arith.constant 128 : i32
    %mul3A_598 = arith.muli %squeeze3A, %mul3A_597 : i32
    %multiple_of3A = tpu.assume_multiple %mul3A_598, 128 : i32
    %dma_start3A = arith.constant 0 : i32
    %dma_start3A_599 = arith.constant 0 : i32
    %dma_start3A_600 = arith.constant 0 : i32
    %dma_start3A_601 = tpu.memref_slice %arg10[%dma_start3A, %dma_start3A_599, %dma_start3A_600] : memref<24x32x128xf32, #tpu.memory_space<vmem>> -> memref<1x32x128xf32, #tpu.memory_space<vmem>>
    %dma_start3A_602 = tpu.memref_squeeze %dma_start3A_601 : memref<1x32x128xf32, #tpu.memory_space<vmem>> -> memref<32x128xf32, #tpu.memory_space<vmem>>
    %dma_start3A_603 = arith.constant 0 : i32
    %dma_start3A_604 = tpu.memref_slice %arg4[%dma_start3A_603, %multiple_of3A] : memref<32x1000000xf32, #tpu.memory_space<hbm>> -> memref<32x128xf32, #tpu.memory_space<hbm>>
    %dma_start3A_605 = arith.constant 0 : i32
    %dma_start3A_606 = arith.constant 0 : i32
    %dma_start3A_607 = tpu.memref_slice %arg10[%dma_start3A, %dma_start3A_605, %dma_start3A_606] : memref<24x32x128xf32, #tpu.memory_space<vmem>> -> memref<1x32x128xf32, #tpu.memory_space<vmem>>
    %dma_start3A_608 = tpu.memref_squeeze %dma_start3A_607 : memref<1x32x128xf32, #tpu.memory_space<vmem>> -> memref<32x128xf32, #tpu.memory_space<vmem>>
    %dma_start3A_609 = arith.constant 0 : i32
    %dma_start3A_610 = tpu.memref_slice %arg4[%dma_start3A_609, %multiple_of3A] : memref<32x1000000xf32, #tpu.memory_space<hbm>> -> memref<32x128xf32, #tpu.memory_space<hbm>>
    tpu.enqueue_dma source(%dma_start3A_610 : memref<32x128xf32, #tpu.memory_space<hbm>>) target(%dma_start3A_608 : memref<32x128xf32, #tpu.memory_space<vmem>>) target_semaphore(%arg13 : memref<!tpu.dma_semaphore, #tpu.memory_space<semaphore_mem>>)
    %slice3A_611 = vector.extract_strided_slice %get3A_596 {offsets = [1], sizes = [1], strides = [1]} : vector<16xi32> to vector<1xi32>
    %squeeze3A_612 = vector.extract %slice3A_611[0] : i32 from vector<1xi32>
    %mul3A_613 = arith.constant 128 : i32
    %mul3A_614 = arith.muli %squeeze3A_612, %mul3A_613 : i32
    %multiple_of3A_615 = tpu.assume_multiple %mul3A_614, 128 : i32
    %dma_start3A_616 = arith.constant 1 : i32
    %dma_start3A_617 = arith.constant 0 : i32
    %dma_start3A_618 = arith.constant 0 : i32
    %dma_start3A_619 = tpu.memref_slice %arg10[%dma_start3A_616, %dma_start3A_617, %dma_start3A_618] : memref<24x32x128xf32, #tpu.memory_space<vmem>> -> memref<1x32x128xf32, #tpu.memory_space<vmem>>
    %dma_start3A_620 = tpu.memref_squeeze %dma_start3A_619 : memref<1x32x128xf32, #tpu.memory_space<vmem>> -> memref<32x128xf32, #tpu.memory_space<vmem>>
    %dma_start3A_621 = arith.constant 0 : i32
    %dma_start3A_622 = tpu.memref_slice %arg4[%dma_start3A_621, %multiple_of3A_615] : memref<32x1000000xf32, #tpu.memory_space<hbm>> -> memref<32x128xf32, #tpu.memory_space<hbm>>
    %dma_start3A_623 = arith.constant 0 : i32
    %dma_start3A_624 = arith.constant 0 : i32
    %dma_start3A_625 = tpu.memref_slice %arg10[%dma_start3A_616, %dma_start3A_623, %dma_start3A_624] : memref<24x32x128xf32, #tpu.memory_space<vmem>> -> memref<1x32x128xf32, #tpu.memory_space<vmem>>
    %dma_start3A_626 = tpu.memref_squeeze %dma_start3A_625 : memref<1x32x128xf32, #tpu.memory_space<vmem>> -> memref<32x128xf32, #tpu.memory_space<vmem>>
    %dma_start3A_627 = arith.constant 0 : i32
    %dma_start3A_628 = tpu.memref_slice %arg4[%dma_start3A_627, %multiple_of3A_615] : memref<32x1000000xf32, #tpu.memory_space<hbm>> -> memref<32x128xf32, #tpu.memory_space<hbm>>
    tpu.enqueue_dma source(%dma_start3A_628 : memref<32x128xf32, #tpu.memory_space<hbm>>) target(%dma_start3A_626 : memref<32x128xf32, #tpu.memory_space<vmem>>) target_semaphore(%arg13 : memref<!tpu.dma_semaphore, #tpu.memory_space<semaphore_mem>>)
    %slice3A_629 = vector.extract_strided_slice %get3A_596 {offsets = [2], sizes = [1], strides = [1]} : vector<16xi32> to vector<1xi32>
    %squeeze3A_630 = vector.extract %slice3A_629[0] : i32 from vector<1xi32>
    %mul3A_631 = arith.constant 128 : i32
    %mul3A_632 = arith.muli %squeeze3A_630, %mul3A_631 : i32
    %multiple_of3A_633 = tpu.assume_multiple %mul3A_632, 128 : i32
    %dma_start3A_634 = arith.constant 2 : i32
    %dma_start3A_635 = arith.constant 0 : i32
    %dma_start3A_636 = arith.constant 0 : i32
    %dma_start3A_637 = tpu.memref_slice %arg10[%dma_start3A_634, %dma_start3A_635, %dma_start3A_636] : memref<24x32x128xf32, #tpu.memory_space<vmem>> -> memref<1x32x128xf32, #tpu.memory_space<vmem>>
    %dma_start3A_638 = tpu.memref_squeeze %dma_start3A_637 : memref<1x32x128xf32, #tpu.memory_space<vmem>> -> memref<32x128xf32, #tpu.memory_space<vmem>>
    %dma_start3A_639 = arith.constant 0 : i32
    %dma_start3A_640 = tpu.memref_slice %arg4[%dma_start3A_639, %multiple_of3A_633] : memref<32x1000000xf32, #tpu.memory_space<hbm>> -> memref<32x128xf32, #tpu.memory_space<hbm>>
    %dma_start3A_641 = arith.constant 0 : i32
    %dma_start3A_642 = arith.constant 0 : i32
    %dma_start3A_643 = tpu.memref_slice %arg10[%dma_start3A_634, %dma_start3A_641, %dma_start3A_642] : memref<24x32x128xf32, #tpu.memory_space<vmem>> -> memref<1x32x128xf32, #tpu.memory_space<vmem>>
    %dma_start3A_644 = tpu.memref_squeeze %dma_start3A_643 : memref<1x32x128xf32, #tpu.memory_space<vmem>> -> memref<32x128xf32, #tpu.memory_space<vmem>>
    %dma_start3A_645 = arith.constant 0 : i32
    %dma_start3A_646 = tpu.memref_slice %arg4[%dma_start3A_645, %multiple_of3A_633] : memref<32x1000000xf32, #tpu.memory_space<hbm>> -> memref<32x128xf32, #tpu.memory_space<hbm>>
    tpu.enqueue_dma source(%dma_start3A_646 : memref<32x128xf32, #tpu.memory_space<hbm>>) target(%dma_start3A_644 : memref<32x128xf32, #tpu.memory_space<vmem>>) target_semaphore(%arg13 : memref<!tpu.dma_semaphore, #tpu.memory_space<semaphore_mem>>)
    %slice3A_647 = vector.extract_strided_slice %get3A_596 {offsets = [3], sizes = [1], strides = [1]} : vector<16xi32> to vector<1xi32>
    %squeeze3A_648 = vector.extract %slice3A_647[0] : i32 from vector<1xi32>
    %mul3A_649 = arith.constant 128 : i32
    %mul3A_650 = arith.muli %squeeze3A_648, %mul3A_649 : i32
    %multiple_of3A_651 = tpu.assume_multiple %mul3A_650, 128 : i32
    %dma_start3A_652 = arith.constant 3 : i32
    %dma_start3A_653 = arith.constant 0 : i32
    %dma_start3A_654 = arith.constant 0 : i32
    %dma_start3A_655 = tpu.memref_slice %arg10[%dma_start3A_652, %dma_start3A_653, %dma_start3A_654] : memref<24x32x128xf32, #tpu.memory_space<vmem>> -> memref<1x32x128xf32, #tpu.memory_space<vmem>>
    %dma_start3A_656 = tpu.memref_squeeze %dma_start3A_655 : memref<1x32x128xf32, #tpu.memory_space<vmem>> -> memref<32x128xf32, #tpu.memory_space<vmem>>
    %dma_start3A_657 = arith.constant 0 : i32
    %dma_start3A_658 = tpu.memref_slice %arg4[%dma_start3A_657, %multiple_of3A_651] : memref<32x1000000xf32, #tpu.memory_space<hbm>> -> memref<32x128xf32, #tpu.memory_space<hbm>>
    %dma_start3A_659 = arith.constant 0 : i32
    %dma_start3A_660 = arith.constant 0 : i32
    %dma_start3A_661 = tpu.memref_slice %arg10[%dma_start3A_652, %dma_start3A_659, %dma_start3A_660] : memref<24x32x128xf32, #tpu.memory_space<vmem>> -> memref<1x32x128xf32, #tpu.memory_space<vmem>>
    %dma_start3A_662 = tpu.memref_squeeze %dma_start3A_661 : memref<1x32x128xf32, #tpu.memory_space<vmem>> -> memref<32x128xf32, #tpu.memory_space<vmem>>
    %dma_start3A_663 = arith.constant 0 : i32
    %dma_start3A_664 = tpu.memref_slice %arg4[%dma_start3A_663, %multiple_of3A_651] : memref<32x1000000xf32, #tpu.memory_space<hbm>> -> memref<32x128xf32, #tpu.memory_space<hbm>>
    tpu.enqueue_dma source(%dma_start3A_664 : memref<32x128xf32, #tpu.memory_space<hbm>>) target(%dma_start3A_662 : memref<32x128xf32, #tpu.memory_space<vmem>>) target_semaphore(%arg13 : memref<!tpu.dma_semaphore, #tpu.memory_space<semaphore_mem>>)
    %slice3A_665 = vector.extract_strided_slice %get3A_596 {offsets = [4], sizes = [1], strides = [1]} : vector<16xi32> to vector<1xi32>
    %squeeze3A_666 = vector.extract %slice3A_665[0] : i32 from vector<1xi32>
    %mul3A_667 = arith.constant 128 : i32
    %mul3A_668 = arith.muli %squeeze3A_666, %mul3A_667 : i32
    %multiple_of3A_669 = tpu.assume_multiple %mul3A_668, 128 : i32
    %dma_start3A_670 = arith.constant 4 : i32
    %dma_start3A_671 = arith.constant 0 : i32
    %dma_start3A_672 = arith.constant 0 : i32
    %dma_start3A_673 = tpu.memref_slice %arg10[%dma_start3A_670, %dma_start3A_671, %dma_start3A_672] : memref<24x32x128xf32, #tpu.memory_space<vmem>> -> memref<1x32x128xf32, #tpu.memory_space<vmem>>
    %dma_start3A_674 = tpu.memref_squeeze %dma_start3A_673 : memref<1x32x128xf32, #tpu.memory_space<vmem>> -> memref<32x128xf32, #tpu.memory_space<vmem>>
    %dma_start3A_675 = arith.constant 0 : i32
    %dma_start3A_676 = tpu.memref_slice %arg4[%dma_start3A_675, %multiple_of3A_669] : memref<32x1000000xf32, #tpu.memory_space<hbm>> -> memref<32x128xf32, #tpu.memory_space<hbm>>
    %dma_start3A_677 = arith.constant 0 : i32
    %dma_start3A_678 = arith.constant 0 : i32
    %dma_start3A_679 = tpu.memref_slice %arg10[%dma_start3A_670, %dma_start3A_677, %dma_start3A_678] : memref<24x32x128xf32, #tpu.memory_space<vmem>> -> memref<1x32x128xf32, #tpu.memory_space<vmem>>
    %dma_start3A_680 = tpu.memref_squeeze %dma_start3A_679 : memref<1x32x128xf32, #tpu.memory_space<vmem>> -> memref<32x128xf32, #tpu.memory_space<vmem>>
    %dma_start3A_681 = arith.constant 0 : i32
    %dma_start3A_682 = tpu.memref_slice %arg4[%dma_start3A_681, %multiple_of3A_669] : memref<32x1000000xf32, #tpu.memory_space<hbm>> -> memref<32x128xf32, #tpu.memory_space<hbm>>
    tpu.enqueue_dma source(%dma_start3A_682 : memref<32x128xf32, #tpu.memory_space<hbm>>) target(%dma_start3A_680 : memref<32x128xf32, #tpu.memory_space<vmem>>) target_semaphore(%arg13 : memref<!tpu.dma_semaphore, #tpu.memory_space<semaphore_mem>>)
    %slice3A_683 = vector.extract_strided_slice %get3A_596 {offsets = [5], sizes = [1], strides = [1]} : vector<16xi32> to vector<1xi32>
    %squeeze3A_684 = vector.extract %slice3A_683[0] : i32 from vector<1xi32>
    %mul3A_685 = arith.constant 128 : i32
    %mul3A_686 = arith.muli %squeeze3A_684, %mul3A_685 : i32
    %multiple_of3A_687 = tpu.assume_multiple %mul3A_686, 128 : i32
    %dma_start3A_688 = arith.constant 5 : i32
    %dma_start3A_689 = arith.constant 0 : i32
    %dma_start3A_690 = arith.constant 0 : i32
    %dma_start3A_691 = tpu.memref_slice %arg10[%dma_start3A_688, %dma_start3A_689, %dma_start3A_690] : memref<24x32x128xf32, #tpu.memory_space<vmem>> -> memref<1x32x128xf32, #tpu.memory_space<vmem>>
    %dma_start3A_692 = tpu.memref_squeeze %dma_start3A_691 : memref<1x32x128xf32, #tpu.memory_space<vmem>> -> memref<32x128xf32, #tpu.memory_space<vmem>>
    %dma_start3A_693 = arith.constant 0 : i32
    %dma_start3A_694 = tpu.memref_slice %arg4[%dma_start3A_693, %multiple_of3A_687] : memref<32x1000000xf32, #tpu.memory_space<hbm>> -> memref<32x128xf32, #tpu.memory_space<hbm>>
    %dma_start3A_695 = arith.constant 0 : i32
    %dma_start3A_696 = arith.constant 0 : i32
    %dma_start3A_697 = tpu.memref_slice %arg10[%dma_start3A_688, %dma_start3A_695, %dma_start3A_696] : memref<24x32x128xf32, #tpu.memory_space<vmem>> -> memref<1x32x128xf32, #tpu.memory_space<vmem>>
    %dma_start3A_698 = tpu.memref_squeeze %dma_start3A_697 : memref<1x32x128xf32, #tpu.memory_space<vmem>> -> memref<32x128xf32, #tpu.memory_space<vmem>>
    %dma_start3A_699 = arith.constant 0 : i32
    %dma_start3A_700 = tpu.memref_slice %arg4[%dma_start3A_699, %multiple_of3A_687] : memref<32x1000000xf32, #tpu.memory_space<hbm>> -> memref<32x128xf32, #tpu.memory_space<hbm>>
    tpu.enqueue_dma source(%dma_start3A_700 : memref<32x128xf32, #tpu.memory_space<hbm>>) target(%dma_start3A_698 : memref<32x128xf32, #tpu.memory_space<vmem>>) target_semaphore(%arg13 : memref<!tpu.dma_semaphore, #tpu.memory_space<semaphore_mem>>)
    %slice3A_701 = vector.extract_strided_slice %get3A_596 {offsets = [6], sizes = [1], strides = [1]} : vector<16xi32> to vector<1xi32>
    %squeeze3A_702 = vector.extract %slice3A_701[0] : i32 from vector<1xi32>
    %mul3A_703 = arith.constant 128 : i32
    %mul3A_704 = arith.muli %squeeze3A_702, %mul3A_703 : i32
    %multiple_of3A_705 = tpu.assume_multiple %mul3A_704, 128 : i32
    %dma_start3A_706 = arith.constant 6 : i32
    %dma_start3A_707 = arith.constant 0 : i32
    %dma_start3A_708 = arith.constant 0 : i32
    %dma_start3A_709 = tpu.memref_slice %arg10[%dma_start3A_706, %dma_start3A_707, %dma_start3A_708] : memref<24x32x128xf32, #tpu.memory_space<vmem>> -> memref<1x32x128xf32, #tpu.memory_space<vmem>>
    %dma_start3A_710 = tpu.memref_squeeze %dma_start3A_709 : memref<1x32x128xf32, #tpu.memory_space<vmem>> -> memref<32x128xf32, #tpu.memory_space<vmem>>
    %dma_start3A_711 = arith.constant 0 : i32
    %dma_start3A_712 = tpu.memref_slice %arg4[%dma_start3A_711, %multiple_of3A_705] : memref<32x1000000xf32, #tpu.memory_space<hbm>> -> memref<32x128xf32, #tpu.memory_space<hbm>>
    %dma_start3A_713 = arith.constant 0 : i32
    %dma_start3A_714 = arith.constant 0 : i32
    %dma_start3A_715 = tpu.memref_slice %arg10[%dma_start3A_706, %dma_start3A_713, %dma_start3A_714] : memref<24x32x128xf32, #tpu.memory_space<vmem>> -> memref<1x32x128xf32, #tpu.memory_space<vmem>>
    %dma_start3A_716 = tpu.memref_squeeze %dma_start3A_715 : memref<1x32x128xf32, #tpu.memory_space<vmem>> -> memref<32x128xf32, #tpu.memory_space<vmem>>
    %dma_start3A_717 = arith.constant 0 : i32
    %dma_start3A_718 = tpu.memref_slice %arg4[%dma_start3A_717, %multiple_of3A_705] : memref<32x1000000xf32, #tpu.memory_space<hbm>> -> memref<32x128xf32, #tpu.memory_space<hbm>>
    tpu.enqueue_dma source(%dma_start3A_718 : memref<32x128xf32, #tpu.memory_space<hbm>>) target(%dma_start3A_716 : memref<32x128xf32, #tpu.memory_space<vmem>>) target_semaphore(%arg13 : memref<!tpu.dma_semaphore, #tpu.memory_space<semaphore_mem>>)
    %slice3A_719 = vector.extract_strided_slice %get3A_596 {offsets = [7], sizes = [1], strides = [1]} : vector<16xi32> to vector<1xi32>
    %squeeze3A_720 = vector.extract %slice3A_719[0] : i32 from vector<1xi32>
    %mul3A_721 = arith.constant 128 : i32
    %mul3A_722 = arith.muli %squeeze3A_720, %mul3A_721 : i32
    %multiple_of3A_723 = tpu.assume_multiple %mul3A_722, 128 : i32
    %dma_start3A_724 = arith.constant 7 : i32
    %dma_start3A_725 = arith.constant 0 : i32
    %dma_start3A_726 = arith.constant 0 : i32
    %dma_start3A_727 = tpu.memref_slice %arg10[%dma_start3A_724, %dma_start3A_725, %dma_start3A_726] : memref<24x32x128xf32, #tpu.memory_space<vmem>> -> memref<1x32x128xf32, #tpu.memory_space<vmem>>
    %dma_start3A_728 = tpu.memref_squeeze %dma_start3A_727 : memref<1x32x128xf32, #tpu.memory_space<vmem>> -> memref<32x128xf32, #tpu.memory_space<vmem>>
    %dma_start3A_729 = arith.constant 0 : i32
    %dma_start3A_730 = tpu.memref_slice %arg4[%dma_start3A_729, %multiple_of3A_723] : memref<32x1000000xf32, #tpu.memory_space<hbm>> -> memref<32x128xf32, #tpu.memory_space<hbm>>
    %dma_start3A_731 = arith.constant 0 : i32
    %dma_start3A_732 = arith.constant 0 : i32
    %dma_start3A_733 = tpu.memref_slice %arg10[%dma_start3A_724, %dma_start3A_731, %dma_start3A_732] : memref<24x32x128xf32, #tpu.memory_space<vmem>> -> memref<1x32x128xf32, #tpu.memory_space<vmem>>
    %dma_start3A_734 = tpu.memref_squeeze %dma_start3A_733 : memref<1x32x128xf32, #tpu.memory_space<vmem>> -> memref<32x128xf32, #tpu.memory_space<vmem>>
    %dma_start3A_735 = arith.constant 0 : i32
    %dma_start3A_736 = tpu.memref_slice %arg4[%dma_start3A_735, %multiple_of3A_723] : memref<32x1000000xf32, #tpu.memory_space<hbm>> -> memref<32x128xf32, #tpu.memory_space<hbm>>
    tpu.enqueue_dma source(%dma_start3A_736 : memref<32x128xf32, #tpu.memory_space<hbm>>) target(%dma_start3A_734 : memref<32x128xf32, #tpu.memory_space<vmem>>) target_semaphore(%arg13 : memref<!tpu.dma_semaphore, #tpu.memory_space<semaphore_mem>>)
    %get3A_737 = arith.constant 8 : index
    %get3A_738 = tpu.vector_load %arg9[%get3A_737] {strides = array<i32>} : memref<544xi32, #tpu.memory_space<vmem>>, vector<16xi32>,
    %slice3A_739 = vector.extract_strided_slice %get3A_738 {offsets = [0], sizes = [1], strides = [1]} : vector<16xi32> to vector<1xi32>
    %squeeze3A_740 = vector.extract %slice3A_739[0] : i32 from vector<1xi32>
    %mul3A_741 = arith.constant 128 : i32
    %mul3A_742 = arith.muli %squeeze3A_740, %mul3A_741 : i32
    %multiple_of3A_743 = tpu.assume_multiple %mul3A_742, 128 : i32
    %dma_start3A_744 = arith.constant 8 : i32
    %dma_start3A_745 = arith.constant 0 : i32
    %dma_start3A_746 = arith.constant 0 : i32
    %dma_start3A_747 = tpu.memref_slice %arg10[%dma_start3A_744, %dma_start3A_745, %dma_start3A_746] : memref<24x32x128xf32, #tpu.memory_space<vmem>> -> memref<1x32x128xf32, #tpu.memory_space<vmem>>
    %dma_start3A_748 = tpu.memref_squeeze %dma_start3A_747 : memref<1x32x128xf32, #tpu.memory_space<vmem>> -> memref<32x128xf32, #tpu.memory_space<vmem>>
    %dma_start3A_749 = arith.constant 0 : i32
    %dma_start3A_750 = tpu.memref_slice %arg4[%dma_start3A_749, %multiple_of3A_743] : memref<32x1000000xf32, #tpu.memory_space<hbm>> -> memref<32x128xf32, #tpu.memory_space<hbm>>
    %dma_start3A_751 = arith.constant 0 : i32
    %dma_start3A_752 = arith.constant 0 : i32
    %dma_start3A_753 = tpu.memref_slice %arg10[%dma_start3A_744, %dma_start3A_751, %dma_start3A_752] : memref<24x32x128xf32, #tpu.memory_space<vmem>> -> memref<1x32x128xf32, #tpu.memory_space<vmem>>
    %dma_start3A_754 = tpu.memref_squeeze %dma_start3A_753 : memref<1x32x128xf32, #tpu.memory_space<vmem>> -> memref<32x128xf32, #tpu.memory_space<vmem>>
    %dma_start3A_755 = arith.constant 0 : i32
    %dma_start3A_756 = tpu.memref_slice %arg4[%dma_start3A_755, %multiple_of3A_743] : memref<32x1000000xf32, #tpu.memory_space<hbm>> -> memref<32x128xf32, #tpu.memory_space<hbm>>
    tpu.enqueue_dma source(%dma_start3A_756 : memref<32x128xf32, #tpu.memory_space<hbm>>) target(%dma_start3A_754 : memref<32x128xf32, #tpu.memory_space<vmem>>) target_semaphore(%arg14 : memref<!tpu.dma_semaphore, #tpu.memory_space<semaphore_mem>>)
    %slice3A_757 = vector.extract_strided_slice %get3A_738 {offsets = [1], sizes = [1], strides = [1]} : vector<16xi32> to vector<1xi32>
    %squeeze3A_758 = vector.extract %slice3A_757[0] : i32 from vector<1xi32>
    %mul3A_759 = arith.constant 128 : i32
    %mul3A_760 = arith.muli %squeeze3A_758, %mul3A_759 : i32
    %multiple_of3A_761 = tpu.assume_multiple %mul3A_760, 128 : i32
    %dma_start3A_762 = arith.constant 9 : i32
    %dma_start3A_763 = arith.constant 0 : i32
    %dma_start3A_764 = arith.constant 0 : i32
    %dma_start3A_765 = tpu.memref_slice %arg10[%dma_start3A_762, %dma_start3A_763, %dma_start3A_764] : memref<24x32x128xf32, #tpu.memory_space<vmem>> -> memref<1x32x128xf32, #tpu.memory_space<vmem>>
    %dma_start3A_766 = tpu.memref_squeeze %dma_start3A_765 : memref<1x32x128xf32, #tpu.memory_space<vmem>> -> memref<32x128xf32, #tpu.memory_space<vmem>>
    %dma_start3A_767 = arith.constant 0 : i32
    %dma_start3A_768 = tpu.memref_slice %arg4[%dma_start3A_767, %multiple_of3A_761] : memref<32x1000000xf32, #tpu.memory_space<hbm>> -> memref<32x128xf32, #tpu.memory_space<hbm>>
    %dma_start3A_769 = arith.constant 0 : i32
    %dma_start3A_770 = arith.constant 0 : i32
    %dma_start3A_771 = tpu.memref_slice %arg10[%dma_start3A_762, %dma_start3A_769, %dma_start3A_770] : memref<24x32x128xf32, #tpu.memory_space<vmem>> -> memref<1x32x128xf32, #tpu.memory_space<vmem>>
    %dma_start3A_772 = tpu.memref_squeeze %dma_start3A_771 : memref<1x32x128xf32, #tpu.memory_space<vmem>> -> memref<32x128xf32, #tpu.memory_space<vmem>>
    %dma_start3A_773 = arith.constant 0 : i32
    %dma_start3A_774 = tpu.memref_slice %arg4[%dma_start3A_773, %multiple_of3A_761] : memref<32x1000000xf32, #tpu.memory_space<hbm>> -> memref<32x128xf32, #tpu.memory_space<hbm>>
    tpu.enqueue_dma source(%dma_start3A_774 : memref<32x128xf32, #tpu.memory_space<hbm>>) target(%dma_start3A_772 : memref<32x128xf32, #tpu.memory_space<vmem>>) target_semaphore(%arg14 : memref<!tpu.dma_semaphore, #tpu.memory_space<semaphore_mem>>)
    %slice3A_775 = vector.extract_strided_slice %get3A_738 {offsets = [2], sizes = [1], strides = [1]} : vector<16xi32> to vector<1xi32>
    %squeeze3A_776 = vector.extract %slice3A_775[0] : i32 from vector<1xi32>
    %mul3A_777 = arith.constant 128 : i32
    %mul3A_778 = arith.muli %squeeze3A_776, %mul3A_777 : i32
    %multiple_of3A_779 = tpu.assume_multiple %mul3A_778, 128 : i32
    %dma_start3A_780 = arith.constant 10 : i32
    %dma_start3A_781 = arith.constant 0 : i32
    %dma_start3A_782 = arith.constant 0 : i32
    %dma_start3A_783 = tpu.memref_slice %arg10[%dma_start3A_780, %dma_start3A_781, %dma_start3A_782] : memref<24x32x128xf32, #tpu.memory_space<vmem>> -> memref<1x32x128xf32, #tpu.memory_space<vmem>>
    %dma_start3A_784 = tpu.memref_squeeze %dma_start3A_783 : memref<1x32x128xf32, #tpu.memory_space<vmem>> -> memref<32x128xf32, #tpu.memory_space<vmem>>
    %dma_start3A_785 = arith.constant 0 : i32
    %dma_start3A_786 = tpu.memref_slice %arg4[%dma_start3A_785, %multiple_of3A_779] : memref<32x1000000xf32, #tpu.memory_space<hbm>> -> memref<32x128xf32, #tpu.memory_space<hbm>>
    %dma_start3A_787 = arith.constant 0 : i32
    %dma_start3A_788 = arith.constant 0 : i32
    %dma_start3A_789 = tpu.memref_slice %arg10[%dma_start3A_780, %dma_start3A_787, %dma_start3A_788] : memref<24x32x128xf32, #tpu.memory_space<vmem>> -> memref<1x32x128xf32, #tpu.memory_space<vmem>>
    %dma_start3A_790 = tpu.memref_squeeze %dma_start3A_789 : memref<1x32x128xf32, #tpu.memory_space<vmem>> -> memref<32x128xf32, #tpu.memory_space<vmem>>
    %dma_start3A_791 = arith.constant 0 : i32
    %dma_start3A_792 = tpu.memref_slice %arg4[%dma_start3A_791, %multiple_of3A_779] : memref<32x1000000xf32, #tpu.memory_space<hbm>> -> memref<32x128xf32, #tpu.memory_space<hbm>>
    tpu.enqueue_dma source(%dma_start3A_792 : memref<32x128xf32, #tpu.memory_space<hbm>>) target(%dma_start3A_790 : memref<32x128xf32, #tpu.memory_space<vmem>>) target_semaphore(%arg14 : memref<!tpu.dma_semaphore, #tpu.memory_space<semaphore_mem>>)
    %slice3A_793 = vector.extract_strided_slice %get3A_738 {offsets = [3], sizes = [1], strides = [1]} : vector<16xi32> to vector<1xi32>
    %squeeze3A_794 = vector.extract %slice3A_793[0] : i32 from vector<1xi32>
    %mul3A_795 = arith.constant 128 : i32
    %mul3A_796 = arith.muli %squeeze3A_794, %mul3A_795 : i32
    %multiple_of3A_797 = tpu.assume_multiple %mul3A_796, 128 : i32
    %dma_start3A_798 = arith.constant 11 : i32
    %dma_start3A_799 = arith.constant 0 : i32
    %dma_start3A_800 = arith.constant 0 : i32
    %dma_start3A_801 = tpu.memref_slice %arg10[%dma_start3A_798, %dma_start3A_799, %dma_start3A_800] : memref<24x32x128xf32, #tpu.memory_space<vmem>> -> memref<1x32x128xf32, #tpu.memory_space<vmem>>
    %dma_start3A_802 = tpu.memref_squeeze %dma_start3A_801 : memref<1x32x128xf32, #tpu.memory_space<vmem>> -> memref<32x128xf32, #tpu.memory_space<vmem>>
    %dma_start3A_803 = arith.constant 0 : i32
    %dma_start3A_804 = tpu.memref_slice %arg4[%dma_start3A_803, %multiple_of3A_797] : memref<32x1000000xf32, #tpu.memory_space<hbm>> -> memref<32x128xf32, #tpu.memory_space<hbm>>
    %dma_start3A_805 = arith.constant 0 : i32
    %dma_start3A_806 = arith.constant 0 : i32
    %dma_start3A_807 = tpu.memref_slice %arg10[%dma_start3A_798, %dma_start3A_805, %dma_start3A_806] : memref<24x32x128xf32, #tpu.memory_space<vmem>> -> memref<1x32x128xf32, #tpu.memory_space<vmem>>
    %dma_start3A_808 = tpu.memref_squeeze %dma_start3A_807 : memref<1x32x128xf32, #tpu.memory_space<vmem>> -> memref<32x128xf32, #tpu.memory_space<vmem>>
    %dma_start3A_809 = arith.constant 0 : i32
    %dma_start3A_810 = tpu.memref_slice %arg4[%dma_start3A_809, %multiple_of3A_797] : memref<32x1000000xf32, #tpu.memory_space<hbm>> -> memref<32x128xf32, #tpu.memory_space<hbm>>
    tpu.enqueue_dma source(%dma_start3A_810 : memref<32x128xf32, #tpu.memory_space<hbm>>) target(%dma_start3A_808 : memref<32x128xf32, #tpu.memory_space<vmem>>) target_semaphore(%arg14 : memref<!tpu.dma_semaphore, #tpu.memory_space<semaphore_mem>>)
    %slice3A_811 = vector.extract_strided_slice %get3A_738 {offsets = [4], sizes = [1], strides = [1]} : vector<16xi32> to vector<1xi32>
    %squeeze3A_812 = vector.extract %slice3A_811[0] : i32 from vector<1xi32>
    %mul3A_813 = arith.constant 128 : i32
    %mul3A_814 = arith.muli %squeeze3A_812, %mul3A_813 : i32
    %multiple_of3A_815 = tpu.assume_multiple %mul3A_814, 128 : i32
    %dma_start3A_816 = arith.constant 12 : i32
    %dma_start3A_817 = arith.constant 0 : i32
    %dma_start3A_818 = arith.constant 0 : i32
    %dma_start3A_819 = tpu.memref_slice %arg10[%dma_start3A_816, %dma_start3A_817, %dma_start3A_818] : memref<24x32x128xf32, #tpu.memory_space<vmem>> -> memref<1x32x128xf32, #tpu.memory_space<vmem>>
    %dma_start3A_820 = tpu.memref_squeeze %dma_start3A_819 : memref<1x32x128xf32, #tpu.memory_space<vmem>> -> memref<32x128xf32, #tpu.memory_space<vmem>>
    %dma_start3A_821 = arith.constant 0 : i32
    %dma_start3A_822 = tpu.memref_slice %arg4[%dma_start3A_821, %multiple_of3A_815] : memref<32x1000000xf32, #tpu.memory_space<hbm>> -> memref<32x128xf32, #tpu.memory_space<hbm>>
    %dma_start3A_823 = arith.constant 0 : i32
    %dma_start3A_824 = arith.constant 0 : i32
    %dma_start3A_825 = tpu.memref_slice %arg10[%dma_start3A_816, %dma_start3A_823, %dma_start3A_824] : memref<24x32x128xf32, #tpu.memory_space<vmem>> -> memref<1x32x128xf32, #tpu.memory_space<vmem>>
    %dma_start3A_826 = tpu.memref_squeeze %dma_start3A_825 : memref<1x32x128xf32, #tpu.memory_space<vmem>> -> memref<32x128xf32, #tpu.memory_space<vmem>>
    %dma_start3A_827 = arith.constant 0 : i32
    %dma_start3A_828 = tpu.memref_slice %arg4[%dma_start3A_827, %multiple_of3A_815] : memref<32x1000000xf32, #tpu.memory_space<hbm>> -> memref<32x128xf32, #tpu.memory_space<hbm>>
    tpu.enqueue_dma source(%dma_start3A_828 : memref<32x128xf32, #tpu.memory_space<hbm>>) target(%dma_start3A_826 : memref<32x128xf32, #tpu.memory_space<vmem>>) target_semaphore(%arg14 : memref<!tpu.dma_semaphore, #tpu.memory_space<semaphore_mem>>)
    %slice3A_829 = vector.extract_strided_slice %get3A_738 {offsets = [5], sizes = [1], strides = [1]} : vector<16xi32> to vector<1xi32>
    %squeeze3A_830 = vector.extract %slice3A_829[0] : i32 from vector<1xi32>
    %mul3A_831 = arith.constant 128 : i32
    %mul3A_832 = arith.muli %squeeze3A_830, %mul3A_831 : i32
    %multiple_of3A_833 = tpu.assume_multiple %mul3A_832, 128 : i32
    %dma_start3A_834 = arith.constant 13 : i32
    %dma_start3A_835 = arith.constant 0 : i32
    %dma_start3A_836 = arith.constant 0 : i32
    %dma_start3A_837 = tpu.memref_slice %arg10[%dma_start3A_834, %dma_start3A_835, %dma_start3A_836] : memref<24x32x128xf32, #tpu.memory_space<vmem>> -> memref<1x32x128xf32, #tpu.memory_space<vmem>>
    %dma_start3A_838 = tpu.memref_squeeze %dma_start3A_837 : memref<1x32x128xf32, #tpu.memory_space<vmem>> -> memref<32x128xf32, #tpu.memory_space<vmem>>
    %dma_start3A_839 = arith.constant 0 : i32
    %dma_start3A_840 = tpu.memref_slice %arg4[%dma_start3A_839, %multiple_of3A_833] : memref<32x1000000xf32, #tpu.memory_space<hbm>> -> memref<32x128xf32, #tpu.memory_space<hbm>>
    %dma_start3A_841 = arith.constant 0 : i32
    %dma_start3A_842 = arith.constant 0 : i32
    %dma_start3A_843 = tpu.memref_slice %arg10[%dma_start3A_834, %dma_start3A_841, %dma_start3A_842] : memref<24x32x128xf32, #tpu.memory_space<vmem>> -> memref<1x32x128xf32, #tpu.memory_space<vmem>>
    %dma_start3A_844 = tpu.memref_squeeze %dma_start3A_843 : memref<1x32x128xf32, #tpu.memory_space<vmem>> -> memref<32x128xf32, #tpu.memory_space<vmem>>
    %dma_start3A_845 = arith.constant 0 : i32
    %dma_start3A_846 = tpu.memref_slice %arg4[%dma_start3A_845, %multiple_of3A_833] : memref<32x1000000xf32, #tpu.memory_space<hbm>> -> memref<32x128xf32, #tpu.memory_space<hbm>>
    tpu.enqueue_dma source(%dma_start3A_846 : memref<32x128xf32, #tpu.memory_space<hbm>>) target(%dma_start3A_844 : memref<32x128xf32, #tpu.memory_space<vmem>>) target_semaphore(%arg14 : memref<!tpu.dma_semaphore, #tpu.memory_space<semaphore_mem>>)
    %slice3A_847 = vector.extract_strided_slice %get3A_738 {offsets = [6], sizes = [1], strides = [1]} : vector<16xi32> to vector<1xi32>
    %squeeze3A_848 = vector.extract %slice3A_847[0] : i32 from vector<1xi32>
    %mul3A_849 = arith.constant 128 : i32
    %mul3A_850 = arith.muli %squeeze3A_848, %mul3A_849 : i32
    %multiple_of3A_851 = tpu.assume_multiple %mul3A_850, 128 : i32
    %dma_start3A_852 = arith.constant 14 : i32
    %dma_start3A_853 = arith.constant 0 : i32
    %dma_start3A_854 = arith.constant 0 : i32
    %dma_start3A_855 = tpu.memref_slice %arg10[%dma_start3A_852, %dma_start3A_853, %dma_start3A_854] : memref<24x32x128xf32, #tpu.memory_space<vmem>> -> memref<1x32x128xf32, #tpu.memory_space<vmem>>
    %dma_start3A_856 = tpu.memref_squeeze %dma_start3A_855 : memref<1x32x128xf32, #tpu.memory_space<vmem>> -> memref<32x128xf32, #tpu.memory_space<vmem>>
    %dma_start3A_857 = arith.constant 0 : i32
    %dma_start3A_858 = tpu.memref_slice %arg4[%dma_start3A_857, %multiple_of3A_851] : memref<32x1000000xf32, #tpu.memory_space<hbm>> -> memref<32x128xf32, #tpu.memory_space<hbm>>
    %dma_start3A_859 = arith.constant 0 : i32
    %dma_start3A_860 = arith.constant 0 : i32
    %dma_start3A_861 = tpu.memref_slice %arg10[%dma_start3A_852, %dma_start3A_859, %dma_start3A_860] : memref<24x32x128xf32, #tpu.memory_space<vmem>> -> memref<1x32x128xf32, #tpu.memory_space<vmem>>
    %dma_start3A_862 = tpu.memref_squeeze %dma_start3A_861 : memref<1x32x128xf32, #tpu.memory_space<vmem>> -> memref<32x128xf32, #tpu.memory_space<vmem>>
    %dma_start3A_863 = arith.constant 0 : i32
    %dma_start3A_864 = tpu.memref_slice %arg4[%dma_start3A_863, %multiple_of3A_851] : memref<32x1000000xf32, #tpu.memory_space<hbm>> -> memref<32x128xf32, #tpu.memory_space<hbm>>
    tpu.enqueue_dma source(%dma_start3A_864 : memref<32x128xf32, #tpu.memory_space<hbm>>) target(%dma_start3A_862 : memref<32x128xf32, #tpu.memory_space<vmem>>) target_semaphore(%arg14 : memref<!tpu.dma_semaphore, #tpu.memory_space<semaphore_mem>>)
    %slice3A_865 = vector.extract_strided_slice %get3A_738 {offsets = [7], sizes = [1], strides = [1]} : vector<16xi32> to vector<1xi32>
    %squeeze3A_866 = vector.extract %slice3A_865[0] : i32 from vector<1xi32>
    %mul3A_867 = arith.constant 128 : i32
    %mul3A_868 = arith.muli %squeeze3A_866, %mul3A_867 : i32
    %multiple_of3A_869 = tpu.assume_multiple %mul3A_868, 128 : i32
    %dma_start3A_870 = arith.constant 15 : i32
    %dma_start3A_871 = arith.constant 0 : i32
    %dma_start3A_872 = arith.constant 0 : i32
    %dma_start3A_873 = tpu.memref_slice %arg10[%dma_start3A_870, %dma_start3A_871, %dma_start3A_872] : memref<24x32x128xf32, #tpu.memory_space<vmem>> -> memref<1x32x128xf32, #tpu.memory_space<vmem>>
    %dma_start3A_874 = tpu.memref_squeeze %dma_start3A_873 : memref<1x32x128xf32, #tpu.memory_space<vmem>> -> memref<32x128xf32, #tpu.memory_space<vmem>>
    %dma_start3A_875 = arith.constant 0 : i32
    %dma_start3A_876 = tpu.memref_slice %arg4[%dma_start3A_875, %multiple_of3A_869] : memref<32x1000000xf32, #tpu.memory_space<hbm>> -> memref<32x128xf32, #tpu.memory_space<hbm>>
    %dma_start3A_877 = arith.constant 0 : i32
    %dma_start3A_878 = arith.constant 0 : i32
    %dma_start3A_879 = tpu.memref_slice %arg10[%dma_start3A_870, %dma_start3A_877, %dma_start3A_878] : memref<24x32x128xf32, #tpu.memory_space<vmem>> -> memref<1x32x128xf32, #tpu.memory_space<vmem>>
    %dma_start3A_880 = tpu.memref_squeeze %dma_start3A_879 : memref<1x32x128xf32, #tpu.memory_space<vmem>> -> memref<32x128xf32, #tpu.memory_space<vmem>>
    %dma_start3A_881 = arith.constant 0 : i32
    %dma_start3A_882 = tpu.memref_slice %arg4[%dma_start3A_881, %multiple_of3A_869] : memref<32x1000000xf32, #tpu.memory_space<hbm>> -> memref<32x128xf32, #tpu.memory_space<hbm>>
    tpu.enqueue_dma source(%dma_start3A_882 : memref<32x128xf32, #tpu.memory_space<hbm>>) target(%dma_start3A_880 : memref<32x128xf32, #tpu.memory_space<vmem>>) target_semaphore(%arg14 : memref<!tpu.dma_semaphore, #tpu.memory_space<semaphore_mem>>)
    %get3A_883 = arith.constant 16 : index
    %get3A_884 = tpu.vector_load %arg9[%get3A_883] {strides = array<i32>} : memref<544xi32, #tpu.memory_space<vmem>>, vector<16xi32>,
    %slice3A_885 = vector.extract_strided_slice %get3A_884 {offsets = [0], sizes = [1], strides = [1]} : vector<16xi32> to vector<1xi32>
    %squeeze3A_886 = vector.extract %slice3A_885[0] : i32 from vector<1xi32>
    %mul3A_887 = arith.constant 128 : i32
    %mul3A_888 = arith.muli %squeeze3A_886, %mul3A_887 : i32
    %multiple_of3A_889 = tpu.assume_multiple %mul3A_888, 128 : i32
    %dma_start3A_890 = arith.constant 16 : i32
    %dma_start3A_891 = arith.constant 0 : i32
    %dma_start3A_892 = arith.constant 0 : i32
    %dma_start3A_893 = tpu.memref_slice %arg10[%dma_start3A_890, %dma_start3A_891, %dma_start3A_892] : memref<24x32x128xf32, #tpu.memory_space<vmem>> -> memref<1x32x128xf32, #tpu.memory_space<vmem>>
    %dma_start3A_894 = tpu.memref_squeeze %dma_start3A_893 : memref<1x32x128xf32, #tpu.memory_space<vmem>> -> memref<32x128xf32, #tpu.memory_space<vmem>>
    %dma_start3A_895 = arith.constant 0 : i32
    %dma_start3A_896 = tpu.memref_slice %arg4[%dma_start3A_895, %multiple_of3A_889] : memref<32x1000000xf32, #tpu.memory_space<hbm>> -> memref<32x128xf32, #tpu.memory_space<hbm>>
    %dma_start3A_897 = arith.constant 0 : i32
    %dma_start3A_898 = arith.constant 0 : i32
    %dma_start3A_899 = tpu.memref_slice %arg10[%dma_start3A_890, %dma_start3A_897, %dma_start3A_898] : memref<24x32x128xf32, #tpu.memory_space<vmem>> -> memref<1x32x128xf32, #tpu.memory_space<vmem>>
    %dma_start3A_900 = tpu.memref_squeeze %dma_start3A_899 : memref<1x32x128xf32, #tpu.memory_space<vmem>> -> memref<32x128xf32, #tpu.memory_space<vmem>>
    %dma_start3A_901 = arith.constant 0 : i32
    %dma_start3A_902 = tpu.memref_slice %arg4[%dma_start3A_901, %multiple_of3A_889] : memref<32x1000000xf32, #tpu.memory_space<hbm>> -> memref<32x128xf32, #tpu.memory_space<hbm>>
    tpu.enqueue_dma source(%dma_start3A_902 : memref<32x128xf32, #tpu.memory_space<hbm>>) target(%dma_start3A_900 : memref<32x128xf32, #tpu.memory_space<vmem>>) target_semaphore(%arg15 : memref<!tpu.dma_semaphore, #tpu.memory_space<semaphore_mem>>)
    %slice3A_903 = vector.extract_strided_slice %get3A_884 {offsets = [1], sizes = [1], strides = [1]} : vector<16xi32> to vector<1xi32>
    %squeeze3A_904 = vector.extract %slice3A_903[0] : i32 from vector<1xi32>
    %mul3A_905 = arith.constant 128 : i32
    %mul3A_906 = arith.muli %squeeze3A_904, %mul3A_905 : i32
    %multiple_of3A_907 = tpu.assume_multiple %mul3A_906, 128 : i32
    %dma_start3A_908 = arith.constant 17 : i32
    %dma_start3A_909 = arith.constant 0 : i32
    %dma_start3A_910 = arith.constant 0 : i32
    %dma_start3A_911 = tpu.memref_slice %arg10[%dma_start3A_908, %dma_start3A_909, %dma_start3A_910] : memref<24x32x128xf32, #tpu.memory_space<vmem>> -> memref<1x32x128xf32, #tpu.memory_space<vmem>>
    %dma_start3A_912 = tpu.memref_squeeze %dma_start3A_911 : memref<1x32x128xf32, #tpu.memory_space<vmem>> -> memref<32x128xf32, #tpu.memory_space<vmem>>
    %dma_start3A_913 = arith.constant 0 : i32
    %dma_start3A_914 = tpu.memref_slice %arg4[%dma_start3A_913, %multiple_of3A_907] : memref<32x1000000xf32, #tpu.memory_space<hbm>> -> memref<32x128xf32, #tpu.memory_space<hbm>>
    %dma_start3A_915 = arith.constant 0 : i32
    %dma_start3A_916 = arith.constant 0 : i32
    %dma_start3A_917 = tpu.memref_slice %arg10[%dma_start3A_908, %dma_start3A_915, %dma_start3A_916] : memref<24x32x128xf32, #tpu.memory_space<vmem>> -> memref<1x32x128xf32, #tpu.memory_space<vmem>>
    %dma_start3A_918 = tpu.memref_squeeze %dma_start3A_917 : memref<1x32x128xf32, #tpu.memory_space<vmem>> -> memref<32x128xf32, #tpu.memory_space<vmem>>
    %dma_start3A_919 = arith.constant 0 : i32
    %dma_start3A_920 = tpu.memref_slice %arg4[%dma_start3A_919, %multiple_of3A_907] : memref<32x1000000xf32, #tpu.memory_space<hbm>> -> memref<32x128xf32, #tpu.memory_space<hbm>>
    tpu.enqueue_dma source(%dma_start3A_920 : memref<32x128xf32, #tpu.memory_space<hbm>>) target(%dma_start3A_918 : memref<32x128xf32, #tpu.memory_space<vmem>>) target_semaphore(%arg15 : memref<!tpu.dma_semaphore, #tpu.memory_space<semaphore_mem>>)
    %slice3A_921 = vector.extract_strided_slice %get3A_884 {offsets = [2], sizes = [1], strides = [1]} : vector<16xi32> to vector<1xi32>
    %squeeze3A_922 = vector.extract %slice3A_921[0] : i32 from vector<1xi32>
    %mul3A_923 = arith.constant 128 : i32
    %mul3A_924 = arith.muli %squeeze3A_922, %mul3A_923 : i32
    %multiple_of3A_925 = tpu.assume_multiple %mul3A_924, 128 : i32
    %dma_start3A_926 = arith.constant 18 : i32
    %dma_start3A_927 = arith.constant 0 : i32
    %dma_start3A_928 = arith.constant 0 : i32
    %dma_start3A_929 = tpu.memref_slice %arg10[%dma_start3A_926, %dma_start3A_927, %dma_start3A_928] : memref<24x32x128xf32, #tpu.memory_space<vmem>> -> memref<1x32x128xf32, #tpu.memory_space<vmem>>
    %dma_start3A_930 = tpu.memref_squeeze %dma_start3A_929 : memref<1x32x128xf32, #tpu.memory_space<vmem>> -> memref<32x128xf32, #tpu.memory_space<vmem>>
    %dma_start3A_931 = arith.constant 0 : i32
    %dma_start3A_932 = tpu.memref_slice %arg4[%dma_start3A_931, %multiple_of3A_925] : memref<32x1000000xf32, #tpu.memory_space<hbm>> -> memref<32x128xf32, #tpu.memory_space<hbm>>
    %dma_start3A_933 = arith.constant 0 : i32
    %dma_start3A_934 = arith.constant 0 : i32
    %dma_start3A_935 = tpu.memref_slice %arg10[%dma_start3A_926, %dma_start3A_933, %dma_start3A_934] : memref<24x32x128xf32, #tpu.memory_space<vmem>> -> memref<1x32x128xf32, #tpu.memory_space<vmem>>
    %dma_start3A_936 = tpu.memref_squeeze %dma_start3A_935 : memref<1x32x128xf32, #tpu.memory_space<vmem>> -> memref<32x128xf32, #tpu.memory_space<vmem>>
    %dma_start3A_937 = arith.constant 0 : i32
    %dma_start3A_938 = tpu.memref_slice %arg4[%dma_start3A_937, %multiple_of3A_925] : memref<32x1000000xf32, #tpu.memory_space<hbm>> -> memref<32x128xf32, #tpu.memory_space<hbm>>
    tpu.enqueue_dma source(%dma_start3A_938 : memref<32x128xf32, #tpu.memory_space<hbm>>) target(%dma_start3A_936 : memref<32x128xf32, #tpu.memory_space<vmem>>) target_semaphore(%arg15 : memref<!tpu.dma_semaphore, #tpu.memory_space<semaphore_mem>>)
    %slice3A_939 = vector.extract_strided_slice %get3A_884 {offsets = [3], sizes = [1], strides = [1]} : vector<16xi32> to vector<1xi32>
    %squeeze3A_940 = vector.extract %slice3A_939[0] : i32 from vector<1xi32>
    %mul3A_941 = arith.constant 128 : i32
    %mul3A_942 = arith.muli %squeeze3A_940, %mul3A_941 : i32
    %multiple_of3A_943 = tpu.assume_multiple %mul3A_942, 128 : i32
    %dma_start3A_944 = arith.constant 19 : i32
    %dma_start3A_945 = arith.constant 0 : i32
    %dma_start3A_946 = arith.constant 0 : i32
    %dma_start3A_947 = tpu.memref_slice %arg10[%dma_start3A_944, %dma_start3A_945, %dma_start3A_946] : memref<24x32x128xf32, #tpu.memory_space<vmem>> -> memref<1x32x128xf32, #tpu.memory_space<vmem>>
    %dma_start3A_948 = tpu.memref_squeeze %dma_start3A_947 : memref<1x32x128xf32, #tpu.memory_space<vmem>> -> memref<32x128xf32, #tpu.memory_space<vmem>>
    %dma_start3A_949 = arith.constant 0 : i32
    %dma_start3A_950 = tpu.memref_slice %arg4[%dma_start3A_949, %multiple_of3A_943] : memref<32x1000000xf32, #tpu.memory_space<hbm>> -> memref<32x128xf32, #tpu.memory_space<hbm>>
    %dma_start3A_951 = arith.constant 0 : i32
    %dma_start3A_952 = arith.constant 0 : i32
    %dma_start3A_953 = tpu.memref_slice %arg10[%dma_start3A_944, %dma_start3A_951, %dma_start3A_952] : memref<24x32x128xf32, #tpu.memory_space<vmem>> -> memref<1x32x128xf32, #tpu.memory_space<vmem>>
    %dma_start3A_954 = tpu.memref_squeeze %dma_start3A_953 : memref<1x32x128xf32, #tpu.memory_space<vmem>> -> memref<32x128xf32, #tpu.memory_space<vmem>>
    %dma_start3A_955 = arith.constant 0 : i32
    %dma_start3A_956 = tpu.memref_slice %arg4[%dma_start3A_955, %multiple_of3A_943] : memref<32x1000000xf32, #tpu.memory_space<hbm>> -> memref<32x128xf32, #tpu.memory_space<hbm>>
    tpu.enqueue_dma source(%dma_start3A_956 : memref<32x128xf32, #tpu.memory_space<hbm>>) target(%dma_start3A_954 : memref<32x128xf32, #tpu.memory_space<vmem>>) target_semaphore(%arg15 : memref<!tpu.dma_semaphore, #tpu.memory_space<semaphore_mem>>)
    %slice3A_957 = vector.extract_strided_slice %get3A_884 {offsets = [4], sizes = [1], strides = [1]} : vector<16xi32> to vector<1xi32>
    %squeeze3A_958 = vector.extract %slice3A_957[0] : i32 from vector<1xi32>
    %mul3A_959 = arith.constant 128 : i32
    %mul3A_960 = arith.muli %squeeze3A_958, %mul3A_959 : i32
    %multiple_of3A_961 = tpu.assume_multiple %mul3A_960, 128 : i32
    %dma_start3A_962 = arith.constant 20 : i32
    %dma_start3A_963 = arith.constant 0 : i32
    %dma_start3A_964 = arith.constant 0 : i32
    %dma_start3A_965 = tpu.memref_slice %arg10[%dma_start3A_962, %dma_start3A_963, %dma_start3A_964] : memref<24x32x128xf32, #tpu.memory_space<vmem>> -> memref<1x32x128xf32, #tpu.memory_space<vmem>>
    %dma_start3A_966 = tpu.memref_squeeze %dma_start3A_965 : memref<1x32x128xf32, #tpu.memory_space<vmem>> -> memref<32x128xf32, #tpu.memory_space<vmem>>
    %dma_start3A_967 = arith.constant 0 : i32
    %dma_start3A_968 = tpu.memref_slice %arg4[%dma_start3A_967, %multiple_of3A_961] : memref<32x1000000xf32, #tpu.memory_space<hbm>> -> memref<32x128xf32, #tpu.memory_space<hbm>>
    %dma_start3A_969 = arith.constant 0 : i32
    %dma_start3A_970 = arith.constant 0 : i32
    %dma_start3A_971 = tpu.memref_slice %arg10[%dma_start3A_962, %dma_start3A_969, %dma_start3A_970] : memref<24x32x128xf32, #tpu.memory_space<vmem>> -> memref<1x32x128xf32, #tpu.memory_space<vmem>>
    %dma_start3A_972 = tpu.memref_squeeze %dma_start3A_971 : memref<1x32x128xf32, #tpu.memory_space<vmem>> -> memref<32x128xf32, #tpu.memory_space<vmem>>
    %dma_start3A_973 = arith.constant 0 : i32
    %dma_start3A_974 = tpu.memref_slice %arg4[%dma_start3A_973, %multiple_of3A_961] : memref<32x1000000xf32, #tpu.memory_space<hbm>> -> memref<32x128xf32, #tpu.memory_space<hbm>>
    tpu.enqueue_dma source(%dma_start3A_974 : memref<32x128xf32, #tpu.memory_space<hbm>>) target(%dma_start3A_972 : memref<32x128xf32, #tpu.memory_space<vmem>>) target_semaphore(%arg15 : memref<!tpu.dma_semaphore, #tpu.memory_space<semaphore_mem>>)
    %slice3A_975 = vector.extract_strided_slice %get3A_884 {offsets = [5], sizes = [1], strides = [1]} : vector<16xi32> to vector<1xi32>
    %squeeze3A_976 = vector.extract %slice3A_975[0] : i32 from vector<1xi32>
    %mul3A_977 = arith.constant 128 : i32
    %mul3A_978 = arith.muli %squeeze3A_976, %mul3A_977 : i32
    %multiple_of3A_979 = tpu.assume_multiple %mul3A_978, 128 : i32
    %dma_start3A_980 = arith.constant 21 : i32
    %dma_start3A_981 = arith.constant 0 : i32
    %dma_start3A_982 = arith.constant 0 : i32
    %dma_start3A_983 = tpu.memref_slice %arg10[%dma_start3A_980, %dma_start3A_981, %dma_start3A_982] : memref<24x32x128xf32, #tpu.memory_space<vmem>> -> memref<1x32x128xf32, #tpu.memory_space<vmem>>
    %dma_start3A_984 = tpu.memref_squeeze %dma_start3A_983 : memref<1x32x128xf32, #tpu.memory_space<vmem>> -> memref<32x128xf32, #tpu.memory_space<vmem>>
    %dma_start3A_985 = arith.constant 0 : i32
    %dma_start3A_986 = tpu.memref_slice %arg4[%dma_start3A_985, %multiple_of3A_979] : memref<32x1000000xf32, #tpu.memory_space<hbm>> -> memref<32x128xf32, #tpu.memory_space<hbm>>
    %dma_start3A_987 = arith.constant 0 : i32
    %dma_start3A_988 = arith.constant 0 : i32
    %dma_start3A_989 = tpu.memref_slice %arg10[%dma_start3A_980, %dma_start3A_987, %dma_start3A_988] : memref<24x32x128xf32, #tpu.memory_space<vmem>> -> memref<1x32x128xf32, #tpu.memory_space<vmem>>
    %dma_start3A_990 = tpu.memref_squeeze %dma_start3A_989 : memref<1x32x128xf32, #tpu.memory_space<vmem>> -> memref<32x128xf32, #tpu.memory_space<vmem>>
    %dma_start3A_991 = arith.constant 0 : i32
    %dma_start3A_992 = tpu.memref_slice %arg4[%dma_start3A_991, %multiple_of3A_979] : memref<32x1000000xf32, #tpu.memory_space<hbm>> -> memref<32x128xf32, #tpu.memory_space<hbm>>
    tpu.enqueue_dma source(%dma_start3A_992 : memref<32x128xf32, #tpu.memory_space<hbm>>) target(%dma_start3A_990 : memref<32x128xf32, #tpu.memory_space<vmem>>) target_semaphore(%arg15 : memref<!tpu.dma_semaphore, #tpu.memory_space<semaphore_mem>>)
    %slice3A_993 = vector.extract_strided_slice %get3A_884 {offsets = [6], sizes = [1], strides = [1]} : vector<16xi32> to vector<1xi32>
    %squeeze3A_994 = vector.extract %slice3A_993[0] : i32 from vector<1xi32>
    %mul3A_995 = arith.constant 128 : i32
    %mul3A_996 = arith.muli %squeeze3A_994, %mul3A_995 : i32
    %multiple_of3A_997 = tpu.assume_multiple %mul3A_996, 128 : i32
    %dma_start3A_998 = arith.constant 22 : i32
    %dma_start3A_999 = arith.constant 0 : i32
    %dma_start3A_1000 = arith.constant 0 : i32
    %dma_start3A_1001 = tpu.memref_slice %arg10[%dma_start3A_998, %dma_start3A_999, %dma_start3A_1000] : memref<24x32x128xf32, #tpu.memory_space<vmem>> -> memref<1x32x128xf32, #tpu.memory_space<vmem>>
    %dma_start3A_1002 = tpu.memref_squeeze %dma_start3A_1001 : memref<1x32x128xf32, #tpu.memory_space<vmem>> -> memref<32x128xf32, #tpu.memory_space<vmem>>
    %dma_start3A_1003 = arith.constant 0 : i32
    %dma_start3A_1004 = tpu.memref_slice %arg4[%dma_start3A_1003, %multiple_of3A_997] : memref<32x1000000xf32, #tpu.memory_space<hbm>> -> memref<32x128xf32, #tpu.memory_space<hbm>>
    %dma_start3A_1005 = arith.constant 0 : i32
    %dma_start3A_1006 = arith.constant 0 : i32
    %dma_start3A_1007 = tpu.memref_slice %arg10[%dma_start3A_998, %dma_start3A_1005, %dma_start3A_1006] : memref<24x32x128xf32, #tpu.memory_space<vmem>> -> memref<1x32x128xf32, #tpu.memory_space<vmem>>
    %dma_start3A_1008 = tpu.memref_squeeze %dma_start3A_1007 : memref<1x32x128xf32, #tpu.memory_space<vmem>> -> memref<32x128xf32, #tpu.memory_space<vmem>>
    %dma_start3A_1009 = arith.constant 0 : i32
    %dma_start3A_1010 = tpu.memref_slice %arg4[%dma_start3A_1009, %multiple_of3A_997] : memref<32x1000000xf32, #tpu.memory_space<hbm>> -> memref<32x128xf32, #tpu.memory_space<hbm>>
    tpu.enqueue_dma source(%dma_start3A_1010 : memref<32x128xf32, #tpu.memory_space<hbm>>) target(%dma_start3A_1008 : memref<32x128xf32, #tpu.memory_space<vmem>>) target_semaphore(%arg15 : memref<!tpu.dma_semaphore, #tpu.memory_space<semaphore_mem>>)
    %slice3A_1011 = vector.extract_strided_slice %get3A_884 {offsets = [7], sizes = [1], strides = [1]} : vector<16xi32> to vector<1xi32>
    %squeeze3A_1012 = vector.extract %slice3A_1011[0] : i32 from vector<1xi32>
    %mul3A_1013 = arith.constant 128 : i32
    %mul3A_1014 = arith.muli %squeeze3A_1012, %mul3A_1013 : i32
    %multiple_of3A_1015 = tpu.assume_multiple %mul3A_1014, 128 : i32
    %dma_start3A_1016 = arith.constant 23 : i32
    %dma_start3A_1017 = arith.constant 0 : i32
    %dma_start3A_1018 = arith.constant 0 : i32
    %dma_start3A_1019 = tpu.memref_slice %arg10[%dma_start3A_1016, %dma_start3A_1017, %dma_start3A_1018] : memref<24x32x128xf32, #tpu.memory_space<vmem>> -> memref<1x32x128xf32, #tpu.memory_space<vmem>>
    %dma_start3A_1020 = tpu.memref_squeeze %dma_start3A_1019 : memref<1x32x128xf32, #tpu.memory_space<vmem>> -> memref<32x128xf32, #tpu.memory_space<vmem>>
    %dma_start3A_1021 = arith.constant 0 : i32
    %dma_start3A_1022 = tpu.memref_slice %arg4[%dma_start3A_1021, %multiple_of3A_1015] : memref<32x1000000xf32, #tpu.memory_space<hbm>> -> memref<32x128xf32, #tpu.memory_space<hbm>>
    %dma_start3A_1023 = arith.constant 0 : i32
    %dma_start3A_1024 = arith.constant 0 : i32
    %dma_start3A_1025 = tpu.memref_slice %arg10[%dma_start3A_1016, %dma_start3A_1023, %dma_start3A_1024] : memref<24x32x128xf32, #tpu.memory_space<vmem>> -> memref<1x32x128xf32, #tpu.memory_space<vmem>>
    %dma_start3A_1026 = tpu.memref_squeeze %dma_start3A_1025 : memref<1x32x128xf32, #tpu.memory_space<vmem>> -> memref<32x128xf32, #tpu.memory_space<vmem>>
    %dma_start3A_1027 = arith.constant 0 : i32
    %dma_start3A_1028 = tpu.memref_slice %arg4[%dma_start3A_1027, %multiple_of3A_1015] : memref<32x1000000xf32, #tpu.memory_space<hbm>> -> memref<32x128xf32, #tpu.memory_space<hbm>>
    tpu.enqueue_dma source(%dma_start3A_1028 : memref<32x128xf32, #tpu.memory_space<hbm>>) target(%dma_start3A_1026 : memref<32x128xf32, #tpu.memory_space<vmem>>) target_semaphore(%arg15 : memref<!tpu.dma_semaphore, #tpu.memory_space<semaphore_mem>>)
    %scan3A = arith.constant 0 : i32
    %scan3A_1029 = arith.constant 0 : i32
    %scan3A_1030 = arith.constant 21 : i32
    %scan3A_1031 = arith.addi %scan3A_1029, %scan3A_1030 : i32
    %scan3A_1032 = arith.constant 1 : i32
    %scan3A_1033 = scf.for %scan3A_1534 = %scan3A_1029 to %scan3A_1031 step %scan3A_1032 iter_args(%scan3A_1535 = %scan3A) -> (i32)  : i32 {
      %mul3A_1536 = arith.constant 3 : i32
      %mul3A_1537 = arith.muli %mul3A_1536, %scan3A_1534 : i32
      %dma_wait3A_1538 = arith.constant 0 : i32
      %dma_wait3A_1539 = arith.constant 0 : i32
      %dma_wait3A_1540 = arith.constant 0 : i32
      %dma_wait3A_1541 = tpu.memref_slice %arg10[%dma_wait3A_1538, %dma_wait3A_1539, %dma_wait3A_1540] : memref<24x32x128xf32, #tpu.memory_space<vmem>> -> memref<1x32x128xf32, #tpu.memory_space<vmem>>
      %dma_wait3A_1542 = tpu.memref_squeeze %dma_wait3A_1541 : memref<1x32x128xf32, #tpu.memory_space<vmem>> -> memref<32x128xf32, #tpu.memory_space<vmem>>
      %dma_wait3A_1543 = arith.constant 0 : i32
      %dma_wait3A_1544 = arith.constant 0 : i32
      %dma_wait3A_1545 = tpu.memref_slice %arg4[%dma_wait3A_1543, %dma_wait3A_1544] : memref<32x1000000xf32, #tpu.memory_space<hbm>> -> memref<32x128xf32, #tpu.memory_space<hbm>>
      %dma_wait3A_1546 = arith.constant 0 : i32
      %dma_wait3A_1547 = arith.constant 0 : i32
      %dma_wait3A_1548 = tpu.memref_slice %arg10[%dma_wait3A_1538, %dma_wait3A_1546, %dma_wait3A_1547] : memref<24x32x128xf32, #tpu.memory_space<vmem>> -> memref<1x32x128xf32, #tpu.memory_space<vmem>>
      %dma_wait3A_1549 = tpu.memref_squeeze %dma_wait3A_1548 : memref<1x32x128xf32, #tpu.memory_space<vmem>> -> memref<32x128xf32, #tpu.memory_space<vmem>>
      %dma_wait3A_1550 = arith.constant 0 : i32
      %dma_wait3A_1551 = arith.constant 0 : i32
      %dma_wait3A_1552 = tpu.memref_slice %arg4[%dma_wait3A_1550, %dma_wait3A_1551] : memref<32x1000000xf32, #tpu.memory_space<hbm>> -> memref<32x128xf32, #tpu.memory_space<hbm>>
      tpu.wait_dma2 semaphore(%arg13 : memref<!tpu.dma_semaphore, #tpu.memory_space<semaphore_mem>>) src(%dma_wait3A_1552 : memref<32x128xf32, #tpu.memory_space<hbm>>) dst(%dma_wait3A_1549 : memref<32x128xf32, #tpu.memory_space<vmem>>)
      %dma_wait3A_1553 = arith.constant 1 : i32
      %dma_wait3A_1554 = arith.constant 0 : i32
      %dma_wait3A_1555 = arith.constant 0 : i32
      %dma_wait3A_1556 = tpu.memref_slice %arg10[%dma_wait3A_1553, %dma_wait3A_1554, %dma_wait3A_1555] : memref<24x32x128xf32, #tpu.memory_space<vmem>> -> memref<1x32x128xf32, #tpu.memory_space<vmem>>
      %dma_wait3A_1557 = tpu.memref_squeeze %dma_wait3A_1556 : memref<1x32x128xf32, #tpu.memory_space<vmem>> -> memref<32x128xf32, #tpu.memory_space<vmem>>
      %dma_wait3A_1558 = arith.constant 0 : i32
      %dma_wait3A_1559 = arith.constant 0 : i32
      %dma_wait3A_1560 = tpu.memref_slice %arg4[%dma_wait3A_1558, %dma_wait3A_1559] : memref<32x1000000xf32, #tpu.memory_space<hbm>> -> memref<32x128xf32, #tpu.memory_space<hbm>>
      %dma_wait3A_1561 = arith.constant 0 : i32
      %dma_wait3A_1562 = arith.constant 0 : i32
      %dma_wait3A_1563 = tpu.memref_slice %arg10[%dma_wait3A_1553, %dma_wait3A_1561, %dma_wait3A_1562] : memref<24x32x128xf32, #tpu.memory_space<vmem>> -> memref<1x32x128xf32, #tpu.memory_space<vmem>>
      %dma_wait3A_1564 = tpu.memref_squeeze %dma_wait3A_1563 : memref<1x32x128xf32, #tpu.memory_space<vmem>> -> memref<32x128xf32, #tpu.memory_space<vmem>>
      %dma_wait3A_1565 = arith.constant 0 : i32
      %dma_wait3A_1566 = arith.constant 0 : i32
      %dma_wait3A_1567 = tpu.memref_slice %arg4[%dma_wait3A_1565, %dma_wait3A_1566] : memref<32x1000000xf32, #tpu.memory_space<hbm>> -> memref<32x128xf32, #tpu.memory_space<hbm>>
      tpu.wait_dma2 semaphore(%arg13 : memref<!tpu.dma_semaphore, #tpu.memory_space<semaphore_mem>>) src(%dma_wait3A_1567 : memref<32x128xf32, #tpu.memory_space<hbm>>) dst(%dma_wait3A_1564 : memref<32x128xf32, #tpu.memory_space<vmem>>)
      %dma_wait3A_1568 = arith.constant 2 : i32
      %dma_wait3A_1569 = arith.constant 0 : i32
      %dma_wait3A_1570 = arith.constant 0 : i32
      %dma_wait3A_1571 = tpu.memref_slice %arg10[%dma_wait3A_1568, %dma_wait3A_1569, %dma_wait3A_1570] : memref<24x32x128xf32, #tpu.memory_space<vmem>> -> memref<1x32x128xf32, #tpu.memory_space<vmem>>
      %dma_wait3A_1572 = tpu.memref_squeeze %dma_wait3A_1571 : memref<1x32x128xf32, #tpu.memory_space<vmem>> -> memref<32x128xf32, #tpu.memory_space<vmem>>
      %dma_wait3A_1573 = arith.constant 0 : i32
      %dma_wait3A_1574 = arith.constant 0 : i32
      %dma_wait3A_1575 = tpu.memref_slice %arg4[%dma_wait3A_1573, %dma_wait3A_1574] : memref<32x1000000xf32, #tpu.memory_space<hbm>> -> memref<32x128xf32, #tpu.memory_space<hbm>>
      %dma_wait3A_1576 = arith.constant 0 : i32
      %dma_wait3A_1577 = arith.constant 0 : i32
      %dma_wait3A_1578 = tpu.memref_slice %arg10[%dma_wait3A_1568, %dma_wait3A_1576, %dma_wait3A_1577] : memref<24x32x128xf32, #tpu.memory_space<vmem>> -> memref<1x32x128xf32, #tpu.memory_space<vmem>>
      %dma_wait3A_1579 = tpu.memref_squeeze %dma_wait3A_1578 : memref<1x32x128xf32, #tpu.memory_space<vmem>> -> memref<32x128xf32, #tpu.memory_space<vmem>>
      %dma_wait3A_1580 = arith.constant 0 : i32
      %dma_wait3A_1581 = arith.constant 0 : i32
      %dma_wait3A_1582 = tpu.memref_slice %arg4[%dma_wait3A_1580, %dma_wait3A_1581] : memref<32x1000000xf32, #tpu.memory_space<hbm>> -> memref<32x128xf32, #tpu.memory_space<hbm>>
      tpu.wait_dma2 semaphore(%arg13 : memref<!tpu.dma_semaphore, #tpu.memory_space<semaphore_mem>>) src(%dma_wait3A_1582 : memref<32x128xf32, #tpu.memory_space<hbm>>) dst(%dma_wait3A_1579 : memref<32x128xf32, #tpu.memory_space<vmem>>)
      %dma_wait3A_1583 = arith.constant 3 : i32
      %dma_wait3A_1584 = arith.constant 0 : i32
      %dma_wait3A_1585 = arith.constant 0 : i32
      %dma_wait3A_1586 = tpu.memref_slice %arg10[%dma_wait3A_1583, %dma_wait3A_1584, %dma_wait3A_1585] : memref<24x32x128xf32, #tpu.memory_space<vmem>> -> memref<1x32x128xf32, #tpu.memory_space<vmem>>
      %dma_wait3A_1587 = tpu.memref_squeeze %dma_wait3A_1586 : memref<1x32x128xf32, #tpu.memory_space<vmem>> -> memref<32x128xf32, #tpu.memory_space<vmem>>
      %dma_wait3A_1588 = arith.constant 0 : i32
      %dma_wait3A_1589 = arith.constant 0 : i32
      %dma_wait3A_1590 = tpu.memref_slice %arg4[%dma_wait3A_1588, %dma_wait3A_1589] : memref<32x1000000xf32, #tpu.memory_space<hbm>> -> memref<32x128xf32, #tpu.memory_space<hbm>>
      %dma_wait3A_1591 = arith.constant 0 : i32
      %dma_wait3A_1592 = arith.constant 0 : i32
      %dma_wait3A_1593 = tpu.memref_slice %arg10[%dma_wait3A_1583, %dma_wait3A_1591, %dma_wait3A_1592] : memref<24x32x128xf32, #tpu.memory_space<vmem>> -> memref<1x32x128xf32, #tpu.memory_space<vmem>>
      %dma_wait3A_1594 = tpu.memref_squeeze %dma_wait3A_1593 : memref<1x32x128xf32, #tpu.memory_space<vmem>> -> memref<32x128xf32, #tpu.memory_space<vmem>>
      %dma_wait3A_1595 = arith.constant 0 : i32
      %dma_wait3A_1596 = arith.constant 0 : i32
      %dma_wait3A_1597 = tpu.memref_slice %arg4[%dma_wait3A_1595, %dma_wait3A_1596] : memref<32x1000000xf32, #tpu.memory_space<hbm>> -> memref<32x128xf32, #tpu.memory_space<hbm>>
      tpu.wait_dma2 semaphore(%arg13 : memref<!tpu.dma_semaphore, #tpu.memory_space<semaphore_mem>>) src(%dma_wait3A_1597 : memref<32x128xf32, #tpu.memory_space<hbm>>) dst(%dma_wait3A_1594 : memref<32x128xf32, #tpu.memory_space<vmem>>)
      %dma_wait3A_1598 = arith.constant 4 : i32
      %dma_wait3A_1599 = arith.constant 0 : i32
      %dma_wait3A_1600 = arith.constant 0 : i32
      %dma_wait3A_1601 = tpu.memref_slice %arg10[%dma_wait3A_1598, %dma_wait3A_1599, %dma_wait3A_1600] : memref<24x32x128xf32, #tpu.memory_space<vmem>> -> memref<1x32x128xf32, #tpu.memory_space<vmem>>
      %dma_wait3A_1602 = tpu.memref_squeeze %dma_wait3A_1601 : memref<1x32x128xf32, #tpu.memory_space<vmem>> -> memref<32x128xf32, #tpu.memory_space<vmem>>
      %dma_wait3A_1603 = arith.constant 0 : i32
      %dma_wait3A_1604 = arith.constant 0 : i32
      %dma_wait3A_1605 = tpu.memref_slice %arg4[%dma_wait3A_1603, %dma_wait3A_1604] : memref<32x1000000xf32, #tpu.memory_space<hbm>> -> memref<32x128xf32, #tpu.memory_space<hbm>>
      %dma_wait3A_1606 = arith.constant 0 : i32
      %dma_wait3A_1607 = arith.constant 0 : i32
      %dma_wait3A_1608 = tpu.memref_slice %arg10[%dma_wait3A_1598, %dma_wait3A_1606, %dma_wait3A_1607] : memref<24x32x128xf32, #tpu.memory_space<vmem>> -> memref<1x32x128xf32, #tpu.memory_space<vmem>>
      %dma_wait3A_1609 = tpu.memref_squeeze %dma_wait3A_1608 : memref<1x32x128xf32, #tpu.memory_space<vmem>> -> memref<32x128xf32, #tpu.memory_space<vmem>>
      %dma_wait3A_1610 = arith.constant 0 : i32
      %dma_wait3A_1611 = arith.constant 0 : i32
      %dma_wait3A_1612 = tpu.memref_slice %arg4[%dma_wait3A_1610, %dma_wait3A_1611] : memref<32x1000000xf32, #tpu.memory_space<hbm>> -> memref<32x128xf32, #tpu.memory_space<hbm>>
      tpu.wait_dma2 semaphore(%arg13 : memref<!tpu.dma_semaphore, #tpu.memory_space<semaphore_mem>>) src(%dma_wait3A_1612 : memref<32x128xf32, #tpu.memory_space<hbm>>) dst(%dma_wait3A_1609 : memref<32x128xf32, #tpu.memory_space<vmem>>)
      %dma_wait3A_1613 = arith.constant 5 : i32
      %dma_wait3A_1614 = arith.constant 0 : i32
      %dma_wait3A_1615 = arith.constant 0 : i32
      %dma_wait3A_1616 = tpu.memref_slice %arg10[%dma_wait3A_1613, %dma_wait3A_1614, %dma_wait3A_1615] : memref<24x32x128xf32, #tpu.memory_space<vmem>> -> memref<1x32x128xf32, #tpu.memory_space<vmem>>
      %dma_wait3A_1617 = tpu.memref_squeeze %dma_wait3A_1616 : memref<1x32x128xf32, #tpu.memory_space<vmem>> -> memref<32x128xf32, #tpu.memory_space<vmem>>
      %dma_wait3A_1618 = arith.constant 0 : i32
      %dma_wait3A_1619 = arith.constant 0 : i32
      %dma_wait3A_1620 = tpu.memref_slice %arg4[%dma_wait3A_1618, %dma_wait3A_1619] : memref<32x1000000xf32, #tpu.memory_space<hbm>> -> memref<32x128xf32, #tpu.memory_space<hbm>>
      %dma_wait3A_1621 = arith.constant 0 : i32
      %dma_wait3A_1622 = arith.constant 0 : i32
      %dma_wait3A_1623 = tpu.memref_slice %arg10[%dma_wait3A_1613, %dma_wait3A_1621, %dma_wait3A_1622] : memref<24x32x128xf32, #tpu.memory_space<vmem>> -> memref<1x32x128xf32, #tpu.memory_space<vmem>>
      %dma_wait3A_1624 = tpu.memref_squeeze %dma_wait3A_1623 : memref<1x32x128xf32, #tpu.memory_space<vmem>> -> memref<32x128xf32, #tpu.memory_space<vmem>>
      %dma_wait3A_1625 = arith.constant 0 : i32
      %dma_wait3A_1626 = arith.constant 0 : i32
      %dma_wait3A_1627 = tpu.memref_slice %arg4[%dma_wait3A_1625, %dma_wait3A_1626] : memref<32x1000000xf32, #tpu.memory_space<hbm>> -> memref<32x128xf32, #tpu.memory_space<hbm>>
      tpu.wait_dma2 semaphore(%arg13 : memref<!tpu.dma_semaphore, #tpu.memory_space<semaphore_mem>>) src(%dma_wait3A_1627 : memref<32x128xf32, #tpu.memory_space<hbm>>) dst(%dma_wait3A_1624 : memref<32x128xf32, #tpu.memory_space<vmem>>)
      %dma_wait3A_1628 = arith.constant 6 : i32
      %dma_wait3A_1629 = arith.constant 0 : i32
      %dma_wait3A_1630 = arith.constant 0 : i32
      %dma_wait3A_1631 = tpu.memref_slice %arg10[%dma_wait3A_1628, %dma_wait3A_1629, %dma_wait3A_1630] : memref<24x32x128xf32, #tpu.memory_space<vmem>> -> memref<1x32x128xf32, #tpu.memory_space<vmem>>
      %dma_wait3A_1632 = tpu.memref_squeeze %dma_wait3A_1631 : memref<1x32x128xf32, #tpu.memory_space<vmem>> -> memref<32x128xf32, #tpu.memory_space<vmem>>
      %dma_wait3A_1633 = arith.constant 0 : i32
      %dma_wait3A_1634 = arith.constant 0 : i32
      %dma_wait3A_1635 = tpu.memref_slice %arg4[%dma_wait3A_1633, %dma_wait3A_1634] : memref<32x1000000xf32, #tpu.memory_space<hbm>> -> memref<32x128xf32, #tpu.memory_space<hbm>>
      %dma_wait3A_1636 = arith.constant 0 : i32
      %dma_wait3A_1637 = arith.constant 0 : i32
      %dma_wait3A_1638 = tpu.memref_slice %arg10[%dma_wait3A_1628, %dma_wait3A_1636, %dma_wait3A_1637] : memref<24x32x128xf32, #tpu.memory_space<vmem>> -> memref<1x32x128xf32, #tpu.memory_space<vmem>>
      %dma_wait3A_1639 = tpu.memref_squeeze %dma_wait3A_1638 : memref<1x32x128xf32, #tpu.memory_space<vmem>> -> memref<32x128xf32, #tpu.memory_space<vmem>>
      %dma_wait3A_1640 = arith.constant 0 : i32
      %dma_wait3A_1641 = arith.constant 0 : i32
      %dma_wait3A_1642 = tpu.memref_slice %arg4[%dma_wait3A_1640, %dma_wait3A_1641] : memref<32x1000000xf32, #tpu.memory_space<hbm>> -> memref<32x128xf32, #tpu.memory_space<hbm>>
      tpu.wait_dma2 semaphore(%arg13 : memref<!tpu.dma_semaphore, #tpu.memory_space<semaphore_mem>>) src(%dma_wait3A_1642 : memref<32x128xf32, #tpu.memory_space<hbm>>) dst(%dma_wait3A_1639 : memref<32x128xf32, #tpu.memory_space<vmem>>)
      %dma_wait3A_1643 = arith.constant 7 : i32
      %dma_wait3A_1644 = arith.constant 0 : i32
      %dma_wait3A_1645 = arith.constant 0 : i32
      %dma_wait3A_1646 = tpu.memref_slice %arg10[%dma_wait3A_1643, %dma_wait3A_1644, %dma_wait3A_1645] : memref<24x32x128xf32, #tpu.memory_space<vmem>> -> memref<1x32x128xf32, #tpu.memory_space<vmem>>
      %dma_wait3A_1647 = tpu.memref_squeeze %dma_wait3A_1646 : memref<1x32x128xf32, #tpu.memory_space<vmem>> -> memref<32x128xf32, #tpu.memory_space<vmem>>
      %dma_wait3A_1648 = arith.constant 0 : i32
      %dma_wait3A_1649 = arith.constant 0 : i32
      %dma_wait3A_1650 = tpu.memref_slice %arg4[%dma_wait3A_1648, %dma_wait3A_1649] : memref<32x1000000xf32, #tpu.memory_space<hbm>> -> memref<32x128xf32, #tpu.memory_space<hbm>>
      %dma_wait3A_1651 = arith.constant 0 : i32
      %dma_wait3A_1652 = arith.constant 0 : i32
      %dma_wait3A_1653 = tpu.memref_slice %arg10[%dma_wait3A_1643, %dma_wait3A_1651, %dma_wait3A_1652] : memref<24x32x128xf32, #tpu.memory_space<vmem>> -> memref<1x32x128xf32, #tpu.memory_space<vmem>>
      %dma_wait3A_1654 = tpu.memref_squeeze %dma_wait3A_1653 : memref<1x32x128xf32, #tpu.memory_space<vmem>> -> memref<32x128xf32, #tpu.memory_space<vmem>>
      %dma_wait3A_1655 = arith.constant 0 : i32
      %dma_wait3A_1656 = arith.constant 0 : i32
      %dma_wait3A_1657 = tpu.memref_slice %arg4[%dma_wait3A_1655, %dma_wait3A_1656] : memref<32x1000000xf32, #tpu.memory_space<hbm>> -> memref<32x128xf32, #tpu.memory_space<hbm>>
      tpu.wait_dma2 semaphore(%arg13 : memref<!tpu.dma_semaphore, #tpu.memory_space<semaphore_mem>>) src(%dma_wait3A_1657 : memref<32x128xf32, #tpu.memory_space<hbm>>) dst(%dma_wait3A_1654 : memref<32x128xf32, #tpu.memory_space<vmem>>)
      %add3A_1658 = arith.constant 0 : i32
      %add3A_1659 = arith.addi %mul3A_1537, %add3A_1658 : i32
      %mul3A_1660 = arith.constant 8 : i32
      %mul3A_1661 = arith.muli %add3A_1659, %mul3A_1660 : i32
      %get3A_1662 = arith.index_cast %mul3A_1661 : i32 to index
      %get3A_1663 = tpu.vector_load %arg8[%get3A_1662] {strides = array<i32>} : memref<544xi32, #tpu.memory_space<vmem>>, vector<16xi32>,
      %slice3A_1664 = vector.extract_strided_slice %get3A_1663 {offsets = [0], sizes = [1], strides = [1]} : vector<16xi32> to vector<1xi32>
      %squeeze3A_1665 = vector.extract %slice3A_1664[0] : i32 from vector<1xi32>
      %mul3A_1666 = arith.constant 0 : i32
      %mul3A_1667 = vector.broadcast %mul3A_1666 : i32 to vector<16xi32>
      %mul3A_1668 = arith.muli %iota3A, %mul3A_1667 : vector<16xi32>
      %and3A_1669 = arith.constant 127 : i32
      %and3A_1670 = arith.andi %squeeze3A_1665, %and3A_1669 : i32
      %add3A_1671 = vector.broadcast %and3A_1670 : i32 to vector<16xi32>
      %add3A_1672 = arith.addi %mul3A_1668, %add3A_1671 : vector<16xi32>
      %mul3A_1673 = arith.constant 0 : i32
      %mul3A_1674 = vector.broadcast %mul3A_1673 : i32 to vector<16xi32>
      %mul3A_1675 = arith.muli %iota3A, %mul3A_1674 : vector<16xi32>
      %mul3A_1676 = arith.constant 8 : i32
      %mul3A_1677 = arith.muli %add3A_1659, %mul3A_1676 : i32
      %add3A_1678 = arith.constant 0 : i32
      %add3A_1679 = arith.addi %mul3A_1677, %add3A_1678 : i32
      %add3A_1680 = vector.broadcast %add3A_1679 : i32 to vector<16xi32>
      %add3A_1681 = arith.addi %mul3A_1675, %add3A_1680 : vector<16xi32>
      %ge3A_1682 = arith.constant 999936 : i32
      %ge3A_1683 = arith.cmpi sge, %squeeze3A_1665, %ge3A_1682 : i32
      %mul3A_1684 = arith.constant 0 : i32
      %mul3A_1685 = vector.broadcast %mul3A_1684 : i32 to vector<16xi32>
      %mul3A_1686 = arith.muli %iota3A, %mul3A_1685 : vector<16xi32>
      %sub3A_1687 = arith.constant 999936 : i32
      %sub3A_1688 = arith.subi %squeeze3A_1665, %sub3A_1687 : i32
      %max3A_1689 = arith.constant 0 : i32
      %max3A_1690 = arith.maxsi %sub3A_1688, %max3A_1689 : i32
      %add3A_1691 = vector.broadcast %max3A_1690 : i32 to vector<16xi32>
      %add3A_1692 = arith.addi %mul3A_1686, %add3A_1691 : vector<16xi32>
      %add3A_1693 = arith.constant 0 : i32
      %add3A_1694 = vector.broadcast %add3A_1693 : i32 to vector<16xi32>
      %add3A_1695 = arith.addi %add3A_1694, %iota3A : vector<16xi32>
      %gather3A_1696 = arith.constant 0 : i32
      %gather3A_1697 = arith.constant 0 : i32
      %gather3A_1698 = arith.constant 0 : i32
      %gather3A_1699 = tpu.memref_slice %arg10[%gather3A_1696, %gather3A_1697, %gather3A_1698] : memref<24x32x128xf32, #tpu.memory_space<vmem>> -> memref<1x32x128xf32, #tpu.memory_space<vmem>>
      %gather3A_1700 = tpu.memref_squeeze %gather3A_1699 : memref<1x32x128xf32, #tpu.memory_space<vmem>> -> memref<32x128xf32, #tpu.memory_space<vmem>>
      %gather3A_1701 = tpu.vector_load_idx %gather3A_1700[%add3A_1695, %add3A_1672] : memref<32x128xf32, #tpu.memory_space<vmem>>[vector<16xi32>, vector<16xi32>], vector<16xf32>,
      %gather3A_1702 = tpu.vector_load_idx %arg11[%add3A_1695, %add3A_1692] : memref<32x64xf32, #tpu.memory_space<vmem>>[vector<16xi32>, vector<16xi32>], vector<16xf32>,
      %select_n3A_1703 = arith.select %ge3A_1683, %gather3A_1702, %gather3A_1701 : vector<16xf32>
      tpu.vector_store_idx %arg12[%add3A_1695, %add3A_1681], %select_n3A_1703 : memref<32x512xf32, #tpu.memory_space<vmem>>[vector<16xi32>, vector<16xi32>], vector<16xf32>,
      %add3A_1704 = arith.constant 16 : i32
      %add3A_1705 = vector.broadcast %add3A_1704 : i32 to vector<16xi32>
      %add3A_1706 = arith.addi %add3A_1705, %iota3A : vector<16xi32>
      %gather3A_1707 = arith.constant 0 : i32
      %gather3A_1708 = arith.constant 0 : i32
      %gather3A_1709 = arith.constant 0 : i32
      %gather3A_1710 = tpu.memref_slice %arg10[%gather3A_1707, %gather3A_1708, %gather3A_1709] : memref<24x32x128xf32, #tpu.memory_space<vmem>> -> memref<1x32x128xf32, #tpu.memory_space<vmem>>
      %gather3A_1711 = tpu.memref_squeeze %gather3A_1710 : memref<1x32x128xf32, #tpu.memory_space<vmem>> -> memref<32x128xf32, #tpu.memory_space<vmem>>
      %gather3A_1712 = tpu.vector_load_idx %gather3A_1711[%add3A_1706, %add3A_1672] : memref<32x128xf32, #tpu.memory_space<vmem>>[vector<16xi32>, vector<16xi32>], vector<16xf32>,
      %gather3A_1713 = tpu.vector_load_idx %arg11[%add3A_1706, %add3A_1692] : memref<32x64xf32, #tpu.memory_space<vmem>>[vector<16xi32>, vector<16xi32>], vector<16xf32>,
      %select_n3A_1714 = arith.select %ge3A_1683, %gather3A_1713, %gather3A_1712 : vector<16xf32>
      tpu.vector_store_idx %arg12[%add3A_1706, %add3A_1681], %select_n3A_1714 : memref<32x512xf32, #tpu.memory_space<vmem>>[vector<16xi32>, vector<16xi32>], vector<16xf32>,
      %slice3A_1715 = vector.extract_strided_slice %get3A_1663 {offsets = [1], sizes = [1], strides = [1]} : vector<16xi32> to vector<1xi32>
      %squeeze3A_1716 = vector.extract %slice3A_1715[0] : i32 from vector<1xi32>
      %mul3A_1717 = arith.constant 0 : i32
      %mul3A_1718 = vector.broadcast %mul3A_1717 : i32 to vector<16xi32>
      %mul3A_1719 = arith.muli %iota3A, %mul3A_1718 : vector<16xi32>
      %and3A_1720 = arith.constant 127 : i32
      %and3A_1721 = arith.andi %squeeze3A_1716, %and3A_1720 : i32
      %add3A_1722 = vector.broadcast %and3A_1721 : i32 to vector<16xi32>
      %add3A_1723 = arith.addi %mul3A_1719, %add3A_1722 : vector<16xi32>
      %mul3A_1724 = arith.constant 0 : i32
      %mul3A_1725 = vector.broadcast %mul3A_1724 : i32 to vector<16xi32>
      %mul3A_1726 = arith.muli %iota3A, %mul3A_1725 : vector<16xi32>
      %mul3A_1727 = arith.constant 8 : i32
      %mul3A_1728 = arith.muli %add3A_1659, %mul3A_1727 : i32
      %add3A_1729 = arith.constant 1 : i32
      %add3A_1730 = arith.addi %mul3A_1728, %add3A_1729 : i32
      %add3A_1731 = vector.broadcast %add3A_1730 : i32 to vector<16xi32>
      %add3A_1732 = arith.addi %mul3A_1726, %add3A_1731 : vector<16xi32>
      %ge3A_1733 = arith.constant 999936 : i32
      %ge3A_1734 = arith.cmpi sge, %squeeze3A_1716, %ge3A_1733 : i32
      %mul3A_1735 = arith.constant 0 : i32
      %mul3A_1736 = vector.broadcast %mul3A_1735 : i32 to vector<16xi32>
      %mul3A_1737 = arith.muli %iota3A, %mul3A_1736 : vector<16xi32>
      %sub3A_1738 = arith.constant 999936 : i32
      %sub3A_1739 = arith.subi %squeeze3A_1716, %sub3A_1738 : i32
      %max3A_1740 = arith.constant 0 : i32
      %max3A_1741 = arith.maxsi %sub3A_1739, %max3A_1740 : i32
      %add3A_1742 = vector.broadcast %max3A_1741 : i32 to vector<16xi32>
      %add3A_1743 = arith.addi %mul3A_1737, %add3A_1742 : vector<16xi32>
      %add3A_1744 = arith.constant 0 : i32
      %add3A_1745 = vector.broadcast %add3A_1744 : i32 to vector<16xi32>
      %add3A_1746 = arith.addi %add3A_1745, %iota3A : vector<16xi32>
      %gather3A_1747 = arith.constant 1 : i32
      %gather3A_1748 = arith.constant 0 : i32
      %gather3A_1749 = arith.constant 0 : i32
      %gather3A_1750 = tpu.memref_slice %arg10[%gather3A_1747, %gather3A_1748, %gather3A_1749] : memref<24x32x128xf32, #tpu.memory_space<vmem>> -> memref<1x32x128xf32, #tpu.memory_space<vmem>>
      %gather3A_1751 = tpu.memref_squeeze %gather3A_1750 : memref<1x32x128xf32, #tpu.memory_space<vmem>> -> memref<32x128xf32, #tpu.memory_space<vmem>>
      %gather3A_1752 = tpu.vector_load_idx %gather3A_1751[%add3A_1746, %add3A_1723] : memref<32x128xf32, #tpu.memory_space<vmem>>[vector<16xi32>, vector<16xi32>], vector<16xf32>,
      %gather3A_1753 = tpu.vector_load_idx %arg11[%add3A_1746, %add3A_1743] : memref<32x64xf32, #tpu.memory_space<vmem>>[vector<16xi32>, vector<16xi32>], vector<16xf32>,
      %select_n3A_1754 = arith.select %ge3A_1734, %gather3A_1753, %gather3A_1752 : vector<16xf32>
      tpu.vector_store_idx %arg12[%add3A_1746, %add3A_1732], %select_n3A_1754 : memref<32x512xf32, #tpu.memory_space<vmem>>[vector<16xi32>, vector<16xi32>], vector<16xf32>,
      %add3A_1755 = arith.constant 16 : i32
      %add3A_1756 = vector.broadcast %add3A_1755 : i32 to vector<16xi32>
      %add3A_1757 = arith.addi %add3A_1756, %iota3A : vector<16xi32>
      %gather3A_1758 = arith.constant 1 : i32
      %gather3A_1759 = arith.constant 0 : i32
      %gather3A_1760 = arith.constant 0 : i32
      %gather3A_1761 = tpu.memref_slice %arg10[%gather3A_1758, %gather3A_1759, %gather3A_1760] : memref<24x32x128xf32, #tpu.memory_space<vmem>> -> memref<1x32x128xf32, #tpu.memory_space<vmem>>
      %gather3A_1762 = tpu.memref_squeeze %gather3A_1761 : memref<1x32x128xf32, #tpu.memory_space<vmem>> -> memref<32x128xf32, #tpu.memory_space<vmem>>
      %gather3A_1763 = tpu.vector_load_idx %gather3A_1762[%add3A_1757, %add3A_1723] : memref<32x128xf32, #tpu.memory_space<vmem>>[vector<16xi32>, vector<16xi32>], vector<16xf32>,
      %gather3A_1764 = tpu.vector_load_idx %arg11[%add3A_1757, %add3A_1743] : memref<32x64xf32, #tpu.memory_space<vmem>>[vector<16xi32>, vector<16xi32>], vector<16xf32>,
      %select_n3A_1765 = arith.select %ge3A_1734, %gather3A_1764, %gather3A_1763 : vector<16xf32>
      tpu.vector_store_idx %arg12[%add3A_1757, %add3A_1732], %select_n3A_1765 : memref<32x512xf32, #tpu.memory_space<vmem>>[vector<16xi32>, vector<16xi32>], vector<16xf32>,
      %slice3A_1766 = vector.extract_strided_slice %get3A_1663 {offsets = [2], sizes = [1], strides = [1]} : vector<16xi32> to vector<1xi32>
      %squeeze3A_1767 = vector.extract %slice3A_1766[0] : i32 from vector<1xi32>
      %mul3A_1768 = arith.constant 0 : i32
      %mul3A_1769 = vector.broadcast %mul3A_1768 : i32 to vector<16xi32>
      %mul3A_1770 = arith.muli %iota3A, %mul3A_1769 : vector<16xi32>
      %and3A_1771 = arith.constant 127 : i32
      %and3A_1772 = arith.andi %squeeze3A_1767, %and3A_1771 : i32
      %add3A_1773 = vector.broadcast %and3A_1772 : i32 to vector<16xi32>
      %add3A_1774 = arith.addi %mul3A_1770, %add3A_1773 : vector<16xi32>
      %mul3A_1775 = arith.constant 0 : i32
      %mul3A_1776 = vector.broadcast %mul3A_1775 : i32 to vector<16xi32>
      %mul3A_1777 = arith.muli %iota3A, %mul3A_1776 : vector<16xi32>
      %mul3A_1778 = arith.constant 8 : i32
      %mul3A_1779 = arith.muli %add3A_1659, %mul3A_1778 : i32
      %add3A_1780 = arith.constant 2 : i32
      %add3A_1781 = arith.addi %mul3A_1779, %add3A_1780 : i32
      %add3A_1782 = vector.broadcast %add3A_1781 : i32 to vector<16xi32>
      %add3A_1783 = arith.addi %mul3A_1777, %add3A_1782 : vector<16xi32>
      %ge3A_1784 = arith.constant 999936 : i32
      %ge3A_1785 = arith.cmpi sge, %squeeze3A_1767, %ge3A_1784 : i32
      %mul3A_1786 = arith.constant 0 : i32
      %mul3A_1787 = vector.broadcast %mul3A_1786 : i32 to vector<16xi32>
      %mul3A_1788 = arith.muli %iota3A, %mul3A_1787 : vector<16xi32>
      %sub3A_1789 = arith.constant 999936 : i32
      %sub3A_1790 = arith.subi %squeeze3A_1767, %sub3A_1789 : i32
      %max3A_1791 = arith.constant 0 : i32
      %max3A_1792 = arith.maxsi %sub3A_1790, %max3A_1791 : i32
      %add3A_1793 = vector.broadcast %max3A_1792 : i32 to vector<16xi32>
      %add3A_1794 = arith.addi %mul3A_1788, %add3A_1793 : vector<16xi32>
      %add3A_1795 = arith.constant 0 : i32
      %add3A_1796 = vector.broadcast %add3A_1795 : i32 to vector<16xi32>
      %add3A_1797 = arith.addi %add3A_1796, %iota3A : vector<16xi32>
      %gather3A_1798 = arith.constant 2 : i32
      %gather3A_1799 = arith.constant 0 : i32
      %gather3A_1800 = arith.constant 0 : i32
      %gather3A_1801 = tpu.memref_slice %arg10[%gather3A_1798, %gather3A_1799, %gather3A_1800] : memref<24x32x128xf32, #tpu.memory_space<vmem>> -> memref<1x32x128xf32, #tpu.memory_space<vmem>>
      %gather3A_1802 = tpu.memref_squeeze %gather3A_1801 : memref<1x32x128xf32, #tpu.memory_space<vmem>> -> memref<32x128xf32, #tpu.memory_space<vmem>>
      %gather3A_1803 = tpu.vector_load_idx %gather3A_1802[%add3A_1797, %add3A_1774] : memref<32x128xf32, #tpu.memory_space<vmem>>[vector<16xi32>, vector<16xi32>], vector<16xf32>,
      %gather3A_1804 = tpu.vector_load_idx %arg11[%add3A_1797, %add3A_1794] : memref<32x64xf32, #tpu.memory_space<vmem>>[vector<16xi32>, vector<16xi32>], vector<16xf32>,
      %select_n3A_1805 = arith.select %ge3A_1785, %gather3A_1804, %gather3A_1803 : vector<16xf32>
      tpu.vector_store_idx %arg12[%add3A_1797, %add3A_1783], %select_n3A_1805 : memref<32x512xf32, #tpu.memory_space<vmem>>[vector<16xi32>, vector<16xi32>], vector<16xf32>,
      %add3A_1806 = arith.constant 16 : i32
      %add3A_1807 = vector.broadcast %add3A_1806 : i32 to vector<16xi32>
      %add3A_1808 = arith.addi %add3A_1807, %iota3A : vector<16xi32>
      %gather3A_1809 = arith.constant 2 : i32
      %gather3A_1810 = arith.constant 0 : i32
      %gather3A_1811 = arith.constant 0 : i32
      %gather3A_1812 = tpu.memref_slice %arg10[%gather3A_1809, %gather3A_1810, %gather3A_1811] : memref<24x32x128xf32, #tpu.memory_space<vmem>> -> memref<1x32x128xf32, #tpu.memory_space<vmem>>
      %gather3A_1813 = tpu.memref_squeeze %gather3A_1812 : memref<1x32x128xf32, #tpu.memory_space<vmem>> -> memref<32x128xf32, #tpu.memory_space<vmem>>
      %gather3A_1814 = tpu.vector_load_idx %gather3A_1813[%add3A_1808, %add3A_1774] : memref<32x128xf32, #tpu.memory_space<vmem>>[vector<16xi32>, vector<16xi32>], vector<16xf32>,
      %gather3A_1815 = tpu.vector_load_idx %arg11[%add3A_1808, %add3A_1794] : memref<32x64xf32, #tpu.memory_space<vmem>>[vector<16xi32>, vector<16xi32>], vector<16xf32>,
      %select_n3A_1816 = arith.select %ge3A_1785, %gather3A_1815, %gather3A_1814 : vector<16xf32>
      tpu.vector_store_idx %arg12[%add3A_1808, %add3A_1783], %select_n3A_1816 : memref<32x512xf32, #tpu.memory_space<vmem>>[vector<16xi32>, vector<16xi32>], vector<16xf32>,
      %slice3A_1817 = vector.extract_strided_slice %get3A_1663 {offsets = [3], sizes = [1], strides = [1]} : vector<16xi32> to vector<1xi32>
      %squeeze3A_1818 = vector.extract %slice3A_1817[0] : i32 from vector<1xi32>
      %mul3A_1819 = arith.constant 0 : i32
      %mul3A_1820 = vector.broadcast %mul3A_1819 : i32 to vector<16xi32>
      %mul3A_1821 = arith.muli %iota3A, %mul3A_1820 : vector<16xi32>
      %and3A_1822 = arith.constant 127 : i32
      %and3A_1823 = arith.andi %squeeze3A_1818, %and3A_1822 : i32
      %add3A_1824 = vector.broadcast %and3A_1823 : i32 to vector<16xi32>
      %add3A_1825 = arith.addi %mul3A_1821, %add3A_1824 : vector<16xi32>
      %mul3A_1826 = arith.constant 0 : i32
      %mul3A_1827 = vector.broadcast %mul3A_1826 : i32 to vector<16xi32>
      %mul3A_1828 = arith.muli %iota3A, %mul3A_1827 : vector<16xi32>
      %mul3A_1829 = arith.constant 8 : i32
      %mul3A_1830 = arith.muli %add3A_1659, %mul3A_1829 : i32
      %add3A_1831 = arith.constant 3 : i32
      %add3A_1832 = arith.addi %mul3A_1830, %add3A_1831 : i32
      %add3A_1833 = vector.broadcast %add3A_1832 : i32 to vector<16xi32>
      %add3A_1834 = arith.addi %mul3A_1828, %add3A_1833 : vector<16xi32>
      %ge3A_1835 = arith.constant 999936 : i32
      %ge3A_1836 = arith.cmpi sge, %squeeze3A_1818, %ge3A_1835 : i32
      %mul3A_1837 = arith.constant 0 : i32
      %mul3A_1838 = vector.broadcast %mul3A_1837 : i32 to vector<16xi32>
      %mul3A_1839 = arith.muli %iota3A, %mul3A_1838 : vector<16xi32>
      %sub3A_1840 = arith.constant 999936 : i32
      %sub3A_1841 = arith.subi %squeeze3A_1818, %sub3A_1840 : i32
      %max3A_1842 = arith.constant 0 : i32
      %max3A_1843 = arith.maxsi %sub3A_1841, %max3A_1842 : i32
      %add3A_1844 = vector.broadcast %max3A_1843 : i32 to vector<16xi32>
      %add3A_1845 = arith.addi %mul3A_1839, %add3A_1844 : vector<16xi32>
      %add3A_1846 = arith.constant 0 : i32
      %add3A_1847 = vector.broadcast %add3A_1846 : i32 to vector<16xi32>
      %add3A_1848 = arith.addi %add3A_1847, %iota3A : vector<16xi32>
      %gather3A_1849 = arith.constant 3 : i32
      %gather3A_1850 = arith.constant 0 : i32
      %gather3A_1851 = arith.constant 0 : i32
      %gather3A_1852 = tpu.memref_slice %arg10[%gather3A_1849, %gather3A_1850, %gather3A_1851] : memref<24x32x128xf32, #tpu.memory_space<vmem>> -> memref<1x32x128xf32, #tpu.memory_space<vmem>>
      %gather3A_1853 = tpu.memref_squeeze %gather3A_1852 : memref<1x32x128xf32, #tpu.memory_space<vmem>> -> memref<32x128xf32, #tpu.memory_space<vmem>>
      %gather3A_1854 = tpu.vector_load_idx %gather3A_1853[%add3A_1848, %add3A_1825] : memref<32x128xf32, #tpu.memory_space<vmem>>[vector<16xi32>, vector<16xi32>], vector<16xf32>,
      %gather3A_1855 = tpu.vector_load_idx %arg11[%add3A_1848, %add3A_1845] : memref<32x64xf32, #tpu.memory_space<vmem>>[vector<16xi32>, vector<16xi32>], vector<16xf32>,
      %select_n3A_1856 = arith.select %ge3A_1836, %gather3A_1855, %gather3A_1854 : vector<16xf32>
      tpu.vector_store_idx %arg12[%add3A_1848, %add3A_1834], %select_n3A_1856 : memref<32x512xf32, #tpu.memory_space<vmem>>[vector<16xi32>, vector<16xi32>], vector<16xf32>,
      %add3A_1857 = arith.constant 16 : i32
      %add3A_1858 = vector.broadcast %add3A_1857 : i32 to vector<16xi32>
      %add3A_1859 = arith.addi %add3A_1858, %iota3A : vector<16xi32>
      %gather3A_1860 = arith.constant 3 : i32
      %gather3A_1861 = arith.constant 0 : i32
      %gather3A_1862 = arith.constant 0 : i32
      %gather3A_1863 = tpu.memref_slice %arg10[%gather3A_1860, %gather3A_1861, %gather3A_1862] : memref<24x32x128xf32, #tpu.memory_space<vmem>> -> memref<1x32x128xf32, #tpu.memory_space<vmem>>
      %gather3A_1864 = tpu.memref_squeeze %gather3A_1863 : memref<1x32x128xf32, #tpu.memory_space<vmem>> -> memref<32x128xf32, #tpu.memory_space<vmem>>
      %gather3A_1865 = tpu.vector_load_idx %gather3A_1864[%add3A_1859, %add3A_1825] : memref<32x128xf32, #tpu.memory_space<vmem>>[vector<16xi32>, vector<16xi32>], vector<16xf32>,
      %gather3A_1866 = tpu.vector_load_idx %arg11[%add3A_1859, %add3A_1845] : memref<32x64xf32, #tpu.memory_space<vmem>>[vector<16xi32>, vector<16xi32>], vector<16xf32>,
      %select_n3A_1867 = arith.select %ge3A_1836, %gather3A_1866, %gather3A_1865 : vector<16xf32>
      tpu.vector_store_idx %arg12[%add3A_1859, %add3A_1834], %select_n3A_1867 : memref<32x512xf32, #tpu.memory_space<vmem>>[vector<16xi32>, vector<16xi32>], vector<16xf32>,
      %slice3A_1868 = vector.extract_strided_slice %get3A_1663 {offsets = [4], sizes = [1], strides = [1]} : vector<16xi32> to vector<1xi32>
      %squeeze3A_1869 = vector.extract %slice3A_1868[0] : i32 from vector<1xi32>
      %mul3A_1870 = arith.constant 0 : i32
      %mul3A_1871 = vector.broadcast %mul3A_1870 : i32 to vector<16xi32>
      %mul3A_1872 = arith.muli %iota3A, %mul3A_1871 : vector<16xi32>
      %and3A_1873 = arith.constant 127 : i32
      %and3A_1874 = arith.andi %squeeze3A_1869, %and3A_1873 : i32
      %add3A_1875 = vector.broadcast %and3A_1874 : i32 to vector<16xi32>
      %add3A_1876 = arith.addi %mul3A_1872, %add3A_1875 : vector<16xi32>
      %mul3A_1877 = arith.constant 0 : i32
      %mul3A_1878 = vector.broadcast %mul3A_1877 : i32 to vector<16xi32>
      %mul3A_1879 = arith.muli %iota3A, %mul3A_1878 : vector<16xi32>
      %mul3A_1880 = arith.constant 8 : i32
      %mul3A_1881 = arith.muli %add3A_1659, %mul3A_1880 : i32
      %add3A_1882 = arith.constant 4 : i32
      %add3A_1883 = arith.addi %mul3A_1881, %add3A_1882 : i32
      %add3A_1884 = vector.broadcast %add3A_1883 : i32 to vector<16xi32>
      %add3A_1885 = arith.addi %mul3A_1879, %add3A_1884 : vector<16xi32>
      %ge3A_1886 = arith.constant 999936 : i32
      %ge3A_1887 = arith.cmpi sge, %squeeze3A_1869, %ge3A_1886 : i32
      %mul3A_1888 = arith.constant 0 : i32
      %mul3A_1889 = vector.broadcast %mul3A_1888 : i32 to vector<16xi32>
      %mul3A_1890 = arith.muli %iota3A, %mul3A_1889 : vector<16xi32>
      %sub3A_1891 = arith.constant 999936 : i32
      %sub3A_1892 = arith.subi %squeeze3A_1869, %sub3A_1891 : i32
      %max3A_1893 = arith.constant 0 : i32
      %max3A_1894 = arith.maxsi %sub3A_1892, %max3A_1893 : i32
      %add3A_1895 = vector.broadcast %max3A_1894 : i32 to vector<16xi32>
      %add3A_1896 = arith.addi %mul3A_1890, %add3A_1895 : vector<16xi32>
      %add3A_1897 = arith.constant 0 : i32
      %add3A_1898 = vector.broadcast %add3A_1897 : i32 to vector<16xi32>
      %add3A_1899 = arith.addi %add3A_1898, %iota3A : vector<16xi32>
      %gather3A_1900 = arith.constant 4 : i32
      %gather3A_1901 = arith.constant 0 : i32
      %gather3A_1902 = arith.constant 0 : i32
      %gather3A_1903 = tpu.memref_slice %arg10[%gather3A_1900, %gather3A_1901, %gather3A_1902] : memref<24x32x128xf32, #tpu.memory_space<vmem>> -> memref<1x32x128xf32, #tpu.memory_space<vmem>>
      %gather3A_1904 = tpu.memref_squeeze %gather3A_1903 : memref<1x32x128xf32, #tpu.memory_space<vmem>> -> memref<32x128xf32, #tpu.memory_space<vmem>>
      %gather3A_1905 = tpu.vector_load_idx %gather3A_1904[%add3A_1899, %add3A_1876] : memref<32x128xf32, #tpu.memory_space<vmem>>[vector<16xi32>, vector<16xi32>], vector<16xf32>,
      %gather3A_1906 = tpu.vector_load_idx %arg11[%add3A_1899, %add3A_1896] : memref<32x64xf32, #tpu.memory_space<vmem>>[vector<16xi32>, vector<16xi32>], vector<16xf32>,
      %select_n3A_1907 = arith.select %ge3A_1887, %gather3A_1906, %gather3A_1905 : vector<16xf32>
      tpu.vector_store_idx %arg12[%add3A_1899, %add3A_1885], %select_n3A_1907 : memref<32x512xf32, #tpu.memory_space<vmem>>[vector<16xi32>, vector<16xi32>], vector<16xf32>,
      %add3A_1908 = arith.constant 16 : i32
      %add3A_1909 = vector.broadcast %add3A_1908 : i32 to vector<16xi32>
      %add3A_1910 = arith.addi %add3A_1909, %iota3A : vector<16xi32>
      %gather3A_1911 = arith.constant 4 : i32
      %gather3A_1912 = arith.constant 0 : i32
      %gather3A_1913 = arith.constant 0 : i32
      %gather3A_1914 = tpu.memref_slice %arg10[%gather3A_1911, %gather3A_1912, %gather3A_1913] : memref<24x32x128xf32, #tpu.memory_space<vmem>> -> memref<1x32x128xf32, #tpu.memory_space<vmem>>
      %gather3A_1915 = tpu.memref_squeeze %gather3A_1914 : memref<1x32x128xf32, #tpu.memory_space<vmem>> -> memref<32x128xf32, #tpu.memory_space<vmem>>
      %gather3A_1916 = tpu.vector_load_idx %gather3A_1915[%add3A_1910, %add3A_1876] : memref<32x128xf32, #tpu.memory_space<vmem>>[vector<16xi32>, vector<16xi32>], vector<16xf32>,
      %gather3A_1917 = tpu.vector_load_idx %arg11[%add3A_1910, %add3A_1896] : memref<32x64xf32, #tpu.memory_space<vmem>>[vector<16xi32>, vector<16xi32>], vector<16xf32>,
      %select_n3A_1918 = arith.select %ge3A_1887, %gather3A_1917, %gather3A_1916 : vector<16xf32>
      tpu.vector_store_idx %arg12[%add3A_1910, %add3A_1885], %select_n3A_1918 : memref<32x512xf32, #tpu.memory_space<vmem>>[vector<16xi32>, vector<16xi32>], vector<16xf32>,
      %slice3A_1919 = vector.extract_strided_slice %get3A_1663 {offsets = [5], sizes = [1], strides = [1]} : vector<16xi32> to vector<1xi32>
      %squeeze3A_1920 = vector.extract %slice3A_1919[0] : i32 from vector<1xi32>
      %mul3A_1921 = arith.constant 0 : i32
      %mul3A_1922 = vector.broadcast %mul3A_1921 : i32 to vector<16xi32>
      %mul3A_1923 = arith.muli %iota3A, %mul3A_1922 : vector<16xi32>
      %and3A_1924 = arith.constant 127 : i32
      %and3A_1925 = arith.andi %squeeze3A_1920, %and3A_1924 : i32
      %add3A_1926 = vector.broadcast %and3A_1925 : i32 to vector<16xi32>
      %add3A_1927 = arith.addi %mul3A_1923, %add3A_1926 : vector<16xi32>
      %mul3A_1928 = arith.constant 0 : i32
      %mul3A_1929 = vector.broadcast %mul3A_1928 : i32 to vector<16xi32>
      %mul3A_1930 = arith.muli %iota3A, %mul3A_1929 : vector<16xi32>
      %mul3A_1931 = arith.constant 8 : i32
      %mul3A_1932 = arith.muli %add3A_1659, %mul3A_1931 : i32
      %add3A_1933 = arith.constant 5 : i32
      %add3A_1934 = arith.addi %mul3A_1932, %add3A_1933 : i32
      %add3A_1935 = vector.broadcast %add3A_1934 : i32 to vector<16xi32>
      %add3A_1936 = arith.addi %mul3A_1930, %add3A_1935 : vector<16xi32>
      %ge3A_1937 = arith.constant 999936 : i32
      %ge3A_1938 = arith.cmpi sge, %squeeze3A_1920, %ge3A_1937 : i32
      %mul3A_1939 = arith.constant 0 : i32
      %mul3A_1940 = vector.broadcast %mul3A_1939 : i32 to vector<16xi32>
      %mul3A_1941 = arith.muli %iota3A, %mul3A_1940 : vector<16xi32>
      %sub3A_1942 = arith.constant 999936 : i32
      %sub3A_1943 = arith.subi %squeeze3A_1920, %sub3A_1942 : i32
      %max3A_1944 = arith.constant 0 : i32
      %max3A_1945 = arith.maxsi %sub3A_1943, %max3A_1944 : i32
      %add3A_1946 = vector.broadcast %max3A_1945 : i32 to vector<16xi32>
      %add3A_1947 = arith.addi %mul3A_1941, %add3A_1946 : vector<16xi32>
      %add3A_1948 = arith.constant 0 : i32
      %add3A_1949 = vector.broadcast %add3A_1948 : i32 to vector<16xi32>
      %add3A_1950 = arith.addi %add3A_1949, %iota3A : vector<16xi32>
      %gather3A_1951 = arith.constant 5 : i32
      %gather3A_1952 = arith.constant 0 : i32
      %gather3A_1953 = arith.constant 0 : i32
      %gather3A_1954 = tpu.memref_slice %arg10[%gather3A_1951, %gather3A_1952, %gather3A_1953] : memref<24x32x128xf32, #tpu.memory_space<vmem>> -> memref<1x32x128xf32, #tpu.memory_space<vmem>>
      %gather3A_1955 = tpu.memref_squeeze %gather3A_1954 : memref<1x32x128xf32, #tpu.memory_space<vmem>> -> memref<32x128xf32, #tpu.memory_space<vmem>>
      %gather3A_1956 = tpu.vector_load_idx %gather3A_1955[%add3A_1950, %add3A_1927] : memref<32x128xf32, #tpu.memory_space<vmem>>[vector<16xi32>, vector<16xi32>], vector<16xf32>,
      %gather3A_1957 = tpu.vector_load_idx %arg11[%add3A_1950, %add3A_1947] : memref<32x64xf32, #tpu.memory_space<vmem>>[vector<16xi32>, vector<16xi32>], vector<16xf32>,
      %select_n3A_1958 = arith.select %ge3A_1938, %gather3A_1957, %gather3A_1956 : vector<16xf32>
      tpu.vector_store_idx %arg12[%add3A_1950, %add3A_1936], %select_n3A_1958 : memref<32x512xf32, #tpu.memory_space<vmem>>[vector<16xi32>, vector<16xi32>], vector<16xf32>,
      %add3A_1959 = arith.constant 16 : i32
      %add3A_1960 = vector.broadcast %add3A_1959 : i32 to vector<16xi32>
      %add3A_1961 = arith.addi %add3A_1960, %iota3A : vector<16xi32>
      %gather3A_1962 = arith.constant 5 : i32
      %gather3A_1963 = arith.constant 0 : i32
      %gather3A_1964 = arith.constant 0 : i32
      %gather3A_1965 = tpu.memref_slice %arg10[%gather3A_1962, %gather3A_1963, %gather3A_1964] : memref<24x32x128xf32, #tpu.memory_space<vmem>> -> memref<1x32x128xf32, #tpu.memory_space<vmem>>
      %gather3A_1966 = tpu.memref_squeeze %gather3A_1965 : memref<1x32x128xf32, #tpu.memory_space<vmem>> -> memref<32x128xf32, #tpu.memory_space<vmem>>
      %gather3A_1967 = tpu.vector_load_idx %gather3A_1966[%add3A_1961, %add3A_1927] : memref<32x128xf32, #tpu.memory_space<vmem>>[vector<16xi32>, vector<16xi32>], vector<16xf32>,
      %gather3A_1968 = tpu.vector_load_idx %arg11[%add3A_1961, %add3A_1947] : memref<32x64xf32, #tpu.memory_space<vmem>>[vector<16xi32>, vector<16xi32>], vector<16xf32>,
      %select_n3A_1969 = arith.select %ge3A_1938, %gather3A_1968, %gather3A_1967 : vector<16xf32>
      tpu.vector_store_idx %arg12[%add3A_1961, %add3A_1936], %select_n3A_1969 : memref<32x512xf32, #tpu.memory_space<vmem>>[vector<16xi32>, vector<16xi32>], vector<16xf32>,
      %slice3A_1970 = vector.extract_strided_slice %get3A_1663 {offsets = [6], sizes = [1], strides = [1]} : vector<16xi32> to vector<1xi32>
      %squeeze3A_1971 = vector.extract %slice3A_1970[0] : i32 from vector<1xi32>
      %mul3A_1972 = arith.constant 0 : i32
      %mul3A_1973 = vector.broadcast %mul3A_1972 : i32 to vector<16xi32>
      %mul3A_1974 = arith.muli %iota3A, %mul3A_1973 : vector<16xi32>
      %and3A_1975 = arith.constant 127 : i32
      %and3A_1976 = arith.andi %squeeze3A_1971, %and3A_1975 : i32
      %add3A_1977 = vector.broadcast %and3A_1976 : i32 to vector<16xi32>
      %add3A_1978 = arith.addi %mul3A_1974, %add3A_1977 : vector<16xi32>
      %mul3A_1979 = arith.constant 0 : i32
      %mul3A_1980 = vector.broadcast %mul3A_1979 : i32 to vector<16xi32>
      %mul3A_1981 = arith.muli %iota3A, %mul3A_1980 : vector<16xi32>
      %mul3A_1982 = arith.constant 8 : i32
      %mul3A_1983 = arith.muli %add3A_1659, %mul3A_1982 : i32
      %add3A_1984 = arith.constant 6 : i32
      %add3A_1985 = arith.addi %mul3A_1983, %add3A_1984 : i32
      %add3A_1986 = vector.broadcast %add3A_1985 : i32 to vector<16xi32>
      %add3A_1987 = arith.addi %mul3A_1981, %add3A_1986 : vector<16xi32>
      %ge3A_1988 = arith.constant 999936 : i32
      %ge3A_1989 = arith.cmpi sge, %squeeze3A_1971, %ge3A_1988 : i32
      %mul3A_1990 = arith.constant 0 : i32
      %mul3A_1991 = vector.broadcast %mul3A_1990 : i32 to vector<16xi32>
      %mul3A_1992 = arith.muli %iota3A, %mul3A_1991 : vector<16xi32>
      %sub3A_1993 = arith.constant 999936 : i32
      %sub3A_1994 = arith.subi %squeeze3A_1971, %sub3A_1993 : i32
      %max3A_1995 = arith.constant 0 : i32
      %max3A_1996 = arith.maxsi %sub3A_1994, %max3A_1995 : i32
      %add3A_1997 = vector.broadcast %max3A_1996 : i32 to vector<16xi32>
      %add3A_1998 = arith.addi %mul3A_1992, %add3A_1997 : vector<16xi32>
      %add3A_1999 = arith.constant 0 : i32
      %add3A_2000 = vector.broadcast %add3A_1999 : i32 to vector<16xi32>
      %add3A_2001 = arith.addi %add3A_2000, %iota3A : vector<16xi32>
      %gather3A_2002 = arith.constant 6 : i32
      %gather3A_2003 = arith.constant 0 : i32
      %gather3A_2004 = arith.constant 0 : i32
      %gather3A_2005 = tpu.memref_slice %arg10[%gather3A_2002, %gather3A_2003, %gather3A_2004] : memref<24x32x128xf32, #tpu.memory_space<vmem>> -> memref<1x32x128xf32, #tpu.memory_space<vmem>>
      %gather3A_2006 = tpu.memref_squeeze %gather3A_2005 : memref<1x32x128xf32, #tpu.memory_space<vmem>> -> memref<32x128xf32, #tpu.memory_space<vmem>>
      %gather3A_2007 = tpu.vector_load_idx %gather3A_2006[%add3A_2001, %add3A_1978] : memref<32x128xf32, #tpu.memory_space<vmem>>[vector<16xi32>, vector<16xi32>], vector<16xf32>,
      %gather3A_2008 = tpu.vector_load_idx %arg11[%add3A_2001, %add3A_1998] : memref<32x64xf32, #tpu.memory_space<vmem>>[vector<16xi32>, vector<16xi32>], vector<16xf32>,
      %select_n3A_2009 = arith.select %ge3A_1989, %gather3A_2008, %gather3A_2007 : vector<16xf32>
      tpu.vector_store_idx %arg12[%add3A_2001, %add3A_1987], %select_n3A_2009 : memref<32x512xf32, #tpu.memory_space<vmem>>[vector<16xi32>, vector<16xi32>], vector<16xf32>,
      %add3A_2010 = arith.constant 16 : i32
      %add3A_2011 = vector.broadcast %add3A_2010 : i32 to vector<16xi32>
      %add3A_2012 = arith.addi %add3A_2011, %iota3A : vector<16xi32>
      %gather3A_2013 = arith.constant 6 : i32
      %gather3A_2014 = arith.constant 0 : i32
      %gather3A_2015 = arith.constant 0 : i32
      %gather3A_2016 = tpu.memref_slice %arg10[%gather3A_2013, %gather3A_2014, %gather3A_2015] : memref<24x32x128xf32, #tpu.memory_space<vmem>> -> memref<1x32x128xf32, #tpu.memory_space<vmem>>
      %gather3A_2017 = tpu.memref_squeeze %gather3A_2016 : memref<1x32x128xf32, #tpu.memory_space<vmem>> -> memref<32x128xf32, #tpu.memory_space<vmem>>
      %gather3A_2018 = tpu.vector_load_idx %gather3A_2017[%add3A_2012, %add3A_1978] : memref<32x128xf32, #tpu.memory_space<vmem>>[vector<16xi32>, vector<16xi32>], vector<16xf32>,
      %gather3A_2019 = tpu.vector_load_idx %arg11[%add3A_2012, %add3A_1998] : memref<32x64xf32, #tpu.memory_space<vmem>>[vector<16xi32>, vector<16xi32>], vector<16xf32>,
      %select_n3A_2020 = arith.select %ge3A_1989, %gather3A_2019, %gather3A_2018 : vector<16xf32>
      tpu.vector_store_idx %arg12[%add3A_2012, %add3A_1987], %select_n3A_2020 : memref<32x512xf32, #tpu.memory_space<vmem>>[vector<16xi32>, vector<16xi32>], vector<16xf32>,
      %slice3A_2021 = vector.extract_strided_slice %get3A_1663 {offsets = [7], sizes = [1], strides = [1]} : vector<16xi32> to vector<1xi32>
      %squeeze3A_2022 = vector.extract %slice3A_2021[0] : i32 from vector<1xi32>
      %mul3A_2023 = arith.constant 0 : i32
      %mul3A_2024 = vector.broadcast %mul3A_2023 : i32 to vector<16xi32>
      %mul3A_2025 = arith.muli %iota3A, %mul3A_2024 : vector<16xi32>
      %and3A_2026 = arith.constant 127 : i32
      %and3A_2027 = arith.andi %squeeze3A_2022, %and3A_2026 : i32
      %add3A_2028 = vector.broadcast %and3A_2027 : i32 to vector<16xi32>
      %add3A_2029 = arith.addi %mul3A_2025, %add3A_2028 : vector<16xi32>
      %mul3A_2030 = arith.constant 0 : i32
      %mul3A_2031 = vector.broadcast %mul3A_2030 : i32 to vector<16xi32>
      %mul3A_2032 = arith.muli %iota3A, %mul3A_2031 : vector<16xi32>
      %mul3A_2033 = arith.constant 8 : i32
      %mul3A_2034 = arith.muli %add3A_1659, %mul3A_2033 : i32
      %add3A_2035 = arith.constant 7 : i32
      %add3A_2036 = arith.addi %mul3A_2034, %add3A_2035 : i32
      %add3A_2037 = vector.broadcast %add3A_2036 : i32 to vector<16xi32>
      %add3A_2038 = arith.addi %mul3A_2032, %add3A_2037 : vector<16xi32>
      %ge3A_2039 = arith.constant 999936 : i32
      %ge3A_2040 = arith.cmpi sge, %squeeze3A_2022, %ge3A_2039 : i32
      %mul3A_2041 = arith.constant 0 : i32
      %mul3A_2042 = vector.broadcast %mul3A_2041 : i32 to vector<16xi32>
      %mul3A_2043 = arith.muli %iota3A, %mul3A_2042 : vector<16xi32>
      %sub3A_2044 = arith.constant 999936 : i32
      %sub3A_2045 = arith.subi %squeeze3A_2022, %sub3A_2044 : i32
      %max3A_2046 = arith.constant 0 : i32
      %max3A_2047 = arith.maxsi %sub3A_2045, %max3A_2046 : i32
      %add3A_2048 = vector.broadcast %max3A_2047 : i32 to vector<16xi32>
      %add3A_2049 = arith.addi %mul3A_2043, %add3A_2048 : vector<16xi32>
      %add3A_2050 = arith.constant 0 : i32
      %add3A_2051 = vector.broadcast %add3A_2050 : i32 to vector<16xi32>
      %add3A_2052 = arith.addi %add3A_2051, %iota3A : vector<16xi32>
      %gather3A_2053 = arith.constant 7 : i32
      %gather3A_2054 = arith.constant 0 : i32
      %gather3A_2055 = arith.constant 0 : i32
      %gather3A_2056 = tpu.memref_slice %arg10[%gather3A_2053, %gather3A_2054, %gather3A_2055] : memref<24x32x128xf32, #tpu.memory_space<vmem>> -> memref<1x32x128xf32, #tpu.memory_space<vmem>>
      %gather3A_2057 = tpu.memref_squeeze %gather3A_2056 : memref<1x32x128xf32, #tpu.memory_space<vmem>> -> memref<32x128xf32, #tpu.memory_space<vmem>>
      %gather3A_2058 = tpu.vector_load_idx %gather3A_2057[%add3A_2052, %add3A_2029] : memref<32x128xf32, #tpu.memory_space<vmem>>[vector<16xi32>, vector<16xi32>], vector<16xf32>,
      %gather3A_2059 = tpu.vector_load_idx %arg11[%add3A_2052, %add3A_2049] : memref<32x64xf32, #tpu.memory_space<vmem>>[vector<16xi32>, vector<16xi32>], vector<16xf32>,
      %select_n3A_2060 = arith.select %ge3A_2040, %gather3A_2059, %gather3A_2058 : vector<16xf32>
      tpu.vector_store_idx %arg12[%add3A_2052, %add3A_2038], %select_n3A_2060 : memref<32x512xf32, #tpu.memory_space<vmem>>[vector<16xi32>, vector<16xi32>], vector<16xf32>,
      %add3A_2061 = arith.constant 16 : i32
      %add3A_2062 = vector.broadcast %add3A_2061 : i32 to vector<16xi32>
      %add3A_2063 = arith.addi %add3A_2062, %iota3A : vector<16xi32>
      %gather3A_2064 = arith.constant 7 : i32
      %gather3A_2065 = arith.constant 0 : i32
      %gather3A_2066 = arith.constant 0 : i32
      %gather3A_2067 = tpu.memref_slice %arg10[%gather3A_2064, %gather3A_2065, %gather3A_2066] : memref<24x32x128xf32, #tpu.memory_space<vmem>> -> memref<1x32x128xf32, #tpu.memory_space<vmem>>
      %gather3A_2068 = tpu.memref_squeeze %gather3A_2067 : memref<1x32x128xf32, #tpu.memory_space<vmem>> -> memref<32x128xf32, #tpu.memory_space<vmem>>
      %gather3A_2069 = tpu.vector_load_idx %gather3A_2068[%add3A_2063, %add3A_2029] : memref<32x128xf32, #tpu.memory_space<vmem>>[vector<16xi32>, vector<16xi32>], vector<16xf32>,
      %gather3A_2070 = tpu.vector_load_idx %arg11[%add3A_2063, %add3A_2049] : memref<32x64xf32, #tpu.memory_space<vmem>>[vector<16xi32>, vector<16xi32>], vector<16xf32>,
      %select_n3A_2071 = arith.select %ge3A_2040, %gather3A_2070, %gather3A_2069 : vector<16xf32>
      tpu.vector_store_idx %arg12[%add3A_2063, %add3A_2038], %select_n3A_2071 : memref<32x512xf32, #tpu.memory_space<vmem>>[vector<16xi32>, vector<16xi32>], vector<16xf32>,
      %add3A_2072 = arith.constant 0 : i32
      %add3A_2073 = arith.addi %mul3A_1537, %add3A_2072 : i32
      %add3A_2074 = arith.constant 3 : i32
      %add3A_2075 = arith.addi %add3A_2073, %add3A_2074 : i32
      %lt3A = arith.constant 64 : i32
      %lt3A_2076 = arith.cmpi slt, %add3A_2075, %lt3A : i32
      %convert_element_type3A = arith.extui %lt3A_2076 : i1 to i32
      %cond3A = arith.constant 0 : i32
      %cond3A_2077 = arith.cmpi ne, %convert_element_type3A, %cond3A : i32
      scf.if %cond3A_2077 {
        %add3A_3165 = arith.constant 0 : i32
        %add3A_3166 = arith.addi %mul3A_1537, %add3A_3165 : i32
        %add3A_3167 = arith.constant 3 : i32
        %add3A_3168 = arith.addi %add3A_3166, %add3A_3167 : i32
        %mul3A_3169 = arith.constant 8 : i32
        %mul3A_3170 = arith.muli %add3A_3168, %mul3A_3169 : i32
        %get3A_3171 = arith.index_cast %mul3A_3170 : i32 to index
        %get3A_3172 = tpu.vector_load %arg9[%get3A_3171] {strides = array<i32>} : memref<544xi32, #tpu.memory_space<vmem>>, vector<16xi32>,
        %slice3A_3173 = vector.extract_strided_slice %get3A_3172 {offsets = [0], sizes = [1], strides = [1]} : vector<16xi32> to vector<1xi32>
        %squeeze3A_3174 = vector.extract %slice3A_3173[0] : i32 from vector<1xi32>
        %mul3A_3175 = arith.constant 128 : i32
        %mul3A_3176 = arith.muli %squeeze3A_3174, %mul3A_3175 : i32
        %multiple_of3A_3177 = tpu.assume_multiple %mul3A_3176, 128 : i32
        %dma_start3A_3178 = arith.constant 0 : i32
        %dma_start3A_3179 = arith.constant 0 : i32
        %dma_start3A_3180 = arith.constant 0 : i32
        %dma_start3A_3181 = tpu.memref_slice %arg10[%dma_start3A_3178, %dma_start3A_3179, %dma_start3A_3180] : memref<24x32x128xf32, #tpu.memory_space<vmem>> -> memref<1x32x128xf32, #tpu.memory_space<vmem>>
        %dma_start3A_3182 = tpu.memref_squeeze %dma_start3A_3181 : memref<1x32x128xf32, #tpu.memory_space<vmem>> -> memref<32x128xf32, #tpu.memory_space<vmem>>
        %dma_start3A_3183 = arith.constant 0 : i32
        %dma_start3A_3184 = tpu.memref_slice %arg4[%dma_start3A_3183, %multiple_of3A_3177] : memref<32x1000000xf32, #tpu.memory_space<hbm>> -> memref<32x128xf32, #tpu.memory_space<hbm>>
        %dma_start3A_3185 = arith.constant 0 : i32
        %dma_start3A_3186 = arith.constant 0 : i32
        %dma_start3A_3187 = tpu.memref_slice %arg10[%dma_start3A_3178, %dma_start3A_3185, %dma_start3A_3186] : memref<24x32x128xf32, #tpu.memory_space<vmem>> -> memref<1x32x128xf32, #tpu.memory_space<vmem>>
        %dma_start3A_3188 = tpu.memref_squeeze %dma_start3A_3187 : memref<1x32x128xf32, #tpu.memory_space<vmem>> -> memref<32x128xf32, #tpu.memory_space<vmem>>
        %dma_start3A_3189 = arith.constant 0 : i32
        %dma_start3A_3190 = tpu.memref_slice %arg4[%dma_start3A_3189, %multiple_of3A_3177] : memref<32x1000000xf32, #tpu.memory_space<hbm>> -> memref<32x128xf32, #tpu.memory_space<hbm>>
        tpu.enqueue_dma source(%dma_start3A_3190 : memref<32x128xf32, #tpu.memory_space<hbm>>) target(%dma_start3A_3188 : memref<32x128xf32, #tpu.memory_space<vmem>>) target_semaphore(%arg13 : memref<!tpu.dma_semaphore, #tpu.memory_space<semaphore_mem>>)
        %slice3A_3191 = vector.extract_strided_slice %get3A_3172 {offsets = [1], sizes = [1], strides = [1]} : vector<16xi32> to vector<1xi32>
        %squeeze3A_3192 = vector.extract %slice3A_3191[0] : i32 from vector<1xi32>
        %mul3A_3193 = arith.constant 128 : i32
        %mul3A_3194 = arith.muli %squeeze3A_3192, %mul3A_3193 : i32
        %multiple_of3A_3195 = tpu.assume_multiple %mul3A_3194, 128 : i32
        %dma_start3A_3196 = arith.constant 1 : i32
        %dma_start3A_3197 = arith.constant 0 : i32
        %dma_start3A_3198 = arith.constant 0 : i32
        %dma_start3A_3199 = tpu.memref_slice %arg10[%dma_start3A_3196, %dma_start3A_3197, %dma_start3A_3198] : memref<24x32x128xf32, #tpu.memory_space<vmem>> -> memref<1x32x128xf32, #tpu.memory_space<vmem>>
        %dma_start3A_3200 = tpu.memref_squeeze %dma_start3A_3199 : memref<1x32x128xf32, #tpu.memory_space<vmem>> -> memref<32x128xf32, #tpu.memory_space<vmem>>
        %dma_start3A_3201 = arith.constant 0 : i32
        %dma_start3A_3202 = tpu.memref_slice %arg4[%dma_start3A_3201, %multiple_of3A_3195] : memref<32x1000000xf32, #tpu.memory_space<hbm>> -> memref<32x128xf32, #tpu.memory_space<hbm>>
        %dma_start3A_3203 = arith.constant 0 : i32
        %dma_start3A_3204 = arith.constant 0 : i32
        %dma_start3A_3205 = tpu.memref_slice %arg10[%dma_start3A_3196, %dma_start3A_3203, %dma_start3A_3204] : memref<24x32x128xf32, #tpu.memory_space<vmem>> -> memref<1x32x128xf32, #tpu.memory_space<vmem>>
        %dma_start3A_3206 = tpu.memref_squeeze %dma_start3A_3205 : memref<1x32x128xf32, #tpu.memory_space<vmem>> -> memref<32x128xf32, #tpu.memory_space<vmem>>
        %dma_start3A_3207 = arith.constant 0 : i32
        %dma_start3A_3208 = tpu.memref_slice %arg4[%dma_start3A_3207, %multiple_of3A_3195] : memref<32x1000000xf32, #tpu.memory_space<hbm>> -> memref<32x128xf32, #tpu.memory_space<hbm>>
        tpu.enqueue_dma source(%dma_start3A_3208 : memref<32x128xf32, #tpu.memory_space<hbm>>) target(%dma_start3A_3206 : memref<32x128xf32, #tpu.memory_space<vmem>>) target_semaphore(%arg13 : memref<!tpu.dma_semaphore, #tpu.memory_space<semaphore_mem>>)
        %slice3A_3209 = vector.extract_strided_slice %get3A_3172 {offsets = [2], sizes = [1], strides = [1]} : vector<16xi32> to vector<1xi32>
        %squeeze3A_3210 = vector.extract %slice3A_3209[0] : i32 from vector<1xi32>
        %mul3A_3211 = arith.constant 128 : i32
        %mul3A_3212 = arith.muli %squeeze3A_3210, %mul3A_3211 : i32
        %multiple_of3A_3213 = tpu.assume_multiple %mul3A_3212, 128 : i32
        %dma_start3A_3214 = arith.constant 2 : i32
        %dma_start3A_3215 = arith.constant 0 : i32
        %dma_start3A_3216 = arith.constant 0 : i32
        %dma_start3A_3217 = tpu.memref_slice %arg10[%dma_start3A_3214, %dma_start3A_3215, %dma_start3A_3216] : memref<24x32x128xf32, #tpu.memory_space<vmem>> -> memref<1x32x128xf32, #tpu.memory_space<vmem>>
        %dma_start3A_3218 = tpu.memref_squeeze %dma_start3A_3217 : memref<1x32x128xf32, #tpu.memory_space<vmem>> -> memref<32x128xf32, #tpu.memory_space<vmem>>
        %dma_start3A_3219 = arith.constant 0 : i32
        %dma_start3A_3220 = tpu.memref_slice %arg4[%dma_start3A_3219, %multiple_of3A_3213] : memref<32x1000000xf32, #tpu.memory_space<hbm>> -> memref<32x128xf32, #tpu.memory_space<hbm>>
        %dma_start3A_3221 = arith.constant 0 : i32
        %dma_start3A_3222 = arith.constant 0 : i32
        %dma_start3A_3223 = tpu.memref_slice %arg10[%dma_start3A_3214, %dma_start3A_3221, %dma_start3A_3222] : memref<24x32x128xf32, #tpu.memory_space<vmem>> -> memref<1x32x128xf32, #tpu.memory_space<vmem>>
        %dma_start3A_3224 = tpu.memref_squeeze %dma_start3A_3223 : memref<1x32x128xf32, #tpu.memory_space<vmem>> -> memref<32x128xf32, #tpu.memory_space<vmem>>
        %dma_start3A_3225 = arith.constant 0 : i32
        %dma_start3A_3226 = tpu.memref_slice %arg4[%dma_start3A_3225, %multiple_of3A_3213] : memref<32x1000000xf32, #tpu.memory_space<hbm>> -> memref<32x128xf32, #tpu.memory_space<hbm>>
        tpu.enqueue_dma source(%dma_start3A_3226 : memref<32x128xf32, #tpu.memory_space<hbm>>) target(%dma_start3A_3224 : memref<32x128xf32, #tpu.memory_space<vmem>>) target_semaphore(%arg13 : memref<!tpu.dma_semaphore, #tpu.memory_space<semaphore_mem>>)
        %slice3A_3227 = vector.extract_strided_slice %get3A_3172 {offsets = [3], sizes = [1], strides = [1]} : vector<16xi32> to vector<1xi32>
        %squeeze3A_3228 = vector.extract %slice3A_3227[0] : i32 from vector<1xi32>
        %mul3A_3229 = arith.constant 128 : i32
        %mul3A_3230 = arith.muli %squeeze3A_3228, %mul3A_3229 : i32
        %multiple_of3A_3231 = tpu.assume_multiple %mul3A_3230, 128 : i32
        %dma_start3A_3232 = arith.constant 3 : i32
        %dma_start3A_3233 = arith.constant 0 : i32
        %dma_start3A_3234 = arith.constant 0 : i32
        %dma_start3A_3235 = tpu.memref_slice %arg10[%dma_start3A_3232, %dma_start3A_3233, %dma_start3A_3234] : memref<24x32x128xf32, #tpu.memory_space<vmem>> -> memref<1x32x128xf32, #tpu.memory_space<vmem>>
        %dma_start3A_3236 = tpu.memref_squeeze %dma_start3A_3235 : memref<1x32x128xf32, #tpu.memory_space<vmem>> -> memref<32x128xf32, #tpu.memory_space<vmem>>
        %dma_start3A_3237 = arith.constant 0 : i32
        %dma_start3A_3238 = tpu.memref_slice %arg4[%dma_start3A_3237, %multiple_of3A_3231] : memref<32x1000000xf32, #tpu.memory_space<hbm>> -> memref<32x128xf32, #tpu.memory_space<hbm>>
        %dma_start3A_3239 = arith.constant 0 : i32
        %dma_start3A_3240 = arith.constant 0 : i32
        %dma_start3A_3241 = tpu.memref_slice %arg10[%dma_start3A_3232, %dma_start3A_3239, %dma_start3A_3240] : memref<24x32x128xf32, #tpu.memory_space<vmem>> -> memref<1x32x128xf32, #tpu.memory_space<vmem>>
        %dma_start3A_3242 = tpu.memref_squeeze %dma_start3A_3241 : memref<1x32x128xf32, #tpu.memory_space<vmem>> -> memref<32x128xf32, #tpu.memory_space<vmem>>
        %dma_start3A_3243 = arith.constant 0 : i32
        %dma_start3A_3244 = tpu.memref_slice %arg4[%dma_start3A_3243, %multiple_of3A_3231] : memref<32x1000000xf32, #tpu.memory_space<hbm>> -> memref<32x128xf32, #tpu.memory_space<hbm>>
        tpu.enqueue_dma source(%dma_start3A_3244 : memref<32x128xf32, #tpu.memory_space<hbm>>) target(%dma_start3A_3242 : memref<32x128xf32, #tpu.memory_space<vmem>>) target_semaphore(%arg13 : memref<!tpu.dma_semaphore, #tpu.memory_space<semaphore_mem>>)
        %slice3A_3245 = vector.extract_strided_slice %get3A_3172 {offsets = [4], sizes = [1], strides = [1]} : vector<16xi32> to vector<1xi32>
        %squeeze3A_3246 = vector.extract %slice3A_3245[0] : i32 from vector<1xi32>
        %mul3A_3247 = arith.constant 128 : i32
        %mul3A_3248 = arith.muli %squeeze3A_3246, %mul3A_3247 : i32
        %multiple_of3A_3249 = tpu.assume_multiple %mul3A_3248, 128 : i32
        %dma_start3A_3250 = arith.constant 4 : i32
        %dma_start3A_3251 = arith.constant 0 : i32
        %dma_start3A_3252 = arith.constant 0 : i32
        %dma_start3A_3253 = tpu.memref_slice %arg10[%dma_start3A_3250, %dma_start3A_3251, %dma_start3A_3252] : memref<24x32x128xf32, #tpu.memory_space<vmem>> -> memref<1x32x128xf32, #tpu.memory_space<vmem>>
        %dma_start3A_3254 = tpu.memref_squeeze %dma_start3A_3253 : memref<1x32x128xf32, #tpu.memory_space<vmem>> -> memref<32x128xf32, #tpu.memory_space<vmem>>
        %dma_start3A_3255 = arith.constant 0 : i32
        %dma_start3A_3256 = tpu.memref_slice %arg4[%dma_start3A_3255, %multiple_of3A_3249] : memref<32x1000000xf32, #tpu.memory_space<hbm>> -> memref<32x128xf32, #tpu.memory_space<hbm>>
        %dma_start3A_3257 = arith.constant 0 : i32
        %dma_start3A_3258 = arith.constant 0 : i32
        %dma_start3A_3259 = tpu.memref_slice %arg10[%dma_start3A_3250, %dma_start3A_3257, %dma_start3A_3258] : memref<24x32x128xf32, #tpu.memory_space<vmem>> -> memref<1x32x128xf32, #tpu.memory_space<vmem>>
        %dma_start3A_3260 = tpu.memref_squeeze %dma_start3A_3259 : memref<1x32x128xf32, #tpu.memory_space<vmem>> -> memref<32x128xf32, #tpu.memory_space<vmem>>
        %dma_start3A_3261 = arith.constant 0 : i32
        %dma_start3A_3262 = tpu.memref_slice %arg4[%dma_start3A_3261, %multiple_of3A_3249] : memref<32x1000000xf32, #tpu.memory_space<hbm>> -> memref<32x128xf32, #tpu.memory_space<hbm>>
        tpu.enqueue_dma source(%dma_start3A_3262 : memref<32x128xf32, #tpu.memory_space<hbm>>) target(%dma_start3A_3260 : memref<32x128xf32, #tpu.memory_space<vmem>>) target_semaphore(%arg13 : memref<!tpu.dma_semaphore, #tpu.memory_space<semaphore_mem>>)
        %slice3A_3263 = vector.extract_strided_slice %get3A_3172 {offsets = [5], sizes = [1], strides = [1]} : vector<16xi32> to vector<1xi32>
        %squeeze3A_3264 = vector.extract %slice3A_3263[0] : i32 from vector<1xi32>
        %mul3A_3265 = arith.constant 128 : i32
        %mul3A_3266 = arith.muli %squeeze3A_3264, %mul3A_3265 : i32
        %multiple_of3A_3267 = tpu.assume_multiple %mul3A_3266, 128 : i32
        %dma_start3A_3268 = arith.constant 5 : i32
        %dma_start3A_3269 = arith.constant 0 : i32
        %dma_start3A_3270 = arith.constant 0 : i32
        %dma_start3A_3271 = tpu.memref_slice %arg10[%dma_start3A_3268, %dma_start3A_3269, %dma_start3A_3270] : memref<24x32x128xf32, #tpu.memory_space<vmem>> -> memref<1x32x128xf32, #tpu.memory_space<vmem>>
        %dma_start3A_3272 = tpu.memref_squeeze %dma_start3A_3271 : memref<1x32x128xf32, #tpu.memory_space<vmem>> -> memref<32x128xf32, #tpu.memory_space<vmem>>
        %dma_start3A_3273 = arith.constant 0 : i32
        %dma_start3A_3274 = tpu.memref_slice %arg4[%dma_start3A_3273, %multiple_of3A_3267] : memref<32x1000000xf32, #tpu.memory_space<hbm>> -> memref<32x128xf32, #tpu.memory_space<hbm>>
        %dma_start3A_3275 = arith.constant 0 : i32
        %dma_start3A_3276 = arith.constant 0 : i32
        %dma_start3A_3277 = tpu.memref_slice %arg10[%dma_start3A_3268, %dma_start3A_3275, %dma_start3A_3276] : memref<24x32x128xf32, #tpu.memory_space<vmem>> -> memref<1x32x128xf32, #tpu.memory_space<vmem>>
        %dma_start3A_3278 = tpu.memref_squeeze %dma_start3A_3277 : memref<1x32x128xf32, #tpu.memory_space<vmem>> -> memref<32x128xf32, #tpu.memory_space<vmem>>
        %dma_start3A_3279 = arith.constant 0 : i32
        %dma_start3A_3280 = tpu.memref_slice %arg4[%dma_start3A_3279, %multiple_of3A_3267] : memref<32x1000000xf32, #tpu.memory_space<hbm>> -> memref<32x128xf32, #tpu.memory_space<hbm>>
        tpu.enqueue_dma source(%dma_start3A_3280 : memref<32x128xf32, #tpu.memory_space<hbm>>) target(%dma_start3A_3278 : memref<32x128xf32, #tpu.memory_space<vmem>>) target_semaphore(%arg13 : memref<!tpu.dma_semaphore, #tpu.memory_space<semaphore_mem>>)
        %slice3A_3281 = vector.extract_strided_slice %get3A_3172 {offsets = [6], sizes = [1], strides = [1]} : vector<16xi32> to vector<1xi32>
        %squeeze3A_3282 = vector.extract %slice3A_3281[0] : i32 from vector<1xi32>
        %mul3A_3283 = arith.constant 128 : i32
        %mul3A_3284 = arith.muli %squeeze3A_3282, %mul3A_3283 : i32
        %multiple_of3A_3285 = tpu.assume_multiple %mul3A_3284, 128 : i32
        %dma_start3A_3286 = arith.constant 6 : i32
        %dma_start3A_3287 = arith.constant 0 : i32
        %dma_start3A_3288 = arith.constant 0 : i32
        %dma_start3A_3289 = tpu.memref_slice %arg10[%dma_start3A_3286, %dma_start3A_3287, %dma_start3A_3288] : memref<24x32x128xf32, #tpu.memory_space<vmem>> -> memref<1x32x128xf32, #tpu.memory_space<vmem>>
        %dma_start3A_3290 = tpu.memref_squeeze %dma_start3A_3289 : memref<1x32x128xf32, #tpu.memory_space<vmem>> -> memref<32x128xf32, #tpu.memory_space<vmem>>
        %dma_start3A_3291 = arith.constant 0 : i32
        %dma_start3A_3292 = tpu.memref_slice %arg4[%dma_start3A_3291, %multiple_of3A_3285] : memref<32x1000000xf32, #tpu.memory_space<hbm>> -> memref<32x128xf32, #tpu.memory_space<hbm>>
        %dma_start3A_3293 = arith.constant 0 : i32
        %dma_start3A_3294 = arith.constant 0 : i32
        %dma_start3A_3295 = tpu.memref_slice %arg10[%dma_start3A_3286, %dma_start3A_3293, %dma_start3A_3294] : memref<24x32x128xf32, #tpu.memory_space<vmem>> -> memref<1x32x128xf32, #tpu.memory_space<vmem>>
        %dma_start3A_3296 = tpu.memref_squeeze %dma_start3A_3295 : memref<1x32x128xf32, #tpu.memory_space<vmem>> -> memref<32x128xf32, #tpu.memory_space<vmem>>
        %dma_start3A_3297 = arith.constant 0 : i32
        %dma_start3A_3298 = tpu.memref_slice %arg4[%dma_start3A_3297, %multiple_of3A_3285] : memref<32x1000000xf32, #tpu.memory_space<hbm>> -> memref<32x128xf32, #tpu.memory_space<hbm>>
        tpu.enqueue_dma source(%dma_start3A_3298 : memref<32x128xf32, #tpu.memory_space<hbm>>) target(%dma_start3A_3296 : memref<32x128xf32, #tpu.memory_space<vmem>>) target_semaphore(%arg13 : memref<!tpu.dma_semaphore, #tpu.memory_space<semaphore_mem>>)
        %slice3A_3299 = vector.extract_strided_slice %get3A_3172 {offsets = [7], sizes = [1], strides = [1]} : vector<16xi32> to vector<1xi32>
        %squeeze3A_3300 = vector.extract %slice3A_3299[0] : i32 from vector<1xi32>
        %mul3A_3301 = arith.constant 128 : i32
        %mul3A_3302 = arith.muli %squeeze3A_3300, %mul3A_3301 : i32
        %multiple_of3A_3303 = tpu.assume_multiple %mul3A_3302, 128 : i32
        %dma_start3A_3304 = arith.constant 7 : i32
        %dma_start3A_3305 = arith.constant 0 : i32
        %dma_start3A_3306 = arith.constant 0 : i32
        %dma_start3A_3307 = tpu.memref_slice %arg10[%dma_start3A_3304, %dma_start3A_3305, %dma_start3A_3306] : memref<24x32x128xf32, #tpu.memory_space<vmem>> -> memref<1x32x128xf32, #tpu.memory_space<vmem>>
        %dma_start3A_3308 = tpu.memref_squeeze %dma_start3A_3307 : memref<1x32x128xf32, #tpu.memory_space<vmem>> -> memref<32x128xf32, #tpu.memory_space<vmem>>
        %dma_start3A_3309 = arith.constant 0 : i32
        %dma_start3A_3310 = tpu.memref_slice %arg4[%dma_start3A_3309, %multiple_of3A_3303] : memref<32x1000000xf32, #tpu.memory_space<hbm>> -> memref<32x128xf32, #tpu.memory_space<hbm>>
        %dma_start3A_3311 = arith.constant 0 : i32
        %dma_start3A_3312 = arith.constant 0 : i32
        %dma_start3A_3313 = tpu.memref_slice %arg10[%dma_start3A_3304, %dma_start3A_3311, %dma_start3A_3312] : memref<24x32x128xf32, #tpu.memory_space<vmem>> -> memref<1x32x128xf32, #tpu.memory_space<vmem>>
        %dma_start3A_3314 = tpu.memref_squeeze %dma_start3A_3313 : memref<1x32x128xf32, #tpu.memory_space<vmem>> -> memref<32x128xf32, #tpu.memory_space<vmem>>
        %dma_start3A_3315 = arith.constant 0 : i32
        %dma_start3A_3316 = tpu.memref_slice %arg4[%dma_start3A_3315, %multiple_of3A_3303] : memref<32x1000000xf32, #tpu.memory_space<hbm>> -> memref<32x128xf32, #tpu.memory_space<hbm>>
        tpu.enqueue_dma source(%dma_start3A_3316 : memref<32x128xf32, #tpu.memory_space<hbm>>) target(%dma_start3A_3314 : memref<32x128xf32, #tpu.memory_space<vmem>>) target_semaphore(%arg13 : memref<!tpu.dma_semaphore, #tpu.memory_space<semaphore_mem>>)
      } else {
      }
      %dma_wait3A_2078 = arith.constant 8 : i32
      %dma_wait3A_2079 = arith.constant 0 : i32
      %dma_wait3A_2080 = arith.constant 0 : i32
      %dma_wait3A_2081 = tpu.memref_slice %arg10[%dma_wait3A_2078, %dma_wait3A_2079, %dma_wait3A_2080] : memref<24x32x128xf32, #tpu.memory_space<vmem>> -> memref<1x32x128xf32, #tpu.memory_space<vmem>>
      %dma_wait3A_2082 = tpu.memref_squeeze %dma_wait3A_2081 : memref<1x32x128xf32, #tpu.memory_space<vmem>> -> memref<32x128xf32, #tpu.memory_space<vmem>>
      %dma_wait3A_2083 = arith.constant 0 : i32
      %dma_wait3A_2084 = arith.constant 0 : i32
      %dma_wait3A_2085 = tpu.memref_slice %arg4[%dma_wait3A_2083, %dma_wait3A_2084] : memref<32x1000000xf32, #tpu.memory_space<hbm>> -> memref<32x128xf32, #tpu.memory_space<hbm>>
      %dma_wait3A_2086 = arith.constant 0 : i32
      %dma_wait3A_2087 = arith.constant 0 : i32
      %dma_wait3A_2088 = tpu.memref_slice %arg10[%dma_wait3A_2078, %dma_wait3A_2086, %dma_wait3A_2087] : memref<24x32x128xf32, #tpu.memory_space<vmem>> -> memref<1x32x128xf32, #tpu.memory_space<vmem>>
      %dma_wait3A_2089 = tpu.memref_squeeze %dma_wait3A_2088 : memref<1x32x128xf32, #tpu.memory_space<vmem>> -> memref<32x128xf32, #tpu.memory_space<vmem>>
      %dma_wait3A_2090 = arith.constant 0 : i32
      %dma_wait3A_2091 = arith.constant 0 : i32
      %dma_wait3A_2092 = tpu.memref_slice %arg4[%dma_wait3A_2090, %dma_wait3A_2091] : memref<32x1000000xf32, #tpu.memory_space<hbm>> -> memref<32x128xf32, #tpu.memory_space<hbm>>
      tpu.wait_dma2 semaphore(%arg14 : memref<!tpu.dma_semaphore, #tpu.memory_space<semaphore_mem>>) src(%dma_wait3A_2092 : memref<32x128xf32, #tpu.memory_space<hbm>>) dst(%dma_wait3A_2089 : memref<32x128xf32, #tpu.memory_space<vmem>>)
      %dma_wait3A_2093 = arith.constant 9 : i32
      %dma_wait3A_2094 = arith.constant 0 : i32
      %dma_wait3A_2095 = arith.constant 0 : i32
      %dma_wait3A_2096 = tpu.memref_slice %arg10[%dma_wait3A_2093, %dma_wait3A_2094, %dma_wait3A_2095] : memref<24x32x128xf32, #tpu.memory_space<vmem>> -> memref<1x32x128xf32, #tpu.memory_space<vmem>>
      %dma_wait3A_2097 = tpu.memref_squeeze %dma_wait3A_2096 : memref<1x32x128xf32, #tpu.memory_space<vmem>> -> memref<32x128xf32, #tpu.memory_space<vmem>>
      %dma_wait3A_2098 = arith.constant 0 : i32
      %dma_wait3A_2099 = arith.constant 0 : i32
      %dma_wait3A_2100 = tpu.memref_slice %arg4[%dma_wait3A_2098, %dma_wait3A_2099] : memref<32x1000000xf32, #tpu.memory_space<hbm>> -> memref<32x128xf32, #tpu.memory_space<hbm>>
      %dma_wait3A_2101 = arith.constant 0 : i32
      %dma_wait3A_2102 = arith.constant 0 : i32
      %dma_wait3A_2103 = tpu.memref_slice %arg10[%dma_wait3A_2093, %dma_wait3A_2101, %dma_wait3A_2102] : memref<24x32x128xf32, #tpu.memory_space<vmem>> -> memref<1x32x128xf32, #tpu.memory_space<vmem>>
      %dma_wait3A_2104 = tpu.memref_squeeze %dma_wait3A_2103 : memref<1x32x128xf32, #tpu.memory_space<vmem>> -> memref<32x128xf32, #tpu.memory_space<vmem>>
      %dma_wait3A_2105 = arith.constant 0 : i32
      %dma_wait3A_2106 = arith.constant 0 : i32
      %dma_wait3A_2107 = tpu.memref_slice %arg4[%dma_wait3A_2105, %dma_wait3A_2106] : memref<32x1000000xf32, #tpu.memory_space<hbm>> -> memref<32x128xf32, #tpu.memory_space<hbm>>
      tpu.wait_dma2 semaphore(%arg14 : memref<!tpu.dma_semaphore, #tpu.memory_space<semaphore_mem>>) src(%dma_wait3A_2107 : memref<32x128xf32, #tpu.memory_space<hbm>>) dst(%dma_wait3A_2104 : memref<32x128xf32, #tpu.memory_space<vmem>>)
      %dma_wait3A_2108 = arith.constant 10 : i32
      %dma_wait3A_2109 = arith.constant 0 : i32
      %dma_wait3A_2110 = arith.constant 0 : i32
      %dma_wait3A_2111 = tpu.memref_slice %arg10[%dma_wait3A_2108, %dma_wait3A_2109, %dma_wait3A_2110] : memref<24x32x128xf32, #tpu.memory_space<vmem>> -> memref<1x32x128xf32, #tpu.memory_space<vmem>>
      %dma_wait3A_2112 = tpu.memref_squeeze %dma_wait3A_2111 : memref<1x32x128xf32, #tpu.memory_space<vmem>> -> memref<32x128xf32, #tpu.memory_space<vmem>>
      %dma_wait3A_2113 = arith.constant 0 : i32
      %dma_wait3A_2114 = arith.constant 0 : i32
      %dma_wait3A_2115 = tpu.memref_slice %arg4[%dma_wait3A_2113, %dma_wait3A_2114] : memref<32x1000000xf32, #tpu.memory_space<hbm>> -> memref<32x128xf32, #tpu.memory_space<hbm>>
      %dma_wait3A_2116 = arith.constant 0 : i32
      %dma_wait3A_2117 = arith.constant 0 : i32
      %dma_wait3A_2118 = tpu.memref_slice %arg10[%dma_wait3A_2108, %dma_wait3A_2116, %dma_wait3A_2117] : memref<24x32x128xf32, #tpu.memory_space<vmem>> -> memref<1x32x128xf32, #tpu.memory_space<vmem>>
      %dma_wait3A_2119 = tpu.memref_squeeze %dma_wait3A_2118 : memref<1x32x128xf32, #tpu.memory_space<vmem>> -> memref<32x128xf32, #tpu.memory_space<vmem>>
      %dma_wait3A_2120 = arith.constant 0 : i32
      %dma_wait3A_2121 = arith.constant 0 : i32
      %dma_wait3A_2122 = tpu.memref_slice %arg4[%dma_wait3A_2120, %dma_wait3A_2121] : memref<32x1000000xf32, #tpu.memory_space<hbm>> -> memref<32x128xf32, #tpu.memory_space<hbm>>
      tpu.wait_dma2 semaphore(%arg14 : memref<!tpu.dma_semaphore, #tpu.memory_space<semaphore_mem>>) src(%dma_wait3A_2122 : memref<32x128xf32, #tpu.memory_space<hbm>>) dst(%dma_wait3A_2119 : memref<32x128xf32, #tpu.memory_space<vmem>>)
      %dma_wait3A_2123 = arith.constant 11 : i32
      %dma_wait3A_2124 = arith.constant 0 : i32
      %dma_wait3A_2125 = arith.constant 0 : i32
      %dma_wait3A_2126 = tpu.memref_slice %arg10[%dma_wait3A_2123, %dma_wait3A_2124, %dma_wait3A_2125] : memref<24x32x128xf32, #tpu.memory_space<vmem>> -> memref<1x32x128xf32, #tpu.memory_space<vmem>>
      %dma_wait3A_2127 = tpu.memref_squeeze %dma_wait3A_2126 : memref<1x32x128xf32, #tpu.memory_space<vmem>> -> memref<32x128xf32, #tpu.memory_space<vmem>>
      %dma_wait3A_2128 = arith.constant 0 : i32
      %dma_wait3A_2129 = arith.constant 0 : i32
      %dma_wait3A_2130 = tpu.memref_slice %arg4[%dma_wait3A_2128, %dma_wait3A_2129] : memref<32x1000000xf32, #tpu.memory_space<hbm>> -> memref<32x128xf32, #tpu.memory_space<hbm>>
      %dma_wait3A_2131 = arith.constant 0 : i32
      %dma_wait3A_2132 = arith.constant 0 : i32
      %dma_wait3A_2133 = tpu.memref_slice %arg10[%dma_wait3A_2123, %dma_wait3A_2131, %dma_wait3A_2132] : memref<24x32x128xf32, #tpu.memory_space<vmem>> -> memref<1x32x128xf32, #tpu.memory_space<vmem>>
      %dma_wait3A_2134 = tpu.memref_squeeze %dma_wait3A_2133 : memref<1x32x128xf32, #tpu.memory_space<vmem>> -> memref<32x128xf32, #tpu.memory_space<vmem>>
      %dma_wait3A_2135 = arith.constant 0 : i32
      %dma_wait3A_2136 = arith.constant 0 : i32
      %dma_wait3A_2137 = tpu.memref_slice %arg4[%dma_wait3A_2135, %dma_wait3A_2136] : memref<32x1000000xf32, #tpu.memory_space<hbm>> -> memref<32x128xf32, #tpu.memory_space<hbm>>
      tpu.wait_dma2 semaphore(%arg14 : memref<!tpu.dma_semaphore, #tpu.memory_space<semaphore_mem>>) src(%dma_wait3A_2137 : memref<32x128xf32, #tpu.memory_space<hbm>>) dst(%dma_wait3A_2134 : memref<32x128xf32, #tpu.memory_space<vmem>>)
      %dma_wait3A_2138 = arith.constant 12 : i32
      %dma_wait3A_2139 = arith.constant 0 : i32
      %dma_wait3A_2140 = arith.constant 0 : i32
      %dma_wait3A_2141 = tpu.memref_slice %arg10[%dma_wait3A_2138, %dma_wait3A_2139, %dma_wait3A_2140] : memref<24x32x128xf32, #tpu.memory_space<vmem>> -> memref<1x32x128xf32, #tpu.memory_space<vmem>>
      %dma_wait3A_2142 = tpu.memref_squeeze %dma_wait3A_2141 : memref<1x32x128xf32, #tpu.memory_space<vmem>> -> memref<32x128xf32, #tpu.memory_space<vmem>>
      %dma_wait3A_2143 = arith.constant 0 : i32
      %dma_wait3A_2144 = arith.constant 0 : i32
      %dma_wait3A_2145 = tpu.memref_slice %arg4[%dma_wait3A_2143, %dma_wait3A_2144] : memref<32x1000000xf32, #tpu.memory_space<hbm>> -> memref<32x128xf32, #tpu.memory_space<hbm>>
      %dma_wait3A_2146 = arith.constant 0 : i32
      %dma_wait3A_2147 = arith.constant 0 : i32
      %dma_wait3A_2148 = tpu.memref_slice %arg10[%dma_wait3A_2138, %dma_wait3A_2146, %dma_wait3A_2147] : memref<24x32x128xf32, #tpu.memory_space<vmem>> -> memref<1x32x128xf32, #tpu.memory_space<vmem>>
      %dma_wait3A_2149 = tpu.memref_squeeze %dma_wait3A_2148 : memref<1x32x128xf32, #tpu.memory_space<vmem>> -> memref<32x128xf32, #tpu.memory_space<vmem>>
      %dma_wait3A_2150 = arith.constant 0 : i32
      %dma_wait3A_2151 = arith.constant 0 : i32
      %dma_wait3A_2152 = tpu.memref_slice %arg4[%dma_wait3A_2150, %dma_wait3A_2151] : memref<32x1000000xf32, #tpu.memory_space<hbm>> -> memref<32x128xf32, #tpu.memory_space<hbm>>
      tpu.wait_dma2 semaphore(%arg14 : memref<!tpu.dma_semaphore, #tpu.memory_space<semaphore_mem>>) src(%dma_wait3A_2152 : memref<32x128xf32, #tpu.memory_space<hbm>>) dst(%dma_wait3A_2149 : memref<32x128xf32, #tpu.memory_space<vmem>>)
      %dma_wait3A_2153 = arith.constant 13 : i32
      %dma_wait3A_2154 = arith.constant 0 : i32
      %dma_wait3A_2155 = arith.constant 0 : i32
      %dma_wait3A_2156 = tpu.memref_slice %arg10[%dma_wait3A_2153, %dma_wait3A_2154, %dma_wait3A_2155] : memref<24x32x128xf32, #tpu.memory_space<vmem>> -> memref<1x32x128xf32, #tpu.memory_space<vmem>>
      %dma_wait3A_2157 = tpu.memref_squeeze %dma_wait3A_2156 : memref<1x32x128xf32, #tpu.memory_space<vmem>> -> memref<32x128xf32, #tpu.memory_space<vmem>>
      %dma_wait3A_2158 = arith.constant 0 : i32
      %dma_wait3A_2159 = arith.constant 0 : i32
      %dma_wait3A_2160 = tpu.memref_slice %arg4[%dma_wait3A_2158, %dma_wait3A_2159] : memref<32x1000000xf32, #tpu.memory_space<hbm>> -> memref<32x128xf32, #tpu.memory_space<hbm>>
      %dma_wait3A_2161 = arith.constant 0 : i32
      %dma_wait3A_2162 = arith.constant 0 : i32
      %dma_wait3A_2163 = tpu.memref_slice %arg10[%dma_wait3A_2153, %dma_wait3A_2161, %dma_wait3A_2162] : memref<24x32x128xf32, #tpu.memory_space<vmem>> -> memref<1x32x128xf32, #tpu.memory_space<vmem>>
      %dma_wait3A_2164 = tpu.memref_squeeze %dma_wait3A_2163 : memref<1x32x128xf32, #tpu.memory_space<vmem>> -> memref<32x128xf32, #tpu.memory_space<vmem>>
      %dma_wait3A_2165 = arith.constant 0 : i32
      %dma_wait3A_2166 = arith.constant 0 : i32
      %dma_wait3A_2167 = tpu.memref_slice %arg4[%dma_wait3A_2165, %dma_wait3A_2166] : memref<32x1000000xf32, #tpu.memory_space<hbm>> -> memref<32x128xf32, #tpu.memory_space<hbm>>
      tpu.wait_dma2 semaphore(%arg14 : memref<!tpu.dma_semaphore, #tpu.memory_space<semaphore_mem>>) src(%dma_wait3A_2167 : memref<32x128xf32, #tpu.memory_space<hbm>>) dst(%dma_wait3A_2164 : memref<32x128xf32, #tpu.memory_space<vmem>>)
      %dma_wait3A_2168 = arith.constant 14 : i32
      %dma_wait3A_2169 = arith.constant 0 : i32
      %dma_wait3A_2170 = arith.constant 0 : i32
      %dma_wait3A_2171 = tpu.memref_slice %arg10[%dma_wait3A_2168, %dma_wait3A_2169, %dma_wait3A_2170] : memref<24x32x128xf32, #tpu.memory_space<vmem>> -> memref<1x32x128xf32, #tpu.memory_space<vmem>>
      %dma_wait3A_2172 = tpu.memref_squeeze %dma_wait3A_2171 : memref<1x32x128xf32, #tpu.memory_space<vmem>> -> memref<32x128xf32, #tpu.memory_space<vmem>>
      %dma_wait3A_2173 = arith.constant 0 : i32
      %dma_wait3A_2174 = arith.constant 0 : i32
      %dma_wait3A_2175 = tpu.memref_slice %arg4[%dma_wait3A_2173, %dma_wait3A_2174] : memref<32x1000000xf32, #tpu.memory_space<hbm>> -> memref<32x128xf32, #tpu.memory_space<hbm>>
      %dma_wait3A_2176 = arith.constant 0 : i32
      %dma_wait3A_2177 = arith.constant 0 : i32
      %dma_wait3A_2178 = tpu.memref_slice %arg10[%dma_wait3A_2168, %dma_wait3A_2176, %dma_wait3A_2177] : memref<24x32x128xf32, #tpu.memory_space<vmem>> -> memref<1x32x128xf32, #tpu.memory_space<vmem>>
      %dma_wait3A_2179 = tpu.memref_squeeze %dma_wait3A_2178 : memref<1x32x128xf32, #tpu.memory_space<vmem>> -> memref<32x128xf32, #tpu.memory_space<vmem>>
      %dma_wait3A_2180 = arith.constant 0 : i32
      %dma_wait3A_2181 = arith.constant 0 : i32
      %dma_wait3A_2182 = tpu.memref_slice %arg4[%dma_wait3A_2180, %dma_wait3A_2181] : memref<32x1000000xf32, #tpu.memory_space<hbm>> -> memref<32x128xf32, #tpu.memory_space<hbm>>
      tpu.wait_dma2 semaphore(%arg14 : memref<!tpu.dma_semaphore, #tpu.memory_space<semaphore_mem>>) src(%dma_wait3A_2182 : memref<32x128xf32, #tpu.memory_space<hbm>>) dst(%dma_wait3A_2179 : memref<32x128xf32, #tpu.memory_space<vmem>>)
      %dma_wait3A_2183 = arith.constant 15 : i32
      %dma_wait3A_2184 = arith.constant 0 : i32
      %dma_wait3A_2185 = arith.constant 0 : i32
      %dma_wait3A_2186 = tpu.memref_slice %arg10[%dma_wait3A_2183, %dma_wait3A_2184, %dma_wait3A_2185] : memref<24x32x128xf32, #tpu.memory_space<vmem>> -> memref<1x32x128xf32, #tpu.memory_space<vmem>>
      %dma_wait3A_2187 = tpu.memref_squeeze %dma_wait3A_2186 : memref<1x32x128xf32, #tpu.memory_space<vmem>> -> memref<32x128xf32, #tpu.memory_space<vmem>>
      %dma_wait3A_2188 = arith.constant 0 : i32
      %dma_wait3A_2189 = arith.constant 0 : i32
      %dma_wait3A_2190 = tpu.memref_slice %arg4[%dma_wait3A_2188, %dma_wait3A_2189] : memref<32x1000000xf32, #tpu.memory_space<hbm>> -> memref<32x128xf32, #tpu.memory_space<hbm>>
      %dma_wait3A_2191 = arith.constant 0 : i32
      %dma_wait3A_2192 = arith.constant 0 : i32
      %dma_wait3A_2193 = tpu.memref_slice %arg10[%dma_wait3A_2183, %dma_wait3A_2191, %dma_wait3A_2192] : memref<24x32x128xf32, #tpu.memory_space<vmem>> -> memref<1x32x128xf32, #tpu.memory_space<vmem>>
      %dma_wait3A_2194 = tpu.memref_squeeze %dma_wait3A_2193 : memref<1x32x128xf32, #tpu.memory_space<vmem>> -> memref<32x128xf32, #tpu.memory_space<vmem>>
      %dma_wait3A_2195 = arith.constant 0 : i32
      %dma_wait3A_2196 = arith.constant 0 : i32
      %dma_wait3A_2197 = tpu.memref_slice %arg4[%dma_wait3A_2195, %dma_wait3A_2196] : memref<32x1000000xf32, #tpu.memory_space<hbm>> -> memref<32x128xf32, #tpu.memory_space<hbm>>
      tpu.wait_dma2 semaphore(%arg14 : memref<!tpu.dma_semaphore, #tpu.memory_space<semaphore_mem>>) src(%dma_wait3A_2197 : memref<32x128xf32, #tpu.memory_space<hbm>>) dst(%dma_wait3A_2194 : memref<32x128xf32, #tpu.memory_space<vmem>>)
      %add3A_2198 = arith.constant 1 : i32
      %add3A_2199 = arith.addi %mul3A_1537, %add3A_2198 : i32
      %mul3A_2200 = arith.constant 8 : i32
      %mul3A_2201 = arith.muli %add3A_2199, %mul3A_2200 : i32
      %get3A_2202 = arith.index_cast %mul3A_2201 : i32 to index
      %get3A_2203 = tpu.vector_load %arg8[%get3A_2202] {strides = array<i32>} : memref<544xi32, #tpu.memory_space<vmem>>, vector<16xi32>,
      %slice3A_2204 = vector.extract_strided_slice %get3A_2203 {offsets = [0], sizes = [1], strides = [1]} : vector<16xi32> to vector<1xi32>
      %squeeze3A_2205 = vector.extract %slice3A_2204[0] : i32 from vector<1xi32>
      %mul3A_2206 = arith.constant 0 : i32
      %mul3A_2207 = vector.broadcast %mul3A_2206 : i32 to vector<16xi32>
      %mul3A_2208 = arith.muli %iota3A, %mul3A_2207 : vector<16xi32>
      %and3A_2209 = arith.constant 127 : i32
      %and3A_2210 = arith.andi %squeeze3A_2205, %and3A_2209 : i32
      %add3A_2211 = vector.broadcast %and3A_2210 : i32 to vector<16xi32>
      %add3A_2212 = arith.addi %mul3A_2208, %add3A_2211 : vector<16xi32>
      %mul3A_2213 = arith.constant 0 : i32
      %mul3A_2214 = vector.broadcast %mul3A_2213 : i32 to vector<16xi32>
      %mul3A_2215 = arith.muli %iota3A, %mul3A_2214 : vector<16xi32>
      %mul3A_2216 = arith.constant 8 : i32
      %mul3A_2217 = arith.muli %add3A_2199, %mul3A_2216 : i32
      %add3A_2218 = arith.constant 0 : i32
      %add3A_2219 = arith.addi %mul3A_2217, %add3A_2218 : i32
      %add3A_2220 = vector.broadcast %add3A_2219 : i32 to vector<16xi32>
      %add3A_2221 = arith.addi %mul3A_2215, %add3A_2220 : vector<16xi32>
      %ge3A_2222 = arith.constant 999936 : i32
      %ge3A_2223 = arith.cmpi sge, %squeeze3A_2205, %ge3A_2222 : i32
      %mul3A_2224 = arith.constant 0 : i32
      %mul3A_2225 = vector.broadcast %mul3A_2224 : i32 to vector<16xi32>
      %mul3A_2226 = arith.muli %iota3A, %mul3A_2225 : vector<16xi32>
      %sub3A_2227 = arith.constant 999936 : i32
      %sub3A_2228 = arith.subi %squeeze3A_2205, %sub3A_2227 : i32
      %max3A_2229 = arith.constant 0 : i32
      %max3A_2230 = arith.maxsi %sub3A_2228, %max3A_2229 : i32
      %add3A_2231 = vector.broadcast %max3A_2230 : i32 to vector<16xi32>
      %add3A_2232 = arith.addi %mul3A_2226, %add3A_2231 : vector<16xi32>
      %add3A_2233 = arith.constant 0 : i32
      %add3A_2234 = vector.broadcast %add3A_2233 : i32 to vector<16xi32>
      %add3A_2235 = arith.addi %add3A_2234, %iota3A : vector<16xi32>
      %gather3A_2236 = arith.constant 8 : i32
      %gather3A_2237 = arith.constant 0 : i32
      %gather3A_2238 = arith.constant 0 : i32
      %gather3A_2239 = tpu.memref_slice %arg10[%gather3A_2236, %gather3A_2237, %gather3A_2238] : memref<24x32x128xf32, #tpu.memory_space<vmem>> -> memref<1x32x128xf32, #tpu.memory_space<vmem>>
      %gather3A_2240 = tpu.memref_squeeze %gather3A_2239 : memref<1x32x128xf32, #tpu.memory_space<vmem>> -> memref<32x128xf32, #tpu.memory_space<vmem>>
      %gather3A_2241 = tpu.vector_load_idx %gather3A_2240[%add3A_2235, %add3A_2212] : memref<32x128xf32, #tpu.memory_space<vmem>>[vector<16xi32>, vector<16xi32>], vector<16xf32>,
      %gather3A_2242 = tpu.vector_load_idx %arg11[%add3A_2235, %add3A_2232] : memref<32x64xf32, #tpu.memory_space<vmem>>[vector<16xi32>, vector<16xi32>], vector<16xf32>,
      %select_n3A_2243 = arith.select %ge3A_2223, %gather3A_2242, %gather3A_2241 : vector<16xf32>
      tpu.vector_store_idx %arg12[%add3A_2235, %add3A_2221], %select_n3A_2243 : memref<32x512xf32, #tpu.memory_space<vmem>>[vector<16xi32>, vector<16xi32>], vector<16xf32>,
      %add3A_2244 = arith.constant 16 : i32
      %add3A_2245 = vector.broadcast %add3A_2244 : i32 to vector<16xi32>
      %add3A_2246 = arith.addi %add3A_2245, %iota3A : vector<16xi32>
      %gather3A_2247 = arith.constant 8 : i32
      %gather3A_2248 = arith.constant 0 : i32
      %gather3A_2249 = arith.constant 0 : i32
      %gather3A_2250 = tpu.memref_slice %arg10[%gather3A_2247, %gather3A_2248, %gather3A_2249] : memref<24x32x128xf32, #tpu.memory_space<vmem>> -> memref<1x32x128xf32, #tpu.memory_space<vmem>>
      %gather3A_2251 = tpu.memref_squeeze %gather3A_2250 : memref<1x32x128xf32, #tpu.memory_space<vmem>> -> memref<32x128xf32, #tpu.memory_space<vmem>>
      %gather3A_2252 = tpu.vector_load_idx %gather3A_2251[%add3A_2246, %add3A_2212] : memref<32x128xf32, #tpu.memory_space<vmem>>[vector<16xi32>, vector<16xi32>], vector<16xf32>,
      %gather3A_2253 = tpu.vector_load_idx %arg11[%add3A_2246, %add3A_2232] : memref<32x64xf32, #tpu.memory_space<vmem>>[vector<16xi32>, vector<16xi32>], vector<16xf32>,
      %select_n3A_2254 = arith.select %ge3A_2223, %gather3A_2253, %gather3A_2252 : vector<16xf32>
      tpu.vector_store_idx %arg12[%add3A_2246, %add3A_2221], %select_n3A_2254 : memref<32x512xf32, #tpu.memory_space<vmem>>[vector<16xi32>, vector<16xi32>], vector<16xf32>,
      %slice3A_2255 = vector.extract_strided_slice %get3A_2203 {offsets = [1], sizes = [1], strides = [1]} : vector<16xi32> to vector<1xi32>
      %squeeze3A_2256 = vector.extract %slice3A_2255[0] : i32 from vector<1xi32>
      %mul3A_2257 = arith.constant 0 : i32
      %mul3A_2258 = vector.broadcast %mul3A_2257 : i32 to vector<16xi32>
      %mul3A_2259 = arith.muli %iota3A, %mul3A_2258 : vector<16xi32>
      %and3A_2260 = arith.constant 127 : i32
      %and3A_2261 = arith.andi %squeeze3A_2256, %and3A_2260 : i32
      %add3A_2262 = vector.broadcast %and3A_2261 : i32 to vector<16xi32>
      %add3A_2263 = arith.addi %mul3A_2259, %add3A_2262 : vector<16xi32>
      %mul3A_2264 = arith.constant 0 : i32
      %mul3A_2265 = vector.broadcast %mul3A_2264 : i32 to vector<16xi32>
      %mul3A_2266 = arith.muli %iota3A, %mul3A_2265 : vector<16xi32>
      %mul3A_2267 = arith.constant 8 : i32
      %mul3A_2268 = arith.muli %add3A_2199, %mul3A_2267 : i32
      %add3A_2269 = arith.constant 1 : i32
      %add3A_2270 = arith.addi %mul3A_2268, %add3A_2269 : i32
      %add3A_2271 = vector.broadcast %add3A_2270 : i32 to vector<16xi32>
      %add3A_2272 = arith.addi %mul3A_2266, %add3A_2271 : vector<16xi32>
      %ge3A_2273 = arith.constant 999936 : i32
      %ge3A_2274 = arith.cmpi sge, %squeeze3A_2256, %ge3A_2273 : i32
      %mul3A_2275 = arith.constant 0 : i32
      %mul3A_2276 = vector.broadcast %mul3A_2275 : i32 to vector<16xi32>
      %mul3A_2277 = arith.muli %iota3A, %mul3A_2276 : vector<16xi32>
      %sub3A_2278 = arith.constant 999936 : i32
      %sub3A_2279 = arith.subi %squeeze3A_2256, %sub3A_2278 : i32
      %max3A_2280 = arith.constant 0 : i32
      %max3A_2281 = arith.maxsi %sub3A_2279, %max3A_2280 : i32
      %add3A_2282 = vector.broadcast %max3A_2281 : i32 to vector<16xi32>
      %add3A_2283 = arith.addi %mul3A_2277, %add3A_2282 : vector<16xi32>
      %add3A_2284 = arith.constant 0 : i32
      %add3A_2285 = vector.broadcast %add3A_2284 : i32 to vector<16xi32>
      %add3A_2286 = arith.addi %add3A_2285, %iota3A : vector<16xi32>
      %gather3A_2287 = arith.constant 9 : i32
      %gather3A_2288 = arith.constant 0 : i32
      %gather3A_2289 = arith.constant 0 : i32
      %gather3A_2290 = tpu.memref_slice %arg10[%gather3A_2287, %gather3A_2288, %gather3A_2289] : memref<24x32x128xf32, #tpu.memory_space<vmem>> -> memref<1x32x128xf32, #tpu.memory_space<vmem>>
      %gather3A_2291 = tpu.memref_squeeze %gather3A_2290 : memref<1x32x128xf32, #tpu.memory_space<vmem>> -> memref<32x128xf32, #tpu.memory_space<vmem>>
      %gather3A_2292 = tpu.vector_load_idx %gather3A_2291[%add3A_2286, %add3A_2263] : memref<32x128xf32, #tpu.memory_space<vmem>>[vector<16xi32>, vector<16xi32>], vector<16xf32>,
      %gather3A_2293 = tpu.vector_load_idx %arg11[%add3A_2286, %add3A_2283] : memref<32x64xf32, #tpu.memory_space<vmem>>[vector<16xi32>, vector<16xi32>], vector<16xf32>,
      %select_n3A_2294 = arith.select %ge3A_2274, %gather3A_2293, %gather3A_2292 : vector<16xf32>
      tpu.vector_store_idx %arg12[%add3A_2286, %add3A_2272], %select_n3A_2294 : memref<32x512xf32, #tpu.memory_space<vmem>>[vector<16xi32>, vector<16xi32>], vector<16xf32>,
      %add3A_2295 = arith.constant 16 : i32
      %add3A_2296 = vector.broadcast %add3A_2295 : i32 to vector<16xi32>
      %add3A_2297 = arith.addi %add3A_2296, %iota3A : vector<16xi32>
      %gather3A_2298 = arith.constant 9 : i32
      %gather3A_2299 = arith.constant 0 : i32
      %gather3A_2300 = arith.constant 0 : i32
      %gather3A_2301 = tpu.memref_slice %arg10[%gather3A_2298, %gather3A_2299, %gather3A_2300] : memref<24x32x128xf32, #tpu.memory_space<vmem>> -> memref<1x32x128xf32, #tpu.memory_space<vmem>>
      %gather3A_2302 = tpu.memref_squeeze %gather3A_2301 : memref<1x32x128xf32, #tpu.memory_space<vmem>> -> memref<32x128xf32, #tpu.memory_space<vmem>>
      %gather3A_2303 = tpu.vector_load_idx %gather3A_2302[%add3A_2297, %add3A_2263] : memref<32x128xf32, #tpu.memory_space<vmem>>[vector<16xi32>, vector<16xi32>], vector<16xf32>,
      %gather3A_2304 = tpu.vector_load_idx %arg11[%add3A_2297, %add3A_2283] : memref<32x64xf32, #tpu.memory_space<vmem>>[vector<16xi32>, vector<16xi32>], vector<16xf32>,
      %select_n3A_2305 = arith.select %ge3A_2274, %gather3A_2304, %gather3A_2303 : vector<16xf32>
      tpu.vector_store_idx %arg12[%add3A_2297, %add3A_2272], %select_n3A_2305 : memref<32x512xf32, #tpu.memory_space<vmem>>[vector<16xi32>, vector<16xi32>], vector<16xf32>,
      %slice3A_2306 = vector.extract_strided_slice %get3A_2203 {offsets = [2], sizes = [1], strides = [1]} : vector<16xi32> to vector<1xi32>
      %squeeze3A_2307 = vector.extract %slice3A_2306[0] : i32 from vector<1xi32>
      %mul3A_2308 = arith.constant 0 : i32
      %mul3A_2309 = vector.broadcast %mul3A_2308 : i32 to vector<16xi32>
      %mul3A_2310 = arith.muli %iota3A, %mul3A_2309 : vector<16xi32>
      %and3A_2311 = arith.constant 127 : i32
      %and3A_2312 = arith.andi %squeeze3A_2307, %and3A_2311 : i32
      %add3A_2313 = vector.broadcast %and3A_2312 : i32 to vector<16xi32>
      %add3A_2314 = arith.addi %mul3A_2310, %add3A_2313 : vector<16xi32>
      %mul3A_2315 = arith.constant 0 : i32
      %mul3A_2316 = vector.broadcast %mul3A_2315 : i32 to vector<16xi32>
      %mul3A_2317 = arith.muli %iota3A, %mul3A_2316 : vector<16xi32>
      %mul3A_2318 = arith.constant 8 : i32
      %mul3A_2319 = arith.muli %add3A_2199, %mul3A_2318 : i32
      %add3A_2320 = arith.constant 2 : i32
      %add3A_2321 = arith.addi %mul3A_2319, %add3A_2320 : i32
      %add3A_2322 = vector.broadcast %add3A_2321 : i32 to vector<16xi32>
      %add3A_2323 = arith.addi %mul3A_2317, %add3A_2322 : vector<16xi32>
      %ge3A_2324 = arith.constant 999936 : i32
      %ge3A_2325 = arith.cmpi sge, %squeeze3A_2307, %ge3A_2324 : i32
      %mul3A_2326 = arith.constant 0 : i32
      %mul3A_2327 = vector.broadcast %mul3A_2326 : i32 to vector<16xi32>
      %mul3A_2328 = arith.muli %iota3A, %mul3A_2327 : vector<16xi32>
      %sub3A_2329 = arith.constant 999936 : i32
      %sub3A_2330 = arith.subi %squeeze3A_2307, %sub3A_2329 : i32
      %max3A_2331 = arith.constant 0 : i32
      %max3A_2332 = arith.maxsi %sub3A_2330, %max3A_2331 : i32
      %add3A_2333 = vector.broadcast %max3A_2332 : i32 to vector<16xi32>
      %add3A_2334 = arith.addi %mul3A_2328, %add3A_2333 : vector<16xi32>
      %add3A_2335 = arith.constant 0 : i32
      %add3A_2336 = vector.broadcast %add3A_2335 : i32 to vector<16xi32>
      %add3A_2337 = arith.addi %add3A_2336, %iota3A : vector<16xi32>
      %gather3A_2338 = arith.constant 10 : i32
      %gather3A_2339 = arith.constant 0 : i32
      %gather3A_2340 = arith.constant 0 : i32
      %gather3A_2341 = tpu.memref_slice %arg10[%gather3A_2338, %gather3A_2339, %gather3A_2340] : memref<24x32x128xf32, #tpu.memory_space<vmem>> -> memref<1x32x128xf32, #tpu.memory_space<vmem>>
      %gather3A_2342 = tpu.memref_squeeze %gather3A_2341 : memref<1x32x128xf32, #tpu.memory_space<vmem>> -> memref<32x128xf32, #tpu.memory_space<vmem>>
      %gather3A_2343 = tpu.vector_load_idx %gather3A_2342[%add3A_2337, %add3A_2314] : memref<32x128xf32, #tpu.memory_space<vmem>>[vector<16xi32>, vector<16xi32>], vector<16xf32>,
      %gather3A_2344 = tpu.vector_load_idx %arg11[%add3A_2337, %add3A_2334] : memref<32x64xf32, #tpu.memory_space<vmem>>[vector<16xi32>, vector<16xi32>], vector<16xf32>,
      %select_n3A_2345 = arith.select %ge3A_2325, %gather3A_2344, %gather3A_2343 : vector<16xf32>
      tpu.vector_store_idx %arg12[%add3A_2337, %add3A_2323], %select_n3A_2345 : memref<32x512xf32, #tpu.memory_space<vmem>>[vector<16xi32>, vector<16xi32>], vector<16xf32>,
      %add3A_2346 = arith.constant 16 : i32
      %add3A_2347 = vector.broadcast %add3A_2346 : i32 to vector<16xi32>
      %add3A_2348 = arith.addi %add3A_2347, %iota3A : vector<16xi32>
      %gather3A_2349 = arith.constant 10 : i32
      %gather3A_2350 = arith.constant 0 : i32
      %gather3A_2351 = arith.constant 0 : i32
      %gather3A_2352 = tpu.memref_slice %arg10[%gather3A_2349, %gather3A_2350, %gather3A_2351] : memref<24x32x128xf32, #tpu.memory_space<vmem>> -> memref<1x32x128xf32, #tpu.memory_space<vmem>>
      %gather3A_2353 = tpu.memref_squeeze %gather3A_2352 : memref<1x32x128xf32, #tpu.memory_space<vmem>> -> memref<32x128xf32, #tpu.memory_space<vmem>>
      %gather3A_2354 = tpu.vector_load_idx %gather3A_2353[%add3A_2348, %add3A_2314] : memref<32x128xf32, #tpu.memory_space<vmem>>[vector<16xi32>, vector<16xi32>], vector<16xf32>,
      %gather3A_2355 = tpu.vector_load_idx %arg11[%add3A_2348, %add3A_2334] : memref<32x64xf32, #tpu.memory_space<vmem>>[vector<16xi32>, vector<16xi32>], vector<16xf32>,
      %select_n3A_2356 = arith.select %ge3A_2325, %gather3A_2355, %gather3A_2354 : vector<16xf32>
      tpu.vector_store_idx %arg12[%add3A_2348, %add3A_2323], %select_n3A_2356 : memref<32x512xf32, #tpu.memory_space<vmem>>[vector<16xi32>, vector<16xi32>], vector<16xf32>,
      %slice3A_2357 = vector.extract_strided_slice %get3A_2203 {offsets = [3], sizes = [1], strides = [1]} : vector<16xi32> to vector<1xi32>
      %squeeze3A_2358 = vector.extract %slice3A_2357[0] : i32 from vector<1xi32>
      %mul3A_2359 = arith.constant 0 : i32
      %mul3A_2360 = vector.broadcast %mul3A_2359 : i32 to vector<16xi32>
      %mul3A_2361 = arith.muli %iota3A, %mul3A_2360 : vector<16xi32>
      %and3A_2362 = arith.constant 127 : i32
      %and3A_2363 = arith.andi %squeeze3A_2358, %and3A_2362 : i32
      %add3A_2364 = vector.broadcast %and3A_2363 : i32 to vector<16xi32>
      %add3A_2365 = arith.addi %mul3A_2361, %add3A_2364 : vector<16xi32>
      %mul3A_2366 = arith.constant 0 : i32
      %mul3A_2367 = vector.broadcast %mul3A_2366 : i32 to vector<16xi32>
      %mul3A_2368 = arith.muli %iota3A, %mul3A_2367 : vector<16xi32>
      %mul3A_2369 = arith.constant 8 : i32
      %mul3A_2370 = arith.muli %add3A_2199, %mul3A_2369 : i32
      %add3A_2371 = arith.constant 3 : i32
      %add3A_2372 = arith.addi %mul3A_2370, %add3A_2371 : i32
      %add3A_2373 = vector.broadcast %add3A_2372 : i32 to vector<16xi32>
      %add3A_2374 = arith.addi %mul3A_2368, %add3A_2373 : vector<16xi32>
      %ge3A_2375 = arith.constant 999936 : i32
      %ge3A_2376 = arith.cmpi sge, %squeeze3A_2358, %ge3A_2375 : i32
      %mul3A_2377 = arith.constant 0 : i32
      %mul3A_2378 = vector.broadcast %mul3A_2377 : i32 to vector<16xi32>
      %mul3A_2379 = arith.muli %iota3A, %mul3A_2378 : vector<16xi32>
      %sub3A_2380 = arith.constant 999936 : i32
      %sub3A_2381 = arith.subi %squeeze3A_2358, %sub3A_2380 : i32
      %max3A_2382 = arith.constant 0 : i32
      %max3A_2383 = arith.maxsi %sub3A_2381, %max3A_2382 : i32
      %add3A_2384 = vector.broadcast %max3A_2383 : i32 to vector<16xi32>
      %add3A_2385 = arith.addi %mul3A_2379, %add3A_2384 : vector<16xi32>
      %add3A_2386 = arith.constant 0 : i32
      %add3A_2387 = vector.broadcast %add3A_2386 : i32 to vector<16xi32>
      %add3A_2388 = arith.addi %add3A_2387, %iota3A : vector<16xi32>
      %gather3A_2389 = arith.constant 11 : i32
      %gather3A_2390 = arith.constant 0 : i32
      %gather3A_2391 = arith.constant 0 : i32
      %gather3A_2392 = tpu.memref_slice %arg10[%gather3A_2389, %gather3A_2390, %gather3A_2391] : memref<24x32x128xf32, #tpu.memory_space<vmem>> -> memref<1x32x128xf32, #tpu.memory_space<vmem>>
      %gather3A_2393 = tpu.memref_squeeze %gather3A_2392 : memref<1x32x128xf32, #tpu.memory_space<vmem>> -> memref<32x128xf32, #tpu.memory_space<vmem>>
      %gather3A_2394 = tpu.vector_load_idx %gather3A_2393[%add3A_2388, %add3A_2365] : memref<32x128xf32, #tpu.memory_space<vmem>>[vector<16xi32>, vector<16xi32>], vector<16xf32>,
      %gather3A_2395 = tpu.vector_load_idx %arg11[%add3A_2388, %add3A_2385] : memref<32x64xf32, #tpu.memory_space<vmem>>[vector<16xi32>, vector<16xi32>], vector<16xf32>,
      %select_n3A_2396 = arith.select %ge3A_2376, %gather3A_2395, %gather3A_2394 : vector<16xf32>
      tpu.vector_store_idx %arg12[%add3A_2388, %add3A_2374], %select_n3A_2396 : memref<32x512xf32, #tpu.memory_space<vmem>>[vector<16xi32>, vector<16xi32>], vector<16xf32>,
      %add3A_2397 = arith.constant 16 : i32
      %add3A_2398 = vector.broadcast %add3A_2397 : i32 to vector<16xi32>
      %add3A_2399 = arith.addi %add3A_2398, %iota3A : vector<16xi32>
      %gather3A_2400 = arith.constant 11 : i32
      %gather3A_2401 = arith.constant 0 : i32
      %gather3A_2402 = arith.constant 0 : i32
      %gather3A_2403 = tpu.memref_slice %arg10[%gather3A_2400, %gather3A_2401, %gather3A_2402] : memref<24x32x128xf32, #tpu.memory_space<vmem>> -> memref<1x32x128xf32, #tpu.memory_space<vmem>>
      %gather3A_2404 = tpu.memref_squeeze %gather3A_2403 : memref<1x32x128xf32, #tpu.memory_space<vmem>> -> memref<32x128xf32, #tpu.memory_space<vmem>>
      %gather3A_2405 = tpu.vector_load_idx %gather3A_2404[%add3A_2399, %add3A_2365] : memref<32x128xf32, #tpu.memory_space<vmem>>[vector<16xi32>, vector<16xi32>], vector<16xf32>,
      %gather3A_2406 = tpu.vector_load_idx %arg11[%add3A_2399, %add3A_2385] : memref<32x64xf32, #tpu.memory_space<vmem>>[vector<16xi32>, vector<16xi32>], vector<16xf32>,
      %select_n3A_2407 = arith.select %ge3A_2376, %gather3A_2406, %gather3A_2405 : vector<16xf32>
      tpu.vector_store_idx %arg12[%add3A_2399, %add3A_2374], %select_n3A_2407 : memref<32x512xf32, #tpu.memory_space<vmem>>[vector<16xi32>, vector<16xi32>], vector<16xf32>,
      %slice3A_2408 = vector.extract_strided_slice %get3A_2203 {offsets = [4], sizes = [1], strides = [1]} : vector<16xi32> to vector<1xi32>
      %squeeze3A_2409 = vector.extract %slice3A_2408[0] : i32 from vector<1xi32>
      %mul3A_2410 = arith.constant 0 : i32
      %mul3A_2411 = vector.broadcast %mul3A_2410 : i32 to vector<16xi32>
      %mul3A_2412 = arith.muli %iota3A, %mul3A_2411 : vector<16xi32>
      %and3A_2413 = arith.constant 127 : i32
      %and3A_2414 = arith.andi %squeeze3A_2409, %and3A_2413 : i32
      %add3A_2415 = vector.broadcast %and3A_2414 : i32 to vector<16xi32>
      %add3A_2416 = arith.addi %mul3A_2412, %add3A_2415 : vector<16xi32>
      %mul3A_2417 = arith.constant 0 : i32
      %mul3A_2418 = vector.broadcast %mul3A_2417 : i32 to vector<16xi32>
      %mul3A_2419 = arith.muli %iota3A, %mul3A_2418 : vector<16xi32>
      %mul3A_2420 = arith.constant 8 : i32
      %mul3A_2421 = arith.muli %add3A_2199, %mul3A_2420 : i32
      %add3A_2422 = arith.constant 4 : i32
      %add3A_2423 = arith.addi %mul3A_2421, %add3A_2422 : i32
      %add3A_2424 = vector.broadcast %add3A_2423 : i32 to vector<16xi32>
      %add3A_2425 = arith.addi %mul3A_2419, %add3A_2424 : vector<16xi32>
      %ge3A_2426 = arith.constant 999936 : i32
      %ge3A_2427 = arith.cmpi sge, %squeeze3A_2409, %ge3A_2426 : i32
      %mul3A_2428 = arith.constant 0 : i32
      %mul3A_2429 = vector.broadcast %mul3A_2428 : i32 to vector<16xi32>
      %mul3A_2430 = arith.muli %iota3A, %mul3A_2429 : vector<16xi32>
      %sub3A_2431 = arith.constant 999936 : i32
      %sub3A_2432 = arith.subi %squeeze3A_2409, %sub3A_2431 : i32
      %max3A_2433 = arith.constant 0 : i32
      %max3A_2434 = arith.maxsi %sub3A_2432, %max3A_2433 : i32
      %add3A_2435 = vector.broadcast %max3A_2434 : i32 to vector<16xi32>
      %add3A_2436 = arith.addi %mul3A_2430, %add3A_2435 : vector<16xi32>
      %add3A_2437 = arith.constant 0 : i32
      %add3A_2438 = vector.broadcast %add3A_2437 : i32 to vector<16xi32>
      %add3A_2439 = arith.addi %add3A_2438, %iota3A : vector<16xi32>
      %gather3A_2440 = arith.constant 12 : i32
      %gather3A_2441 = arith.constant 0 : i32
      %gather3A_2442 = arith.constant 0 : i32
      %gather3A_2443 = tpu.memref_slice %arg10[%gather3A_2440, %gather3A_2441, %gather3A_2442] : memref<24x32x128xf32, #tpu.memory_space<vmem>> -> memref<1x32x128xf32, #tpu.memory_space<vmem>>
      %gather3A_2444 = tpu.memref_squeeze %gather3A_2443 : memref<1x32x128xf32, #tpu.memory_space<vmem>> -> memref<32x128xf32, #tpu.memory_space<vmem>>
      %gather3A_2445 = tpu.vector_load_idx %gather3A_2444[%add3A_2439, %add3A_2416] : memref<32x128xf32, #tpu.memory_space<vmem>>[vector<16xi32>, vector<16xi32>], vector<16xf32>,
      %gather3A_2446 = tpu.vector_load_idx %arg11[%add3A_2439, %add3A_2436] : memref<32x64xf32, #tpu.memory_space<vmem>>[vector<16xi32>, vector<16xi32>], vector<16xf32>,
      %select_n3A_2447 = arith.select %ge3A_2427, %gather3A_2446, %gather3A_2445 : vector<16xf32>
      tpu.vector_store_idx %arg12[%add3A_2439, %add3A_2425], %select_n3A_2447 : memref<32x512xf32, #tpu.memory_space<vmem>>[vector<16xi32>, vector<16xi32>], vector<16xf32>,
      %add3A_2448 = arith.constant 16 : i32
      %add3A_2449 = vector.broadcast %add3A_2448 : i32 to vector<16xi32>
      %add3A_2450 = arith.addi %add3A_2449, %iota3A : vector<16xi32>
      %gather3A_2451 = arith.constant 12 : i32
      %gather3A_2452 = arith.constant 0 : i32
      %gather3A_2453 = arith.constant 0 : i32
      %gather3A_2454 = tpu.memref_slice %arg10[%gather3A_2451, %gather3A_2452, %gather3A_2453] : memref<24x32x128xf32, #tpu.memory_space<vmem>> -> memref<1x32x128xf32, #tpu.memory_space<vmem>>
      %gather3A_2455 = tpu.memref_squeeze %gather3A_2454 : memref<1x32x128xf32, #tpu.memory_space<vmem>> -> memref<32x128xf32, #tpu.memory_space<vmem>>
      %gather3A_2456 = tpu.vector_load_idx %gather3A_2455[%add3A_2450, %add3A_2416] : memref<32x128xf32, #tpu.memory_space<vmem>>[vector<16xi32>, vector<16xi32>], vector<16xf32>,
      %gather3A_2457 = tpu.vector_load_idx %arg11[%add3A_2450, %add3A_2436] : memref<32x64xf32, #tpu.memory_space<vmem>>[vector<16xi32>, vector<16xi32>], vector<16xf32>,
      %select_n3A_2458 = arith.select %ge3A_2427, %gather3A_2457, %gather3A_2456 : vector<16xf32>
      tpu.vector_store_idx %arg12[%add3A_2450, %add3A_2425], %select_n3A_2458 : memref<32x512xf32, #tpu.memory_space<vmem>>[vector<16xi32>, vector<16xi32>], vector<16xf32>,
      %slice3A_2459 = vector.extract_strided_slice %get3A_2203 {offsets = [5], sizes = [1], strides = [1]} : vector<16xi32> to vector<1xi32>
      %squeeze3A_2460 = vector.extract %slice3A_2459[0] : i32 from vector<1xi32>
      %mul3A_2461 = arith.constant 0 : i32
      %mul3A_2462 = vector.broadcast %mul3A_2461 : i32 to vector<16xi32>
      %mul3A_2463 = arith.muli %iota3A, %mul3A_2462 : vector<16xi32>
      %and3A_2464 = arith.constant 127 : i32
      %and3A_2465 = arith.andi %squeeze3A_2460, %and3A_2464 : i32
      %add3A_2466 = vector.broadcast %and3A_2465 : i32 to vector<16xi32>
      %add3A_2467 = arith.addi %mul3A_2463, %add3A_2466 : vector<16xi32>
      %mul3A_2468 = arith.constant 0 : i32
      %mul3A_2469 = vector.broadcast %mul3A_2468 : i32 to vector<16xi32>
      %mul3A_2470 = arith.muli %iota3A, %mul3A_2469 : vector<16xi32>
      %mul3A_2471 = arith.constant 8 : i32
      %mul3A_2472 = arith.muli %add3A_2199, %mul3A_2471 : i32
      %add3A_2473 = arith.constant 5 : i32
      %add3A_2474 = arith.addi %mul3A_2472, %add3A_2473 : i32
      %add3A_2475 = vector.broadcast %add3A_2474 : i32 to vector<16xi32>
      %add3A_2476 = arith.addi %mul3A_2470, %add3A_2475 : vector<16xi32>
      %ge3A_2477 = arith.constant 999936 : i32
      %ge3A_2478 = arith.cmpi sge, %squeeze3A_2460, %ge3A_2477 : i32
      %mul3A_2479 = arith.constant 0 : i32
      %mul3A_2480 = vector.broadcast %mul3A_2479 : i32 to vector<16xi32>
      %mul3A_2481 = arith.muli %iota3A, %mul3A_2480 : vector<16xi32>
      %sub3A_2482 = arith.constant 999936 : i32
      %sub3A_2483 = arith.subi %squeeze3A_2460, %sub3A_2482 : i32
      %max3A_2484 = arith.constant 0 : i32
      %max3A_2485 = arith.maxsi %sub3A_2483, %max3A_2484 : i32
      %add3A_2486 = vector.broadcast %max3A_2485 : i32 to vector<16xi32>
      %add3A_2487 = arith.addi %mul3A_2481, %add3A_2486 : vector<16xi32>
      %add3A_2488 = arith.constant 0 : i32
      %add3A_2489 = vector.broadcast %add3A_2488 : i32 to vector<16xi32>
      %add3A_2490 = arith.addi %add3A_2489, %iota3A : vector<16xi32>
      %gather3A_2491 = arith.constant 13 : i32
      %gather3A_2492 = arith.constant 0 : i32
      %gather3A_2493 = arith.constant 0 : i32
      %gather3A_2494 = tpu.memref_slice %arg10[%gather3A_2491, %gather3A_2492, %gather3A_2493] : memref<24x32x128xf32, #tpu.memory_space<vmem>> -> memref<1x32x128xf32, #tpu.memory_space<vmem>>
      %gather3A_2495 = tpu.memref_squeeze %gather3A_2494 : memref<1x32x128xf32, #tpu.memory_space<vmem>> -> memref<32x128xf32, #tpu.memory_space<vmem>>
      %gather3A_2496 = tpu.vector_load_idx %gather3A_2495[%add3A_2490, %add3A_2467] : memref<32x128xf32, #tpu.memory_space<vmem>>[vector<16xi32>, vector<16xi32>], vector<16xf32>,
      %gather3A_2497 = tpu.vector_load_idx %arg11[%add3A_2490, %add3A_2487] : memref<32x64xf32, #tpu.memory_space<vmem>>[vector<16xi32>, vector<16xi32>], vector<16xf32>,
      %select_n3A_2498 = arith.select %ge3A_2478, %gather3A_2497, %gather3A_2496 : vector<16xf32>
      tpu.vector_store_idx %arg12[%add3A_2490, %add3A_2476], %select_n3A_2498 : memref<32x512xf32, #tpu.memory_space<vmem>>[vector<16xi32>, vector<16xi32>], vector<16xf32>,
      %add3A_2499 = arith.constant 16 : i32
      %add3A_2500 = vector.broadcast %add3A_2499 : i32 to vector<16xi32>
      %add3A_2501 = arith.addi %add3A_2500, %iota3A : vector<16xi32>
      %gather3A_2502 = arith.constant 13 : i32
      %gather3A_2503 = arith.constant 0 : i32
      %gather3A_2504 = arith.constant 0 : i32
      %gather3A_2505 = tpu.memref_slice %arg10[%gather3A_2502, %gather3A_2503, %gather3A_2504] : memref<24x32x128xf32, #tpu.memory_space<vmem>> -> memref<1x32x128xf32, #tpu.memory_space<vmem>>
      %gather3A_2506 = tpu.memref_squeeze %gather3A_2505 : memref<1x32x128xf32, #tpu.memory_space<vmem>> -> memref<32x128xf32, #tpu.memory_space<vmem>>
      %gather3A_2507 = tpu.vector_load_idx %gather3A_2506[%add3A_2501, %add3A_2467] : memref<32x128xf32, #tpu.memory_space<vmem>>[vector<16xi32>, vector<16xi32>], vector<16xf32>,
      %gather3A_2508 = tpu.vector_load_idx %arg11[%add3A_2501, %add3A_2487] : memref<32x64xf32, #tpu.memory_space<vmem>>[vector<16xi32>, vector<16xi32>], vector<16xf32>,
      %select_n3A_2509 = arith.select %ge3A_2478, %gather3A_2508, %gather3A_2507 : vector<16xf32>
      tpu.vector_store_idx %arg12[%add3A_2501, %add3A_2476], %select_n3A_2509 : memref<32x512xf32, #tpu.memory_space<vmem>>[vector<16xi32>, vector<16xi32>], vector<16xf32>,
      %slice3A_2510 = vector.extract_strided_slice %get3A_2203 {offsets = [6], sizes = [1], strides = [1]} : vector<16xi32> to vector<1xi32>
      %squeeze3A_2511 = vector.extract %slice3A_2510[0] : i32 from vector<1xi32>
      %mul3A_2512 = arith.constant 0 : i32
      %mul3A_2513 = vector.broadcast %mul3A_2512 : i32 to vector<16xi32>
      %mul3A_2514 = arith.muli %iota3A, %mul3A_2513 : vector<16xi32>
      %and3A_2515 = arith.constant 127 : i32
      %and3A_2516 = arith.andi %squeeze3A_2511, %and3A_2515 : i32
      %add3A_2517 = vector.broadcast %and3A_2516 : i32 to vector<16xi32>
      %add3A_2518 = arith.addi %mul3A_2514, %add3A_2517 : vector<16xi32>
      %mul3A_2519 = arith.constant 0 : i32
      %mul3A_2520 = vector.broadcast %mul3A_2519 : i32 to vector<16xi32>
      %mul3A_2521 = arith.muli %iota3A, %mul3A_2520 : vector<16xi32>
      %mul3A_2522 = arith.constant 8 : i32
      %mul3A_2523 = arith.muli %add3A_2199, %mul3A_2522 : i32
      %add3A_2524 = arith.constant 6 : i32
      %add3A_2525 = arith.addi %mul3A_2523, %add3A_2524 : i32
      %add3A_2526 = vector.broadcast %add3A_2525 : i32 to vector<16xi32>
      %add3A_2527 = arith.addi %mul3A_2521, %add3A_2526 : vector<16xi32>
      %ge3A_2528 = arith.constant 999936 : i32
      %ge3A_2529 = arith.cmpi sge, %squeeze3A_2511, %ge3A_2528 : i32
      %mul3A_2530 = arith.constant 0 : i32
      %mul3A_2531 = vector.broadcast %mul3A_2530 : i32 to vector<16xi32>
      %mul3A_2532 = arith.muli %iota3A, %mul3A_2531 : vector<16xi32>
      %sub3A_2533 = arith.constant 999936 : i32
      %sub3A_2534 = arith.subi %squeeze3A_2511, %sub3A_2533 : i32
      %max3A_2535 = arith.constant 0 : i32
      %max3A_2536 = arith.maxsi %sub3A_2534, %max3A_2535 : i32
      %add3A_2537 = vector.broadcast %max3A_2536 : i32 to vector<16xi32>
      %add3A_2538 = arith.addi %mul3A_2532, %add3A_2537 : vector<16xi32>
      %add3A_2539 = arith.constant 0 : i32
      %add3A_2540 = vector.broadcast %add3A_2539 : i32 to vector<16xi32>
      %add3A_2541 = arith.addi %add3A_2540, %iota3A : vector<16xi32>
      %gather3A_2542 = arith.constant 14 : i32
      %gather3A_2543 = arith.constant 0 : i32
      %gather3A_2544 = arith.constant 0 : i32
      %gather3A_2545 = tpu.memref_slice %arg10[%gather3A_2542, %gather3A_2543, %gather3A_2544] : memref<24x32x128xf32, #tpu.memory_space<vmem>> -> memref<1x32x128xf32, #tpu.memory_space<vmem>>
      %gather3A_2546 = tpu.memref_squeeze %gather3A_2545 : memref<1x32x128xf32, #tpu.memory_space<vmem>> -> memref<32x128xf32, #tpu.memory_space<vmem>>
      %gather3A_2547 = tpu.vector_load_idx %gather3A_2546[%add3A_2541, %add3A_2518] : memref<32x128xf32, #tpu.memory_space<vmem>>[vector<16xi32>, vector<16xi32>], vector<16xf32>,
      %gather3A_2548 = tpu.vector_load_idx %arg11[%add3A_2541, %add3A_2538] : memref<32x64xf32, #tpu.memory_space<vmem>>[vector<16xi32>, vector<16xi32>], vector<16xf32>,
      %select_n3A_2549 = arith.select %ge3A_2529, %gather3A_2548, %gather3A_2547 : vector<16xf32>
      tpu.vector_store_idx %arg12[%add3A_2541, %add3A_2527], %select_n3A_2549 : memref<32x512xf32, #tpu.memory_space<vmem>>[vector<16xi32>, vector<16xi32>], vector<16xf32>,
      %add3A_2550 = arith.constant 16 : i32
      %add3A_2551 = vector.broadcast %add3A_2550 : i32 to vector<16xi32>
      %add3A_2552 = arith.addi %add3A_2551, %iota3A : vector<16xi32>
      %gather3A_2553 = arith.constant 14 : i32
      %gather3A_2554 = arith.constant 0 : i32
      %gather3A_2555 = arith.constant 0 : i32
      %gather3A_2556 = tpu.memref_slice %arg10[%gather3A_2553, %gather3A_2554, %gather3A_2555] : memref<24x32x128xf32, #tpu.memory_space<vmem>> -> memref<1x32x128xf32, #tpu.memory_space<vmem>>
      %gather3A_2557 = tpu.memref_squeeze %gather3A_2556 : memref<1x32x128xf32, #tpu.memory_space<vmem>> -> memref<32x128xf32, #tpu.memory_space<vmem>>
      %gather3A_2558 = tpu.vector_load_idx %gather3A_2557[%add3A_2552, %add3A_2518] : memref<32x128xf32, #tpu.memory_space<vmem>>[vector<16xi32>, vector<16xi32>], vector<16xf32>,
      %gather3A_2559 = tpu.vector_load_idx %arg11[%add3A_2552, %add3A_2538] : memref<32x64xf32, #tpu.memory_space<vmem>>[vector<16xi32>, vector<16xi32>], vector<16xf32>,
      %select_n3A_2560 = arith.select %ge3A_2529, %gather3A_2559, %gather3A_2558 : vector<16xf32>
      tpu.vector_store_idx %arg12[%add3A_2552, %add3A_2527], %select_n3A_2560 : memref<32x512xf32, #tpu.memory_space<vmem>>[vector<16xi32>, vector<16xi32>], vector<16xf32>,
      %slice3A_2561 = vector.extract_strided_slice %get3A_2203 {offsets = [7], sizes = [1], strides = [1]} : vector<16xi32> to vector<1xi32>
      %squeeze3A_2562 = vector.extract %slice3A_2561[0] : i32 from vector<1xi32>
      %mul3A_2563 = arith.constant 0 : i32
      %mul3A_2564 = vector.broadcast %mul3A_2563 : i32 to vector<16xi32>
      %mul3A_2565 = arith.muli %iota3A, %mul3A_2564 : vector<16xi32>
      %and3A_2566 = arith.constant 127 : i32
      %and3A_2567 = arith.andi %squeeze3A_2562, %and3A_2566 : i32
      %add3A_2568 = vector.broadcast %and3A_2567 : i32 to vector<16xi32>
      %add3A_2569 = arith.addi %mul3A_2565, %add3A_2568 : vector<16xi32>
      %mul3A_2570 = arith.constant 0 : i32
      %mul3A_2571 = vector.broadcast %mul3A_2570 : i32 to vector<16xi32>
      %mul3A_2572 = arith.muli %iota3A, %mul3A_2571 : vector<16xi32>
      %mul3A_2573 = arith.constant 8 : i32
      %mul3A_2574 = arith.muli %add3A_2199, %mul3A_2573 : i32
      %add3A_2575 = arith.constant 7 : i32
      %add3A_2576 = arith.addi %mul3A_2574, %add3A_2575 : i32
      %add3A_2577 = vector.broadcast %add3A_2576 : i32 to vector<16xi32>
      %add3A_2578 = arith.addi %mul3A_2572, %add3A_2577 : vector<16xi32>
      %ge3A_2579 = arith.constant 999936 : i32
      %ge3A_2580 = arith.cmpi sge, %squeeze3A_2562, %ge3A_2579 : i32
      %mul3A_2581 = arith.constant 0 : i32
      %mul3A_2582 = vector.broadcast %mul3A_2581 : i32 to vector<16xi32>
      %mul3A_2583 = arith.muli %iota3A, %mul3A_2582 : vector<16xi32>
      %sub3A_2584 = arith.constant 999936 : i32
      %sub3A_2585 = arith.subi %squeeze3A_2562, %sub3A_2584 : i32
      %max3A_2586 = arith.constant 0 : i32
      %max3A_2587 = arith.maxsi %sub3A_2585, %max3A_2586 : i32
      %add3A_2588 = vector.broadcast %max3A_2587 : i32 to vector<16xi32>
      %add3A_2589 = arith.addi %mul3A_2583, %add3A_2588 : vector<16xi32>
      %add3A_2590 = arith.constant 0 : i32
      %add3A_2591 = vector.broadcast %add3A_2590 : i32 to vector<16xi32>
      %add3A_2592 = arith.addi %add3A_2591, %iota3A : vector<16xi32>
      %gather3A_2593 = arith.constant 15 : i32
      %gather3A_2594 = arith.constant 0 : i32
      %gather3A_2595 = arith.constant 0 : i32
      %gather3A_2596 = tpu.memref_slice %arg10[%gather3A_2593, %gather3A_2594, %gather3A_2595] : memref<24x32x128xf32, #tpu.memory_space<vmem>> -> memref<1x32x128xf32, #tpu.memory_space<vmem>>
      %gather3A_2597 = tpu.memref_squeeze %gather3A_2596 : memref<1x32x128xf32, #tpu.memory_space<vmem>> -> memref<32x128xf32, #tpu.memory_space<vmem>>
      %gather3A_2598 = tpu.vector_load_idx %gather3A_2597[%add3A_2592, %add3A_2569] : memref<32x128xf32, #tpu.memory_space<vmem>>[vector<16xi32>, vector<16xi32>], vector<16xf32>,
      %gather3A_2599 = tpu.vector_load_idx %arg11[%add3A_2592, %add3A_2589] : memref<32x64xf32, #tpu.memory_space<vmem>>[vector<16xi32>, vector<16xi32>], vector<16xf32>,
      %select_n3A_2600 = arith.select %ge3A_2580, %gather3A_2599, %gather3A_2598 : vector<16xf32>
      tpu.vector_store_idx %arg12[%add3A_2592, %add3A_2578], %select_n3A_2600 : memref<32x512xf32, #tpu.memory_space<vmem>>[vector<16xi32>, vector<16xi32>], vector<16xf32>,
      %add3A_2601 = arith.constant 16 : i32
      %add3A_2602 = vector.broadcast %add3A_2601 : i32 to vector<16xi32>
      %add3A_2603 = arith.addi %add3A_2602, %iota3A : vector<16xi32>
      %gather3A_2604 = arith.constant 15 : i32
      %gather3A_2605 = arith.constant 0 : i32
      %gather3A_2606 = arith.constant 0 : i32
      %gather3A_2607 = tpu.memref_slice %arg10[%gather3A_2604, %gather3A_2605, %gather3A_2606] : memref<24x32x128xf32, #tpu.memory_space<vmem>> -> memref<1x32x128xf32, #tpu.memory_space<vmem>>
      %gather3A_2608 = tpu.memref_squeeze %gather3A_2607 : memref<1x32x128xf32, #tpu.memory_space<vmem>> -> memref<32x128xf32, #tpu.memory_space<vmem>>
      %gather3A_2609 = tpu.vector_load_idx %gather3A_2608[%add3A_2603, %add3A_2569] : memref<32x128xf32, #tpu.memory_space<vmem>>[vector<16xi32>, vector<16xi32>], vector<16xf32>,
      %gather3A_2610 = tpu.vector_load_idx %arg11[%add3A_2603, %add3A_2589] : memref<32x64xf32, #tpu.memory_space<vmem>>[vector<16xi32>, vector<16xi32>], vector<16xf32>,
      %select_n3A_2611 = arith.select %ge3A_2580, %gather3A_2610, %gather3A_2609 : vector<16xf32>
      tpu.vector_store_idx %arg12[%add3A_2603, %add3A_2578], %select_n3A_2611 : memref<32x512xf32, #tpu.memory_space<vmem>>[vector<16xi32>, vector<16xi32>], vector<16xf32>,
      %add3A_2612 = arith.constant 1 : i32
      %add3A_2613 = arith.addi %mul3A_1537, %add3A_2612 : i32
      %add3A_2614 = arith.constant 3 : i32
      %add3A_2615 = arith.addi %add3A_2613, %add3A_2614 : i32
      %lt3A_2616 = arith.constant 64 : i32
      %lt3A_2617 = arith.cmpi slt, %add3A_2615, %lt3A_2616 : i32
      %convert_element_type3A_2618 = arith.extui %lt3A_2617 : i1 to i32
      %cond3A_2619 = arith.constant 0 : i32
      %cond3A_2620 = arith.cmpi ne, %convert_element_type3A_2618, %cond3A_2619 : i32
      scf.if %cond3A_2620 {
        %add3A_3165 = arith.constant 1 : i32
        %add3A_3166 = arith.addi %mul3A_1537, %add3A_3165 : i32
        %add3A_3167 = arith.constant 3 : i32
        %add3A_3168 = arith.addi %add3A_3166, %add3A_3167 : i32
        %mul3A_3169 = arith.constant 8 : i32
        %mul3A_3170 = arith.muli %add3A_3168, %mul3A_3169 : i32
        %get3A_3171 = arith.index_cast %mul3A_3170 : i32 to index
        %get3A_3172 = tpu.vector_load %arg9[%get3A_3171] {strides = array<i32>} : memref<544xi32, #tpu.memory_space<vmem>>, vector<16xi32>,
        %slice3A_3173 = vector.extract_strided_slice %get3A_3172 {offsets = [0], sizes = [1], strides = [1]} : vector<16xi32> to vector<1xi32>
        %squeeze3A_3174 = vector.extract %slice3A_3173[0] : i32 from vector<1xi32>
        %mul3A_3175 = arith.constant 128 : i32
        %mul3A_3176 = arith.muli %squeeze3A_3174, %mul3A_3175 : i32
        %multiple_of3A_3177 = tpu.assume_multiple %mul3A_3176, 128 : i32
        %dma_start3A_3178 = arith.constant 8 : i32
        %dma_start3A_3179 = arith.constant 0 : i32
        %dma_start3A_3180 = arith.constant 0 : i32
        %dma_start3A_3181 = tpu.memref_slice %arg10[%dma_start3A_3178, %dma_start3A_3179, %dma_start3A_3180] : memref<24x32x128xf32, #tpu.memory_space<vmem>> -> memref<1x32x128xf32, #tpu.memory_space<vmem>>
        %dma_start3A_3182 = tpu.memref_squeeze %dma_start3A_3181 : memref<1x32x128xf32, #tpu.memory_space<vmem>> -> memref<32x128xf32, #tpu.memory_space<vmem>>
        %dma_start3A_3183 = arith.constant 0 : i32
        %dma_start3A_3184 = tpu.memref_slice %arg4[%dma_start3A_3183, %multiple_of3A_3177] : memref<32x1000000xf32, #tpu.memory_space<hbm>> -> memref<32x128xf32, #tpu.memory_space<hbm>>
        %dma_start3A_3185 = arith.constant 0 : i32
        %dma_start3A_3186 = arith.constant 0 : i32
        %dma_start3A_3187 = tpu.memref_slice %arg10[%dma_start3A_3178, %dma_start3A_3185, %dma_start3A_3186] : memref<24x32x128xf32, #tpu.memory_space<vmem>> -> memref<1x32x128xf32, #tpu.memory_space<vmem>>
        %dma_start3A_3188 = tpu.memref_squeeze %dma_start3A_3187 : memref<1x32x128xf32, #tpu.memory_space<vmem>> -> memref<32x128xf32, #tpu.memory_space<vmem>>
        %dma_start3A_3189 = arith.constant 0 : i32
        %dma_start3A_3190 = tpu.memref_slice %arg4[%dma_start3A_3189, %multiple_of3A_3177] : memref<32x1000000xf32, #tpu.memory_space<hbm>> -> memref<32x128xf32, #tpu.memory_space<hbm>>
        tpu.enqueue_dma source(%dma_start3A_3190 : memref<32x128xf32, #tpu.memory_space<hbm>>) target(%dma_start3A_3188 : memref<32x128xf32, #tpu.memory_space<vmem>>) target_semaphore(%arg14 : memref<!tpu.dma_semaphore, #tpu.memory_space<semaphore_mem>>)
        %slice3A_3191 = vector.extract_strided_slice %get3A_3172 {offsets = [1], sizes = [1], strides = [1]} : vector<16xi32> to vector<1xi32>
        %squeeze3A_3192 = vector.extract %slice3A_3191[0] : i32 from vector<1xi32>
        %mul3A_3193 = arith.constant 128 : i32
        %mul3A_3194 = arith.muli %squeeze3A_3192, %mul3A_3193 : i32
        %multiple_of3A_3195 = tpu.assume_multiple %mul3A_3194, 128 : i32
        %dma_start3A_3196 = arith.constant 9 : i32
        %dma_start3A_3197 = arith.constant 0 : i32
        %dma_start3A_3198 = arith.constant 0 : i32
        %dma_start3A_3199 = tpu.memref_slice %arg10[%dma_start3A_3196, %dma_start3A_3197, %dma_start3A_3198] : memref<24x32x128xf32, #tpu.memory_space<vmem>> -> memref<1x32x128xf32, #tpu.memory_space<vmem>>
        %dma_start3A_3200 = tpu.memref_squeeze %dma_start3A_3199 : memref<1x32x128xf32, #tpu.memory_space<vmem>> -> memref<32x128xf32, #tpu.memory_space<vmem>>
        %dma_start3A_3201 = arith.constant 0 : i32
        %dma_start3A_3202 = tpu.memref_slice %arg4[%dma_start3A_3201, %multiple_of3A_3195] : memref<32x1000000xf32, #tpu.memory_space<hbm>> -> memref<32x128xf32, #tpu.memory_space<hbm>>
        %dma_start3A_3203 = arith.constant 0 : i32
        %dma_start3A_3204 = arith.constant 0 : i32
        %dma_start3A_3205 = tpu.memref_slice %arg10[%dma_start3A_3196, %dma_start3A_3203, %dma_start3A_3204] : memref<24x32x128xf32, #tpu.memory_space<vmem>> -> memref<1x32x128xf32, #tpu.memory_space<vmem>>
        %dma_start3A_3206 = tpu.memref_squeeze %dma_start3A_3205 : memref<1x32x128xf32, #tpu.memory_space<vmem>> -> memref<32x128xf32, #tpu.memory_space<vmem>>
        %dma_start3A_3207 = arith.constant 0 : i32
        %dma_start3A_3208 = tpu.memref_slice %arg4[%dma_start3A_3207, %multiple_of3A_3195] : memref<32x1000000xf32, #tpu.memory_space<hbm>> -> memref<32x128xf32, #tpu.memory_space<hbm>>
        tpu.enqueue_dma source(%dma_start3A_3208 : memref<32x128xf32, #tpu.memory_space<hbm>>) target(%dma_start3A_3206 : memref<32x128xf32, #tpu.memory_space<vmem>>) target_semaphore(%arg14 : memref<!tpu.dma_semaphore, #tpu.memory_space<semaphore_mem>>)
        %slice3A_3209 = vector.extract_strided_slice %get3A_3172 {offsets = [2], sizes = [1], strides = [1]} : vector<16xi32> to vector<1xi32>
        %squeeze3A_3210 = vector.extract %slice3A_3209[0] : i32 from vector<1xi32>
        %mul3A_3211 = arith.constant 128 : i32
        %mul3A_3212 = arith.muli %squeeze3A_3210, %mul3A_3211 : i32
        %multiple_of3A_3213 = tpu.assume_multiple %mul3A_3212, 128 : i32
        %dma_start3A_3214 = arith.constant 10 : i32
        %dma_start3A_3215 = arith.constant 0 : i32
        %dma_start3A_3216 = arith.constant 0 : i32
        %dma_start3A_3217 = tpu.memref_slice %arg10[%dma_start3A_3214, %dma_start3A_3215, %dma_start3A_3216] : memref<24x32x128xf32, #tpu.memory_space<vmem>> -> memref<1x32x128xf32, #tpu.memory_space<vmem>>
        %dma_start3A_3218 = tpu.memref_squeeze %dma_start3A_3217 : memref<1x32x128xf32, #tpu.memory_space<vmem>> -> memref<32x128xf32, #tpu.memory_space<vmem>>
        %dma_start3A_3219 = arith.constant 0 : i32
        %dma_start3A_3220 = tpu.memref_slice %arg4[%dma_start3A_3219, %multiple_of3A_3213] : memref<32x1000000xf32, #tpu.memory_space<hbm>> -> memref<32x128xf32, #tpu.memory_space<hbm>>
        %dma_start3A_3221 = arith.constant 0 : i32
        %dma_start3A_3222 = arith.constant 0 : i32
        %dma_start3A_3223 = tpu.memref_slice %arg10[%dma_start3A_3214, %dma_start3A_3221, %dma_start3A_3222] : memref<24x32x128xf32, #tpu.memory_space<vmem>> -> memref<1x32x128xf32, #tpu.memory_space<vmem>>
        %dma_start3A_3224 = tpu.memref_squeeze %dma_start3A_3223 : memref<1x32x128xf32, #tpu.memory_space<vmem>> -> memref<32x128xf32, #tpu.memory_space<vmem>>
        %dma_start3A_3225 = arith.constant 0 : i32
        %dma_start3A_3226 = tpu.memref_slice %arg4[%dma_start3A_3225, %multiple_of3A_3213] : memref<32x1000000xf32, #tpu.memory_space<hbm>> -> memref<32x128xf32, #tpu.memory_space<hbm>>
        tpu.enqueue_dma source(%dma_start3A_3226 : memref<32x128xf32, #tpu.memory_space<hbm>>) target(%dma_start3A_3224 : memref<32x128xf32, #tpu.memory_space<vmem>>) target_semaphore(%arg14 : memref<!tpu.dma_semaphore, #tpu.memory_space<semaphore_mem>>)
        %slice3A_3227 = vector.extract_strided_slice %get3A_3172 {offsets = [3], sizes = [1], strides = [1]} : vector<16xi32> to vector<1xi32>
        %squeeze3A_3228 = vector.extract %slice3A_3227[0] : i32 from vector<1xi32>
        %mul3A_3229 = arith.constant 128 : i32
        %mul3A_3230 = arith.muli %squeeze3A_3228, %mul3A_3229 : i32
        %multiple_of3A_3231 = tpu.assume_multiple %mul3A_3230, 128 : i32
        %dma_start3A_3232 = arith.constant 11 : i32
        %dma_start3A_3233 = arith.constant 0 : i32
        %dma_start3A_3234 = arith.constant 0 : i32
        %dma_start3A_3235 = tpu.memref_slice %arg10[%dma_start3A_3232, %dma_start3A_3233, %dma_start3A_3234] : memref<24x32x128xf32, #tpu.memory_space<vmem>> -> memref<1x32x128xf32, #tpu.memory_space<vmem>>
        %dma_start3A_3236 = tpu.memref_squeeze %dma_start3A_3235 : memref<1x32x128xf32, #tpu.memory_space<vmem>> -> memref<32x128xf32, #tpu.memory_space<vmem>>
        %dma_start3A_3237 = arith.constant 0 : i32
        %dma_start3A_3238 = tpu.memref_slice %arg4[%dma_start3A_3237, %multiple_of3A_3231] : memref<32x1000000xf32, #tpu.memory_space<hbm>> -> memref<32x128xf32, #tpu.memory_space<hbm>>
        %dma_start3A_3239 = arith.constant 0 : i32
        %dma_start3A_3240 = arith.constant 0 : i32
        %dma_start3A_3241 = tpu.memref_slice %arg10[%dma_start3A_3232, %dma_start3A_3239, %dma_start3A_3240] : memref<24x32x128xf32, #tpu.memory_space<vmem>> -> memref<1x32x128xf32, #tpu.memory_space<vmem>>
        %dma_start3A_3242 = tpu.memref_squeeze %dma_start3A_3241 : memref<1x32x128xf32, #tpu.memory_space<vmem>> -> memref<32x128xf32, #tpu.memory_space<vmem>>
        %dma_start3A_3243 = arith.constant 0 : i32
        %dma_start3A_3244 = tpu.memref_slice %arg4[%dma_start3A_3243, %multiple_of3A_3231] : memref<32x1000000xf32, #tpu.memory_space<hbm>> -> memref<32x128xf32, #tpu.memory_space<hbm>>
        tpu.enqueue_dma source(%dma_start3A_3244 : memref<32x128xf32, #tpu.memory_space<hbm>>) target(%dma_start3A_3242 : memref<32x128xf32, #tpu.memory_space<vmem>>) target_semaphore(%arg14 : memref<!tpu.dma_semaphore, #tpu.memory_space<semaphore_mem>>)
        %slice3A_3245 = vector.extract_strided_slice %get3A_3172 {offsets = [4], sizes = [1], strides = [1]} : vector<16xi32> to vector<1xi32>
        %squeeze3A_3246 = vector.extract %slice3A_3245[0] : i32 from vector<1xi32>
        %mul3A_3247 = arith.constant 128 : i32
        %mul3A_3248 = arith.muli %squeeze3A_3246, %mul3A_3247 : i32
        %multiple_of3A_3249 = tpu.assume_multiple %mul3A_3248, 128 : i32
        %dma_start3A_3250 = arith.constant 12 : i32
        %dma_start3A_3251 = arith.constant 0 : i32
        %dma_start3A_3252 = arith.constant 0 : i32
        %dma_start3A_3253 = tpu.memref_slice %arg10[%dma_start3A_3250, %dma_start3A_3251, %dma_start3A_3252] : memref<24x32x128xf32, #tpu.memory_space<vmem>> -> memref<1x32x128xf32, #tpu.memory_space<vmem>>
        %dma_start3A_3254 = tpu.memref_squeeze %dma_start3A_3253 : memref<1x32x128xf32, #tpu.memory_space<vmem>> -> memref<32x128xf32, #tpu.memory_space<vmem>>
        %dma_start3A_3255 = arith.constant 0 : i32
        %dma_start3A_3256 = tpu.memref_slice %arg4[%dma_start3A_3255, %multiple_of3A_3249] : memref<32x1000000xf32, #tpu.memory_space<hbm>> -> memref<32x128xf32, #tpu.memory_space<hbm>>
        %dma_start3A_3257 = arith.constant 0 : i32
        %dma_start3A_3258 = arith.constant 0 : i32
        %dma_start3A_3259 = tpu.memref_slice %arg10[%dma_start3A_3250, %dma_start3A_3257, %dma_start3A_3258] : memref<24x32x128xf32, #tpu.memory_space<vmem>> -> memref<1x32x128xf32, #tpu.memory_space<vmem>>
        %dma_start3A_3260 = tpu.memref_squeeze %dma_start3A_3259 : memref<1x32x128xf32, #tpu.memory_space<vmem>> -> memref<32x128xf32, #tpu.memory_space<vmem>>
        %dma_start3A_3261 = arith.constant 0 : i32
        %dma_start3A_3262 = tpu.memref_slice %arg4[%dma_start3A_3261, %multiple_of3A_3249] : memref<32x1000000xf32, #tpu.memory_space<hbm>> -> memref<32x128xf32, #tpu.memory_space<hbm>>
        tpu.enqueue_dma source(%dma_start3A_3262 : memref<32x128xf32, #tpu.memory_space<hbm>>) target(%dma_start3A_3260 : memref<32x128xf32, #tpu.memory_space<vmem>>) target_semaphore(%arg14 : memref<!tpu.dma_semaphore, #tpu.memory_space<semaphore_mem>>)
        %slice3A_3263 = vector.extract_strided_slice %get3A_3172 {offsets = [5], sizes = [1], strides = [1]} : vector<16xi32> to vector<1xi32>
        %squeeze3A_3264 = vector.extract %slice3A_3263[0] : i32 from vector<1xi32>
        %mul3A_3265 = arith.constant 128 : i32
        %mul3A_3266 = arith.muli %squeeze3A_3264, %mul3A_3265 : i32
        %multiple_of3A_3267 = tpu.assume_multiple %mul3A_3266, 128 : i32
        %dma_start3A_3268 = arith.constant 13 : i32
        %dma_start3A_3269 = arith.constant 0 : i32
        %dma_start3A_3270 = arith.constant 0 : i32
        %dma_start3A_3271 = tpu.memref_slice %arg10[%dma_start3A_3268, %dma_start3A_3269, %dma_start3A_3270] : memref<24x32x128xf32, #tpu.memory_space<vmem>> -> memref<1x32x128xf32, #tpu.memory_space<vmem>>
        %dma_start3A_3272 = tpu.memref_squeeze %dma_start3A_3271 : memref<1x32x128xf32, #tpu.memory_space<vmem>> -> memref<32x128xf32, #tpu.memory_space<vmem>>
        %dma_start3A_3273 = arith.constant 0 : i32
        %dma_start3A_3274 = tpu.memref_slice %arg4[%dma_start3A_3273, %multiple_of3A_3267] : memref<32x1000000xf32, #tpu.memory_space<hbm>> -> memref<32x128xf32, #tpu.memory_space<hbm>>
        %dma_start3A_3275 = arith.constant 0 : i32
        %dma_start3A_3276 = arith.constant 0 : i32
        %dma_start3A_3277 = tpu.memref_slice %arg10[%dma_start3A_3268, %dma_start3A_3275, %dma_start3A_3276] : memref<24x32x128xf32, #tpu.memory_space<vmem>> -> memref<1x32x128xf32, #tpu.memory_space<vmem>>
        %dma_start3A_3278 = tpu.memref_squeeze %dma_start3A_3277 : memref<1x32x128xf32, #tpu.memory_space<vmem>> -> memref<32x128xf32, #tpu.memory_space<vmem>>
        %dma_start3A_3279 = arith.constant 0 : i32
        %dma_start3A_3280 = tpu.memref_slice %arg4[%dma_start3A_3279, %multiple_of3A_3267] : memref<32x1000000xf32, #tpu.memory_space<hbm>> -> memref<32x128xf32, #tpu.memory_space<hbm>>
        tpu.enqueue_dma source(%dma_start3A_3280 : memref<32x128xf32, #tpu.memory_space<hbm>>) target(%dma_start3A_3278 : memref<32x128xf32, #tpu.memory_space<vmem>>) target_semaphore(%arg14 : memref<!tpu.dma_semaphore, #tpu.memory_space<semaphore_mem>>)
        %slice3A_3281 = vector.extract_strided_slice %get3A_3172 {offsets = [6], sizes = [1], strides = [1]} : vector<16xi32> to vector<1xi32>
        %squeeze3A_3282 = vector.extract %slice3A_3281[0] : i32 from vector<1xi32>
        %mul3A_3283 = arith.constant 128 : i32
        %mul3A_3284 = arith.muli %squeeze3A_3282, %mul3A_3283 : i32
        %multiple_of3A_3285 = tpu.assume_multiple %mul3A_3284, 128 : i32
        %dma_start3A_3286 = arith.constant 14 : i32
        %dma_start3A_3287 = arith.constant 0 : i32
        %dma_start3A_3288 = arith.constant 0 : i32
        %dma_start3A_3289 = tpu.memref_slice %arg10[%dma_start3A_3286, %dma_start3A_3287, %dma_start3A_3288] : memref<24x32x128xf32, #tpu.memory_space<vmem>> -> memref<1x32x128xf32, #tpu.memory_space<vmem>>
        %dma_start3A_3290 = tpu.memref_squeeze %dma_start3A_3289 : memref<1x32x128xf32, #tpu.memory_space<vmem>> -> memref<32x128xf32, #tpu.memory_space<vmem>>
        %dma_start3A_3291 = arith.constant 0 : i32
        %dma_start3A_3292 = tpu.memref_slice %arg4[%dma_start3A_3291, %multiple_of3A_3285] : memref<32x1000000xf32, #tpu.memory_space<hbm>> -> memref<32x128xf32, #tpu.memory_space<hbm>>
        %dma_start3A_3293 = arith.constant 0 : i32
        %dma_start3A_3294 = arith.constant 0 : i32
        %dma_start3A_3295 = tpu.memref_slice %arg10[%dma_start3A_3286, %dma_start3A_3293, %dma_start3A_3294] : memref<24x32x128xf32, #tpu.memory_space<vmem>> -> memref<1x32x128xf32, #tpu.memory_space<vmem>>
        %dma_start3A_3296 = tpu.memref_squeeze %dma_start3A_3295 : memref<1x32x128xf32, #tpu.memory_space<vmem>> -> memref<32x128xf32, #tpu.memory_space<vmem>>
        %dma_start3A_3297 = arith.constant 0 : i32
        %dma_start3A_3298 = tpu.memref_slice %arg4[%dma_start3A_3297, %multiple_of3A_3285] : memref<32x1000000xf32, #tpu.memory_space<hbm>> -> memref<32x128xf32, #tpu.memory_space<hbm>>
        tpu.enqueue_dma source(%dma_start3A_3298 : memref<32x128xf32, #tpu.memory_space<hbm>>) target(%dma_start3A_3296 : memref<32x128xf32, #tpu.memory_space<vmem>>) target_semaphore(%arg14 : memref<!tpu.dma_semaphore, #tpu.memory_space<semaphore_mem>>)
        %slice3A_3299 = vector.extract_strided_slice %get3A_3172 {offsets = [7], sizes = [1], strides = [1]} : vector<16xi32> to vector<1xi32>
        %squeeze3A_3300 = vector.extract %slice3A_3299[0] : i32 from vector<1xi32>
        %mul3A_3301 = arith.constant 128 : i32
        %mul3A_3302 = arith.muli %squeeze3A_3300, %mul3A_3301 : i32
        %multiple_of3A_3303 = tpu.assume_multiple %mul3A_3302, 128 : i32
        %dma_start3A_3304 = arith.constant 15 : i32
        %dma_start3A_3305 = arith.constant 0 : i32
        %dma_start3A_3306 = arith.constant 0 : i32
        %dma_start3A_3307 = tpu.memref_slice %arg10[%dma_start3A_3304, %dma_start3A_3305, %dma_start3A_3306] : memref<24x32x128xf32, #tpu.memory_space<vmem>> -> memref<1x32x128xf32, #tpu.memory_space<vmem>>
        %dma_start3A_3308 = tpu.memref_squeeze %dma_start3A_3307 : memref<1x32x128xf32, #tpu.memory_space<vmem>> -> memref<32x128xf32, #tpu.memory_space<vmem>>
        %dma_start3A_3309 = arith.constant 0 : i32
        %dma_start3A_3310 = tpu.memref_slice %arg4[%dma_start3A_3309, %multiple_of3A_3303] : memref<32x1000000xf32, #tpu.memory_space<hbm>> -> memref<32x128xf32, #tpu.memory_space<hbm>>
        %dma_start3A_3311 = arith.constant 0 : i32
        %dma_start3A_3312 = arith.constant 0 : i32
        %dma_start3A_3313 = tpu.memref_slice %arg10[%dma_start3A_3304, %dma_start3A_3311, %dma_start3A_3312] : memref<24x32x128xf32, #tpu.memory_space<vmem>> -> memref<1x32x128xf32, #tpu.memory_space<vmem>>
        %dma_start3A_3314 = tpu.memref_squeeze %dma_start3A_3313 : memref<1x32x128xf32, #tpu.memory_space<vmem>> -> memref<32x128xf32, #tpu.memory_space<vmem>>
        %dma_start3A_3315 = arith.constant 0 : i32
        %dma_start3A_3316 = tpu.memref_slice %arg4[%dma_start3A_3315, %multiple_of3A_3303] : memref<32x1000000xf32, #tpu.memory_space<hbm>> -> memref<32x128xf32, #tpu.memory_space<hbm>>
        tpu.enqueue_dma source(%dma_start3A_3316 : memref<32x128xf32, #tpu.memory_space<hbm>>) target(%dma_start3A_3314 : memref<32x128xf32, #tpu.memory_space<vmem>>) target_semaphore(%arg14 : memref<!tpu.dma_semaphore, #tpu.memory_space<semaphore_mem>>)
      } else {
      }
      %dma_wait3A_2621 = arith.constant 16 : i32
      %dma_wait3A_2622 = arith.constant 0 : i32
      %dma_wait3A_2623 = arith.constant 0 : i32
      %dma_wait3A_2624 = tpu.memref_slice %arg10[%dma_wait3A_2621, %dma_wait3A_2622, %dma_wait3A_2623] : memref<24x32x128xf32, #tpu.memory_space<vmem>> -> memref<1x32x128xf32, #tpu.memory_space<vmem>>
      %dma_wait3A_2625 = tpu.memref_squeeze %dma_wait3A_2624 : memref<1x32x128xf32, #tpu.memory_space<vmem>> -> memref<32x128xf32, #tpu.memory_space<vmem>>
      %dma_wait3A_2626 = arith.constant 0 : i32
      %dma_wait3A_2627 = arith.constant 0 : i32
      %dma_wait3A_2628 = tpu.memref_slice %arg4[%dma_wait3A_2626, %dma_wait3A_2627] : memref<32x1000000xf32, #tpu.memory_space<hbm>> -> memref<32x128xf32, #tpu.memory_space<hbm>>
      %dma_wait3A_2629 = arith.constant 0 : i32
      %dma_wait3A_2630 = arith.constant 0 : i32
      %dma_wait3A_2631 = tpu.memref_slice %arg10[%dma_wait3A_2621, %dma_wait3A_2629, %dma_wait3A_2630] : memref<24x32x128xf32, #tpu.memory_space<vmem>> -> memref<1x32x128xf32, #tpu.memory_space<vmem>>
      %dma_wait3A_2632 = tpu.memref_squeeze %dma_wait3A_2631 : memref<1x32x128xf32, #tpu.memory_space<vmem>> -> memref<32x128xf32, #tpu.memory_space<vmem>>
      %dma_wait3A_2633 = arith.constant 0 : i32
      %dma_wait3A_2634 = arith.constant 0 : i32
      %dma_wait3A_2635 = tpu.memref_slice %arg4[%dma_wait3A_2633, %dma_wait3A_2634] : memref<32x1000000xf32, #tpu.memory_space<hbm>> -> memref<32x128xf32, #tpu.memory_space<hbm>>
      tpu.wait_dma2 semaphore(%arg15 : memref<!tpu.dma_semaphore, #tpu.memory_space<semaphore_mem>>) src(%dma_wait3A_2635 : memref<32x128xf32, #tpu.memory_space<hbm>>) dst(%dma_wait3A_2632 : memref<32x128xf32, #tpu.memory_space<vmem>>)
      %dma_wait3A_2636 = arith.constant 17 : i32
      %dma_wait3A_2637 = arith.constant 0 : i32
      %dma_wait3A_2638 = arith.constant 0 : i32
      %dma_wait3A_2639 = tpu.memref_slice %arg10[%dma_wait3A_2636, %dma_wait3A_2637, %dma_wait3A_2638] : memref<24x32x128xf32, #tpu.memory_space<vmem>> -> memref<1x32x128xf32, #tpu.memory_space<vmem>>
      %dma_wait3A_2640 = tpu.memref_squeeze %dma_wait3A_2639 : memref<1x32x128xf32, #tpu.memory_space<vmem>> -> memref<32x128xf32, #tpu.memory_space<vmem>>
      %dma_wait3A_2641 = arith.constant 0 : i32
      %dma_wait3A_2642 = arith.constant 0 : i32
      %dma_wait3A_2643 = tpu.memref_slice %arg4[%dma_wait3A_2641, %dma_wait3A_2642] : memref<32x1000000xf32, #tpu.memory_space<hbm>> -> memref<32x128xf32, #tpu.memory_space<hbm>>
      %dma_wait3A_2644 = arith.constant 0 : i32
      %dma_wait3A_2645 = arith.constant 0 : i32
      %dma_wait3A_2646 = tpu.memref_slice %arg10[%dma_wait3A_2636, %dma_wait3A_2644, %dma_wait3A_2645] : memref<24x32x128xf32, #tpu.memory_space<vmem>> -> memref<1x32x128xf32, #tpu.memory_space<vmem>>
      %dma_wait3A_2647 = tpu.memref_squeeze %dma_wait3A_2646 : memref<1x32x128xf32, #tpu.memory_space<vmem>> -> memref<32x128xf32, #tpu.memory_space<vmem>>
      %dma_wait3A_2648 = arith.constant 0 : i32
      %dma_wait3A_2649 = arith.constant 0 : i32
      %dma_wait3A_2650 = tpu.memref_slice %arg4[%dma_wait3A_2648, %dma_wait3A_2649] : memref<32x1000000xf32, #tpu.memory_space<hbm>> -> memref<32x128xf32, #tpu.memory_space<hbm>>
      tpu.wait_dma2 semaphore(%arg15 : memref<!tpu.dma_semaphore, #tpu.memory_space<semaphore_mem>>) src(%dma_wait3A_2650 : memref<32x128xf32, #tpu.memory_space<hbm>>) dst(%dma_wait3A_2647 : memref<32x128xf32, #tpu.memory_space<vmem>>)
      %dma_wait3A_2651 = arith.constant 18 : i32
      %dma_wait3A_2652 = arith.constant 0 : i32
      %dma_wait3A_2653 = arith.constant 0 : i32
      %dma_wait3A_2654 = tpu.memref_slice %arg10[%dma_wait3A_2651, %dma_wait3A_2652, %dma_wait3A_2653] : memref<24x32x128xf32, #tpu.memory_space<vmem>> -> memref<1x32x128xf32, #tpu.memory_space<vmem>>
      %dma_wait3A_2655 = tpu.memref_squeeze %dma_wait3A_2654 : memref<1x32x128xf32, #tpu.memory_space<vmem>> -> memref<32x128xf32, #tpu.memory_space<vmem>>
      %dma_wait3A_2656 = arith.constant 0 : i32
      %dma_wait3A_2657 = arith.constant 0 : i32
      %dma_wait3A_2658 = tpu.memref_slice %arg4[%dma_wait3A_2656, %dma_wait3A_2657] : memref<32x1000000xf32, #tpu.memory_space<hbm>> -> memref<32x128xf32, #tpu.memory_space<hbm>>
      %dma_wait3A_2659 = arith.constant 0 : i32
      %dma_wait3A_2660 = arith.constant 0 : i32
      %dma_wait3A_2661 = tpu.memref_slice %arg10[%dma_wait3A_2651, %dma_wait3A_2659, %dma_wait3A_2660] : memref<24x32x128xf32, #tpu.memory_space<vmem>> -> memref<1x32x128xf32, #tpu.memory_space<vmem>>
      %dma_wait3A_2662 = tpu.memref_squeeze %dma_wait3A_2661 : memref<1x32x128xf32, #tpu.memory_space<vmem>> -> memref<32x128xf32, #tpu.memory_space<vmem>>
      %dma_wait3A_2663 = arith.constant 0 : i32
      %dma_wait3A_2664 = arith.constant 0 : i32
      %dma_wait3A_2665 = tpu.memref_slice %arg4[%dma_wait3A_2663, %dma_wait3A_2664] : memref<32x1000000xf32, #tpu.memory_space<hbm>> -> memref<32x128xf32, #tpu.memory_space<hbm>>
      tpu.wait_dma2 semaphore(%arg15 : memref<!tpu.dma_semaphore, #tpu.memory_space<semaphore_mem>>) src(%dma_wait3A_2665 : memref<32x128xf32, #tpu.memory_space<hbm>>) dst(%dma_wait3A_2662 : memref<32x128xf32, #tpu.memory_space<vmem>>)
      %dma_wait3A_2666 = arith.constant 19 : i32
      %dma_wait3A_2667 = arith.constant 0 : i32
      %dma_wait3A_2668 = arith.constant 0 : i32
      %dma_wait3A_2669 = tpu.memref_slice %arg10[%dma_wait3A_2666, %dma_wait3A_2667, %dma_wait3A_2668] : memref<24x32x128xf32, #tpu.memory_space<vmem>> -> memref<1x32x128xf32, #tpu.memory_space<vmem>>
      %dma_wait3A_2670 = tpu.memref_squeeze %dma_wait3A_2669 : memref<1x32x128xf32, #tpu.memory_space<vmem>> -> memref<32x128xf32, #tpu.memory_space<vmem>>
      %dma_wait3A_2671 = arith.constant 0 : i32
      %dma_wait3A_2672 = arith.constant 0 : i32
      %dma_wait3A_2673 = tpu.memref_slice %arg4[%dma_wait3A_2671, %dma_wait3A_2672] : memref<32x1000000xf32, #tpu.memory_space<hbm>> -> memref<32x128xf32, #tpu.memory_space<hbm>>
      %dma_wait3A_2674 = arith.constant 0 : i32
      %dma_wait3A_2675 = arith.constant 0 : i32
      %dma_wait3A_2676 = tpu.memref_slice %arg10[%dma_wait3A_2666, %dma_wait3A_2674, %dma_wait3A_2675] : memref<24x32x128xf32, #tpu.memory_space<vmem>> -> memref<1x32x128xf32, #tpu.memory_space<vmem>>
      %dma_wait3A_2677 = tpu.memref_squeeze %dma_wait3A_2676 : memref<1x32x128xf32, #tpu.memory_space<vmem>> -> memref<32x128xf32, #tpu.memory_space<vmem>>
      %dma_wait3A_2678 = arith.constant 0 : i32
      %dma_wait3A_2679 = arith.constant 0 : i32
      %dma_wait3A_2680 = tpu.memref_slice %arg4[%dma_wait3A_2678, %dma_wait3A_2679] : memref<32x1000000xf32, #tpu.memory_space<hbm>> -> memref<32x128xf32, #tpu.memory_space<hbm>>
      tpu.wait_dma2 semaphore(%arg15 : memref<!tpu.dma_semaphore, #tpu.memory_space<semaphore_mem>>) src(%dma_wait3A_2680 : memref<32x128xf32, #tpu.memory_space<hbm>>) dst(%dma_wait3A_2677 : memref<32x128xf32, #tpu.memory_space<vmem>>)
      %dma_wait3A_2681 = arith.constant 20 : i32
      %dma_wait3A_2682 = arith.constant 0 : i32
      %dma_wait3A_2683 = arith.constant 0 : i32
      %dma_wait3A_2684 = tpu.memref_slice %arg10[%dma_wait3A_2681, %dma_wait3A_2682, %dma_wait3A_2683] : memref<24x32x128xf32, #tpu.memory_space<vmem>> -> memref<1x32x128xf32, #tpu.memory_space<vmem>>
      %dma_wait3A_2685 = tpu.memref_squeeze %dma_wait3A_2684 : memref<1x32x128xf32, #tpu.memory_space<vmem>> -> memref<32x128xf32, #tpu.memory_space<vmem>>
      %dma_wait3A_2686 = arith.constant 0 : i32
      %dma_wait3A_2687 = arith.constant 0 : i32
      %dma_wait3A_2688 = tpu.memref_slice %arg4[%dma_wait3A_2686, %dma_wait3A_2687] : memref<32x1000000xf32, #tpu.memory_space<hbm>> -> memref<32x128xf32, #tpu.memory_space<hbm>>
      %dma_wait3A_2689 = arith.constant 0 : i32
      %dma_wait3A_2690 = arith.constant 0 : i32
      %dma_wait3A_2691 = tpu.memref_slice %arg10[%dma_wait3A_2681, %dma_wait3A_2689, %dma_wait3A_2690] : memref<24x32x128xf32, #tpu.memory_space<vmem>> -> memref<1x32x128xf32, #tpu.memory_space<vmem>>
      %dma_wait3A_2692 = tpu.memref_squeeze %dma_wait3A_2691 : memref<1x32x128xf32, #tpu.memory_space<vmem>> -> memref<32x128xf32, #tpu.memory_space<vmem>>
      %dma_wait3A_2693 = arith.constant 0 : i32
      %dma_wait3A_2694 = arith.constant 0 : i32
      %dma_wait3A_2695 = tpu.memref_slice %arg4[%dma_wait3A_2693, %dma_wait3A_2694] : memref<32x1000000xf32, #tpu.memory_space<hbm>> -> memref<32x128xf32, #tpu.memory_space<hbm>>
      tpu.wait_dma2 semaphore(%arg15 : memref<!tpu.dma_semaphore, #tpu.memory_space<semaphore_mem>>) src(%dma_wait3A_2695 : memref<32x128xf32, #tpu.memory_space<hbm>>) dst(%dma_wait3A_2692 : memref<32x128xf32, #tpu.memory_space<vmem>>)
      %dma_wait3A_2696 = arith.constant 21 : i32
      %dma_wait3A_2697 = arith.constant 0 : i32
      %dma_wait3A_2698 = arith.constant 0 : i32
      %dma_wait3A_2699 = tpu.memref_slice %arg10[%dma_wait3A_2696, %dma_wait3A_2697, %dma_wait3A_2698] : memref<24x32x128xf32, #tpu.memory_space<vmem>> -> memref<1x32x128xf32, #tpu.memory_space<vmem>>
      %dma_wait3A_2700 = tpu.memref_squeeze %dma_wait3A_2699 : memref<1x32x128xf32, #tpu.memory_space<vmem>> -> memref<32x128xf32, #tpu.memory_space<vmem>>
      %dma_wait3A_2701 = arith.constant 0 : i32
      %dma_wait3A_2702 = arith.constant 0 : i32
      %dma_wait3A_2703 = tpu.memref_slice %arg4[%dma_wait3A_2701, %dma_wait3A_2702] : memref<32x1000000xf32, #tpu.memory_space<hbm>> -> memref<32x128xf32, #tpu.memory_space<hbm>>
      %dma_wait3A_2704 = arith.constant 0 : i32
      %dma_wait3A_2705 = arith.constant 0 : i32
      %dma_wait3A_2706 = tpu.memref_slice %arg10[%dma_wait3A_2696, %dma_wait3A_2704, %dma_wait3A_2705] : memref<24x32x128xf32, #tpu.memory_space<vmem>> -> memref<1x32x128xf32, #tpu.memory_space<vmem>>
      %dma_wait3A_2707 = tpu.memref_squeeze %dma_wait3A_2706 : memref<1x32x128xf32, #tpu.memory_space<vmem>> -> memref<32x128xf32, #tpu.memory_space<vmem>>
      %dma_wait3A_2708 = arith.constant 0 : i32
      %dma_wait3A_2709 = arith.constant 0 : i32
      %dma_wait3A_2710 = tpu.memref_slice %arg4[%dma_wait3A_2708, %dma_wait3A_2709] : memref<32x1000000xf32, #tpu.memory_space<hbm>> -> memref<32x128xf32, #tpu.memory_space<hbm>>
      tpu.wait_dma2 semaphore(%arg15 : memref<!tpu.dma_semaphore, #tpu.memory_space<semaphore_mem>>) src(%dma_wait3A_2710 : memref<32x128xf32, #tpu.memory_space<hbm>>) dst(%dma_wait3A_2707 : memref<32x128xf32, #tpu.memory_space<vmem>>)
      %dma_wait3A_2711 = arith.constant 22 : i32
      %dma_wait3A_2712 = arith.constant 0 : i32
      %dma_wait3A_2713 = arith.constant 0 : i32
      %dma_wait3A_2714 = tpu.memref_slice %arg10[%dma_wait3A_2711, %dma_wait3A_2712, %dma_wait3A_2713] : memref<24x32x128xf32, #tpu.memory_space<vmem>> -> memref<1x32x128xf32, #tpu.memory_space<vmem>>
      %dma_wait3A_2715 = tpu.memref_squeeze %dma_wait3A_2714 : memref<1x32x128xf32, #tpu.memory_space<vmem>> -> memref<32x128xf32, #tpu.memory_space<vmem>>
      %dma_wait3A_2716 = arith.constant 0 : i32
      %dma_wait3A_2717 = arith.constant 0 : i32
      %dma_wait3A_2718 = tpu.memref_slice %arg4[%dma_wait3A_2716, %dma_wait3A_2717] : memref<32x1000000xf32, #tpu.memory_space<hbm>> -> memref<32x128xf32, #tpu.memory_space<hbm>>
      %dma_wait3A_2719 = arith.constant 0 : i32
      %dma_wait3A_2720 = arith.constant 0 : i32
      %dma_wait3A_2721 = tpu.memref_slice %arg10[%dma_wait3A_2711, %dma_wait3A_2719, %dma_wait3A_2720] : memref<24x32x128xf32, #tpu.memory_space<vmem>> -> memref<1x32x128xf32, #tpu.memory_space<vmem>>
      %dma_wait3A_2722 = tpu.memref_squeeze %dma_wait3A_2721 : memref<1x32x128xf32, #tpu.memory_space<vmem>> -> memref<32x128xf32, #tpu.memory_space<vmem>>
      %dma_wait3A_2723 = arith.constant 0 : i32
      %dma_wait3A_2724 = arith.constant 0 : i32
      %dma_wait3A_2725 = tpu.memref_slice %arg4[%dma_wait3A_2723, %dma_wait3A_2724] : memref<32x1000000xf32, #tpu.memory_space<hbm>> -> memref<32x128xf32, #tpu.memory_space<hbm>>
      tpu.wait_dma2 semaphore(%arg15 : memref<!tpu.dma_semaphore, #tpu.memory_space<semaphore_mem>>) src(%dma_wait3A_2725 : memref<32x128xf32, #tpu.memory_space<hbm>>) dst(%dma_wait3A_2722 : memref<32x128xf32, #tpu.memory_space<vmem>>)
      %dma_wait3A_2726 = arith.constant 23 : i32
      %dma_wait3A_2727 = arith.constant 0 : i32
      %dma_wait3A_2728 = arith.constant 0 : i32
      %dma_wait3A_2729 = tpu.memref_slice %arg10[%dma_wait3A_2726, %dma_wait3A_2727, %dma_wait3A_2728] : memref<24x32x128xf32, #tpu.memory_space<vmem>> -> memref<1x32x128xf32, #tpu.memory_space<vmem>>
      %dma_wait3A_2730 = tpu.memref_squeeze %dma_wait3A_2729 : memref<1x32x128xf32, #tpu.memory_space<vmem>> -> memref<32x128xf32, #tpu.memory_space<vmem>>
      %dma_wait3A_2731 = arith.constant 0 : i32
      %dma_wait3A_2732 = arith.constant 0 : i32
      %dma_wait3A_2733 = tpu.memref_slice %arg4[%dma_wait3A_2731, %dma_wait3A_2732] : memref<32x1000000xf32, #tpu.memory_space<hbm>> -> memref<32x128xf32, #tpu.memory_space<hbm>>
      %dma_wait3A_2734 = arith.constant 0 : i32
      %dma_wait3A_2735 = arith.constant 0 : i32
      %dma_wait3A_2736 = tpu.memref_slice %arg10[%dma_wait3A_2726, %dma_wait3A_2734, %dma_wait3A_2735] : memref<24x32x128xf32, #tpu.memory_space<vmem>> -> memref<1x32x128xf32, #tpu.memory_space<vmem>>
      %dma_wait3A_2737 = tpu.memref_squeeze %dma_wait3A_2736 : memref<1x32x128xf32, #tpu.memory_space<vmem>> -> memref<32x128xf32, #tpu.memory_space<vmem>>
      %dma_wait3A_2738 = arith.constant 0 : i32
      %dma_wait3A_2739 = arith.constant 0 : i32
      %dma_wait3A_2740 = tpu.memref_slice %arg4[%dma_wait3A_2738, %dma_wait3A_2739] : memref<32x1000000xf32, #tpu.memory_space<hbm>> -> memref<32x128xf32, #tpu.memory_space<hbm>>
      tpu.wait_dma2 semaphore(%arg15 : memref<!tpu.dma_semaphore, #tpu.memory_space<semaphore_mem>>) src(%dma_wait3A_2740 : memref<32x128xf32, #tpu.memory_space<hbm>>) dst(%dma_wait3A_2737 : memref<32x128xf32, #tpu.memory_space<vmem>>)
      %add3A_2741 = arith.constant 2 : i32
      %add3A_2742 = arith.addi %mul3A_1537, %add3A_2741 : i32
      %mul3A_2743 = arith.constant 8 : i32
      %mul3A_2744 = arith.muli %add3A_2742, %mul3A_2743 : i32
      %get3A_2745 = arith.index_cast %mul3A_2744 : i32 to index
      %get3A_2746 = tpu.vector_load %arg8[%get3A_2745] {strides = array<i32>} : memref<544xi32, #tpu.memory_space<vmem>>, vector<16xi32>,
      %slice3A_2747 = vector.extract_strided_slice %get3A_2746 {offsets = [0], sizes = [1], strides = [1]} : vector<16xi32> to vector<1xi32>
      %squeeze3A_2748 = vector.extract %slice3A_2747[0] : i32 from vector<1xi32>
      %mul3A_2749 = arith.constant 0 : i32
      %mul3A_2750 = vector.broadcast %mul3A_2749 : i32 to vector<16xi32>
      %mul3A_2751 = arith.muli %iota3A, %mul3A_2750 : vector<16xi32>
      %and3A_2752 = arith.constant 127 : i32
      %and3A_2753 = arith.andi %squeeze3A_2748, %and3A_2752 : i32
      %add3A_2754 = vector.broadcast %and3A_2753 : i32 to vector<16xi32>
      %add3A_2755 = arith.addi %mul3A_2751, %add3A_2754 : vector<16xi32>
      %mul3A_2756 = arith.constant 0 : i32
      %mul3A_2757 = vector.broadcast %mul3A_2756 : i32 to vector<16xi32>
      %mul3A_2758 = arith.muli %iota3A, %mul3A_2757 : vector<16xi32>
      %mul3A_2759 = arith.constant 8 : i32
      %mul3A_2760 = arith.muli %add3A_2742, %mul3A_2759 : i32
      %add3A_2761 = arith.constant 0 : i32
      %add3A_2762 = arith.addi %mul3A_2760, %add3A_2761 : i32
      %add3A_2763 = vector.broadcast %add3A_2762 : i32 to vector<16xi32>
      %add3A_2764 = arith.addi %mul3A_2758, %add3A_2763 : vector<16xi32>
      %ge3A_2765 = arith.constant 999936 : i32
      %ge3A_2766 = arith.cmpi sge, %squeeze3A_2748, %ge3A_2765 : i32
      %mul3A_2767 = arith.constant 0 : i32
      %mul3A_2768 = vector.broadcast %mul3A_2767 : i32 to vector<16xi32>
      %mul3A_2769 = arith.muli %iota3A, %mul3A_2768 : vector<16xi32>
      %sub3A_2770 = arith.constant 999936 : i32
      %sub3A_2771 = arith.subi %squeeze3A_2748, %sub3A_2770 : i32
      %max3A_2772 = arith.constant 0 : i32
      %max3A_2773 = arith.maxsi %sub3A_2771, %max3A_2772 : i32
      %add3A_2774 = vector.broadcast %max3A_2773 : i32 to vector<16xi32>
      %add3A_2775 = arith.addi %mul3A_2769, %add3A_2774 : vector<16xi32>
      %add3A_2776 = arith.constant 0 : i32
      %add3A_2777 = vector.broadcast %add3A_2776 : i32 to vector<16xi32>
      %add3A_2778 = arith.addi %add3A_2777, %iota3A : vector<16xi32>
      %gather3A_2779 = arith.constant 16 : i32
      %gather3A_2780 = arith.constant 0 : i32
      %gather3A_2781 = arith.constant 0 : i32
      %gather3A_2782 = tpu.memref_slice %arg10[%gather3A_2779, %gather3A_2780, %gather3A_2781] : memref<24x32x128xf32, #tpu.memory_space<vmem>> -> memref<1x32x128xf32, #tpu.memory_space<vmem>>
      %gather3A_2783 = tpu.memref_squeeze %gather3A_2782 : memref<1x32x128xf32, #tpu.memory_space<vmem>> -> memref<32x128xf32, #tpu.memory_space<vmem>>
      %gather3A_2784 = tpu.vector_load_idx %gather3A_2783[%add3A_2778, %add3A_2755] : memref<32x128xf32, #tpu.memory_space<vmem>>[vector<16xi32>, vector<16xi32>], vector<16xf32>,
      %gather3A_2785 = tpu.vector_load_idx %arg11[%add3A_2778, %add3A_2775] : memref<32x64xf32, #tpu.memory_space<vmem>>[vector<16xi32>, vector<16xi32>], vector<16xf32>,
      %select_n3A_2786 = arith.select %ge3A_2766, %gather3A_2785, %gather3A_2784 : vector<16xf32>
      tpu.vector_store_idx %arg12[%add3A_2778, %add3A_2764], %select_n3A_2786 : memref<32x512xf32, #tpu.memory_space<vmem>>[vector<16xi32>, vector<16xi32>], vector<16xf32>,
      %add3A_2787 = arith.constant 16 : i32
      %add3A_2788 = vector.broadcast %add3A_2787 : i32 to vector<16xi32>
      %add3A_2789 = arith.addi %add3A_2788, %iota3A : vector<16xi32>
      %gather3A_2790 = arith.constant 16 : i32
      %gather3A_2791 = arith.constant 0 : i32
      %gather3A_2792 = arith.constant 0 : i32
      %gather3A_2793 = tpu.memref_slice %arg10[%gather3A_2790, %gather3A_2791, %gather3A_2792] : memref<24x32x128xf32, #tpu.memory_space<vmem>> -> memref<1x32x128xf32, #tpu.memory_space<vmem>>
      %gather3A_2794 = tpu.memref_squeeze %gather3A_2793 : memref<1x32x128xf32, #tpu.memory_space<vmem>> -> memref<32x128xf32, #tpu.memory_space<vmem>>
      %gather3A_2795 = tpu.vector_load_idx %gather3A_2794[%add3A_2789, %add3A_2755] : memref<32x128xf32, #tpu.memory_space<vmem>>[vector<16xi32>, vector<16xi32>], vector<16xf32>,
      %gather3A_2796 = tpu.vector_load_idx %arg11[%add3A_2789, %add3A_2775] : memref<32x64xf32, #tpu.memory_space<vmem>>[vector<16xi32>, vector<16xi32>], vector<16xf32>,
      %select_n3A_2797 = arith.select %ge3A_2766, %gather3A_2796, %gather3A_2795 : vector<16xf32>
      tpu.vector_store_idx %arg12[%add3A_2789, %add3A_2764], %select_n3A_2797 : memref<32x512xf32, #tpu.memory_space<vmem>>[vector<16xi32>, vector<16xi32>], vector<16xf32>,
      %slice3A_2798 = vector.extract_strided_slice %get3A_2746 {offsets = [1], sizes = [1], strides = [1]} : vector<16xi32> to vector<1xi32>
      %squeeze3A_2799 = vector.extract %slice3A_2798[0] : i32 from vector<1xi32>
      %mul3A_2800 = arith.constant 0 : i32
      %mul3A_2801 = vector.broadcast %mul3A_2800 : i32 to vector<16xi32>
      %mul3A_2802 = arith.muli %iota3A, %mul3A_2801 : vector<16xi32>
      %and3A_2803 = arith.constant 127 : i32
      %and3A_2804 = arith.andi %squeeze3A_2799, %and3A_2803 : i32
      %add3A_2805 = vector.broadcast %and3A_2804 : i32 to vector<16xi32>
      %add3A_2806 = arith.addi %mul3A_2802, %add3A_2805 : vector<16xi32>
      %mul3A_2807 = arith.constant 0 : i32
      %mul3A_2808 = vector.broadcast %mul3A_2807 : i32 to vector<16xi32>
      %mul3A_2809 = arith.muli %iota3A, %mul3A_2808 : vector<16xi32>
      %mul3A_2810 = arith.constant 8 : i32
      %mul3A_2811 = arith.muli %add3A_2742, %mul3A_2810 : i32
      %add3A_2812 = arith.constant 1 : i32
      %add3A_2813 = arith.addi %mul3A_2811, %add3A_2812 : i32
      %add3A_2814 = vector.broadcast %add3A_2813 : i32 to vector<16xi32>
      %add3A_2815 = arith.addi %mul3A_2809, %add3A_2814 : vector<16xi32>
      %ge3A_2816 = arith.constant 999936 : i32
      %ge3A_2817 = arith.cmpi sge, %squeeze3A_2799, %ge3A_2816 : i32
      %mul3A_2818 = arith.constant 0 : i32
      %mul3A_2819 = vector.broadcast %mul3A_2818 : i32 to vector<16xi32>
      %mul3A_2820 = arith.muli %iota3A, %mul3A_2819 : vector<16xi32>
      %sub3A_2821 = arith.constant 999936 : i32
      %sub3A_2822 = arith.subi %squeeze3A_2799, %sub3A_2821 : i32
      %max3A_2823 = arith.constant 0 : i32
      %max3A_2824 = arith.maxsi %sub3A_2822, %max3A_2823 : i32
      %add3A_2825 = vector.broadcast %max3A_2824 : i32 to vector<16xi32>
      %add3A_2826 = arith.addi %mul3A_2820, %add3A_2825 : vector<16xi32>
      %add3A_2827 = arith.constant 0 : i32
      %add3A_2828 = vector.broadcast %add3A_2827 : i32 to vector<16xi32>
      %add3A_2829 = arith.addi %add3A_2828, %iota3A : vector<16xi32>
      %gather3A_2830 = arith.constant 17 : i32
      %gather3A_2831 = arith.constant 0 : i32
      %gather3A_2832 = arith.constant 0 : i32
      %gather3A_2833 = tpu.memref_slice %arg10[%gather3A_2830, %gather3A_2831, %gather3A_2832] : memref<24x32x128xf32, #tpu.memory_space<vmem>> -> memref<1x32x128xf32, #tpu.memory_space<vmem>>
      %gather3A_2834 = tpu.memref_squeeze %gather3A_2833 : memref<1x32x128xf32, #tpu.memory_space<vmem>> -> memref<32x128xf32, #tpu.memory_space<vmem>>
      %gather3A_2835 = tpu.vector_load_idx %gather3A_2834[%add3A_2829, %add3A_2806] : memref<32x128xf32, #tpu.memory_space<vmem>>[vector<16xi32>, vector<16xi32>], vector<16xf32>,
      %gather3A_2836 = tpu.vector_load_idx %arg11[%add3A_2829, %add3A_2826] : memref<32x64xf32, #tpu.memory_space<vmem>>[vector<16xi32>, vector<16xi32>], vector<16xf32>,
      %select_n3A_2837 = arith.select %ge3A_2817, %gather3A_2836, %gather3A_2835 : vector<16xf32>
      tpu.vector_store_idx %arg12[%add3A_2829, %add3A_2815], %select_n3A_2837 : memref<32x512xf32, #tpu.memory_space<vmem>>[vector<16xi32>, vector<16xi32>], vector<16xf32>,
      %add3A_2838 = arith.constant 16 : i32
      %add3A_2839 = vector.broadcast %add3A_2838 : i32 to vector<16xi32>
      %add3A_2840 = arith.addi %add3A_2839, %iota3A : vector<16xi32>
      %gather3A_2841 = arith.constant 17 : i32
      %gather3A_2842 = arith.constant 0 : i32
      %gather3A_2843 = arith.constant 0 : i32
      %gather3A_2844 = tpu.memref_slice %arg10[%gather3A_2841, %gather3A_2842, %gather3A_2843] : memref<24x32x128xf32, #tpu.memory_space<vmem>> -> memref<1x32x128xf32, #tpu.memory_space<vmem>>
      %gather3A_2845 = tpu.memref_squeeze %gather3A_2844 : memref<1x32x128xf32, #tpu.memory_space<vmem>> -> memref<32x128xf32, #tpu.memory_space<vmem>>
      %gather3A_2846 = tpu.vector_load_idx %gather3A_2845[%add3A_2840, %add3A_2806] : memref<32x128xf32, #tpu.memory_space<vmem>>[vector<16xi32>, vector<16xi32>], vector<16xf32>,
      %gather3A_2847 = tpu.vector_load_idx %arg11[%add3A_2840, %add3A_2826] : memref<32x64xf32, #tpu.memory_space<vmem>>[vector<16xi32>, vector<16xi32>], vector<16xf32>,
      %select_n3A_2848 = arith.select %ge3A_2817, %gather3A_2847, %gather3A_2846 : vector<16xf32>
      tpu.vector_store_idx %arg12[%add3A_2840, %add3A_2815], %select_n3A_2848 : memref<32x512xf32, #tpu.memory_space<vmem>>[vector<16xi32>, vector<16xi32>], vector<16xf32>,
      %slice3A_2849 = vector.extract_strided_slice %get3A_2746 {offsets = [2], sizes = [1], strides = [1]} : vector<16xi32> to vector<1xi32>
      %squeeze3A_2850 = vector.extract %slice3A_2849[0] : i32 from vector<1xi32>
      %mul3A_2851 = arith.constant 0 : i32
      %mul3A_2852 = vector.broadcast %mul3A_2851 : i32 to vector<16xi32>
      %mul3A_2853 = arith.muli %iota3A, %mul3A_2852 : vector<16xi32>
      %and3A_2854 = arith.constant 127 : i32
      %and3A_2855 = arith.andi %squeeze3A_2850, %and3A_2854 : i32
      %add3A_2856 = vector.broadcast %and3A_2855 : i32 to vector<16xi32>
      %add3A_2857 = arith.addi %mul3A_2853, %add3A_2856 : vector<16xi32>
      %mul3A_2858 = arith.constant 0 : i32
      %mul3A_2859 = vector.broadcast %mul3A_2858 : i32 to vector<16xi32>
      %mul3A_2860 = arith.muli %iota3A, %mul3A_2859 : vector<16xi32>
      %mul3A_2861 = arith.constant 8 : i32
      %mul3A_2862 = arith.muli %add3A_2742, %mul3A_2861 : i32
      %add3A_2863 = arith.constant 2 : i32
      %add3A_2864 = arith.addi %mul3A_2862, %add3A_2863 : i32
      %add3A_2865 = vector.broadcast %add3A_2864 : i32 to vector<16xi32>
      %add3A_2866 = arith.addi %mul3A_2860, %add3A_2865 : vector<16xi32>
      %ge3A_2867 = arith.constant 999936 : i32
      %ge3A_2868 = arith.cmpi sge, %squeeze3A_2850, %ge3A_2867 : i32
      %mul3A_2869 = arith.constant 0 : i32
      %mul3A_2870 = vector.broadcast %mul3A_2869 : i32 to vector<16xi32>
      %mul3A_2871 = arith.muli %iota3A, %mul3A_2870 : vector<16xi32>
      %sub3A_2872 = arith.constant 999936 : i32
      %sub3A_2873 = arith.subi %squeeze3A_2850, %sub3A_2872 : i32
      %max3A_2874 = arith.constant 0 : i32
      %max3A_2875 = arith.maxsi %sub3A_2873, %max3A_2874 : i32
      %add3A_2876 = vector.broadcast %max3A_2875 : i32 to vector<16xi32>
      %add3A_2877 = arith.addi %mul3A_2871, %add3A_2876 : vector<16xi32>
      %add3A_2878 = arith.constant 0 : i32
      %add3A_2879 = vector.broadcast %add3A_2878 : i32 to vector<16xi32>
      %add3A_2880 = arith.addi %add3A_2879, %iota3A : vector<16xi32>
      %gather3A_2881 = arith.constant 18 : i32
      %gather3A_2882 = arith.constant 0 : i32
      %gather3A_2883 = arith.constant 0 : i32
      %gather3A_2884 = tpu.memref_slice %arg10[%gather3A_2881, %gather3A_2882, %gather3A_2883] : memref<24x32x128xf32, #tpu.memory_space<vmem>> -> memref<1x32x128xf32, #tpu.memory_space<vmem>>
      %gather3A_2885 = tpu.memref_squeeze %gather3A_2884 : memref<1x32x128xf32, #tpu.memory_space<vmem>> -> memref<32x128xf32, #tpu.memory_space<vmem>>
      %gather3A_2886 = tpu.vector_load_idx %gather3A_2885[%add3A_2880, %add3A_2857] : memref<32x128xf32, #tpu.memory_space<vmem>>[vector<16xi32>, vector<16xi32>], vector<16xf32>,
      %gather3A_2887 = tpu.vector_load_idx %arg11[%add3A_2880, %add3A_2877] : memref<32x64xf32, #tpu.memory_space<vmem>>[vector<16xi32>, vector<16xi32>], vector<16xf32>,
      %select_n3A_2888 = arith.select %ge3A_2868, %gather3A_2887, %gather3A_2886 : vector<16xf32>
      tpu.vector_store_idx %arg12[%add3A_2880, %add3A_2866], %select_n3A_2888 : memref<32x512xf32, #tpu.memory_space<vmem>>[vector<16xi32>, vector<16xi32>], vector<16xf32>,
      %add3A_2889 = arith.constant 16 : i32
      %add3A_2890 = vector.broadcast %add3A_2889 : i32 to vector<16xi32>
      %add3A_2891 = arith.addi %add3A_2890, %iota3A : vector<16xi32>
      %gather3A_2892 = arith.constant 18 : i32
      %gather3A_2893 = arith.constant 0 : i32
      %gather3A_2894 = arith.constant 0 : i32
      %gather3A_2895 = tpu.memref_slice %arg10[%gather3A_2892, %gather3A_2893, %gather3A_2894] : memref<24x32x128xf32, #tpu.memory_space<vmem>> -> memref<1x32x128xf32, #tpu.memory_space<vmem>>
      %gather3A_2896 = tpu.memref_squeeze %gather3A_2895 : memref<1x32x128xf32, #tpu.memory_space<vmem>> -> memref<32x128xf32, #tpu.memory_space<vmem>>
      %gather3A_2897 = tpu.vector_load_idx %gather3A_2896[%add3A_2891, %add3A_2857] : memref<32x128xf32, #tpu.memory_space<vmem>>[vector<16xi32>, vector<16xi32>], vector<16xf32>,
      %gather3A_2898 = tpu.vector_load_idx %arg11[%add3A_2891, %add3A_2877] : memref<32x64xf32, #tpu.memory_space<vmem>>[vector<16xi32>, vector<16xi32>], vector<16xf32>,
      %select_n3A_2899 = arith.select %ge3A_2868, %gather3A_2898, %gather3A_2897 : vector<16xf32>
      tpu.vector_store_idx %arg12[%add3A_2891, %add3A_2866], %select_n3A_2899 : memref<32x512xf32, #tpu.memory_space<vmem>>[vector<16xi32>, vector<16xi32>], vector<16xf32>,
      %slice3A_2900 = vector.extract_strided_slice %get3A_2746 {offsets = [3], sizes = [1], strides = [1]} : vector<16xi32> to vector<1xi32>
      %squeeze3A_2901 = vector.extract %slice3A_2900[0] : i32 from vector<1xi32>
      %mul3A_2902 = arith.constant 0 : i32
      %mul3A_2903 = vector.broadcast %mul3A_2902 : i32 to vector<16xi32>
      %mul3A_2904 = arith.muli %iota3A, %mul3A_2903 : vector<16xi32>
      %and3A_2905 = arith.constant 127 : i32
      %and3A_2906 = arith.andi %squeeze3A_2901, %and3A_2905 : i32
      %add3A_2907 = vector.broadcast %and3A_2906 : i32 to vector<16xi32>
      %add3A_2908 = arith.addi %mul3A_2904, %add3A_2907 : vector<16xi32>
      %mul3A_2909 = arith.constant 0 : i32
      %mul3A_2910 = vector.broadcast %mul3A_2909 : i32 to vector<16xi32>
      %mul3A_2911 = arith.muli %iota3A, %mul3A_2910 : vector<16xi32>
      %mul3A_2912 = arith.constant 8 : i32
      %mul3A_2913 = arith.muli %add3A_2742, %mul3A_2912 : i32
      %add3A_2914 = arith.constant 3 : i32
      %add3A_2915 = arith.addi %mul3A_2913, %add3A_2914 : i32
      %add3A_2916 = vector.broadcast %add3A_2915 : i32 to vector<16xi32>
      %add3A_2917 = arith.addi %mul3A_2911, %add3A_2916 : vector<16xi32>
      %ge3A_2918 = arith.constant 999936 : i32
      %ge3A_2919 = arith.cmpi sge, %squeeze3A_2901, %ge3A_2918 : i32
      %mul3A_2920 = arith.constant 0 : i32
      %mul3A_2921 = vector.broadcast %mul3A_2920 : i32 to vector<16xi32>
      %mul3A_2922 = arith.muli %iota3A, %mul3A_2921 : vector<16xi32>
      %sub3A_2923 = arith.constant 999936 : i32
      %sub3A_2924 = arith.subi %squeeze3A_2901, %sub3A_2923 : i32
      %max3A_2925 = arith.constant 0 : i32
      %max3A_2926 = arith.maxsi %sub3A_2924, %max3A_2925 : i32
      %add3A_2927 = vector.broadcast %max3A_2926 : i32 to vector<16xi32>
      %add3A_2928 = arith.addi %mul3A_2922, %add3A_2927 : vector<16xi32>
      %add3A_2929 = arith.constant 0 : i32
      %add3A_2930 = vector.broadcast %add3A_2929 : i32 to vector<16xi32>
      %add3A_2931 = arith.addi %add3A_2930, %iota3A : vector<16xi32>
      %gather3A_2932 = arith.constant 19 : i32
      %gather3A_2933 = arith.constant 0 : i32
      %gather3A_2934 = arith.constant 0 : i32
      %gather3A_2935 = tpu.memref_slice %arg10[%gather3A_2932, %gather3A_2933, %gather3A_2934] : memref<24x32x128xf32, #tpu.memory_space<vmem>> -> memref<1x32x128xf32, #tpu.memory_space<vmem>>
      %gather3A_2936 = tpu.memref_squeeze %gather3A_2935 : memref<1x32x128xf32, #tpu.memory_space<vmem>> -> memref<32x128xf32, #tpu.memory_space<vmem>>
      %gather3A_2937 = tpu.vector_load_idx %gather3A_2936[%add3A_2931, %add3A_2908] : memref<32x128xf32, #tpu.memory_space<vmem>>[vector<16xi32>, vector<16xi32>], vector<16xf32>,
      %gather3A_2938 = tpu.vector_load_idx %arg11[%add3A_2931, %add3A_2928] : memref<32x64xf32, #tpu.memory_space<vmem>>[vector<16xi32>, vector<16xi32>], vector<16xf32>,
      %select_n3A_2939 = arith.select %ge3A_2919, %gather3A_2938, %gather3A_2937 : vector<16xf32>
      tpu.vector_store_idx %arg12[%add3A_2931, %add3A_2917], %select_n3A_2939 : memref<32x512xf32, #tpu.memory_space<vmem>>[vector<16xi32>, vector<16xi32>], vector<16xf32>,
      %add3A_2940 = arith.constant 16 : i32
      %add3A_2941 = vector.broadcast %add3A_2940 : i32 to vector<16xi32>
      %add3A_2942 = arith.addi %add3A_2941, %iota3A : vector<16xi32>
      %gather3A_2943 = arith.constant 19 : i32
      %gather3A_2944 = arith.constant 0 : i32
      %gather3A_2945 = arith.constant 0 : i32
      %gather3A_2946 = tpu.memref_slice %arg10[%gather3A_2943, %gather3A_2944, %gather3A_2945] : memref<24x32x128xf32, #tpu.memory_space<vmem>> -> memref<1x32x128xf32, #tpu.memory_space<vmem>>
      %gather3A_2947 = tpu.memref_squeeze %gather3A_2946 : memref<1x32x128xf32, #tpu.memory_space<vmem>> -> memref<32x128xf32, #tpu.memory_space<vmem>>
      %gather3A_2948 = tpu.vector_load_idx %gather3A_2947[%add3A_2942, %add3A_2908] : memref<32x128xf32, #tpu.memory_space<vmem>>[vector<16xi32>, vector<16xi32>], vector<16xf32>,
      %gather3A_2949 = tpu.vector_load_idx %arg11[%add3A_2942, %add3A_2928] : memref<32x64xf32, #tpu.memory_space<vmem>>[vector<16xi32>, vector<16xi32>], vector<16xf32>,
      %select_n3A_2950 = arith.select %ge3A_2919, %gather3A_2949, %gather3A_2948 : vector<16xf32>
      tpu.vector_store_idx %arg12[%add3A_2942, %add3A_2917], %select_n3A_2950 : memref<32x512xf32, #tpu.memory_space<vmem>>[vector<16xi32>, vector<16xi32>], vector<16xf32>,
      %slice3A_2951 = vector.extract_strided_slice %get3A_2746 {offsets = [4], sizes = [1], strides = [1]} : vector<16xi32> to vector<1xi32>
      %squeeze3A_2952 = vector.extract %slice3A_2951[0] : i32 from vector<1xi32>
      %mul3A_2953 = arith.constant 0 : i32
      %mul3A_2954 = vector.broadcast %mul3A_2953 : i32 to vector<16xi32>
      %mul3A_2955 = arith.muli %iota3A, %mul3A_2954 : vector<16xi32>
      %and3A_2956 = arith.constant 127 : i32
      %and3A_2957 = arith.andi %squeeze3A_2952, %and3A_2956 : i32
      %add3A_2958 = vector.broadcast %and3A_2957 : i32 to vector<16xi32>
      %add3A_2959 = arith.addi %mul3A_2955, %add3A_2958 : vector<16xi32>
      %mul3A_2960 = arith.constant 0 : i32
      %mul3A_2961 = vector.broadcast %mul3A_2960 : i32 to vector<16xi32>
      %mul3A_2962 = arith.muli %iota3A, %mul3A_2961 : vector<16xi32>
      %mul3A_2963 = arith.constant 8 : i32
      %mul3A_2964 = arith.muli %add3A_2742, %mul3A_2963 : i32
      %add3A_2965 = arith.constant 4 : i32
      %add3A_2966 = arith.addi %mul3A_2964, %add3A_2965 : i32
      %add3A_2967 = vector.broadcast %add3A_2966 : i32 to vector<16xi32>
      %add3A_2968 = arith.addi %mul3A_2962, %add3A_2967 : vector<16xi32>
      %ge3A_2969 = arith.constant 999936 : i32
      %ge3A_2970 = arith.cmpi sge, %squeeze3A_2952, %ge3A_2969 : i32
      %mul3A_2971 = arith.constant 0 : i32
      %mul3A_2972 = vector.broadcast %mul3A_2971 : i32 to vector<16xi32>
      %mul3A_2973 = arith.muli %iota3A, %mul3A_2972 : vector<16xi32>
      %sub3A_2974 = arith.constant 999936 : i32
      %sub3A_2975 = arith.subi %squeeze3A_2952, %sub3A_2974 : i32
      %max3A_2976 = arith.constant 0 : i32
      %max3A_2977 = arith.maxsi %sub3A_2975, %max3A_2976 : i32
      %add3A_2978 = vector.broadcast %max3A_2977 : i32 to vector<16xi32>
      %add3A_2979 = arith.addi %mul3A_2973, %add3A_2978 : vector<16xi32>
      %add3A_2980 = arith.constant 0 : i32
      %add3A_2981 = vector.broadcast %add3A_2980 : i32 to vector<16xi32>
      %add3A_2982 = arith.addi %add3A_2981, %iota3A : vector<16xi32>
      %gather3A_2983 = arith.constant 20 : i32
      %gather3A_2984 = arith.constant 0 : i32
      %gather3A_2985 = arith.constant 0 : i32
      %gather3A_2986 = tpu.memref_slice %arg10[%gather3A_2983, %gather3A_2984, %gather3A_2985] : memref<24x32x128xf32, #tpu.memory_space<vmem>> -> memref<1x32x128xf32, #tpu.memory_space<vmem>>
      %gather3A_2987 = tpu.memref_squeeze %gather3A_2986 : memref<1x32x128xf32, #tpu.memory_space<vmem>> -> memref<32x128xf32, #tpu.memory_space<vmem>>
      %gather3A_2988 = tpu.vector_load_idx %gather3A_2987[%add3A_2982, %add3A_2959] : memref<32x128xf32, #tpu.memory_space<vmem>>[vector<16xi32>, vector<16xi32>], vector<16xf32>,
      %gather3A_2989 = tpu.vector_load_idx %arg11[%add3A_2982, %add3A_2979] : memref<32x64xf32, #tpu.memory_space<vmem>>[vector<16xi32>, vector<16xi32>], vector<16xf32>,
      %select_n3A_2990 = arith.select %ge3A_2970, %gather3A_2989, %gather3A_2988 : vector<16xf32>
      tpu.vector_store_idx %arg12[%add3A_2982, %add3A_2968], %select_n3A_2990 : memref<32x512xf32, #tpu.memory_space<vmem>>[vector<16xi32>, vector<16xi32>], vector<16xf32>,
      %add3A_2991 = arith.constant 16 : i32
      %add3A_2992 = vector.broadcast %add3A_2991 : i32 to vector<16xi32>
      %add3A_2993 = arith.addi %add3A_2992, %iota3A : vector<16xi32>
      %gather3A_2994 = arith.constant 20 : i32
      %gather3A_2995 = arith.constant 0 : i32
      %gather3A_2996 = arith.constant 0 : i32
      %gather3A_2997 = tpu.memref_slice %arg10[%gather3A_2994, %gather3A_2995, %gather3A_2996] : memref<24x32x128xf32, #tpu.memory_space<vmem>> -> memref<1x32x128xf32, #tpu.memory_space<vmem>>
      %gather3A_2998 = tpu.memref_squeeze %gather3A_2997 : memref<1x32x128xf32, #tpu.memory_space<vmem>> -> memref<32x128xf32, #tpu.memory_space<vmem>>
      %gather3A_2999 = tpu.vector_load_idx %gather3A_2998[%add3A_2993, %add3A_2959] : memref<32x128xf32, #tpu.memory_space<vmem>>[vector<16xi32>, vector<16xi32>], vector<16xf32>,
      %gather3A_3000 = tpu.vector_load_idx %arg11[%add3A_2993, %add3A_2979] : memref<32x64xf32, #tpu.memory_space<vmem>>[vector<16xi32>, vector<16xi32>], vector<16xf32>,
      %select_n3A_3001 = arith.select %ge3A_2970, %gather3A_3000, %gather3A_2999 : vector<16xf32>
      tpu.vector_store_idx %arg12[%add3A_2993, %add3A_2968], %select_n3A_3001 : memref<32x512xf32, #tpu.memory_space<vmem>>[vector<16xi32>, vector<16xi32>], vector<16xf32>,
      %slice3A_3002 = vector.extract_strided_slice %get3A_2746 {offsets = [5], sizes = [1], strides = [1]} : vector<16xi32> to vector<1xi32>
      %squeeze3A_3003 = vector.extract %slice3A_3002[0] : i32 from vector<1xi32>
      %mul3A_3004 = arith.constant 0 : i32
      %mul3A_3005 = vector.broadcast %mul3A_3004 : i32 to vector<16xi32>
      %mul3A_3006 = arith.muli %iota3A, %mul3A_3005 : vector<16xi32>
      %and3A_3007 = arith.constant 127 : i32
      %and3A_3008 = arith.andi %squeeze3A_3003, %and3A_3007 : i32
      %add3A_3009 = vector.broadcast %and3A_3008 : i32 to vector<16xi32>
      %add3A_3010 = arith.addi %mul3A_3006, %add3A_3009 : vector<16xi32>
      %mul3A_3011 = arith.constant 0 : i32
      %mul3A_3012 = vector.broadcast %mul3A_3011 : i32 to vector<16xi32>
      %mul3A_3013 = arith.muli %iota3A, %mul3A_3012 : vector<16xi32>
      %mul3A_3014 = arith.constant 8 : i32
      %mul3A_3015 = arith.muli %add3A_2742, %mul3A_3014 : i32
      %add3A_3016 = arith.constant 5 : i32
      %add3A_3017 = arith.addi %mul3A_3015, %add3A_3016 : i32
      %add3A_3018 = vector.broadcast %add3A_3017 : i32 to vector<16xi32>
      %add3A_3019 = arith.addi %mul3A_3013, %add3A_3018 : vector<16xi32>
      %ge3A_3020 = arith.constant 999936 : i32
      %ge3A_3021 = arith.cmpi sge, %squeeze3A_3003, %ge3A_3020 : i32
      %mul3A_3022 = arith.constant 0 : i32
      %mul3A_3023 = vector.broadcast %mul3A_3022 : i32 to vector<16xi32>
      %mul3A_3024 = arith.muli %iota3A, %mul3A_3023 : vector<16xi32>
      %sub3A_3025 = arith.constant 999936 : i32
      %sub3A_3026 = arith.subi %squeeze3A_3003, %sub3A_3025 : i32
      %max3A_3027 = arith.constant 0 : i32
      %max3A_3028 = arith.maxsi %sub3A_3026, %max3A_3027 : i32
      %add3A_3029 = vector.broadcast %max3A_3028 : i32 to vector<16xi32>
      %add3A_3030 = arith.addi %mul3A_3024, %add3A_3029 : vector<16xi32>
      %add3A_3031 = arith.constant 0 : i32
      %add3A_3032 = vector.broadcast %add3A_3031 : i32 to vector<16xi32>
      %add3A_3033 = arith.addi %add3A_3032, %iota3A : vector<16xi32>
      %gather3A_3034 = arith.constant 21 : i32
      %gather3A_3035 = arith.constant 0 : i32
      %gather3A_3036 = arith.constant 0 : i32
      %gather3A_3037 = tpu.memref_slice %arg10[%gather3A_3034, %gather3A_3035, %gather3A_3036] : memref<24x32x128xf32, #tpu.memory_space<vmem>> -> memref<1x32x128xf32, #tpu.memory_space<vmem>>
      %gather3A_3038 = tpu.memref_squeeze %gather3A_3037 : memref<1x32x128xf32, #tpu.memory_space<vmem>> -> memref<32x128xf32, #tpu.memory_space<vmem>>
      %gather3A_3039 = tpu.vector_load_idx %gather3A_3038[%add3A_3033, %add3A_3010] : memref<32x128xf32, #tpu.memory_space<vmem>>[vector<16xi32>, vector<16xi32>], vector<16xf32>,
      %gather3A_3040 = tpu.vector_load_idx %arg11[%add3A_3033, %add3A_3030] : memref<32x64xf32, #tpu.memory_space<vmem>>[vector<16xi32>, vector<16xi32>], vector<16xf32>,
      %select_n3A_3041 = arith.select %ge3A_3021, %gather3A_3040, %gather3A_3039 : vector<16xf32>
      tpu.vector_store_idx %arg12[%add3A_3033, %add3A_3019], %select_n3A_3041 : memref<32x512xf32, #tpu.memory_space<vmem>>[vector<16xi32>, vector<16xi32>], vector<16xf32>,
      %add3A_3042 = arith.constant 16 : i32
      %add3A_3043 = vector.broadcast %add3A_3042 : i32 to vector<16xi32>
      %add3A_3044 = arith.addi %add3A_3043, %iota3A : vector<16xi32>
      %gather3A_3045 = arith.constant 21 : i32
      %gather3A_3046 = arith.constant 0 : i32
      %gather3A_3047 = arith.constant 0 : i32
      %gather3A_3048 = tpu.memref_slice %arg10[%gather3A_3045, %gather3A_3046, %gather3A_3047] : memref<24x32x128xf32, #tpu.memory_space<vmem>> -> memref<1x32x128xf32, #tpu.memory_space<vmem>>
      %gather3A_3049 = tpu.memref_squeeze %gather3A_3048 : memref<1x32x128xf32, #tpu.memory_space<vmem>> -> memref<32x128xf32, #tpu.memory_space<vmem>>
      %gather3A_3050 = tpu.vector_load_idx %gather3A_3049[%add3A_3044, %add3A_3010] : memref<32x128xf32, #tpu.memory_space<vmem>>[vector<16xi32>, vector<16xi32>], vector<16xf32>,
      %gather3A_3051 = tpu.vector_load_idx %arg11[%add3A_3044, %add3A_3030] : memref<32x64xf32, #tpu.memory_space<vmem>>[vector<16xi32>, vector<16xi32>], vector<16xf32>,
      %select_n3A_3052 = arith.select %ge3A_3021, %gather3A_3051, %gather3A_3050 : vector<16xf32>
      tpu.vector_store_idx %arg12[%add3A_3044, %add3A_3019], %select_n3A_3052 : memref<32x512xf32, #tpu.memory_space<vmem>>[vector<16xi32>, vector<16xi32>], vector<16xf32>,
      %slice3A_3053 = vector.extract_strided_slice %get3A_2746 {offsets = [6], sizes = [1], strides = [1]} : vector<16xi32> to vector<1xi32>
      %squeeze3A_3054 = vector.extract %slice3A_3053[0] : i32 from vector<1xi32>
      %mul3A_3055 = arith.constant 0 : i32
      %mul3A_3056 = vector.broadcast %mul3A_3055 : i32 to vector<16xi32>
      %mul3A_3057 = arith.muli %iota3A, %mul3A_3056 : vector<16xi32>
      %and3A_3058 = arith.constant 127 : i32
      %and3A_3059 = arith.andi %squeeze3A_3054, %and3A_3058 : i32
      %add3A_3060 = vector.broadcast %and3A_3059 : i32 to vector<16xi32>
      %add3A_3061 = arith.addi %mul3A_3057, %add3A_3060 : vector<16xi32>
      %mul3A_3062 = arith.constant 0 : i32
      %mul3A_3063 = vector.broadcast %mul3A_3062 : i32 to vector<16xi32>
      %mul3A_3064 = arith.muli %iota3A, %mul3A_3063 : vector<16xi32>
      %mul3A_3065 = arith.constant 8 : i32
      %mul3A_3066 = arith.muli %add3A_2742, %mul3A_3065 : i32
      %add3A_3067 = arith.constant 6 : i32
      %add3A_3068 = arith.addi %mul3A_3066, %add3A_3067 : i32
      %add3A_3069 = vector.broadcast %add3A_3068 : i32 to vector<16xi32>
      %add3A_3070 = arith.addi %mul3A_3064, %add3A_3069 : vector<16xi32>
      %ge3A_3071 = arith.constant 999936 : i32
      %ge3A_3072 = arith.cmpi sge, %squeeze3A_3054, %ge3A_3071 : i32
      %mul3A_3073 = arith.constant 0 : i32
      %mul3A_3074 = vector.broadcast %mul3A_3073 : i32 to vector<16xi32>
      %mul3A_3075 = arith.muli %iota3A, %mul3A_3074 : vector<16xi32>
      %sub3A_3076 = arith.constant 999936 : i32
      %sub3A_3077 = arith.subi %squeeze3A_3054, %sub3A_3076 : i32
      %max3A_3078 = arith.constant 0 : i32
      %max3A_3079 = arith.maxsi %sub3A_3077, %max3A_3078 : i32
      %add3A_3080 = vector.broadcast %max3A_3079 : i32 to vector<16xi32>
      %add3A_3081 = arith.addi %mul3A_3075, %add3A_3080 : vector<16xi32>
      %add3A_3082 = arith.constant 0 : i32
      %add3A_3083 = vector.broadcast %add3A_3082 : i32 to vector<16xi32>
      %add3A_3084 = arith.addi %add3A_3083, %iota3A : vector<16xi32>
      %gather3A_3085 = arith.constant 22 : i32
      %gather3A_3086 = arith.constant 0 : i32
      %gather3A_3087 = arith.constant 0 : i32
      %gather3A_3088 = tpu.memref_slice %arg10[%gather3A_3085, %gather3A_3086, %gather3A_3087] : memref<24x32x128xf32, #tpu.memory_space<vmem>> -> memref<1x32x128xf32, #tpu.memory_space<vmem>>
      %gather3A_3089 = tpu.memref_squeeze %gather3A_3088 : memref<1x32x128xf32, #tpu.memory_space<vmem>> -> memref<32x128xf32, #tpu.memory_space<vmem>>
      %gather3A_3090 = tpu.vector_load_idx %gather3A_3089[%add3A_3084, %add3A_3061] : memref<32x128xf32, #tpu.memory_space<vmem>>[vector<16xi32>, vector<16xi32>], vector<16xf32>,
      %gather3A_3091 = tpu.vector_load_idx %arg11[%add3A_3084, %add3A_3081] : memref<32x64xf32, #tpu.memory_space<vmem>>[vector<16xi32>, vector<16xi32>], vector<16xf32>,
      %select_n3A_3092 = arith.select %ge3A_3072, %gather3A_3091, %gather3A_3090 : vector<16xf32>
      tpu.vector_store_idx %arg12[%add3A_3084, %add3A_3070], %select_n3A_3092 : memref<32x512xf32, #tpu.memory_space<vmem>>[vector<16xi32>, vector<16xi32>], vector<16xf32>,
      %add3A_3093 = arith.constant 16 : i32
      %add3A_3094 = vector.broadcast %add3A_3093 : i32 to vector<16xi32>
      %add3A_3095 = arith.addi %add3A_3094, %iota3A : vector<16xi32>
      %gather3A_3096 = arith.constant 22 : i32
      %gather3A_3097 = arith.constant 0 : i32
      %gather3A_3098 = arith.constant 0 : i32
      %gather3A_3099 = tpu.memref_slice %arg10[%gather3A_3096, %gather3A_3097, %gather3A_3098] : memref<24x32x128xf32, #tpu.memory_space<vmem>> -> memref<1x32x128xf32, #tpu.memory_space<vmem>>
      %gather3A_3100 = tpu.memref_squeeze %gather3A_3099 : memref<1x32x128xf32, #tpu.memory_space<vmem>> -> memref<32x128xf32, #tpu.memory_space<vmem>>
      %gather3A_3101 = tpu.vector_load_idx %gather3A_3100[%add3A_3095, %add3A_3061] : memref<32x128xf32, #tpu.memory_space<vmem>>[vector<16xi32>, vector<16xi32>], vector<16xf32>,
      %gather3A_3102 = tpu.vector_load_idx %arg11[%add3A_3095, %add3A_3081] : memref<32x64xf32, #tpu.memory_space<vmem>>[vector<16xi32>, vector<16xi32>], vector<16xf32>,
      %select_n3A_3103 = arith.select %ge3A_3072, %gather3A_3102, %gather3A_3101 : vector<16xf32>
      tpu.vector_store_idx %arg12[%add3A_3095, %add3A_3070], %select_n3A_3103 : memref<32x512xf32, #tpu.memory_space<vmem>>[vector<16xi32>, vector<16xi32>], vector<16xf32>,
      %slice3A_3104 = vector.extract_strided_slice %get3A_2746 {offsets = [7], sizes = [1], strides = [1]} : vector<16xi32> to vector<1xi32>
      %squeeze3A_3105 = vector.extract %slice3A_3104[0] : i32 from vector<1xi32>
      %mul3A_3106 = arith.constant 0 : i32
      %mul3A_3107 = vector.broadcast %mul3A_3106 : i32 to vector<16xi32>
      %mul3A_3108 = arith.muli %iota3A, %mul3A_3107 : vector<16xi32>
      %and3A_3109 = arith.constant 127 : i32
      %and3A_3110 = arith.andi %squeeze3A_3105, %and3A_3109 : i32
      %add3A_3111 = vector.broadcast %and3A_3110 : i32 to vector<16xi32>
      %add3A_3112 = arith.addi %mul3A_3108, %add3A_3111 : vector<16xi32>
      %mul3A_3113 = arith.constant 0 : i32
      %mul3A_3114 = vector.broadcast %mul3A_3113 : i32 to vector<16xi32>
      %mul3A_3115 = arith.muli %iota3A, %mul3A_3114 : vector<16xi32>
      %mul3A_3116 = arith.constant 8 : i32
      %mul3A_3117 = arith.muli %add3A_2742, %mul3A_3116 : i32
      %add3A_3118 = arith.constant 7 : i32
      %add3A_3119 = arith.addi %mul3A_3117, %add3A_3118 : i32
      %add3A_3120 = vector.broadcast %add3A_3119 : i32 to vector<16xi32>
      %add3A_3121 = arith.addi %mul3A_3115, %add3A_3120 : vector<16xi32>
      %ge3A_3122 = arith.constant 999936 : i32
      %ge3A_3123 = arith.cmpi sge, %squeeze3A_3105, %ge3A_3122 : i32
      %mul3A_3124 = arith.constant 0 : i32
      %mul3A_3125 = vector.broadcast %mul3A_3124 : i32 to vector<16xi32>
      %mul3A_3126 = arith.muli %iota3A, %mul3A_3125 : vector<16xi32>
      %sub3A_3127 = arith.constant 999936 : i32
      %sub3A_3128 = arith.subi %squeeze3A_3105, %sub3A_3127 : i32
      %max3A_3129 = arith.constant 0 : i32
      %max3A_3130 = arith.maxsi %sub3A_3128, %max3A_3129 : i32
      %add3A_3131 = vector.broadcast %max3A_3130 : i32 to vector<16xi32>
      %add3A_3132 = arith.addi %mul3A_3126, %add3A_3131 : vector<16xi32>
      %add3A_3133 = arith.constant 0 : i32
      %add3A_3134 = vector.broadcast %add3A_3133 : i32 to vector<16xi32>
      %add3A_3135 = arith.addi %add3A_3134, %iota3A : vector<16xi32>
      %gather3A_3136 = arith.constant 23 : i32
      %gather3A_3137 = arith.constant 0 : i32
      %gather3A_3138 = arith.constant 0 : i32
      %gather3A_3139 = tpu.memref_slice %arg10[%gather3A_3136, %gather3A_3137, %gather3A_3138] : memref<24x32x128xf32, #tpu.memory_space<vmem>> -> memref<1x32x128xf32, #tpu.memory_space<vmem>>
      %gather3A_3140 = tpu.memref_squeeze %gather3A_3139 : memref<1x32x128xf32, #tpu.memory_space<vmem>> -> memref<32x128xf32, #tpu.memory_space<vmem>>
      %gather3A_3141 = tpu.vector_load_idx %gather3A_3140[%add3A_3135, %add3A_3112] : memref<32x128xf32, #tpu.memory_space<vmem>>[vector<16xi32>, vector<16xi32>], vector<16xf32>,
      %gather3A_3142 = tpu.vector_load_idx %arg11[%add3A_3135, %add3A_3132] : memref<32x64xf32, #tpu.memory_space<vmem>>[vector<16xi32>, vector<16xi32>], vector<16xf32>,
      %select_n3A_3143 = arith.select %ge3A_3123, %gather3A_3142, %gather3A_3141 : vector<16xf32>
      tpu.vector_store_idx %arg12[%add3A_3135, %add3A_3121], %select_n3A_3143 : memref<32x512xf32, #tpu.memory_space<vmem>>[vector<16xi32>, vector<16xi32>], vector<16xf32>,
      %add3A_3144 = arith.constant 16 : i32
      %add3A_3145 = vector.broadcast %add3A_3144 : i32 to vector<16xi32>
      %add3A_3146 = arith.addi %add3A_3145, %iota3A : vector<16xi32>
      %gather3A_3147 = arith.constant 23 : i32
      %gather3A_3148 = arith.constant 0 : i32
      %gather3A_3149 = arith.constant 0 : i32
      %gather3A_3150 = tpu.memref_slice %arg10[%gather3A_3147, %gather3A_3148, %gather3A_3149] : memref<24x32x128xf32, #tpu.memory_space<vmem>> -> memref<1x32x128xf32, #tpu.memory_space<vmem>>
      %gather3A_3151 = tpu.memref_squeeze %gather3A_3150 : memref<1x32x128xf32, #tpu.memory_space<vmem>> -> memref<32x128xf32, #tpu.memory_space<vmem>>
      %gather3A_3152 = tpu.vector_load_idx %gather3A_3151[%add3A_3146, %add3A_3112] : memref<32x128xf32, #tpu.memory_space<vmem>>[vector<16xi32>, vector<16xi32>], vector<16xf32>,
      %gather3A_3153 = tpu.vector_load_idx %arg11[%add3A_3146, %add3A_3132] : memref<32x64xf32, #tpu.memory_space<vmem>>[vector<16xi32>, vector<16xi32>], vector<16xf32>,
      %select_n3A_3154 = arith.select %ge3A_3123, %gather3A_3153, %gather3A_3152 : vector<16xf32>
      tpu.vector_store_idx %arg12[%add3A_3146, %add3A_3121], %select_n3A_3154 : memref<32x512xf32, #tpu.memory_space<vmem>>[vector<16xi32>, vector<16xi32>], vector<16xf32>,
      %add3A_3155 = arith.constant 2 : i32
      %add3A_3156 = arith.addi %mul3A_1537, %add3A_3155 : i32
      %add3A_3157 = arith.constant 3 : i32
      %add3A_3158 = arith.addi %add3A_3156, %add3A_3157 : i32
      %lt3A_3159 = arith.constant 64 : i32
      %lt3A_3160 = arith.cmpi slt, %add3A_3158, %lt3A_3159 : i32
      %convert_element_type3A_3161 = arith.extui %lt3A_3160 : i1 to i32
      %cond3A_3162 = arith.constant 0 : i32
      %cond3A_3163 = arith.cmpi ne, %convert_element_type3A_3161, %cond3A_3162 : i32
      scf.if %cond3A_3163 {
        %add3A_3165 = arith.constant 2 : i32
        %add3A_3166 = arith.addi %mul3A_1537, %add3A_3165 : i32
        %add3A_3167 = arith.constant 3 : i32
        %add3A_3168 = arith.addi %add3A_3166, %add3A_3167 : i32
        %mul3A_3169 = arith.constant 8 : i32
        %mul3A_3170 = arith.muli %add3A_3168, %mul3A_3169 : i32
        %get3A_3171 = arith.index_cast %mul3A_3170 : i32 to index
        %get3A_3172 = tpu.vector_load %arg9[%get3A_3171] {strides = array<i32>} : memref<544xi32, #tpu.memory_space<vmem>>, vector<16xi32>,
        %slice3A_3173 = vector.extract_strided_slice %get3A_3172 {offsets = [0], sizes = [1], strides = [1]} : vector<16xi32> to vector<1xi32>
        %squeeze3A_3174 = vector.extract %slice3A_3173[0] : i32 from vector<1xi32>
        %mul3A_3175 = arith.constant 128 : i32
        %mul3A_3176 = arith.muli %squeeze3A_3174, %mul3A_3175 : i32
        %multiple_of3A_3177 = tpu.assume_multiple %mul3A_3176, 128 : i32
        %dma_start3A_3178 = arith.constant 16 : i32
        %dma_start3A_3179 = arith.constant 0 : i32
        %dma_start3A_3180 = arith.constant 0 : i32
        %dma_start3A_3181 = tpu.memref_slice %arg10[%dma_start3A_3178, %dma_start3A_3179, %dma_start3A_3180] : memref<24x32x128xf32, #tpu.memory_space<vmem>> -> memref<1x32x128xf32, #tpu.memory_space<vmem>>
        %dma_start3A_3182 = tpu.memref_squeeze %dma_start3A_3181 : memref<1x32x128xf32, #tpu.memory_space<vmem>> -> memref<32x128xf32, #tpu.memory_space<vmem>>
        %dma_start3A_3183 = arith.constant 0 : i32
        %dma_start3A_3184 = tpu.memref_slice %arg4[%dma_start3A_3183, %multiple_of3A_3177] : memref<32x1000000xf32, #tpu.memory_space<hbm>> -> memref<32x128xf32, #tpu.memory_space<hbm>>
        %dma_start3A_3185 = arith.constant 0 : i32
        %dma_start3A_3186 = arith.constant 0 : i32
        %dma_start3A_3187 = tpu.memref_slice %arg10[%dma_start3A_3178, %dma_start3A_3185, %dma_start3A_3186] : memref<24x32x128xf32, #tpu.memory_space<vmem>> -> memref<1x32x128xf32, #tpu.memory_space<vmem>>
        %dma_start3A_3188 = tpu.memref_squeeze %dma_start3A_3187 : memref<1x32x128xf32, #tpu.memory_space<vmem>> -> memref<32x128xf32, #tpu.memory_space<vmem>>
        %dma_start3A_3189 = arith.constant 0 : i32
        %dma_start3A_3190 = tpu.memref_slice %arg4[%dma_start3A_3189, %multiple_of3A_3177] : memref<32x1000000xf32, #tpu.memory_space<hbm>> -> memref<32x128xf32, #tpu.memory_space<hbm>>
        tpu.enqueue_dma source(%dma_start3A_3190 : memref<32x128xf32, #tpu.memory_space<hbm>>) target(%dma_start3A_3188 : memref<32x128xf32, #tpu.memory_space<vmem>>) target_semaphore(%arg15 : memref<!tpu.dma_semaphore, #tpu.memory_space<semaphore_mem>>)
        %slice3A_3191 = vector.extract_strided_slice %get3A_3172 {offsets = [1], sizes = [1], strides = [1]} : vector<16xi32> to vector<1xi32>
        %squeeze3A_3192 = vector.extract %slice3A_3191[0] : i32 from vector<1xi32>
        %mul3A_3193 = arith.constant 128 : i32
        %mul3A_3194 = arith.muli %squeeze3A_3192, %mul3A_3193 : i32
        %multiple_of3A_3195 = tpu.assume_multiple %mul3A_3194, 128 : i32
        %dma_start3A_3196 = arith.constant 17 : i32
        %dma_start3A_3197 = arith.constant 0 : i32
        %dma_start3A_3198 = arith.constant 0 : i32
        %dma_start3A_3199 = tpu.memref_slice %arg10[%dma_start3A_3196, %dma_start3A_3197, %dma_start3A_3198] : memref<24x32x128xf32, #tpu.memory_space<vmem>> -> memref<1x32x128xf32, #tpu.memory_space<vmem>>
        %dma_start3A_3200 = tpu.memref_squeeze %dma_start3A_3199 : memref<1x32x128xf32, #tpu.memory_space<vmem>> -> memref<32x128xf32, #tpu.memory_space<vmem>>
        %dma_start3A_3201 = arith.constant 0 : i32
        %dma_start3A_3202 = tpu.memref_slice %arg4[%dma_start3A_3201, %multiple_of3A_3195] : memref<32x1000000xf32, #tpu.memory_space<hbm>> -> memref<32x128xf32, #tpu.memory_space<hbm>>
        %dma_start3A_3203 = arith.constant 0 : i32
        %dma_start3A_3204 = arith.constant 0 : i32
        %dma_start3A_3205 = tpu.memref_slice %arg10[%dma_start3A_3196, %dma_start3A_3203, %dma_start3A_3204] : memref<24x32x128xf32, #tpu.memory_space<vmem>> -> memref<1x32x128xf32, #tpu.memory_space<vmem>>
        %dma_start3A_3206 = tpu.memref_squeeze %dma_start3A_3205 : memref<1x32x128xf32, #tpu.memory_space<vmem>> -> memref<32x128xf32, #tpu.memory_space<vmem>>
        %dma_start3A_3207 = arith.constant 0 : i32
        %dma_start3A_3208 = tpu.memref_slice %arg4[%dma_start3A_3207, %multiple_of3A_3195] : memref<32x1000000xf32, #tpu.memory_space<hbm>> -> memref<32x128xf32, #tpu.memory_space<hbm>>
        tpu.enqueue_dma source(%dma_start3A_3208 : memref<32x128xf32, #tpu.memory_space<hbm>>) target(%dma_start3A_3206 : memref<32x128xf32, #tpu.memory_space<vmem>>) target_semaphore(%arg15 : memref<!tpu.dma_semaphore, #tpu.memory_space<semaphore_mem>>)
        %slice3A_3209 = vector.extract_strided_slice %get3A_3172 {offsets = [2], sizes = [1], strides = [1]} : vector<16xi32> to vector<1xi32>
        %squeeze3A_3210 = vector.extract %slice3A_3209[0] : i32 from vector<1xi32>
        %mul3A_3211 = arith.constant 128 : i32
        %mul3A_3212 = arith.muli %squeeze3A_3210, %mul3A_3211 : i32
        %multiple_of3A_3213 = tpu.assume_multiple %mul3A_3212, 128 : i32
        %dma_start3A_3214 = arith.constant 18 : i32
        %dma_start3A_3215 = arith.constant 0 : i32
        %dma_start3A_3216 = arith.constant 0 : i32
        %dma_start3A_3217 = tpu.memref_slice %arg10[%dma_start3A_3214, %dma_start3A_3215, %dma_start3A_3216] : memref<24x32x128xf32, #tpu.memory_space<vmem>> -> memref<1x32x128xf32, #tpu.memory_space<vmem>>
        %dma_start3A_3218 = tpu.memref_squeeze %dma_start3A_3217 : memref<1x32x128xf32, #tpu.memory_space<vmem>> -> memref<32x128xf32, #tpu.memory_space<vmem>>
        %dma_start3A_3219 = arith.constant 0 : i32
        %dma_start3A_3220 = tpu.memref_slice %arg4[%dma_start3A_3219, %multiple_of3A_3213] : memref<32x1000000xf32, #tpu.memory_space<hbm>> -> memref<32x128xf32, #tpu.memory_space<hbm>>
        %dma_start3A_3221 = arith.constant 0 : i32
        %dma_start3A_3222 = arith.constant 0 : i32
        %dma_start3A_3223 = tpu.memref_slice %arg10[%dma_start3A_3214, %dma_start3A_3221, %dma_start3A_3222] : memref<24x32x128xf32, #tpu.memory_space<vmem>> -> memref<1x32x128xf32, #tpu.memory_space<vmem>>
        %dma_start3A_3224 = tpu.memref_squeeze %dma_start3A_3223 : memref<1x32x128xf32, #tpu.memory_space<vmem>> -> memref<32x128xf32, #tpu.memory_space<vmem>>
        %dma_start3A_3225 = arith.constant 0 : i32
        %dma_start3A_3226 = tpu.memref_slice %arg4[%dma_start3A_3225, %multiple_of3A_3213] : memref<32x1000000xf32, #tpu.memory_space<hbm>> -> memref<32x128xf32, #tpu.memory_space<hbm>>
        tpu.enqueue_dma source(%dma_start3A_3226 : memref<32x128xf32, #tpu.memory_space<hbm>>) target(%dma_start3A_3224 : memref<32x128xf32, #tpu.memory_space<vmem>>) target_semaphore(%arg15 : memref<!tpu.dma_semaphore, #tpu.memory_space<semaphore_mem>>)
        %slice3A_3227 = vector.extract_strided_slice %get3A_3172 {offsets = [3], sizes = [1], strides = [1]} : vector<16xi32> to vector<1xi32>
        %squeeze3A_3228 = vector.extract %slice3A_3227[0] : i32 from vector<1xi32>
        %mul3A_3229 = arith.constant 128 : i32
        %mul3A_3230 = arith.muli %squeeze3A_3228, %mul3A_3229 : i32
        %multiple_of3A_3231 = tpu.assume_multiple %mul3A_3230, 128 : i32
        %dma_start3A_3232 = arith.constant 19 : i32
        %dma_start3A_3233 = arith.constant 0 : i32
        %dma_start3A_3234 = arith.constant 0 : i32
        %dma_start3A_3235 = tpu.memref_slice %arg10[%dma_start3A_3232, %dma_start3A_3233, %dma_start3A_3234] : memref<24x32x128xf32, #tpu.memory_space<vmem>> -> memref<1x32x128xf32, #tpu.memory_space<vmem>>
        %dma_start3A_3236 = tpu.memref_squeeze %dma_start3A_3235 : memref<1x32x128xf32, #tpu.memory_space<vmem>> -> memref<32x128xf32, #tpu.memory_space<vmem>>
        %dma_start3A_3237 = arith.constant 0 : i32
        %dma_start3A_3238 = tpu.memref_slice %arg4[%dma_start3A_3237, %multiple_of3A_3231] : memref<32x1000000xf32, #tpu.memory_space<hbm>> -> memref<32x128xf32, #tpu.memory_space<hbm>>
        %dma_start3A_3239 = arith.constant 0 : i32
        %dma_start3A_3240 = arith.constant 0 : i32
        %dma_start3A_3241 = tpu.memref_slice %arg10[%dma_start3A_3232, %dma_start3A_3239, %dma_start3A_3240] : memref<24x32x128xf32, #tpu.memory_space<vmem>> -> memref<1x32x128xf32, #tpu.memory_space<vmem>>
        %dma_start3A_3242 = tpu.memref_squeeze %dma_start3A_3241 : memref<1x32x128xf32, #tpu.memory_space<vmem>> -> memref<32x128xf32, #tpu.memory_space<vmem>>
        %dma_start3A_3243 = arith.constant 0 : i32
        %dma_start3A_3244 = tpu.memref_slice %arg4[%dma_start3A_3243, %multiple_of3A_3231] : memref<32x1000000xf32, #tpu.memory_space<hbm>> -> memref<32x128xf32, #tpu.memory_space<hbm>>
        tpu.enqueue_dma source(%dma_start3A_3244 : memref<32x128xf32, #tpu.memory_space<hbm>>) target(%dma_start3A_3242 : memref<32x128xf32, #tpu.memory_space<vmem>>) target_semaphore(%arg15 : memref<!tpu.dma_semaphore, #tpu.memory_space<semaphore_mem>>)
        %slice3A_3245 = vector.extract_strided_slice %get3A_3172 {offsets = [4], sizes = [1], strides = [1]} : vector<16xi32> to vector<1xi32>
        %squeeze3A_3246 = vector.extract %slice3A_3245[0] : i32 from vector<1xi32>
        %mul3A_3247 = arith.constant 128 : i32
        %mul3A_3248 = arith.muli %squeeze3A_3246, %mul3A_3247 : i32
        %multiple_of3A_3249 = tpu.assume_multiple %mul3A_3248, 128 : i32
        %dma_start3A_3250 = arith.constant 20 : i32
        %dma_start3A_3251 = arith.constant 0 : i32
        %dma_start3A_3252 = arith.constant 0 : i32
        %dma_start3A_3253 = tpu.memref_slice %arg10[%dma_start3A_3250, %dma_start3A_3251, %dma_start3A_3252] : memref<24x32x128xf32, #tpu.memory_space<vmem>> -> memref<1x32x128xf32, #tpu.memory_space<vmem>>
        %dma_start3A_3254 = tpu.memref_squeeze %dma_start3A_3253 : memref<1x32x128xf32, #tpu.memory_space<vmem>> -> memref<32x128xf32, #tpu.memory_space<vmem>>
        %dma_start3A_3255 = arith.constant 0 : i32
        %dma_start3A_3256 = tpu.memref_slice %arg4[%dma_start3A_3255, %multiple_of3A_3249] : memref<32x1000000xf32, #tpu.memory_space<hbm>> -> memref<32x128xf32, #tpu.memory_space<hbm>>
        %dma_start3A_3257 = arith.constant 0 : i32
        %dma_start3A_3258 = arith.constant 0 : i32
        %dma_start3A_3259 = tpu.memref_slice %arg10[%dma_start3A_3250, %dma_start3A_3257, %dma_start3A_3258] : memref<24x32x128xf32, #tpu.memory_space<vmem>> -> memref<1x32x128xf32, #tpu.memory_space<vmem>>
        %dma_start3A_3260 = tpu.memref_squeeze %dma_start3A_3259 : memref<1x32x128xf32, #tpu.memory_space<vmem>> -> memref<32x128xf32, #tpu.memory_space<vmem>>
        %dma_start3A_3261 = arith.constant 0 : i32
        %dma_start3A_3262 = tpu.memref_slice %arg4[%dma_start3A_3261, %multiple_of3A_3249] : memref<32x1000000xf32, #tpu.memory_space<hbm>> -> memref<32x128xf32, #tpu.memory_space<hbm>>
        tpu.enqueue_dma source(%dma_start3A_3262 : memref<32x128xf32, #tpu.memory_space<hbm>>) target(%dma_start3A_3260 : memref<32x128xf32, #tpu.memory_space<vmem>>) target_semaphore(%arg15 : memref<!tpu.dma_semaphore, #tpu.memory_space<semaphore_mem>>)
        %slice3A_3263 = vector.extract_strided_slice %get3A_3172 {offsets = [5], sizes = [1], strides = [1]} : vector<16xi32> to vector<1xi32>
        %squeeze3A_3264 = vector.extract %slice3A_3263[0] : i32 from vector<1xi32>
        %mul3A_3265 = arith.constant 128 : i32
        %mul3A_3266 = arith.muli %squeeze3A_3264, %mul3A_3265 : i32
        %multiple_of3A_3267 = tpu.assume_multiple %mul3A_3266, 128 : i32
        %dma_start3A_3268 = arith.constant 21 : i32
        %dma_start3A_3269 = arith.constant 0 : i32
        %dma_start3A_3270 = arith.constant 0 : i32
        %dma_start3A_3271 = tpu.memref_slice %arg10[%dma_start3A_3268, %dma_start3A_3269, %dma_start3A_3270] : memref<24x32x128xf32, #tpu.memory_space<vmem>> -> memref<1x32x128xf32, #tpu.memory_space<vmem>>
        %dma_start3A_3272 = tpu.memref_squeeze %dma_start3A_3271 : memref<1x32x128xf32, #tpu.memory_space<vmem>> -> memref<32x128xf32, #tpu.memory_space<vmem>>
        %dma_start3A_3273 = arith.constant 0 : i32
        %dma_start3A_3274 = tpu.memref_slice %arg4[%dma_start3A_3273, %multiple_of3A_3267] : memref<32x1000000xf32, #tpu.memory_space<hbm>> -> memref<32x128xf32, #tpu.memory_space<hbm>>
        %dma_start3A_3275 = arith.constant 0 : i32
        %dma_start3A_3276 = arith.constant 0 : i32
        %dma_start3A_3277 = tpu.memref_slice %arg10[%dma_start3A_3268, %dma_start3A_3275, %dma_start3A_3276] : memref<24x32x128xf32, #tpu.memory_space<vmem>> -> memref<1x32x128xf32, #tpu.memory_space<vmem>>
        %dma_start3A_3278 = tpu.memref_squeeze %dma_start3A_3277 : memref<1x32x128xf32, #tpu.memory_space<vmem>> -> memref<32x128xf32, #tpu.memory_space<vmem>>
        %dma_start3A_3279 = arith.constant 0 : i32
        %dma_start3A_3280 = tpu.memref_slice %arg4[%dma_start3A_3279, %multiple_of3A_3267] : memref<32x1000000xf32, #tpu.memory_space<hbm>> -> memref<32x128xf32, #tpu.memory_space<hbm>>
        tpu.enqueue_dma source(%dma_start3A_3280 : memref<32x128xf32, #tpu.memory_space<hbm>>) target(%dma_start3A_3278 : memref<32x128xf32, #tpu.memory_space<vmem>>) target_semaphore(%arg15 : memref<!tpu.dma_semaphore, #tpu.memory_space<semaphore_mem>>)
        %slice3A_3281 = vector.extract_strided_slice %get3A_3172 {offsets = [6], sizes = [1], strides = [1]} : vector<16xi32> to vector<1xi32>
        %squeeze3A_3282 = vector.extract %slice3A_3281[0] : i32 from vector<1xi32>
        %mul3A_3283 = arith.constant 128 : i32
        %mul3A_3284 = arith.muli %squeeze3A_3282, %mul3A_3283 : i32
        %multiple_of3A_3285 = tpu.assume_multiple %mul3A_3284, 128 : i32
        %dma_start3A_3286 = arith.constant 22 : i32
        %dma_start3A_3287 = arith.constant 0 : i32
        %dma_start3A_3288 = arith.constant 0 : i32
        %dma_start3A_3289 = tpu.memref_slice %arg10[%dma_start3A_3286, %dma_start3A_3287, %dma_start3A_3288] : memref<24x32x128xf32, #tpu.memory_space<vmem>> -> memref<1x32x128xf32, #tpu.memory_space<vmem>>
        %dma_start3A_3290 = tpu.memref_squeeze %dma_start3A_3289 : memref<1x32x128xf32, #tpu.memory_space<vmem>> -> memref<32x128xf32, #tpu.memory_space<vmem>>
        %dma_start3A_3291 = arith.constant 0 : i32
        %dma_start3A_3292 = tpu.memref_slice %arg4[%dma_start3A_3291, %multiple_of3A_3285] : memref<32x1000000xf32, #tpu.memory_space<hbm>> -> memref<32x128xf32, #tpu.memory_space<hbm>>
        %dma_start3A_3293 = arith.constant 0 : i32
        %dma_start3A_3294 = arith.constant 0 : i32
        %dma_start3A_3295 = tpu.memref_slice %arg10[%dma_start3A_3286, %dma_start3A_3293, %dma_start3A_3294] : memref<24x32x128xf32, #tpu.memory_space<vmem>> -> memref<1x32x128xf32, #tpu.memory_space<vmem>>
        %dma_start3A_3296 = tpu.memref_squeeze %dma_start3A_3295 : memref<1x32x128xf32, #tpu.memory_space<vmem>> -> memref<32x128xf32, #tpu.memory_space<vmem>>
        %dma_start3A_3297 = arith.constant 0 : i32
        %dma_start3A_3298 = tpu.memref_slice %arg4[%dma_start3A_3297, %multiple_of3A_3285] : memref<32x1000000xf32, #tpu.memory_space<hbm>> -> memref<32x128xf32, #tpu.memory_space<hbm>>
        tpu.enqueue_dma source(%dma_start3A_3298 : memref<32x128xf32, #tpu.memory_space<hbm>>) target(%dma_start3A_3296 : memref<32x128xf32, #tpu.memory_space<vmem>>) target_semaphore(%arg15 : memref<!tpu.dma_semaphore, #tpu.memory_space<semaphore_mem>>)
        %slice3A_3299 = vector.extract_strided_slice %get3A_3172 {offsets = [7], sizes = [1], strides = [1]} : vector<16xi32> to vector<1xi32>
        %squeeze3A_3300 = vector.extract %slice3A_3299[0] : i32 from vector<1xi32>
        %mul3A_3301 = arith.constant 128 : i32
        %mul3A_3302 = arith.muli %squeeze3A_3300, %mul3A_3301 : i32
        %multiple_of3A_3303 = tpu.assume_multiple %mul3A_3302, 128 : i32
        %dma_start3A_3304 = arith.constant 23 : i32
        %dma_start3A_3305 = arith.constant 0 : i32
        %dma_start3A_3306 = arith.constant 0 : i32
        %dma_start3A_3307 = tpu.memref_slice %arg10[%dma_start3A_3304, %dma_start3A_3305, %dma_start3A_3306] : memref<24x32x128xf32, #tpu.memory_space<vmem>> -> memref<1x32x128xf32, #tpu.memory_space<vmem>>
        %dma_start3A_3308 = tpu.memref_squeeze %dma_start3A_3307 : memref<1x32x128xf32, #tpu.memory_space<vmem>> -> memref<32x128xf32, #tpu.memory_space<vmem>>
        %dma_start3A_3309 = arith.constant 0 : i32
        %dma_start3A_3310 = tpu.memref_slice %arg4[%dma_start3A_3309, %multiple_of3A_3303] : memref<32x1000000xf32, #tpu.memory_space<hbm>> -> memref<32x128xf32, #tpu.memory_space<hbm>>
        %dma_start3A_3311 = arith.constant 0 : i32
        %dma_start3A_3312 = arith.constant 0 : i32
        %dma_start3A_3313 = tpu.memref_slice %arg10[%dma_start3A_3304, %dma_start3A_3311, %dma_start3A_3312] : memref<24x32x128xf32, #tpu.memory_space<vmem>> -> memref<1x32x128xf32, #tpu.memory_space<vmem>>
        %dma_start3A_3314 = tpu.memref_squeeze %dma_start3A_3313 : memref<1x32x128xf32, #tpu.memory_space<vmem>> -> memref<32x128xf32, #tpu.memory_space<vmem>>
        %dma_start3A_3315 = arith.constant 0 : i32
        %dma_start3A_3316 = tpu.memref_slice %arg4[%dma_start3A_3315, %multiple_of3A_3303] : memref<32x1000000xf32, #tpu.memory_space<hbm>> -> memref<32x128xf32, #tpu.memory_space<hbm>>
        tpu.enqueue_dma source(%dma_start3A_3316 : memref<32x128xf32, #tpu.memory_space<hbm>>) target(%dma_start3A_3314 : memref<32x128xf32, #tpu.memory_space<vmem>>) target_semaphore(%arg15 : memref<!tpu.dma_semaphore, #tpu.memory_space<semaphore_mem>>)
      } else {
      }
      %scan3A_3164 = arith.constant 0 : i32
      scf.yield %scan3A_3164 : i32
    }
    %scan3A_1034 = arith.constant 21 : i32
    %dma_wait3A = arith.constant 0 : i32
    %dma_wait3A_1035 = arith.constant 0 : i32
    %dma_wait3A_1036 = arith.constant 0 : i32
    %dma_wait3A_1037 = tpu.memref_slice %arg10[%dma_wait3A, %dma_wait3A_1035, %dma_wait3A_1036] : memref<24x32x128xf32, #tpu.memory_space<vmem>> -> memref<1x32x128xf32, #tpu.memory_space<vmem>>
    %dma_wait3A_1038 = tpu.memref_squeeze %dma_wait3A_1037 : memref<1x32x128xf32, #tpu.memory_space<vmem>> -> memref<32x128xf32, #tpu.memory_space<vmem>>
    %dma_wait3A_1039 = arith.constant 0 : i32
    %dma_wait3A_1040 = arith.constant 0 : i32
    %dma_wait3A_1041 = tpu.memref_slice %arg4[%dma_wait3A_1039, %dma_wait3A_1040] : memref<32x1000000xf32, #tpu.memory_space<hbm>> -> memref<32x128xf32, #tpu.memory_space<hbm>>
    %dma_wait3A_1042 = arith.constant 0 : i32
    %dma_wait3A_1043 = arith.constant 0 : i32
    %dma_wait3A_1044 = tpu.memref_slice %arg10[%dma_wait3A, %dma_wait3A_1042, %dma_wait3A_1043] : memref<24x32x128xf32, #tpu.memory_space<vmem>> -> memref<1x32x128xf32, #tpu.memory_space<vmem>>
    %dma_wait3A_1045 = tpu.memref_squeeze %dma_wait3A_1044 : memref<1x32x128xf32, #tpu.memory_space<vmem>> -> memref<32x128xf32, #tpu.memory_space<vmem>>
    %dma_wait3A_1046 = arith.constant 0 : i32
    %dma_wait3A_1047 = arith.constant 0 : i32
    %dma_wait3A_1048 = tpu.memref_slice %arg4[%dma_wait3A_1046, %dma_wait3A_1047] : memref<32x1000000xf32, #tpu.memory_space<hbm>> -> memref<32x128xf32, #tpu.memory_space<hbm>>
    tpu.wait_dma2 semaphore(%arg13 : memref<!tpu.dma_semaphore, #tpu.memory_space<semaphore_mem>>) src(%dma_wait3A_1048 : memref<32x128xf32, #tpu.memory_space<hbm>>) dst(%dma_wait3A_1045 : memref<32x128xf32, #tpu.memory_space<vmem>>)
    %dma_wait3A_1049 = arith.constant 1 : i32
    %dma_wait3A_1050 = arith.constant 0 : i32
    %dma_wait3A_1051 = arith.constant 0 : i32
    %dma_wait3A_1052 = tpu.memref_slice %arg10[%dma_wait3A_1049, %dma_wait3A_1050, %dma_wait3A_1051] : memref<24x32x128xf32, #tpu.memory_space<vmem>> -> memref<1x32x128xf32, #tpu.memory_space<vmem>>
    %dma_wait3A_1053 = tpu.memref_squeeze %dma_wait3A_1052 : memref<1x32x128xf32, #tpu.memory_space<vmem>> -> memref<32x128xf32, #tpu.memory_space<vmem>>
    %dma_wait3A_1054 = arith.constant 0 : i32
    %dma_wait3A_1055 = arith.constant 0 : i32
    %dma_wait3A_1056 = tpu.memref_slice %arg4[%dma_wait3A_1054, %dma_wait3A_1055] : memref<32x1000000xf32, #tpu.memory_space<hbm>> -> memref<32x128xf32, #tpu.memory_space<hbm>>
    %dma_wait3A_1057 = arith.constant 0 : i32
    %dma_wait3A_1058 = arith.constant 0 : i32
    %dma_wait3A_1059 = tpu.memref_slice %arg10[%dma_wait3A_1049, %dma_wait3A_1057, %dma_wait3A_1058] : memref<24x32x128xf32, #tpu.memory_space<vmem>> -> memref<1x32x128xf32, #tpu.memory_space<vmem>>
    %dma_wait3A_1060 = tpu.memref_squeeze %dma_wait3A_1059 : memref<1x32x128xf32, #tpu.memory_space<vmem>> -> memref<32x128xf32, #tpu.memory_space<vmem>>
    %dma_wait3A_1061 = arith.constant 0 : i32
    %dma_wait3A_1062 = arith.constant 0 : i32
    %dma_wait3A_1063 = tpu.memref_slice %arg4[%dma_wait3A_1061, %dma_wait3A_1062] : memref<32x1000000xf32, #tpu.memory_space<hbm>> -> memref<32x128xf32, #tpu.memory_space<hbm>>
    tpu.wait_dma2 semaphore(%arg13 : memref<!tpu.dma_semaphore, #tpu.memory_space<semaphore_mem>>) src(%dma_wait3A_1063 : memref<32x128xf32, #tpu.memory_space<hbm>>) dst(%dma_wait3A_1060 : memref<32x128xf32, #tpu.memory_space<vmem>>)
    %dma_wait3A_1064 = arith.constant 2 : i32
    %dma_wait3A_1065 = arith.constant 0 : i32
    %dma_wait3A_1066 = arith.constant 0 : i32
    %dma_wait3A_1067 = tpu.memref_slice %arg10[%dma_wait3A_1064, %dma_wait3A_1065, %dma_wait3A_1066] : memref<24x32x128xf32, #tpu.memory_space<vmem>> -> memref<1x32x128xf32, #tpu.memory_space<vmem>>
    %dma_wait3A_1068 = tpu.memref_squeeze %dma_wait3A_1067 : memref<1x32x128xf32, #tpu.memory_space<vmem>> -> memref<32x128xf32, #tpu.memory_space<vmem>>
    %dma_wait3A_1069 = arith.constant 0 : i32
    %dma_wait3A_1070 = arith.constant 0 : i32
    %dma_wait3A_1071 = tpu.memref_slice %arg4[%dma_wait3A_1069, %dma_wait3A_1070] : memref<32x1000000xf32, #tpu.memory_space<hbm>> -> memref<32x128xf32, #tpu.memory_space<hbm>>
    %dma_wait3A_1072 = arith.constant 0 : i32
    %dma_wait3A_1073 = arith.constant 0 : i32
    %dma_wait3A_1074 = tpu.memref_slice %arg10[%dma_wait3A_1064, %dma_wait3A_1072, %dma_wait3A_1073] : memref<24x32x128xf32, #tpu.memory_space<vmem>> -> memref<1x32x128xf32, #tpu.memory_space<vmem>>
    %dma_wait3A_1075 = tpu.memref_squeeze %dma_wait3A_1074 : memref<1x32x128xf32, #tpu.memory_space<vmem>> -> memref<32x128xf32, #tpu.memory_space<vmem>>
    %dma_wait3A_1076 = arith.constant 0 : i32
    %dma_wait3A_1077 = arith.constant 0 : i32
    %dma_wait3A_1078 = tpu.memref_slice %arg4[%dma_wait3A_1076, %dma_wait3A_1077] : memref<32x1000000xf32, #tpu.memory_space<hbm>> -> memref<32x128xf32, #tpu.memory_space<hbm>>
    tpu.wait_dma2 semaphore(%arg13 : memref<!tpu.dma_semaphore, #tpu.memory_space<semaphore_mem>>) src(%dma_wait3A_1078 : memref<32x128xf32, #tpu.memory_space<hbm>>) dst(%dma_wait3A_1075 : memref<32x128xf32, #tpu.memory_space<vmem>>)
    %dma_wait3A_1079 = arith.constant 3 : i32
    %dma_wait3A_1080 = arith.constant 0 : i32
    %dma_wait3A_1081 = arith.constant 0 : i32
    %dma_wait3A_1082 = tpu.memref_slice %arg10[%dma_wait3A_1079, %dma_wait3A_1080, %dma_wait3A_1081] : memref<24x32x128xf32, #tpu.memory_space<vmem>> -> memref<1x32x128xf32, #tpu.memory_space<vmem>>
    %dma_wait3A_1083 = tpu.memref_squeeze %dma_wait3A_1082 : memref<1x32x128xf32, #tpu.memory_space<vmem>> -> memref<32x128xf32, #tpu.memory_space<vmem>>
    %dma_wait3A_1084 = arith.constant 0 : i32
    %dma_wait3A_1085 = arith.constant 0 : i32
    %dma_wait3A_1086 = tpu.memref_slice %arg4[%dma_wait3A_1084, %dma_wait3A_1085] : memref<32x1000000xf32, #tpu.memory_space<hbm>> -> memref<32x128xf32, #tpu.memory_space<hbm>>
    %dma_wait3A_1087 = arith.constant 0 : i32
    %dma_wait3A_1088 = arith.constant 0 : i32
    %dma_wait3A_1089 = tpu.memref_slice %arg10[%dma_wait3A_1079, %dma_wait3A_1087, %dma_wait3A_1088] : memref<24x32x128xf32, #tpu.memory_space<vmem>> -> memref<1x32x128xf32, #tpu.memory_space<vmem>>
    %dma_wait3A_1090 = tpu.memref_squeeze %dma_wait3A_1089 : memref<1x32x128xf32, #tpu.memory_space<vmem>> -> memref<32x128xf32, #tpu.memory_space<vmem>>
    %dma_wait3A_1091 = arith.constant 0 : i32
    %dma_wait3A_1092 = arith.constant 0 : i32
    %dma_wait3A_1093 = tpu.memref_slice %arg4[%dma_wait3A_1091, %dma_wait3A_1092] : memref<32x1000000xf32, #tpu.memory_space<hbm>> -> memref<32x128xf32, #tpu.memory_space<hbm>>
    tpu.wait_dma2 semaphore(%arg13 : memref<!tpu.dma_semaphore, #tpu.memory_space<semaphore_mem>>) src(%dma_wait3A_1093 : memref<32x128xf32, #tpu.memory_space<hbm>>) dst(%dma_wait3A_1090 : memref<32x128xf32, #tpu.memory_space<vmem>>)
    %dma_wait3A_1094 = arith.constant 4 : i32
    %dma_wait3A_1095 = arith.constant 0 : i32
    %dma_wait3A_1096 = arith.constant 0 : i32
    %dma_wait3A_1097 = tpu.memref_slice %arg10[%dma_wait3A_1094, %dma_wait3A_1095, %dma_wait3A_1096] : memref<24x32x128xf32, #tpu.memory_space<vmem>> -> memref<1x32x128xf32, #tpu.memory_space<vmem>>
    %dma_wait3A_1098 = tpu.memref_squeeze %dma_wait3A_1097 : memref<1x32x128xf32, #tpu.memory_space<vmem>> -> memref<32x128xf32, #tpu.memory_space<vmem>>
    %dma_wait3A_1099 = arith.constant 0 : i32
    %dma_wait3A_1100 = arith.constant 0 : i32
    %dma_wait3A_1101 = tpu.memref_slice %arg4[%dma_wait3A_1099, %dma_wait3A_1100] : memref<32x1000000xf32, #tpu.memory_space<hbm>> -> memref<32x128xf32, #tpu.memory_space<hbm>>
    %dma_wait3A_1102 = arith.constant 0 : i32
    %dma_wait3A_1103 = arith.constant 0 : i32
    %dma_wait3A_1104 = tpu.memref_slice %arg10[%dma_wait3A_1094, %dma_wait3A_1102, %dma_wait3A_1103] : memref<24x32x128xf32, #tpu.memory_space<vmem>> -> memref<1x32x128xf32, #tpu.memory_space<vmem>>
    %dma_wait3A_1105 = tpu.memref_squeeze %dma_wait3A_1104 : memref<1x32x128xf32, #tpu.memory_space<vmem>> -> memref<32x128xf32, #tpu.memory_space<vmem>>
    %dma_wait3A_1106 = arith.constant 0 : i32
    %dma_wait3A_1107 = arith.constant 0 : i32
    %dma_wait3A_1108 = tpu.memref_slice %arg4[%dma_wait3A_1106, %dma_wait3A_1107] : memref<32x1000000xf32, #tpu.memory_space<hbm>> -> memref<32x128xf32, #tpu.memory_space<hbm>>
    tpu.wait_dma2 semaphore(%arg13 : memref<!tpu.dma_semaphore, #tpu.memory_space<semaphore_mem>>) src(%dma_wait3A_1108 : memref<32x128xf32, #tpu.memory_space<hbm>>) dst(%dma_wait3A_1105 : memref<32x128xf32, #tpu.memory_space<vmem>>)
    %dma_wait3A_1109 = arith.constant 5 : i32
    %dma_wait3A_1110 = arith.constant 0 : i32
    %dma_wait3A_1111 = arith.constant 0 : i32
    %dma_wait3A_1112 = tpu.memref_slice %arg10[%dma_wait3A_1109, %dma_wait3A_1110, %dma_wait3A_1111] : memref<24x32x128xf32, #tpu.memory_space<vmem>> -> memref<1x32x128xf32, #tpu.memory_space<vmem>>
    %dma_wait3A_1113 = tpu.memref_squeeze %dma_wait3A_1112 : memref<1x32x128xf32, #tpu.memory_space<vmem>> -> memref<32x128xf32, #tpu.memory_space<vmem>>
    %dma_wait3A_1114 = arith.constant 0 : i32
    %dma_wait3A_1115 = arith.constant 0 : i32
    %dma_wait3A_1116 = tpu.memref_slice %arg4[%dma_wait3A_1114, %dma_wait3A_1115] : memref<32x1000000xf32, #tpu.memory_space<hbm>> -> memref<32x128xf32, #tpu.memory_space<hbm>>
    %dma_wait3A_1117 = arith.constant 0 : i32
    %dma_wait3A_1118 = arith.constant 0 : i32
    %dma_wait3A_1119 = tpu.memref_slice %arg10[%dma_wait3A_1109, %dma_wait3A_1117, %dma_wait3A_1118] : memref<24x32x128xf32, #tpu.memory_space<vmem>> -> memref<1x32x128xf32, #tpu.memory_space<vmem>>
    %dma_wait3A_1120 = tpu.memref_squeeze %dma_wait3A_1119 : memref<1x32x128xf32, #tpu.memory_space<vmem>> -> memref<32x128xf32, #tpu.memory_space<vmem>>
    %dma_wait3A_1121 = arith.constant 0 : i32
    %dma_wait3A_1122 = arith.constant 0 : i32
    %dma_wait3A_1123 = tpu.memref_slice %arg4[%dma_wait3A_1121, %dma_wait3A_1122] : memref<32x1000000xf32, #tpu.memory_space<hbm>> -> memref<32x128xf32, #tpu.memory_space<hbm>>
    tpu.wait_dma2 semaphore(%arg13 : memref<!tpu.dma_semaphore, #tpu.memory_space<semaphore_mem>>) src(%dma_wait3A_1123 : memref<32x128xf32, #tpu.memory_space<hbm>>) dst(%dma_wait3A_1120 : memref<32x128xf32, #tpu.memory_space<vmem>>)
    %dma_wait3A_1124 = arith.constant 6 : i32
    %dma_wait3A_1125 = arith.constant 0 : i32
    %dma_wait3A_1126 = arith.constant 0 : i32
    %dma_wait3A_1127 = tpu.memref_slice %arg10[%dma_wait3A_1124, %dma_wait3A_1125, %dma_wait3A_1126] : memref<24x32x128xf32, #tpu.memory_space<vmem>> -> memref<1x32x128xf32, #tpu.memory_space<vmem>>
    %dma_wait3A_1128 = tpu.memref_squeeze %dma_wait3A_1127 : memref<1x32x128xf32, #tpu.memory_space<vmem>> -> memref<32x128xf32, #tpu.memory_space<vmem>>
    %dma_wait3A_1129 = arith.constant 0 : i32
    %dma_wait3A_1130 = arith.constant 0 : i32
    %dma_wait3A_1131 = tpu.memref_slice %arg4[%dma_wait3A_1129, %dma_wait3A_1130] : memref<32x1000000xf32, #tpu.memory_space<hbm>> -> memref<32x128xf32, #tpu.memory_space<hbm>>
    %dma_wait3A_1132 = arith.constant 0 : i32
    %dma_wait3A_1133 = arith.constant 0 : i32
    %dma_wait3A_1134 = tpu.memref_slice %arg10[%dma_wait3A_1124, %dma_wait3A_1132, %dma_wait3A_1133] : memref<24x32x128xf32, #tpu.memory_space<vmem>> -> memref<1x32x128xf32, #tpu.memory_space<vmem>>
    %dma_wait3A_1135 = tpu.memref_squeeze %dma_wait3A_1134 : memref<1x32x128xf32, #tpu.memory_space<vmem>> -> memref<32x128xf32, #tpu.memory_space<vmem>>
    %dma_wait3A_1136 = arith.constant 0 : i32
    %dma_wait3A_1137 = arith.constant 0 : i32
    %dma_wait3A_1138 = tpu.memref_slice %arg4[%dma_wait3A_1136, %dma_wait3A_1137] : memref<32x1000000xf32, #tpu.memory_space<hbm>> -> memref<32x128xf32, #tpu.memory_space<hbm>>
    tpu.wait_dma2 semaphore(%arg13 : memref<!tpu.dma_semaphore, #tpu.memory_space<semaphore_mem>>) src(%dma_wait3A_1138 : memref<32x128xf32, #tpu.memory_space<hbm>>) dst(%dma_wait3A_1135 : memref<32x128xf32, #tpu.memory_space<vmem>>)
    %dma_wait3A_1139 = arith.constant 7 : i32
    %dma_wait3A_1140 = arith.constant 0 : i32
    %dma_wait3A_1141 = arith.constant 0 : i32
    %dma_wait3A_1142 = tpu.memref_slice %arg10[%dma_wait3A_1139, %dma_wait3A_1140, %dma_wait3A_1141] : memref<24x32x128xf32, #tpu.memory_space<vmem>> -> memref<1x32x128xf32, #tpu.memory_space<vmem>>
    %dma_wait3A_1143 = tpu.memref_squeeze %dma_wait3A_1142 : memref<1x32x128xf32, #tpu.memory_space<vmem>> -> memref<32x128xf32, #tpu.memory_space<vmem>>
    %dma_wait3A_1144 = arith.constant 0 : i32
    %dma_wait3A_1145 = arith.constant 0 : i32
    %dma_wait3A_1146 = tpu.memref_slice %arg4[%dma_wait3A_1144, %dma_wait3A_1145] : memref<32x1000000xf32, #tpu.memory_space<hbm>> -> memref<32x128xf32, #tpu.memory_space<hbm>>
    %dma_wait3A_1147 = arith.constant 0 : i32
    %dma_wait3A_1148 = arith.constant 0 : i32
    %dma_wait3A_1149 = tpu.memref_slice %arg10[%dma_wait3A_1139, %dma_wait3A_1147, %dma_wait3A_1148] : memref<24x32x128xf32, #tpu.memory_space<vmem>> -> memref<1x32x128xf32, #tpu.memory_space<vmem>>
    %dma_wait3A_1150 = tpu.memref_squeeze %dma_wait3A_1149 : memref<1x32x128xf32, #tpu.memory_space<vmem>> -> memref<32x128xf32, #tpu.memory_space<vmem>>
    %dma_wait3A_1151 = arith.constant 0 : i32
    %dma_wait3A_1152 = arith.constant 0 : i32
    %dma_wait3A_1153 = tpu.memref_slice %arg4[%dma_wait3A_1151, %dma_wait3A_1152] : memref<32x1000000xf32, #tpu.memory_space<hbm>> -> memref<32x128xf32, #tpu.memory_space<hbm>>
    tpu.wait_dma2 semaphore(%arg13 : memref<!tpu.dma_semaphore, #tpu.memory_space<semaphore_mem>>) src(%dma_wait3A_1153 : memref<32x128xf32, #tpu.memory_space<hbm>>) dst(%dma_wait3A_1150 : memref<32x128xf32, #tpu.memory_space<vmem>>)
    %get3A_1154 = arith.constant 504 : index
    %get3A_1155 = tpu.vector_load %arg8[%get3A_1154] {strides = array<i32>} : memref<544xi32, #tpu.memory_space<vmem>>, vector<16xi32>,
    %slice3A_1156 = vector.extract_strided_slice %get3A_1155 {offsets = [0], sizes = [1], strides = [1]} : vector<16xi32> to vector<1xi32>
    %squeeze3A_1157 = vector.extract %slice3A_1156[0] : i32 from vector<1xi32>
    %mul3A_1158 = arith.constant 0 : i32
    %mul3A_1159 = vector.broadcast %mul3A_1158 : i32 to vector<16xi32>
    %mul3A_1160 = arith.muli %iota3A, %mul3A_1159 : vector<16xi32>
    %and3A = arith.constant 127 : i32
    %and3A_1161 = arith.andi %squeeze3A_1157, %and3A : i32
    %add3A_1162 = vector.broadcast %and3A_1161 : i32 to vector<16xi32>
    %add3A_1163 = arith.addi %mul3A_1160, %add3A_1162 : vector<16xi32>
    %mul3A_1164 = arith.constant 0 : i32
    %mul3A_1165 = vector.broadcast %mul3A_1164 : i32 to vector<16xi32>
    %mul3A_1166 = arith.muli %iota3A, %mul3A_1165 : vector<16xi32>
    %add3A_1167 = arith.constant 504 : i32
    %add3A_1168 = vector.broadcast %add3A_1167 : i32 to vector<16xi32>
    %add3A_1169 = arith.addi %mul3A_1166, %add3A_1168 : vector<16xi32>
    %ge3A = arith.constant 999936 : i32
    %ge3A_1170 = arith.cmpi sge, %squeeze3A_1157, %ge3A : i32
    %mul3A_1171 = arith.constant 0 : i32
    %mul3A_1172 = vector.broadcast %mul3A_1171 : i32 to vector<16xi32>
    %mul3A_1173 = arith.muli %iota3A, %mul3A_1172 : vector<16xi32>
    %sub3A = arith.constant 999936 : i32
    %sub3A_1174 = arith.subi %squeeze3A_1157, %sub3A : i32
    %max3A = arith.constant 0 : i32
    %max3A_1175 = arith.maxsi %sub3A_1174, %max3A : i32
    %add3A_1176 = vector.broadcast %max3A_1175 : i32 to vector<16xi32>
    %add3A_1177 = arith.addi %mul3A_1173, %add3A_1176 : vector<16xi32>
    %add3A_1178 = arith.constant 0 : i32
    %add3A_1179 = vector.broadcast %add3A_1178 : i32 to vector<16xi32>
    %add3A_1180 = arith.addi %add3A_1179, %iota3A : vector<16xi32>
    %gather3A = arith.constant 0 : i32
    %gather3A_1181 = arith.constant 0 : i32
    %gather3A_1182 = arith.constant 0 : i32
    %gather3A_1183 = tpu.memref_slice %arg10[%gather3A, %gather3A_1181, %gather3A_1182] : memref<24x32x128xf32, #tpu.memory_space<vmem>> -> memref<1x32x128xf32, #tpu.memory_space<vmem>>
    %gather3A_1184 = tpu.memref_squeeze %gather3A_1183 : memref<1x32x128xf32, #tpu.memory_space<vmem>> -> memref<32x128xf32, #tpu.memory_space<vmem>>
    %gather3A_1185 = tpu.vector_load_idx %gather3A_1184[%add3A_1180, %add3A_1163] : memref<32x128xf32, #tpu.memory_space<vmem>>[vector<16xi32>, vector<16xi32>], vector<16xf32>,
    %gather3A_1186 = tpu.vector_load_idx %arg11[%add3A_1180, %add3A_1177] : memref<32x64xf32, #tpu.memory_space<vmem>>[vector<16xi32>, vector<16xi32>], vector<16xf32>,
    %select_n3A = arith.select %ge3A_1170, %gather3A_1186, %gather3A_1185 : vector<16xf32>
    tpu.vector_store_idx %arg12[%add3A_1180, %add3A_1169], %select_n3A : memref<32x512xf32, #tpu.memory_space<vmem>>[vector<16xi32>, vector<16xi32>], vector<16xf32>,
    %add3A_1187 = arith.constant 16 : i32
    %add3A_1188 = vector.broadcast %add3A_1187 : i32 to vector<16xi32>
    %add3A_1189 = arith.addi %add3A_1188, %iota3A : vector<16xi32>
    %gather3A_1190 = arith.constant 0 : i32
    %gather3A_1191 = arith.constant 0 : i32
    %gather3A_1192 = arith.constant 0 : i32
    %gather3A_1193 = tpu.memref_slice %arg10[%gather3A_1190, %gather3A_1191, %gather3A_1192] : memref<24x32x128xf32, #tpu.memory_space<vmem>> -> memref<1x32x128xf32, #tpu.memory_space<vmem>>
    %gather3A_1194 = tpu.memref_squeeze %gather3A_1193 : memref<1x32x128xf32, #tpu.memory_space<vmem>> -> memref<32x128xf32, #tpu.memory_space<vmem>>
    %gather3A_1195 = tpu.vector_load_idx %gather3A_1194[%add3A_1189, %add3A_1163] : memref<32x128xf32, #tpu.memory_space<vmem>>[vector<16xi32>, vector<16xi32>], vector<16xf32>,
    %gather3A_1196 = tpu.vector_load_idx %arg11[%add3A_1189, %add3A_1177] : memref<32x64xf32, #tpu.memory_space<vmem>>[vector<16xi32>, vector<16xi32>], vector<16xf32>,
    %select_n3A_1197 = arith.select %ge3A_1170, %gather3A_1196, %gather3A_1195 : vector<16xf32>
    tpu.vector_store_idx %arg12[%add3A_1189, %add3A_1169], %select_n3A_1197 : memref<32x512xf32, #tpu.memory_space<vmem>>[vector<16xi32>, vector<16xi32>], vector<16xf32>,
    %slice3A_1198 = vector.extract_strided_slice %get3A_1155 {offsets = [1], sizes = [1], strides = [1]} : vector<16xi32> to vector<1xi32>
    %squeeze3A_1199 = vector.extract %slice3A_1198[0] : i32 from vector<1xi32>
    %mul3A_1200 = arith.constant 0 : i32
    %mul3A_1201 = vector.broadcast %mul3A_1200 : i32 to vector<16xi32>
    %mul3A_1202 = arith.muli %iota3A, %mul3A_1201 : vector<16xi32>
    %and3A_1203 = arith.constant 127 : i32
    %and3A_1204 = arith.andi %squeeze3A_1199, %and3A_1203 : i32
    %add3A_1205 = vector.broadcast %and3A_1204 : i32 to vector<16xi32>
    %add3A_1206 = arith.addi %mul3A_1202, %add3A_1205 : vector<16xi32>
    %mul3A_1207 = arith.constant 0 : i32
    %mul3A_1208 = vector.broadcast %mul3A_1207 : i32 to vector<16xi32>
    %mul3A_1209 = arith.muli %iota3A, %mul3A_1208 : vector<16xi32>
    %add3A_1210 = arith.constant 505 : i32
    %add3A_1211 = vector.broadcast %add3A_1210 : i32 to vector<16xi32>
    %add3A_1212 = arith.addi %mul3A_1209, %add3A_1211 : vector<16xi32>
    %ge3A_1213 = arith.constant 999936 : i32
    %ge3A_1214 = arith.cmpi sge, %squeeze3A_1199, %ge3A_1213 : i32
    %mul3A_1215 = arith.constant 0 : i32
    %mul3A_1216 = vector.broadcast %mul3A_1215 : i32 to vector<16xi32>
    %mul3A_1217 = arith.muli %iota3A, %mul3A_1216 : vector<16xi32>
    %sub3A_1218 = arith.constant 999936 : i32
    %sub3A_1219 = arith.subi %squeeze3A_1199, %sub3A_1218 : i32
    %max3A_1220 = arith.constant 0 : i32
    %max3A_1221 = arith.maxsi %sub3A_1219, %max3A_1220 : i32
    %add3A_1222 = vector.broadcast %max3A_1221 : i32 to vector<16xi32>
    %add3A_1223 = arith.addi %mul3A_1217, %add3A_1222 : vector<16xi32>
    %add3A_1224 = arith.constant 0 : i32
    %add3A_1225 = vector.broadcast %add3A_1224 : i32 to vector<16xi32>
    %add3A_1226 = arith.addi %add3A_1225, %iota3A : vector<16xi32>
    %gather3A_1227 = arith.constant 1 : i32
    %gather3A_1228 = arith.constant 0 : i32
    %gather3A_1229 = arith.constant 0 : i32
    %gather3A_1230 = tpu.memref_slice %arg10[%gather3A_1227, %gather3A_1228, %gather3A_1229] : memref<24x32x128xf32, #tpu.memory_space<vmem>> -> memref<1x32x128xf32, #tpu.memory_space<vmem>>
    %gather3A_1231 = tpu.memref_squeeze %gather3A_1230 : memref<1x32x128xf32, #tpu.memory_space<vmem>> -> memref<32x128xf32, #tpu.memory_space<vmem>>
    %gather3A_1232 = tpu.vector_load_idx %gather3A_1231[%add3A_1226, %add3A_1206] : memref<32x128xf32, #tpu.memory_space<vmem>>[vector<16xi32>, vector<16xi32>], vector<16xf32>,
    %gather3A_1233 = tpu.vector_load_idx %arg11[%add3A_1226, %add3A_1223] : memref<32x64xf32, #tpu.memory_space<vmem>>[vector<16xi32>, vector<16xi32>], vector<16xf32>,
    %select_n3A_1234 = arith.select %ge3A_1214, %gather3A_1233, %gather3A_1232 : vector<16xf32>
    tpu.vector_store_idx %arg12[%add3A_1226, %add3A_1212], %select_n3A_1234 : memref<32x512xf32, #tpu.memory_space<vmem>>[vector<16xi32>, vector<16xi32>], vector<16xf32>,
    %add3A_1235 = arith.constant 16 : i32
    %add3A_1236 = vector.broadcast %add3A_1235 : i32 to vector<16xi32>
    %add3A_1237 = arith.addi %add3A_1236, %iota3A : vector<16xi32>
    %gather3A_1238 = arith.constant 1 : i32
    %gather3A_1239 = arith.constant 0 : i32
    %gather3A_1240 = arith.constant 0 : i32
    %gather3A_1241 = tpu.memref_slice %arg10[%gather3A_1238, %gather3A_1239, %gather3A_1240] : memref<24x32x128xf32, #tpu.memory_space<vmem>> -> memref<1x32x128xf32, #tpu.memory_space<vmem>>
    %gather3A_1242 = tpu.memref_squeeze %gather3A_1241 : memref<1x32x128xf32, #tpu.memory_space<vmem>> -> memref<32x128xf32, #tpu.memory_space<vmem>>
    %gather3A_1243 = tpu.vector_load_idx %gather3A_1242[%add3A_1237, %add3A_1206] : memref<32x128xf32, #tpu.memory_space<vmem>>[vector<16xi32>, vector<16xi32>], vector<16xf32>,
    %gather3A_1244 = tpu.vector_load_idx %arg11[%add3A_1237, %add3A_1223] : memref<32x64xf32, #tpu.memory_space<vmem>>[vector<16xi32>, vector<16xi32>], vector<16xf32>,
    %select_n3A_1245 = arith.select %ge3A_1214, %gather3A_1244, %gather3A_1243 : vector<16xf32>
    tpu.vector_store_idx %arg12[%add3A_1237, %add3A_1212], %select_n3A_1245 : memref<32x512xf32, #tpu.memory_space<vmem>>[vector<16xi32>, vector<16xi32>], vector<16xf32>,
    %slice3A_1246 = vector.extract_strided_slice %get3A_1155 {offsets = [2], sizes = [1], strides = [1]} : vector<16xi32> to vector<1xi32>
    %squeeze3A_1247 = vector.extract %slice3A_1246[0] : i32 from vector<1xi32>
    %mul3A_1248 = arith.constant 0 : i32
    %mul3A_1249 = vector.broadcast %mul3A_1248 : i32 to vector<16xi32>
    %mul3A_1250 = arith.muli %iota3A, %mul3A_1249 : vector<16xi32>
    %and3A_1251 = arith.constant 127 : i32
    %and3A_1252 = arith.andi %squeeze3A_1247, %and3A_1251 : i32
    %add3A_1253 = vector.broadcast %and3A_1252 : i32 to vector<16xi32>
    %add3A_1254 = arith.addi %mul3A_1250, %add3A_1253 : vector<16xi32>
    %mul3A_1255 = arith.constant 0 : i32
    %mul3A_1256 = vector.broadcast %mul3A_1255 : i32 to vector<16xi32>
    %mul3A_1257 = arith.muli %iota3A, %mul3A_1256 : vector<16xi32>
    %add3A_1258 = arith.constant 506 : i32
    %add3A_1259 = vector.broadcast %add3A_1258 : i32 to vector<16xi32>
    %add3A_1260 = arith.addi %mul3A_1257, %add3A_1259 : vector<16xi32>
    %ge3A_1261 = arith.constant 999936 : i32
    %ge3A_1262 = arith.cmpi sge, %squeeze3A_1247, %ge3A_1261 : i32
    %mul3A_1263 = arith.constant 0 : i32
    %mul3A_1264 = vector.broadcast %mul3A_1263 : i32 to vector<16xi32>
    %mul3A_1265 = arith.muli %iota3A, %mul3A_1264 : vector<16xi32>
    %sub3A_1266 = arith.constant 999936 : i32
    %sub3A_1267 = arith.subi %squeeze3A_1247, %sub3A_1266 : i32
    %max3A_1268 = arith.constant 0 : i32
    %max3A_1269 = arith.maxsi %sub3A_1267, %max3A_1268 : i32
    %add3A_1270 = vector.broadcast %max3A_1269 : i32 to vector<16xi32>
    %add3A_1271 = arith.addi %mul3A_1265, %add3A_1270 : vector<16xi32>
    %add3A_1272 = arith.constant 0 : i32
    %add3A_1273 = vector.broadcast %add3A_1272 : i32 to vector<16xi32>
    %add3A_1274 = arith.addi %add3A_1273, %iota3A : vector<16xi32>
    %gather3A_1275 = arith.constant 2 : i32
    %gather3A_1276 = arith.constant 0 : i32
    %gather3A_1277 = arith.constant 0 : i32
    %gather3A_1278 = tpu.memref_slice %arg10[%gather3A_1275, %gather3A_1276, %gather3A_1277] : memref<24x32x128xf32, #tpu.memory_space<vmem>> -> memref<1x32x128xf32, #tpu.memory_space<vmem>>
    %gather3A_1279 = tpu.memref_squeeze %gather3A_1278 : memref<1x32x128xf32, #tpu.memory_space<vmem>> -> memref<32x128xf32, #tpu.memory_space<vmem>>
    %gather3A_1280 = tpu.vector_load_idx %gather3A_1279[%add3A_1274, %add3A_1254] : memref<32x128xf32, #tpu.memory_space<vmem>>[vector<16xi32>, vector<16xi32>], vector<16xf32>,
    %gather3A_1281 = tpu.vector_load_idx %arg11[%add3A_1274, %add3A_1271] : memref<32x64xf32, #tpu.memory_space<vmem>>[vector<16xi32>, vector<16xi32>], vector<16xf32>,
    %select_n3A_1282 = arith.select %ge3A_1262, %gather3A_1281, %gather3A_1280 : vector<16xf32>
    tpu.vector_store_idx %arg12[%add3A_1274, %add3A_1260], %select_n3A_1282 : memref<32x512xf32, #tpu.memory_space<vmem>>[vector<16xi32>, vector<16xi32>], vector<16xf32>,
    %add3A_1283 = arith.constant 16 : i32
    %add3A_1284 = vector.broadcast %add3A_1283 : i32 to vector<16xi32>
    %add3A_1285 = arith.addi %add3A_1284, %iota3A : vector<16xi32>
    %gather3A_1286 = arith.constant 2 : i32
    %gather3A_1287 = arith.constant 0 : i32
    %gather3A_1288 = arith.constant 0 : i32
    %gather3A_1289 = tpu.memref_slice %arg10[%gather3A_1286, %gather3A_1287, %gather3A_1288] : memref<24x32x128xf32, #tpu.memory_space<vmem>> -> memref<1x32x128xf32, #tpu.memory_space<vmem>>
    %gather3A_1290 = tpu.memref_squeeze %gather3A_1289 : memref<1x32x128xf32, #tpu.memory_space<vmem>> -> memref<32x128xf32, #tpu.memory_space<vmem>>
    %gather3A_1291 = tpu.vector_load_idx %gather3A_1290[%add3A_1285, %add3A_1254] : memref<32x128xf32, #tpu.memory_space<vmem>>[vector<16xi32>, vector<16xi32>], vector<16xf32>,
    %gather3A_1292 = tpu.vector_load_idx %arg11[%add3A_1285, %add3A_1271] : memref<32x64xf32, #tpu.memory_space<vmem>>[vector<16xi32>, vector<16xi32>], vector<16xf32>,
    %select_n3A_1293 = arith.select %ge3A_1262, %gather3A_1292, %gather3A_1291 : vector<16xf32>
    tpu.vector_store_idx %arg12[%add3A_1285, %add3A_1260], %select_n3A_1293 : memref<32x512xf32, #tpu.memory_space<vmem>>[vector<16xi32>, vector<16xi32>], vector<16xf32>,
    %slice3A_1294 = vector.extract_strided_slice %get3A_1155 {offsets = [3], sizes = [1], strides = [1]} : vector<16xi32> to vector<1xi32>
    %squeeze3A_1295 = vector.extract %slice3A_1294[0] : i32 from vector<1xi32>
    %mul3A_1296 = arith.constant 0 : i32
    %mul3A_1297 = vector.broadcast %mul3A_1296 : i32 to vector<16xi32>
    %mul3A_1298 = arith.muli %iota3A, %mul3A_1297 : vector<16xi32>
    %and3A_1299 = arith.constant 127 : i32
    %and3A_1300 = arith.andi %squeeze3A_1295, %and3A_1299 : i32
    %add3A_1301 = vector.broadcast %and3A_1300 : i32 to vector<16xi32>
    %add3A_1302 = arith.addi %mul3A_1298, %add3A_1301 : vector<16xi32>
    %mul3A_1303 = arith.constant 0 : i32
    %mul3A_1304 = vector.broadcast %mul3A_1303 : i32 to vector<16xi32>
    %mul3A_1305 = arith.muli %iota3A, %mul3A_1304 : vector<16xi32>
    %add3A_1306 = arith.constant 507 : i32
    %add3A_1307 = vector.broadcast %add3A_1306 : i32 to vector<16xi32>
    %add3A_1308 = arith.addi %mul3A_1305, %add3A_1307 : vector<16xi32>
    %ge3A_1309 = arith.constant 999936 : i32
    %ge3A_1310 = arith.cmpi sge, %squeeze3A_1295, %ge3A_1309 : i32
    %mul3A_1311 = arith.constant 0 : i32
    %mul3A_1312 = vector.broadcast %mul3A_1311 : i32 to vector<16xi32>
    %mul3A_1313 = arith.muli %iota3A, %mul3A_1312 : vector<16xi32>
    %sub3A_1314 = arith.constant 999936 : i32
    %sub3A_1315 = arith.subi %squeeze3A_1295, %sub3A_1314 : i32
    %max3A_1316 = arith.constant 0 : i32
    %max3A_1317 = arith.maxsi %sub3A_1315, %max3A_1316 : i32
    %add3A_1318 = vector.broadcast %max3A_1317 : i32 to vector<16xi32>
    %add3A_1319 = arith.addi %mul3A_1313, %add3A_1318 : vector<16xi32>
    %add3A_1320 = arith.constant 0 : i32
    %add3A_1321 = vector.broadcast %add3A_1320 : i32 to vector<16xi32>
    %add3A_1322 = arith.addi %add3A_1321, %iota3A : vector<16xi32>
    %gather3A_1323 = arith.constant 3 : i32
    %gather3A_1324 = arith.constant 0 : i32
    %gather3A_1325 = arith.constant 0 : i32
    %gather3A_1326 = tpu.memref_slice %arg10[%gather3A_1323, %gather3A_1324, %gather3A_1325] : memref<24x32x128xf32, #tpu.memory_space<vmem>> -> memref<1x32x128xf32, #tpu.memory_space<vmem>>
    %gather3A_1327 = tpu.memref_squeeze %gather3A_1326 : memref<1x32x128xf32, #tpu.memory_space<vmem>> -> memref<32x128xf32, #tpu.memory_space<vmem>>
    %gather3A_1328 = tpu.vector_load_idx %gather3A_1327[%add3A_1322, %add3A_1302] : memref<32x128xf32, #tpu.memory_space<vmem>>[vector<16xi32>, vector<16xi32>], vector<16xf32>,
    %gather3A_1329 = tpu.vector_load_idx %arg11[%add3A_1322, %add3A_1319] : memref<32x64xf32, #tpu.memory_space<vmem>>[vector<16xi32>, vector<16xi32>], vector<16xf32>,
    %select_n3A_1330 = arith.select %ge3A_1310, %gather3A_1329, %gather3A_1328 : vector<16xf32>
    tpu.vector_store_idx %arg12[%add3A_1322, %add3A_1308], %select_n3A_1330 : memref<32x512xf32, #tpu.memory_space<vmem>>[vector<16xi32>, vector<16xi32>], vector<16xf32>,
    %add3A_1331 = arith.constant 16 : i32
    %add3A_1332 = vector.broadcast %add3A_1331 : i32 to vector<16xi32>
    %add3A_1333 = arith.addi %add3A_1332, %iota3A : vector<16xi32>
    %gather3A_1334 = arith.constant 3 : i32
    %gather3A_1335 = arith.constant 0 : i32
    %gather3A_1336 = arith.constant 0 : i32
    %gather3A_1337 = tpu.memref_slice %arg10[%gather3A_1334, %gather3A_1335, %gather3A_1336] : memref<24x32x128xf32, #tpu.memory_space<vmem>> -> memref<1x32x128xf32, #tpu.memory_space<vmem>>
    %gather3A_1338 = tpu.memref_squeeze %gather3A_1337 : memref<1x32x128xf32, #tpu.memory_space<vmem>> -> memref<32x128xf32, #tpu.memory_space<vmem>>
    %gather3A_1339 = tpu.vector_load_idx %gather3A_1338[%add3A_1333, %add3A_1302] : memref<32x128xf32, #tpu.memory_space<vmem>>[vector<16xi32>, vector<16xi32>], vector<16xf32>,
    %gather3A_1340 = tpu.vector_load_idx %arg11[%add3A_1333, %add3A_1319] : memref<32x64xf32, #tpu.memory_space<vmem>>[vector<16xi32>, vector<16xi32>], vector<16xf32>,
    %select_n3A_1341 = arith.select %ge3A_1310, %gather3A_1340, %gather3A_1339 : vector<16xf32>
    tpu.vector_store_idx %arg12[%add3A_1333, %add3A_1308], %select_n3A_1341 : memref<32x512xf32, #tpu.memory_space<vmem>>[vector<16xi32>, vector<16xi32>], vector<16xf32>,
    %slice3A_1342 = vector.extract_strided_slice %get3A_1155 {offsets = [4], sizes = [1], strides = [1]} : vector<16xi32> to vector<1xi32>
    %squeeze3A_1343 = vector.extract %slice3A_1342[0] : i32 from vector<1xi32>
    %mul3A_1344 = arith.constant 0 : i32
    %mul3A_1345 = vector.broadcast %mul3A_1344 : i32 to vector<16xi32>
    %mul3A_1346 = arith.muli %iota3A, %mul3A_1345 : vector<16xi32>
    %and3A_1347 = arith.constant 127 : i32
    %and3A_1348 = arith.andi %squeeze3A_1343, %and3A_1347 : i32
    %add3A_1349 = vector.broadcast %and3A_1348 : i32 to vector<16xi32>
    %add3A_1350 = arith.addi %mul3A_1346, %add3A_1349 : vector<16xi32>
    %mul3A_1351 = arith.constant 0 : i32
    %mul3A_1352 = vector.broadcast %mul3A_1351 : i32 to vector<16xi32>
    %mul3A_1353 = arith.muli %iota3A, %mul3A_1352 : vector<16xi32>
    %add3A_1354 = arith.constant 508 : i32
    %add3A_1355 = vector.broadcast %add3A_1354 : i32 to vector<16xi32>
    %add3A_1356 = arith.addi %mul3A_1353, %add3A_1355 : vector<16xi32>
    %ge3A_1357 = arith.constant 999936 : i32
    %ge3A_1358 = arith.cmpi sge, %squeeze3A_1343, %ge3A_1357 : i32
    %mul3A_1359 = arith.constant 0 : i32
    %mul3A_1360 = vector.broadcast %mul3A_1359 : i32 to vector<16xi32>
    %mul3A_1361 = arith.muli %iota3A, %mul3A_1360 : vector<16xi32>
    %sub3A_1362 = arith.constant 999936 : i32
    %sub3A_1363 = arith.subi %squeeze3A_1343, %sub3A_1362 : i32
    %max3A_1364 = arith.constant 0 : i32
    %max3A_1365 = arith.maxsi %sub3A_1363, %max3A_1364 : i32
    %add3A_1366 = vector.broadcast %max3A_1365 : i32 to vector<16xi32>
    %add3A_1367 = arith.addi %mul3A_1361, %add3A_1366 : vector<16xi32>
    %add3A_1368 = arith.constant 0 : i32
    %add3A_1369 = vector.broadcast %add3A_1368 : i32 to vector<16xi32>
    %add3A_1370 = arith.addi %add3A_1369, %iota3A : vector<16xi32>
    %gather3A_1371 = arith.constant 4 : i32
    %gather3A_1372 = arith.constant 0 : i32
    %gather3A_1373 = arith.constant 0 : i32
    %gather3A_1374 = tpu.memref_slice %arg10[%gather3A_1371, %gather3A_1372, %gather3A_1373] : memref<24x32x128xf32, #tpu.memory_space<vmem>> -> memref<1x32x128xf32, #tpu.memory_space<vmem>>
    %gather3A_1375 = tpu.memref_squeeze %gather3A_1374 : memref<1x32x128xf32, #tpu.memory_space<vmem>> -> memref<32x128xf32, #tpu.memory_space<vmem>>
    %gather3A_1376 = tpu.vector_load_idx %gather3A_1375[%add3A_1370, %add3A_1350] : memref<32x128xf32, #tpu.memory_space<vmem>>[vector<16xi32>, vector<16xi32>], vector<16xf32>,
    %gather3A_1377 = tpu.vector_load_idx %arg11[%add3A_1370, %add3A_1367] : memref<32x64xf32, #tpu.memory_space<vmem>>[vector<16xi32>, vector<16xi32>], vector<16xf32>,
    %select_n3A_1378 = arith.select %ge3A_1358, %gather3A_1377, %gather3A_1376 : vector<16xf32>
    tpu.vector_store_idx %arg12[%add3A_1370, %add3A_1356], %select_n3A_1378 : memref<32x512xf32, #tpu.memory_space<vmem>>[vector<16xi32>, vector<16xi32>], vector<16xf32>,
    %add3A_1379 = arith.constant 16 : i32
    %add3A_1380 = vector.broadcast %add3A_1379 : i32 to vector<16xi32>
    %add3A_1381 = arith.addi %add3A_1380, %iota3A : vector<16xi32>
    %gather3A_1382 = arith.constant 4 : i32
    %gather3A_1383 = arith.constant 0 : i32
    %gather3A_1384 = arith.constant 0 : i32
    %gather3A_1385 = tpu.memref_slice %arg10[%gather3A_1382, %gather3A_1383, %gather3A_1384] : memref<24x32x128xf32, #tpu.memory_space<vmem>> -> memref<1x32x128xf32, #tpu.memory_space<vmem>>
    %gather3A_1386 = tpu.memref_squeeze %gather3A_1385 : memref<1x32x128xf32, #tpu.memory_space<vmem>> -> memref<32x128xf32, #tpu.memory_space<vmem>>
    %gather3A_1387 = tpu.vector_load_idx %gather3A_1386[%add3A_1381, %add3A_1350] : memref<32x128xf32, #tpu.memory_space<vmem>>[vector<16xi32>, vector<16xi32>], vector<16xf32>,
    %gather3A_1388 = tpu.vector_load_idx %arg11[%add3A_1381, %add3A_1367] : memref<32x64xf32, #tpu.memory_space<vmem>>[vector<16xi32>, vector<16xi32>], vector<16xf32>,
    %select_n3A_1389 = arith.select %ge3A_1358, %gather3A_1388, %gather3A_1387 : vector<16xf32>
    tpu.vector_store_idx %arg12[%add3A_1381, %add3A_1356], %select_n3A_1389 : memref<32x512xf32, #tpu.memory_space<vmem>>[vector<16xi32>, vector<16xi32>], vector<16xf32>,
    %slice3A_1390 = vector.extract_strided_slice %get3A_1155 {offsets = [5], sizes = [1], strides = [1]} : vector<16xi32> to vector<1xi32>
    %squeeze3A_1391 = vector.extract %slice3A_1390[0] : i32 from vector<1xi32>
    %mul3A_1392 = arith.constant 0 : i32
    %mul3A_1393 = vector.broadcast %mul3A_1392 : i32 to vector<16xi32>
    %mul3A_1394 = arith.muli %iota3A, %mul3A_1393 : vector<16xi32>
    %and3A_1395 = arith.constant 127 : i32
    %and3A_1396 = arith.andi %squeeze3A_1391, %and3A_1395 : i32
    %add3A_1397 = vector.broadcast %and3A_1396 : i32 to vector<16xi32>
    %add3A_1398 = arith.addi %mul3A_1394, %add3A_1397 : vector<16xi32>
    %mul3A_1399 = arith.constant 0 : i32
    %mul3A_1400 = vector.broadcast %mul3A_1399 : i32 to vector<16xi32>
    %mul3A_1401 = arith.muli %iota3A, %mul3A_1400 : vector<16xi32>
    %add3A_1402 = arith.constant 509 : i32
    %add3A_1403 = vector.broadcast %add3A_1402 : i32 to vector<16xi32>
    %add3A_1404 = arith.addi %mul3A_1401, %add3A_1403 : vector<16xi32>
    %ge3A_1405 = arith.constant 999936 : i32
    %ge3A_1406 = arith.cmpi sge, %squeeze3A_1391, %ge3A_1405 : i32
    %mul3A_1407 = arith.constant 0 : i32
    %mul3A_1408 = vector.broadcast %mul3A_1407 : i32 to vector<16xi32>
    %mul3A_1409 = arith.muli %iota3A, %mul3A_1408 : vector<16xi32>
    %sub3A_1410 = arith.constant 999936 : i32
    %sub3A_1411 = arith.subi %squeeze3A_1391, %sub3A_1410 : i32
    %max3A_1412 = arith.constant 0 : i32
    %max3A_1413 = arith.maxsi %sub3A_1411, %max3A_1412 : i32
    %add3A_1414 = vector.broadcast %max3A_1413 : i32 to vector<16xi32>
    %add3A_1415 = arith.addi %mul3A_1409, %add3A_1414 : vector<16xi32>
    %add3A_1416 = arith.constant 0 : i32
    %add3A_1417 = vector.broadcast %add3A_1416 : i32 to vector<16xi32>
    %add3A_1418 = arith.addi %add3A_1417, %iota3A : vector<16xi32>
    %gather3A_1419 = arith.constant 5 : i32
    %gather3A_1420 = arith.constant 0 : i32
    %gather3A_1421 = arith.constant 0 : i32
    %gather3A_1422 = tpu.memref_slice %arg10[%gather3A_1419, %gather3A_1420, %gather3A_1421] : memref<24x32x128xf32, #tpu.memory_space<vmem>> -> memref<1x32x128xf32, #tpu.memory_space<vmem>>
    %gather3A_1423 = tpu.memref_squeeze %gather3A_1422 : memref<1x32x128xf32, #tpu.memory_space<vmem>> -> memref<32x128xf32, #tpu.memory_space<vmem>>
    %gather3A_1424 = tpu.vector_load_idx %gather3A_1423[%add3A_1418, %add3A_1398] : memref<32x128xf32, #tpu.memory_space<vmem>>[vector<16xi32>, vector<16xi32>], vector<16xf32>,
    %gather3A_1425 = tpu.vector_load_idx %arg11[%add3A_1418, %add3A_1415] : memref<32x64xf32, #tpu.memory_space<vmem>>[vector<16xi32>, vector<16xi32>], vector<16xf32>,
    %select_n3A_1426 = arith.select %ge3A_1406, %gather3A_1425, %gather3A_1424 : vector<16xf32>
    tpu.vector_store_idx %arg12[%add3A_1418, %add3A_1404], %select_n3A_1426 : memref<32x512xf32, #tpu.memory_space<vmem>>[vector<16xi32>, vector<16xi32>], vector<16xf32>,
    %add3A_1427 = arith.constant 16 : i32
    %add3A_1428 = vector.broadcast %add3A_1427 : i32 to vector<16xi32>
    %add3A_1429 = arith.addi %add3A_1428, %iota3A : vector<16xi32>
    %gather3A_1430 = arith.constant 5 : i32
    %gather3A_1431 = arith.constant 0 : i32
    %gather3A_1432 = arith.constant 0 : i32
    %gather3A_1433 = tpu.memref_slice %arg10[%gather3A_1430, %gather3A_1431, %gather3A_1432] : memref<24x32x128xf32, #tpu.memory_space<vmem>> -> memref<1x32x128xf32, #tpu.memory_space<vmem>>
    %gather3A_1434 = tpu.memref_squeeze %gather3A_1433 : memref<1x32x128xf32, #tpu.memory_space<vmem>> -> memref<32x128xf32, #tpu.memory_space<vmem>>
    %gather3A_1435 = tpu.vector_load_idx %gather3A_1434[%add3A_1429, %add3A_1398] : memref<32x128xf32, #tpu.memory_space<vmem>>[vector<16xi32>, vector<16xi32>], vector<16xf32>,
    %gather3A_1436 = tpu.vector_load_idx %arg11[%add3A_1429, %add3A_1415] : memref<32x64xf32, #tpu.memory_space<vmem>>[vector<16xi32>, vector<16xi32>], vector<16xf32>,
    %select_n3A_1437 = arith.select %ge3A_1406, %gather3A_1436, %gather3A_1435 : vector<16xf32>
    tpu.vector_store_idx %arg12[%add3A_1429, %add3A_1404], %select_n3A_1437 : memref<32x512xf32, #tpu.memory_space<vmem>>[vector<16xi32>, vector<16xi32>], vector<16xf32>,
    %slice3A_1438 = vector.extract_strided_slice %get3A_1155 {offsets = [6], sizes = [1], strides = [1]} : vector<16xi32> to vector<1xi32>
    %squeeze3A_1439 = vector.extract %slice3A_1438[0] : i32 from vector<1xi32>
    %mul3A_1440 = arith.constant 0 : i32
    %mul3A_1441 = vector.broadcast %mul3A_1440 : i32 to vector<16xi32>
    %mul3A_1442 = arith.muli %iota3A, %mul3A_1441 : vector<16xi32>
    %and3A_1443 = arith.constant 127 : i32
    %and3A_1444 = arith.andi %squeeze3A_1439, %and3A_1443 : i32
    %add3A_1445 = vector.broadcast %and3A_1444 : i32 to vector<16xi32>
    %add3A_1446 = arith.addi %mul3A_1442, %add3A_1445 : vector<16xi32>
    %mul3A_1447 = arith.constant 0 : i32
    %mul3A_1448 = vector.broadcast %mul3A_1447 : i32 to vector<16xi32>
    %mul3A_1449 = arith.muli %iota3A, %mul3A_1448 : vector<16xi32>
    %add3A_1450 = arith.constant 510 : i32
    %add3A_1451 = vector.broadcast %add3A_1450 : i32 to vector<16xi32>
    %add3A_1452 = arith.addi %mul3A_1449, %add3A_1451 : vector<16xi32>
    %ge3A_1453 = arith.constant 999936 : i32
    %ge3A_1454 = arith.cmpi sge, %squeeze3A_1439, %ge3A_1453 : i32
    %mul3A_1455 = arith.constant 0 : i32
    %mul3A_1456 = vector.broadcast %mul3A_1455 : i32 to vector<16xi32>
    %mul3A_1457 = arith.muli %iota3A, %mul3A_1456 : vector<16xi32>
    %sub3A_1458 = arith.constant 999936 : i32
    %sub3A_1459 = arith.subi %squeeze3A_1439, %sub3A_1458 : i32
    %max3A_1460 = arith.constant 0 : i32
    %max3A_1461 = arith.maxsi %sub3A_1459, %max3A_1460 : i32
    %add3A_1462 = vector.broadcast %max3A_1461 : i32 to vector<16xi32>
    %add3A_1463 = arith.addi %mul3A_1457, %add3A_1462 : vector<16xi32>
    %add3A_1464 = arith.constant 0 : i32
    %add3A_1465 = vector.broadcast %add3A_1464 : i32 to vector<16xi32>
    %add3A_1466 = arith.addi %add3A_1465, %iota3A : vector<16xi32>
    %gather3A_1467 = arith.constant 6 : i32
    %gather3A_1468 = arith.constant 0 : i32
    %gather3A_1469 = arith.constant 0 : i32
    %gather3A_1470 = tpu.memref_slice %arg10[%gather3A_1467, %gather3A_1468, %gather3A_1469] : memref<24x32x128xf32, #tpu.memory_space<vmem>> -> memref<1x32x128xf32, #tpu.memory_space<vmem>>
    %gather3A_1471 = tpu.memref_squeeze %gather3A_1470 : memref<1x32x128xf32, #tpu.memory_space<vmem>> -> memref<32x128xf32, #tpu.memory_space<vmem>>
    %gather3A_1472 = tpu.vector_load_idx %gather3A_1471[%add3A_1466, %add3A_1446] : memref<32x128xf32, #tpu.memory_space<vmem>>[vector<16xi32>, vector<16xi32>], vector<16xf32>,
    %gather3A_1473 = tpu.vector_load_idx %arg11[%add3A_1466, %add3A_1463] : memref<32x64xf32, #tpu.memory_space<vmem>>[vector<16xi32>, vector<16xi32>], vector<16xf32>,
    %select_n3A_1474 = arith.select %ge3A_1454, %gather3A_1473, %gather3A_1472 : vector<16xf32>
    tpu.vector_store_idx %arg12[%add3A_1466, %add3A_1452], %select_n3A_1474 : memref<32x512xf32, #tpu.memory_space<vmem>>[vector<16xi32>, vector<16xi32>], vector<16xf32>,
    %add3A_1475 = arith.constant 16 : i32
    %add3A_1476 = vector.broadcast %add3A_1475 : i32 to vector<16xi32>
    %add3A_1477 = arith.addi %add3A_1476, %iota3A : vector<16xi32>
    %gather3A_1478 = arith.constant 6 : i32
    %gather3A_1479 = arith.constant 0 : i32
    %gather3A_1480 = arith.constant 0 : i32
    %gather3A_1481 = tpu.memref_slice %arg10[%gather3A_1478, %gather3A_1479, %gather3A_1480] : memref<24x32x128xf32, #tpu.memory_space<vmem>> -> memref<1x32x128xf32, #tpu.memory_space<vmem>>
    %gather3A_1482 = tpu.memref_squeeze %gather3A_1481 : memref<1x32x128xf32, #tpu.memory_space<vmem>> -> memref<32x128xf32, #tpu.memory_space<vmem>>
    %gather3A_1483 = tpu.vector_load_idx %gather3A_1482[%add3A_1477, %add3A_1446] : memref<32x128xf32, #tpu.memory_space<vmem>>[vector<16xi32>, vector<16xi32>], vector<16xf32>,
    %gather3A_1484 = tpu.vector_load_idx %arg11[%add3A_1477, %add3A_1463] : memref<32x64xf32, #tpu.memory_space<vmem>>[vector<16xi32>, vector<16xi32>], vector<16xf32>,
    %select_n3A_1485 = arith.select %ge3A_1454, %gather3A_1484, %gather3A_1483 : vector<16xf32>
    tpu.vector_store_idx %arg12[%add3A_1477, %add3A_1452], %select_n3A_1485 : memref<32x512xf32, #tpu.memory_space<vmem>>[vector<16xi32>, vector<16xi32>], vector<16xf32>,
    %slice3A_1486 = vector.extract_strided_slice %get3A_1155 {offsets = [7], sizes = [1], strides = [1]} : vector<16xi32> to vector<1xi32>
    %squeeze3A_1487 = vector.extract %slice3A_1486[0] : i32 from vector<1xi32>
    %mul3A_1488 = arith.constant 0 : i32
    %mul3A_1489 = vector.broadcast %mul3A_1488 : i32 to vector<16xi32>
    %mul3A_1490 = arith.muli %iota3A, %mul3A_1489 : vector<16xi32>
    %and3A_1491 = arith.constant 127 : i32
    %and3A_1492 = arith.andi %squeeze3A_1487, %and3A_1491 : i32
    %add3A_1493 = vector.broadcast %and3A_1492 : i32 to vector<16xi32>
    %add3A_1494 = arith.addi %mul3A_1490, %add3A_1493 : vector<16xi32>
    %mul3A_1495 = arith.constant 0 : i32
    %mul3A_1496 = vector.broadcast %mul3A_1495 : i32 to vector<16xi32>
    %mul3A_1497 = arith.muli %iota3A, %mul3A_1496 : vector<16xi32>
    %add3A_1498 = arith.constant 511 : i32
    %add3A_1499 = vector.broadcast %add3A_1498 : i32 to vector<16xi32>
    %add3A_1500 = arith.addi %mul3A_1497, %add3A_1499 : vector<16xi32>
    %ge3A_1501 = arith.constant 999936 : i32
    %ge3A_1502 = arith.cmpi sge, %squeeze3A_1487, %ge3A_1501 : i32
    %mul3A_1503 = arith.constant 0 : i32
    %mul3A_1504 = vector.broadcast %mul3A_1503 : i32 to vector<16xi32>
    %mul3A_1505 = arith.muli %iota3A, %mul3A_1504 : vector<16xi32>
    %sub3A_1506 = arith.constant 999936 : i32
    %sub3A_1507 = arith.subi %squeeze3A_1487, %sub3A_1506 : i32
    %max3A_1508 = arith.constant 0 : i32
    %max3A_1509 = arith.maxsi %sub3A_1507, %max3A_1508 : i32
    %add3A_1510 = vector.broadcast %max3A_1509 : i32 to vector<16xi32>
    %add3A_1511 = arith.addi %mul3A_1505, %add3A_1510 : vector<16xi32>
    %add3A_1512 = arith.constant 0 : i32
    %add3A_1513 = vector.broadcast %add3A_1512 : i32 to vector<16xi32>
    %add3A_1514 = arith.addi %add3A_1513, %iota3A : vector<16xi32>
    %gather3A_1515 = arith.constant 7 : i32
    %gather3A_1516 = arith.constant 0 : i32
    %gather3A_1517 = arith.constant 0 : i32
    %gather3A_1518 = tpu.memref_slice %arg10[%gather3A_1515, %gather3A_1516, %gather3A_1517] : memref<24x32x128xf32, #tpu.memory_space<vmem>> -> memref<1x32x128xf32, #tpu.memory_space<vmem>>
    %gather3A_1519 = tpu.memref_squeeze %gather3A_1518 : memref<1x32x128xf32, #tpu.memory_space<vmem>> -> memref<32x128xf32, #tpu.memory_space<vmem>>
    %gather3A_1520 = tpu.vector_load_idx %gather3A_1519[%add3A_1514, %add3A_1494] : memref<32x128xf32, #tpu.memory_space<vmem>>[vector<16xi32>, vector<16xi32>], vector<16xf32>,
    %gather3A_1521 = tpu.vector_load_idx %arg11[%add3A_1514, %add3A_1511] : memref<32x64xf32, #tpu.memory_space<vmem>>[vector<16xi32>, vector<16xi32>], vector<16xf32>,
    %select_n3A_1522 = arith.select %ge3A_1502, %gather3A_1521, %gather3A_1520 : vector<16xf32>
    tpu.vector_store_idx %arg12[%add3A_1514, %add3A_1500], %select_n3A_1522 : memref<32x512xf32, #tpu.memory_space<vmem>>[vector<16xi32>, vector<16xi32>], vector<16xf32>,
    %add3A_1523 = arith.constant 16 : i32
    %add3A_1524 = vector.broadcast %add3A_1523 : i32 to vector<16xi32>
    %add3A_1525 = arith.addi %add3A_1524, %iota3A : vector<16xi32>
    %gather3A_1526 = arith.constant 7 : i32
    %gather3A_1527 = arith.constant 0 : i32
    %gather3A_1528 = arith.constant 0 : i32
    %gather3A_1529 = tpu.memref_slice %arg10[%gather3A_1526, %gather3A_1527, %gather3A_1528] : memref<24x32x128xf32, #tpu.memory_space<vmem>> -> memref<1x32x128xf32, #tpu.memory_space<vmem>>
    %gather3A_1530 = tpu.memref_squeeze %gather3A_1529 : memref<1x32x128xf32, #tpu.memory_space<vmem>> -> memref<32x128xf32, #tpu.memory_space<vmem>>
    %gather3A_1531 = tpu.vector_load_idx %gather3A_1530[%add3A_1525, %add3A_1494] : memref<32x128xf32, #tpu.memory_space<vmem>>[vector<16xi32>, vector<16xi32>], vector<16xf32>,
    %gather3A_1532 = tpu.vector_load_idx %arg11[%add3A_1525, %add3A_1511] : memref<32x64xf32, #tpu.memory_space<vmem>>[vector<16xi32>, vector<16xi32>], vector<16xf32>,
    %select_n3A_1533 = arith.select %ge3A_1502, %gather3A_1532, %gather3A_1531 : vector<16xf32>
    tpu.vector_store_idx %arg12[%add3A_1525, %add3A_1500], %select_n3A_1533 : memref<32x512xf32, #tpu.memory_space<vmem>>[vector<16xi32>, vector<16xi32>], vector<16xf32>,
    "tpu.region"() ({
      %run_scoped3A = tpu.sem_alloc : memref<!tpu.dma_semaphore, #tpu.memory_space<semaphore_mem>>
      %dma_start3A_1534 = arith.constant 0 : i32
      %dma_start3A_1535 = tpu.memref_slice %arg5[%dma_start3A_1534, %mul3A_2] : memref<32x16384xf32, #tpu.memory_space<hbm>> -> memref<32x512xf32, #tpu.memory_space<hbm>>
      %dma_start3A_1536 = arith.constant 0 : i32
      %dma_start3A_1537 = tpu.memref_slice %arg5[%dma_start3A_1536, %mul3A_2] : memref<32x16384xf32, #tpu.memory_space<hbm>> -> memref<32x512xf32, #tpu.memory_space<hbm>>
      tpu.enqueue_dma source(%arg12 : memref<32x512xf32, #tpu.memory_space<vmem>>) target(%dma_start3A_1537 : memref<32x512xf32, #tpu.memory_space<hbm>>) target_semaphore(%run_scoped3A : memref<!tpu.dma_semaphore, #tpu.memory_space<semaphore_mem>>)
      %dma_wait3A_1538 = arith.constant 0 : i32
      %dma_wait3A_1539 = tpu.memref_slice %arg5[%dma_wait3A_1538, %mul3A_2] : memref<32x16384xf32, #tpu.memory_space<hbm>> -> memref<32x512xf32, #tpu.memory_space<hbm>>
      %dma_wait3A_1540 = arith.constant 0 : i32
      %dma_wait3A_1541 = tpu.memref_slice %arg5[%dma_wait3A_1540, %mul3A_2] : memref<32x16384xf32, #tpu.memory_space<hbm>> -> memref<32x512xf32, #tpu.memory_space<hbm>>
      tpu.wait_dma2 semaphore(%run_scoped3A : memref<!tpu.dma_semaphore, #tpu.memory_space<semaphore_mem>>) src(%arg12 : memref<32x512xf32, #tpu.memory_space<vmem>>) dst(%dma_wait3A_1541 : memref<32x512xf32, #tpu.memory_space<hbm>>)
      tpu.yield
    }) : () -> ()
    return
  }
}

</mosaic_0001>

<sc_bundles>
// kernel: _lookup.3.cloned.1.call-start
scs
__scs_entry_jumppad:
0x0: {  	(pc) =	sbr.rel $0x88, $3  }
0x1: {  	(tag) =	ssettag $0x0;
	lr =	simm.s32 $0x1  }
0x2: {  	[smem:$0x3F9E] =	sst lr;
	_ =	strace $0xD0000000  }
0x3: {  	_ = 	snop  }
0x4: {  	_ = 	snop  }
0x5: {  	_ = 	snop  }
0x6: {  	_ = 	snop  }
0x7: {  	_ = 	snop  }
__scs_overlays_trampoline_lowered:
0x8: {  	[smem:$0x3FAD] =	sst s0  }
0x9: {  	[smem:$0x3FAE] =	sst s1  }
0xa: {  	[smem:$0x3FAF] =	sst s2  }
0xb: {  	[smem:$0x3FB0] =	sst s3  }
0xc: {  	[smem:$0x3FB1] =	sst s4  }
0xd: {  	[smem:$0x3FB2] =	sst s5  }
0xe: {  	[smem:$0x3FB3] =	sst s6  }
0xf: {  	[smem:$0x3FB4] =	sst s7  }
0x10: {  	[smem:$0x3FB5] =	sst s8  }
0x11: {  	[smem:$0x3FB6] =	sst s9;
	s0 =	simm.s32 @!p0 $0x0  }
0x12: {  	s1 =	sld [smem:$0x3F9C];
	s0 =	simm.s32 @p0 $0x1  }
0x13: {  	[smem:$0x3FB7] =	sst s0;
	s0 =	simm.s32 @!p1 $0x0  }
0x14: {  	s2 =	sld [smem:$0x3F9B];
	s0 =	simm.s32 @p1 $0x1  }
0x15: {  	[smem:$0x3FB8] =	sst s0;
	s0 =	simm.s32 @!p2 $0x0  }
0x16: {  	s3 =	sld [smem:$0x3FDB];
	s0 =	simm.s32 @p2 $0x1  }
0x17: {  	s4 =	simm.s32 $0x1BF5;
	[smem:$0x3FBA] =	sst s0  }
0x18: {  	s0 =	sld [smem:$0x3F9D];
	_ =	swait.ge [sflag:s4], $0x0  }
0x19: {  	s7 =	sld [smem:$0x3F9E]  }
0x1a: {  	s8 =	sadd.s32 $0xFFFFE003, lr  }
0x1b: {  	s9 =	sadd.s32 $0xFFFFFEF7, lr;
	s5 =	simm.s32 $0xFFFFFFFF;
	p2 =	slt.u32 s8, $0xFFFFF086  }
0x1c: {  	p1 =	slt.u32 s9, $0xF7A;
	s5 =	simm.s32 @!p2 $0x0  }
0x1d: {  	s5 =	simm.s32 @p1 $0x1;
	p0 =	seq.s32 s7, s2  }
0x1e: {  	s7 =	smul.u32 @!p0 $0xF7A, s2;
	p2 =	seq.s32 @!p0 s5, $0x0  }
0x1f: {  	s9 =	smul.u32 $0xF7A, s1;
	s8 =	simm.s32 @!p0 $0x1BF5;
	p2 =	por !p2, p0  }
0x20: {  	[sflag:s8] =	ssyncset.s32 @!p0 $0xFFFFF086;
	s6 =	sadd.s32 @!p0 s3, s7;
	s7 =	simm.s32 @!p0 $0x108  }
0x21: {  	s3 =	sadd.s32 s3, s9;
	s6 =	sadd.s32 @!p0 $0x88, s6;
	s7 =	simm.s32 @p2 $0x1082  }
0x22: {  	[simem:s7], [sflag:s8] =	dma.local @!p0 [hbm:s6], $0xF7A  }
0x23: {  	s9 =	sor.u32 $0xD0000000, s2;
	s6 =	simm.s32 $0x108;
	_ =	swait.ge @!p0 [sflag:s8], $0x0  }
0x24: {  	s3 =	sadd.s32 $0x88, s3;
	s6 =	simm.s32 @!p1 $0x1082;
	[sflag:s4] =	ssyncset.s32 $0xFFFFF086  }
0x25: {  	[simem:s6], [sflag:s4] =	dma.local [hbm:s3], $0xF7A  }
0x26: {  	[smem:$0x3F9E] =	sst s1;
	(tag) =	ssettag s2;
	_ =	strace s9  }
0x27: {  	s1 =	sld [smem:$0x3FAE]  }
0x28: {  	s2 =	sld [smem:$0x3FAF]  }
0x29: {  	s4 =	sld [smem:$0x3FB1]  }
0x2a: {  	p0 =	seq.s32 s5, $0x0;
	s5 =	sld [smem:$0x3FB2]  }
0x2b: {  	s6 =	sld [smem:$0x3FB3]  }
0x2c: {  	s7 =	sld [smem:$0x3FB4]  }
0x2d: {  	s3 =	simm.s32 $0x108;
	s8 =	sld [smem:$0x3FB5]  }
0x2e: {  	s3 =	simm.s32 @!p0 $0x1082;
	s9 =	sld [smem:$0x3FB6]  }
0x2f: {  	lr =	sadd.s32 s0, s3;
	s0 =	sld [smem:$0x3FAD]  }
0x30: {  	s3 =	sld [smem:$0x3FB0]  }
0x31: {  	[smem:$0x3FB9] =	sst s10  }
0x32: {  	s10 =	sld [smem:$0x3FB7];
	_ =	sdelay $0x3  }
0x33: {  	p0 =	seq.s32 s10, $0x1;
	s10 =	sld [smem:$0x3FB9];
	_ =	sdelay $0x3  }
0x34: {  	[smem:$0x3FB9] =	sst s10  }
0x35: {  	s10 =	sld [smem:$0x3FB8];
	_ =	sdelay $0x3  }
0x36: {  	p1 =	seq.s32 s10, $0x1;
	s10 =	sld [smem:$0x3FB9];
	_ =	sdelay $0x3  }
0x37: {  	[smem:$0x3FB9] =	sst s10  }
0x38: {  	s10 =	sld [smem:$0x3FBA]  }
0x39: {  	_ = 	snop;
	(pc) =	sbr.ind lr, $3  }
0x3a: {  	_ = 	snop  }
0x3b: {  	_ = 	snop  }
0x3c: {  	p2 =	seq.s32 s10, $0x1;
	s10 =	sld [smem:$0x3FB9]  }
0x3d: {  	_ =	shalt  }
0x3e: {  	_ =	shalt  }
0x3f: {  	_ =	shalt  }
0x40: {  	_ =	shalt  }
0x41: {  	_ =	shalt  }
0x42: {  	_ =	shalt  }
0x43: {  	_ =	shalt  }
0x44: {  	_ =	shalt  }
0x45: {  	_ =	shalt  }
0x46: {  	_ =	shalt  }
0x47: {  	_ =	shalt  }
0x48: {  	_ =	shalt  }
0x49: {  	_ =	shalt  }
0x4a: {  	_ =	shalt  }
0x4b: {  	_ =	shalt  }
0x4c: {  	_ =	shalt  }
0x4d: {  	_ =	shalt  }
0x4e: {  	_ =	shalt  }
0x4f: {  	_ =	shalt  }
0x50: {  	_ =	shalt  }
0x51: {  	_ =	shalt  }
0x52: {  	_ =	shalt  }
0x53: {  	_ =	shalt  }
0x54: {  	_ =	shalt  }
0x55: {  	_ =	shalt  }
0x56: {  	_ =	shalt  }
0x57: {  	_ =	shalt  }
0x58: {  	_ =	shalt  }
0x59: {  	_ =	shalt  }
0x5a: {  	_ =	shalt  }
0x5b: {  	_ =	shalt  }
0x5c: {  	_ =	shalt  }
0x5d: {  	_ =	shalt  }
0x5e: {  	_ =	shalt  }
0x5f: {  	_ =	shalt  }
0x60: {  	_ =	shalt  }
0x61: {  	_ =	shalt  }
0x62: {  	_ =	shalt  }
0x63: {  	_ =	shalt  }
0x64: {  	_ =	shalt  }
0x65: {  	_ =	shalt  }
0x66: {  	_ =	shalt  }
0x67: {  	_ =	shalt  }
0x68: {  	_ =	shalt  }
0x69: {  	_ =	shalt  }
0x6a: {  	_ =	shalt  }
0x6b: {  	_ =	shalt  }
0x6c: {  	_ =	shalt  }
0x6d: {  	_ =	shalt  }
0x6e: {  	_ =	shalt  }
0x6f: {  	_ =	shalt  }
0x70: {  	_ =	shalt  }
0x71: {  	_ =	shalt  }
0x72: {  	_ =	shalt  }
0x73: {  	_ =	shalt  }
0x74: {  	_ =	shalt  }
0x75: {  	_ =	shalt  }
0x76: {  	_ =	shalt  }
0x77: {  	_ =	shalt  }
0x78: {  	_ =	shalt  }
0x79: {  	_ =	shalt  }
0x7a: {  	_ =	shalt  }
0x7b: {  	_ =	shalt  }
0x7c: {  	_ =	shalt  }
0x7d: {  	_ =	shalt  }
0x7e: {  	_ =	shalt  }
0x7f: {  	_ =	shalt  }
0x80: {  	_ =	shalt  }
0x81: {  	_ =	shalt  }
0x82: {  	_ =	shalt  }
0x83: {  	_ =	shalt  }
0x84: {  	_ =	shalt  }
0x85: {  	_ =	shalt  }
0x86: {  	_ =	shalt  }
0x87: {  	_ =	shalt  }
.Lfunc_end0:
.L_simem_size_0:
called_computation_lowered:
.L_overlay_start_0:
0x88: {  	s2 =	sld [smem:$0x3FD9]  }
0x89: {  	s3 =	sld [smem:$0x3FFE];
	_ =	sdelay $0x1  }
0x8a: {  	s1 =	srdreg.scid  }
0x8b: {  	s0 =	sand.u32 $0x1, s1  }
0x8c: {  	s18 =	sshll.u32 s0, $0xA;
	s2 =	sadd.s32 s3, s2  }
0x8d: {  	s2 =	sadd.s32 s2, s18  }
0x8e: {  	[smem:$0x3FC5] =	sst s2  }
0x8f: {  	_ = 	snop  }
0x90: {  	s2 =	sld [smem:$0x3FC9]  }
0x91: {  	s19 =	sld [smem:$0x3FC8]  }
0x92: {  	s4 =	sld [smem:$0x3FC7]  }
0x93: {  	s5 =	sld [smem:$0x3FD0];
	(tm) =	ssettm $0x1  }
0x94: {  	s6 =	sld [smem:$0x3FFB];
	_ =	sdelay $0x3  }
0x95: {  	_ =	strace s6  }
0x96: {  	s6 =	sld [smem:$0x3FFC];
	_ =	sdelay $0x3  }
0x97: {  	_ =	strace s6  }
0x98: {  	s6 =	sld [smem:$0x3FFD];
	_ =	sdelay $0x3  }
0x99: {  	_ =	strace s6  }
0x9a: {  	_ =	strace $0x8FFFFFFF  }
0x9b: {  	s20 =	sld [smem:$0x3FDB];
	_ =	sdelay $0x1  }
0x9c: {  	s7 =	simm.s32 $_scs_section_size  }
0x9d: {  	s8 =	simm.s32 $_size__tile_overlayer_lowered;
	s9 =	simm.s32 $_tile_overlayer_lowered  }
0x9e: {  	s23 =	simm.s32 $0x1BFF;
	s22 =	sshll.u32 s9, $0x1;
	s6 =	sadd.s32 s7, s20  }
0x9f: {  	s10 =	simm.s32 $0x0;
	s21 =	sshll.u32 s8, $0x1;
	s8 =	sadd.s32 s22, s6  }
0xa0: {  	[timem:s10], [sflag:s23] =	dma.local [hbm:s8], s21  }
0xa1: {  	_ =	swait.ge [sflag:s23], s21  }
0xa2: {  	s7 =	ssub.s32 $0x0, s21;
	[sflag:s23] =	ssyncset.done $0x0  }
0xa3: {  	[sflag:s23] =	ssyncadd.s32 s7;
	_ =	sdelay $0x1  }
0xa4: {  	s24 =	simm.s32 $0x1B8B  }
0xa5: {  	_ =	swait.ge [sflag:s24], $0x1  }
0xa6: {  	[sflag:s24] =	ssyncset.done $0x0  }
0xa7: {  	s25 =	simm.s32 $0x1B8E;
	[sflag:s24] =	ssyncadd.s32 $0xFFFFFFFF  }
0xa8: {  	s26 =	simm.s32 $execute0_lowered;
	[smem:$0x3FD2] =	sst s25  }
0xa9: {  	s7 =	sshll.u32 s26, $0x1;
	_ =	strace $0x80000046;
	[dreg:$0x1] =	wrdreg $0xFFFFFFFF  }
0xaa: {  	s28 =	simm.s32 $_size_execute0_lowered;
	s6 =	sadd.s32 s6, s7;
	[dreg:$0x0] =	wrdreg $0x0  }
0xab: {  	s7 =	sshll.u32 s28, $0x1;
	[dreg:$0x2] =	wrdreg s6  }
0xac: {  	[dreg:$0x3] =	wrdreg s7  }
0xad: {  	[dreg:$0x4] =	wrdreg $0xC0  }
0xae: {  	_ =	task [dreg:s10], $0x5FFFF  }
0xaf: {  	[dreg:$0x1] =	wrdreg $0xFFFFFFFF  }
0xb0: {  	[dreg:$0x0] =	wrdreg $0x60  }
0xb1: {  	[dreg:$0x2] =	wrdreg s2  }
0xb2: {  	[dreg:$0x3] =	wrdreg s19  }
0xb3: {  	[dreg:$0x4] =	wrdreg s4  }
0xb4: {  	[dreg:$0x5] =	wrdreg s5  }
0xb5: {  	[dreg:$0x6] =	wrdreg $0x9  }
0xb6: {  	_ =	task.clear_ibuf [dreg:s10], $0x7FFFF;
	_ =	strace $0x90000046  }
0xb7: {  	s29 =	simm.s32 $0x9;
	_ =	strace $0x80000048  }
0xb8: {  	_ =	swait.ge [sflag:s29], $0x1  }
0xb9: {  	[sflag:s29] =	ssyncadd.s32 $0xFFFFFFFF  }
0xba: {  	_ =	strace $0x90000048  }
0xbb: {  	_ =	sfence  }
0xbc: {  	s30 =	sld [smem:$0x0];
	_ =	sdelay $0x2  }
0xbd: {  	s31 =	sshll.u32 s1, $0xD;
	s1 =	sshrl.u32 s1, $0x2  }
0xbe: {  	s3 =	sand.u32 $0x4000, s31;
	s1 =	sadd.s32 s1, s30  }
0xbf: {  	s0 =	sor.u32 s3, s0;
	s1 =	sshll.u32 s1, $0x11  }
0xc0: {  	s0 =	sor.u32 s1, s0  }
0xc1: {  	s0 =	sadd.s32 $0x8F2B, s0  }
0xc2: {  	[sflag:s0] =	ssyncadd.remote.s32 $0x1  }
0xc3: {  	_ =	sfence.sel $0xFFFF  }
0xc4: {  	[dreg:$0x0] =	wrdreg $0xFFFFFFFF;
	(pc) =	sbr.abs _section_cstart, $3  }
0xc5: {  	[dreg:$0x1] =	wrdreg $0xFFFFFFFF  }
0xc6: {  	_ =	task.clear_ibuf [dreg:s10], $0x2FFFF;
	_ =	strace $0x9FFFFFFF  }
0xc7: {  	(tm) =	ssettm $0x7FFFFFFF  }
tec
execute0_lowered:
.L_overlay_start_1:
0x0: {  	(tag) =	ssettag $0x1  }
0x1: {  	v0 =	vimm.s32 $0x1380  }
0x2: {  	vm14 =	vcmask $0x300;
	vm13 =	vcmask $0x704;
	vm12 =	vcmask $0xB08  }
0x3: {  	vm11 =	vcmask $0xF0C;
	vm10 =	vcmask $0x1310;
	vm9 =	vcmask $0x1714  }
0x4: {  	v2 =	vlaneseq.u32;
	vm8 =	vcmask $0x1B18;
	vm1 =	vcmask $0x1F1C  }
0x5: {  	v4 =	vimm.s32 $0x1FF8;
	vm0 =	vcmask $0x2320;
	vm2 =	vcmask $0x2724  }
0x6: {  	vm3 =	vcmask $0x2B28;
	vm4 =	vcmask $0x2F2C;
	vm5 =	vcmask $0x3330  }
0x7: {  	vm6 =	vcmask $0x3734;
	vm7 =	vcmask $0x3B38;
	v7 =	vimm.s32 $0x1FF9  }
0x8: {  	v8 =	vimm.s32 $0x3FF9;
	v9 =	vimm.s32 $0x1FFA;
	v10 =	vimm.s32 $0x3FFA  }
0x9: {  	v11 =	vimm.s32 $0x1FFB;
	v12 =	vimm.s32 $0x3FFB;
	v13 =	vimm.s32 $0x1FFC  }
0xa: {  	v14 =	vimm.s32 $0x3FFC;
	v15 =	vimm.s32 $0x1FFD;
	v16 =	vimm.s32 $0x3FFD  }
0xb: {  	v17 =	vimm.s32 $0x1FFE;
	v18 =	vimm.s32 $0x3FFE;
	v19 =	vimm.s32 $0x1FFF  }
0xc: {  	v20 =	vimm.s32 $0x3FFF;
	v0 =	vsel vm14, $0x0, v0;
	v4 =	vsel vm14, $0xC78, v4  }
0xd: {  	v7 =	vsel vm14, $0xC79, v7;
	v8 =	vsel vm14, $0x2C79, v8;
	v9 =	vsel vm14, $0xC7A, v9  }
0xe: {  	v10 =	vsel vm14, $0x2C7A, v10;
	v11 =	vsel vm14, $0xC7B, v11;
	v12 =	vsel vm14, $0x2C7B, v12  }
0xf: {  	v13 =	vsel vm14, $0xC7C, v13;
	v14 =	vsel vm14, $0x2C7C, v14;
	v15 =	vsel vm14, $0xC7D, v15  }
0x10: {  	v16 =	vsel vm14, $0x2C7D, v16;
	v17 =	vsel vm14, $0xC7E, v17;
	v18 =	vsel vm14, $0x2C7E, v18  }
0x11: {  	v19 =	vsel vm14, $0xC7F, v19;
	v20 =	vsel vm14, $0x2C7F, v20;
	v0 =	vsel vm13, $0x80, v0  }
0x12: {  	v4 =	vsel vm13, $0xCF8, v4;
	v7 =	vsel vm13, $0xCF9, v7;
	v8 =	vsel vm13, $0x2CF9, v8  }
0x13: {  	v9 =	vsel vm13, $0xCFA, v9;
	v10 =	vsel vm13, $0x2CFA, v10;
	v11 =	vsel vm13, $0xCFB, v11  }
0x14: {  	v12 =	vsel vm13, $0x2CFB, v12;
	v13 =	vsel vm13, $0xCFC, v13;
	v14 =	vsel vm13, $0x2CFC, v14  }
0x15: {  	v15 =	vsel vm13, $0xCFD, v15;
	v16 =	vsel vm13, $0x2CFD, v16;
	v17 =	vsel vm13, $0xCFE, v17  }
0x16: {  	v18 =	vsel vm13, $0x2CFE, v18;
	v19 =	vsel vm13, $0xCFF, v19;
	v20 =	vsel vm13, $0x2CFF, v20  }
0x17: {  	v0 =	vsel vm12, $0x100, v0;
	v4 =	vsel vm12, $0xD78, v4;
	v7 =	vsel vm12, $0xD79, v7  }
0x18: {  	v8 =	vsel vm12, $0x2D79, v8;
	v9 =	vsel vm12, $0xD7A, v9;
	v10 =	vsel vm12, $0x2D7A, v10  }
0x19: {  	v11 =	vsel vm12, $0xD7B, v11;
	v12 =	vsel vm12, $0x2D7B, v12;
	v13 =	vsel vm12, $0xD7C, v13  }
0x1a: {  	v14 =	vsel vm12, $0x2D7C, v14;
	v15 =	vsel vm12, $0xD7D, v15;
	v16 =	vsel vm12, $0x2D7D, v16  }
0x1b: {  	v17 =	vsel vm12, $0xD7E, v17;
	v18 =	vsel vm12, $0x2D7E, v18;
	v19 =	vsel vm12, $0xD7F, v19  }
0x1c: {  	v20 =	vsel vm12, $0x2D7F, v20;
	v1 =	vsel vm11, $0x180, v0;
	v0 =	vimm.s32 $0x0  }
0x1d: {  	v4 =	vsel vm11, $0xDF8, v4;
	v7 =	vsel vm11, $0xDF9, v7;
	v8 =	vsel vm11, $0x2DF9, v8  }
0x1e: {  	v9 =	vsel vm11, $0xDFA, v9;
	v10 =	vsel vm11, $0x2DFA, v10;
	v11 =	vsel vm11, $0xDFB, v11  }
0x1f: {  	v12 =	vsel vm11, $0x2DFB, v12;
	v13 =	vsel vm11, $0xDFC, v13;
	v14 =	vsel vm11, $0x2DFC, v14  }
0x20: {  	v15 =	vsel vm11, $0xDFD, v15;
	v16 =	vsel vm11, $0x2DFD, v16;
	v17 =	vsel vm11, $0xDFE, v17  }
0x21: {  	v18 =	vsel vm11, $0x2DFE, v18;
	v19 =	vsel vm11, $0xDFF, v19;
	v20 =	vsel vm11, $0x2DFF, v20  }
0x22: {  	v1 =	vsel vm10, $0x200, v1;
	v4 =	vsel vm10, $0xE78, v4;
	v7 =	vsel vm10, $0xE79, v7  }
0x23: {  	v8 =	vsel vm10, $0x2E79, v8;
	v9 =	vsel vm10, $0xE7A, v9;
	v10 =	vsel vm10, $0x2E7A, v10  }
0x24: {  	v11 =	vsel vm10, $0xE7B, v11;
	v12 =	vsel vm10, $0x2E7B, v12;
	v13 =	vsel vm10, $0xE7C, v13  }
0x25: {  	v14 =	vsel vm10, $0x2E7C, v14;
	v15 =	vsel vm10, $0xE7D, v15;
	v16 =	vsel vm10, $0x2E7D, v16  }
0x26: {  	v17 =	vsel vm10, $0xE7E, v17;
	v18 =	vsel vm10, $0x2E7E, v18;
	v19 =	vsel vm10, $0xE7F, v19  }
0x27: {  	v20 =	vsel vm10, $0x2E7F, v20;
	v3 =	vsel vm9, $0x280, v1;
	v1 =	vmul.u32 $0x80, v2  }
0x28: {  	v4 =	vsel vm9, $0xEF8, v4;
	v7 =	vsel vm9, $0xEF9, v7;
	v8 =	vsel vm9, $0x2EF9, v8  }
0x29: {  	v9 =	vsel vm9, $0xEFA, v9;
	v10 =	vsel vm9, $0x2EFA, v10;
	v11 =	vsel vm9, $0xEFB, v11  }
0x2a: {  	v12 =	vsel vm9, $0x2EFB, v12;
	v13 =	vsel vm9, $0xEFC, v13;
	v14 =	vsel vm9, $0x2EFC, v14  }
0x2b: {  	v15 =	vsel vm9, $0xEFD, v15;
	v16 =	vsel vm9, $0x2EFD, v16;
	v17 =	vsel vm9, $0xEFE, v17  }
0x2c: {  	v18 =	vsel vm9, $0x2EFE, v18;
	v19 =	vsel vm9, $0xEFF, v19;
	v20 =	vsel vm9, $0x2EFF, v20  }
0x2d: {  	v2 =	vsel vm8, $0x300, v3;
	v3 =	vimm.s32 $0x3380;
	v4 =	vsel vm8, $0xF78, v4  }
0x2e: {  	v7 =	vsel vm8, $0xF79, v7;
	v8 =	vsel vm8, $0x2F79, v8;
	v9 =	vsel vm8, $0xF7A, v9  }
0x2f: {  	v10 =	vsel vm8, $0x2F7A, v10;
	v11 =	vsel vm8, $0xF7B, v11;
	v12 =	vsel vm8, $0x2F7B, v12  }
0x30: {  	v13 =	vsel vm8, $0xF7C, v13;
	v14 =	vsel vm8, $0x2F7C, v14;
	v15 =	vsel vm8, $0xF7D, v15  }
0x31: {  	v16 =	vsel vm8, $0x2F7D, v16;
	v17 =	vsel vm8, $0xF7E, v17;
	v18 =	vsel vm8, $0x2F7E, v18  }
0x32: {  	v19 =	vsel vm8, $0xF7F, v19;
	v20 =	vsel vm8, $0x2F7F, v20;
	v2 =	vsel vm1, $0x380, v2  }
0x33: {  	v3 =	vsel vm14, $0x2000, v3;
	v4 =	vsel vm1, $0xFF8, v4;
	v7 =	vsel vm1, $0xFF9, v7  }
0x34: {  	v8 =	vsel vm1, $0x2FF9, v8;
	v9 =	vsel vm1, $0xFFA, v9;
	v10 =	vsel vm1, $0x2FFA, v10  }
0x35: {  	v11 =	vsel vm1, $0xFFB, v11;
	v12 =	vsel vm1, $0x2FFB, v12;
	v13 =	vsel vm1, $0xFFC, v13  }
0x36: {  	v14 =	vsel vm1, $0x2FFC, v14;
	v15 =	vsel vm1, $0xFFD, v15;
	v16 =	vsel vm1, $0x2FFD, v16  }
0x37: {  	v17 =	vsel vm1, $0xFFE, v17;
	v18 =	vsel vm1, $0x2FFE, v18;
	v19 =	vsel vm1, $0xFFF, v19  }
0x38: {  	v20 =	vsel vm1, $0x2FFF, v20;
	v2 =	vsel vm0, $0x1000, v2;
	v3 =	vsel vm13, $0x2080, v3  }
0x39: {  	v4 =	vsel vm0, $0x1C78, v4;
	v7 =	vsel vm0, $0x1C79, v7;
	v8 =	vsel vm0, $0x3C79, v8  }
0x3a: {  	v9 =	vsel vm0, $0x1C7A, v9;
	v10 =	vsel vm0, $0x3C7A, v10;
	v11 =	vsel vm0, $0x1C7B, v11  }
0x3b: {  	v12 =	vsel vm0, $0x3C7B, v12;
	v13 =	vsel vm0, $0x1C7C, v13;
	v14 =	vsel vm0, $0x3C7C, v14  }
0x3c: {  	v15 =	vsel vm0, $0x1C7D, v15;
	v16 =	vsel vm0, $0x3C7D, v16;
	v17 =	vsel vm0, $0x1C7E, v17  }
0x3d: {  	v18 =	vsel vm0, $0x3C7E, v18;
	v19 =	vsel vm0, $0x1C7F, v19;
	v20 =	vsel vm0, $0x3C7F, v20  }
0x3e: {  	v3 =	vsel vm12, $0x2100, v3;
	v2 =	vsel vm2, $0x1080, v2;
	v4 =	vsel vm2, $0x1CF8, v4  }
0x3f: {  	v7 =	vsel vm2, $0x1CF9, v7;
	v8 =	vsel vm2, $0x3CF9, v8;
	v9 =	vsel vm2, $0x1CFA, v9  }
0x40: {  	v10 =	vsel vm2, $0x3CFA, v10;
	v11 =	vsel vm2, $0x1CFB, v11;
	v12 =	vsel vm2, $0x3CFB, v12  }
0x41: {  	v13 =	vsel vm2, $0x1CFC, v13;
	v14 =	vsel vm2, $0x3CFC, v14;
	v15 =	vsel vm2, $0x1CFD, v15  }
0x42: {  	v16 =	vsel vm2, $0x3CFD, v16;
	v17 =	vsel vm2, $0x1CFE, v17;
	v18 =	vsel vm2, $0x3CFE, v18  }
0x43: {  	v19 =	vsel vm2, $0x1CFF, v19;
	v20 =	vsel vm2, $0x3CFF, v20;
	v3 =	vsel vm11, $0x2180, v3  }
0x44: {  	v2 =	vsel vm3, $0x1100, v2;
	v4 =	vsel vm3, $0x1D78, v4;
	v7 =	vsel vm3, $0x1D79, v7  }
0x45: {  	v8 =	vsel vm3, $0x3D79, v8;
	v9 =	vsel vm3, $0x1D7A, v9;
	v10 =	vsel vm3, $0x3D7A, v10  }
0x46: {  	v11 =	vsel vm3, $0x1D7B, v11;
	v12 =	vsel vm3, $0x3D7B, v12;
	v13 =	vsel vm3, $0x1D7C, v13  }
0x47: {  	v14 =	vsel vm3, $0x3D7C, v14;
	v15 =	vsel vm3, $0x1D7D, v15;
	v16 =	vsel vm3, $0x3D7D, v16  }
0x48: {  	v17 =	vsel vm3, $0x1D7E, v17;
	v18 =	vsel vm3, $0x3D7E, v18;
	v19 =	vsel vm3, $0x1D7F, v19  }
0x49: {  	v20 =	vsel vm3, $0x3D7F, v20;
	v3 =	vsel vm10, $0x2200, v3;
	v2 =	vsel vm4, $0x1180, v2  }
0x4a: {  	v4 =	vsel vm4, $0x1DF8, v4;
	v7 =	vsel vm4, $0x1DF9, v7;
	v8 =	vsel vm4, $0x3DF9, v8  }
0x4b: {  	v9 =	vsel vm4, $0x1DFA, v9;
	v10 =	vsel vm4, $0x3DFA, v10;
	v11 =	vsel vm4, $0x1DFB, v11  }
0x4c: {  	v12 =	vsel vm4, $0x3DFB, v12;
	v13 =	vsel vm4, $0x1DFC, v13;
	v14 =	vsel vm4, $0x3DFC, v14  }
0x4d: {  	v15 =	vsel vm4, $0x1DFD, v15;
	v16 =	vsel vm4, $0x3DFD, v16;
	v17 =	vsel vm4, $0x1DFE, v17  }
0x4e: {  	v18 =	vsel vm4, $0x3DFE, v18;
	v19 =	vsel vm4, $0x1DFF, v19;
	v20 =	vsel vm4, $0x3DFF, v20  }
0x4f: {  	v3 =	vsel vm9, $0x2280, v3;
	v2 =	vsel vm5, $0x1200, v2;
	v4 =	vsel vm5, $0x1E78, v4  }
0x50: {  	v7 =	vsel vm5, $0x1E79, v7;
	v8 =	vsel vm5, $0x3E79, v8;
	v3 =	vsel vm8, $0x2300, v3  }
0x51: {  	v9 =	vsel vm5, $0x1E7A, v9;
	v10 =	vsel vm5, $0x3E7A, v10;
	v3 =	vsel vm1, $0x2380, v3  }
0x52: {  	v11 =	vsel vm5, $0x1E7B, v11;
	v12 =	vsel vm5, $0x3E7B, v12;
	v3 =	vsel vm0, $0x3000, v3  }
0x53: {  	s1 =	rddreg [dreg:$0x0];
	v13 =	vsel vm5, $0x1E7C, v13;
	v14 =	vsel vm5, $0x3E7C, v14;
	v3 =	vsel vm2, $0x3080, v3  }
0x54: {  	s2 =	rddreg [dreg:$0x1];
	v15 =	vsel vm5, $0x1E7D, v15;
	v16 =	vsel vm5, $0x3E7D, v16;
	v3 =	vsel vm3, $0x3100, v3  }
0x55: {  	s0 =	rddreg [dreg:$0x2];
	v17 =	vsel vm5, $0x1E7E, v17;
	v18 =	vsel vm5, $0x3E7E, v18;
	v3 =	vsel vm4, $0x3180, v3  }
0x56: {  	s3 =	rddreg [dreg:$0x3];
	s4 =	srdreg.scid;
	v19 =	vsel vm5, $0x1E7F, v19;
	v20 =	vsel vm5, $0x3E7F, v20;
	v3 =	vsel vm5, $0x3200, v3  }
0x57: {  	s5 =	stileid.u32;
	s7 =	simm.s32 $0x0;
	s11 =	simm.s32 $0x7A1400;
	v2 =	vsel vm6, $0x1280, v2;
	v6 =	vsel vm6, $0x1EF8, v4;
	v5 =	vsel vm6, $0x3280, v3  }
0x58: {  	s12 =	simm.s32 $0x400;
	s13 =	simm.s32 $0x18900;
	s28 =	simm.s32 $0x900;
	v4 =	vsel vm7, $0x3300, v5;
	v5 =	vsel vm7, $0x1F78, v6;
	v6 =	vimm.s32 $0x3FF8  }
0x59: {  	s29 =	simm.s32 $0x1900;
	s30 =	simm.s32 $0x2900;
	s17 =	simm.s32 $0x3900;
	v7 =	vsel vm6, $0x1EF9, v7;
	v8 =	vsel vm6, $0x3EF9, v8;
	v6 =	vsel vm14, $0x2C78, v6  }
0x5a: {  	s18 =	simm.s32 $0x4900;
	s19 =	simm.s32 $0x5900;
	s20 =	simm.s32 $0x6900;
	v9 =	vsel vm6, $0x1EFA, v9;
	v10 =	vsel vm6, $0x3EFA, v10;
	v6 =	vsel vm13, $0x2CF8, v6  }
0x5b: {  	s31 =	simm.s32 $0x8900;
	s10 =	simm.s32 $0xB900;
	s14 =	simm.s32 $0xE900;
	v11 =	vsel vm6, $0x1EFB, v11;
	v12 =	vsel vm6, $0x3EFB, v12;
	v6 =	vsel vm12, $0x2D78, v6  }
0x5c: {  	s15 =	simm.s32 $0x11900;
	s16 =	simm.s32 $0x12900;
	s8 =	simm.s32 $0x19900;
	v13 =	vsel vm6, $0x1EFC, v13;
	v14 =	vsel vm6, $0x3EFC, v14;
	v6 =	vsel vm11, $0x2DF8, v6  }
0x5d: {  	s9 =	simm.s32 $0x2;
	s4 =	sand.u32 $0x1, s4;
	s5 =	sshll.u32 s5, $0xA;
	v15 =	vsel vm6, $0x1EFD, v15;
	v16 =	vsel vm6, $0x3EFD, v16;
	v6 =	vsel vm10, $0x2E78, v6  }
0x5e: {  	[smem:$0x7FF] =	sst s7;
	s24 =	sadd.s32 $0xF4200, s0;
	s7 =	simm.s32 $0x1;
	v17 =	vsel vm6, $0x1EFE, v17;
	v18 =	vsel vm6, $0x3EFE, v18;
	v6 =	vsel vm9, $0x2EF8, v6  }
0x5f: {  	s6 =	sshll.u32 s4, $0x9;
	s4 =	ssub.s32 $0x2, s4;
	_ =	strace $0x80000047;
	v19 =	vsel vm6, $0x1EFF, v19;
	v20 =	vsel vm6, $0x3EFF, v20;
	v6 =	vsel vm8, $0x2F78, v6  }
0x60: {  	[dreg:$0x7] =	wrdreg s24;
	s24 =	simm.s32 $0x0;
	s5 =	sor.u32 s6, s5;
	v2 =	vsel vm7, $0x1300, v2;
	v7 =	vsel vm7, $0x1F79, v7;
	v6 =	vsel vm1, $0x2FF8, v6  }
0x61: {  	s21 =	sshrl.u32 s4, $0x1;
	s6 =	simm.s32 $0x10900;
	s22 =	sshrl.u32 s5, $0x3;
	v8 =	vsel vm7, $0x3F79, v8;
	v9 =	vsel vm7, $0x1F7A, v9;
	v6 =	vsel vm0, $0x3C78, v6  }
0x62: {  	s4 =	ssub.s32 s4, s21;
	s25 =	sadd.s32 s3, s5;
	s21 =	simm.s32 $0x7900;
	v10 =	vsel vm7, $0x3F7A, v10;
	v11 =	vsel vm7, $0x1F7B, v11;
	v6 =	vsel vm2, $0x3CF8, v6  }
.Ltmp0:
0x63: {  	s3 =	simm.s32 $0xC900;
	s5 =	simm.s32 $0xF900;
	v12 =	vsel vm7, $0x3F7B, v12;
	v13 =	vsel vm7, $0x1F7C, v13;
	v6 =	vsel vm3, $0x3D78, v6;
	(pc) =	sbr.rel .LBB2_1-.Ltmp0, $4  }
0x64: {  	s1 =	sadd.s32 s1, s22;
	s23 =	sadd.s32 s2, s22;
	[dreg:$0x8] =	wrdreg s25;
	v14 =	vsel vm7, $0x3F7C, v14;
	v15 =	vsel vm7, $0x1F7D, v15;
	v6 =	vsel vm4, $0x3DF8, v6  }
0x65: {  	s26 =	smax.u32 s4, $0x1;
	s25 =	simm.s32 $0x4;
	[dreg:$0x5] =	wrdreg s1;
	v16 =	vsel vm7, $0x3F7D, v16;
	v17 =	vsel vm7, $0x1F7E, v17;
	v6 =	vsel vm5, $0x3E78, v6  }
0x66: {  	s2 =	simm.s32 $0xA900;
	s4 =	simm.s32 $0xD900;
	[dreg:$0x6] =	wrdreg s23;
	v18 =	vsel vm7, $0x3F7E, v18;
	v19 =	vsel vm7, $0x1F7F, v19;
	v6 =	vsel vm6, $0x3EF8, v6  }
0x67: {  	s22 =	simm.s32 $0x3;
	[dreg:$0x9] =	wrdreg s26;
	s1 =	simm.s32 $0x9900;
	v20 =	vsel vm7, $0x3F7F, v20;
	v3 =	vor.u32 $0x800, v1;
	v6 =	vsel vm7, $0x3F78, v6  }
.LBB2_4:
0x68: {  	_ =	swait.ge [sflag:s7], $0x1000  }
0x69: {  	[sflag:s7] =	ssyncset.done $0x0  }
0x6a: {  	[sflag:s7] =	ssyncadd.s32 $0xFFFFF000  }
0x6b: {  	_ =	swait.ge [sflag:s7], $0x1000  }
0x6c: {  	[sflag:s7] =	ssyncset.done $0x0  }
0x6d: {  	[sflag:s7] =	ssyncadd.s32 $0xFFFFF000  }
0x6e: {  	_ =	swait.ge [sflag:s7], $0x1000  }
0x6f: {  	[sflag:s7] =	ssyncset.done $0x0  }
0x70: {  	[sflag:s7] =	ssyncadd.s32 $0xFFFFF000  }
0x71: {  	_ =	swait.ge [sflag:s7], $0x1000  }
0x72: {  	[sflag:s7] =	ssyncset.done $0x0  }
0x73: {  	[sflag:s7] =	ssyncadd.s32 $0xFFFFF000  }
0x74: {  	_ =	swait.ge [sflag:s7], $0x1000  }
0x75: {  	[sflag:s7] =	ssyncset.done $0x0  }
0x76: {  	[sflag:s7] =	ssyncadd.s32 $0xFFFFF000  }
0x77: {  	_ =	swait.ge [sflag:s7], $0x1000  }
0x78: {  	[sflag:s7] =	ssyncset.done $0x0  }
0x79: {  	[sflag:s7] =	ssyncadd.s32 $0xFFFFF000  }
0x7a: {  	_ =	swait.ge [sflag:s7], $0x1000  }
0x7b: {  	[sflag:s7] =	ssyncset.done $0x0  }
0x7c: {  	[sflag:s7] =	ssyncadd.s32 $0xFFFFF000  }
0x7d: {  	_ =	swait.ge [sflag:s7], $0x1000  }
0x7e: {  	[sflag:s7] =	ssyncset.done $0x0  }
0x7f: {  	[sflag:s7] =	ssyncadd.s32 $0xFFFFF000  }
0x80: {  	v21 =	vld [tilespmem:$0x5F8];
	_ =	sdelay $0x4  }
0x81: {  	(v2sf) =	vpush v21, $0x0;
	_ =	sdelay $0xe  }
0x82: {  	s23 =	spop (v2sf)  }
0x83: {  	(v2sf) =	vpush v21, $0x1;
	s24 =	sadd.s32 $0xFFF0BE00, s23  }
0x84: {  	s25 =	sand.u32 $0x7F, s23;
	p0 =	sgt.s32 s24, $0x0  }
0x85: {  	v22 =	vor.u32 s25, v1;
	s24 =	simm.s32 @!p0 $0x0  }
0x86: {  	v23 =	vadd.s32 s24, v1;
	_ =	sdelay $0x2  }
0x87: {  	s28 =	simm.s32 $0x900  }
0x88: {  	v22 =	vld.idx.msk [tilespmem:v22+s28+$0x0], $0xffff  }
0x89: {  	v23 =	vld.idx.msk [tilespmem:v23+s13+$0x0], $0xffff;
	_ =	sdelay $0x1  }
0x8a: {  	v24 =	vor.u32 s25, v3  }
0x8b: {  	v25 =	vadd.s32 s24, v3  }
0x8c: {  	p4 =	sgt.s32 s23, $0xF41FF  }
0x8d: {  	v22 =	vpsel p4, v23, v22  }
0x8e: {  	[tilespmem:v5+s8+$0x0] =	vst.idx.msk $0xffff, v22  }
0x8f: {  	s17 =	spop (v2sf);
	v22 =	vld.idx.msk [tilespmem:v24+s28+$0x0], $0xffff  }
0x90: {  	(v2sf) =	vpush v21, $0x2;
	v23 =	vld.idx.msk [tilespmem:v25+s13+$0x0], $0xffff;
	s24 =	sadd.s32 $0xFFF0BE00, s17  }
0x91: {  	s18 =	sand.u32 $0x7F, s17;
	p1 =	sgt.s32 s24, $0x0  }
0x92: {  	v40 =	vor.u32 s18, v1;
	s24 =	simm.s32 @!p1 $0x0  }
0x93: {  	v41 =	vadd.s32 s24, v1;
	_ =	sdelay $0x1  }
0x94: {  	v22 =	vpsel p4, v23, v22  }
0x95: {  	s29 =	simm.s32 $0x1900;
	[tilespmem:v6+s8+$0x0] =	vst.idx.msk $0xffff, v22  }
0x96: {  	v22 =	vld.idx.msk [tilespmem:v40+s29+$0x0], $0xffff  }
0x97: {  	v23 =	vld.idx.msk [tilespmem:v41+s13+$0x0], $0xffff;
	_ =	sdelay $0x1  }
0x98: {  	v42 =	vor.u32 s18, v3  }
0x99: {  	v43 =	vadd.s32 s24, v3  }
0x9a: {  	p5 =	sgt.s32 s17, $0xF41FF  }
0x9b: {  	v22 =	vpsel p5, v23, v22  }
0x9c: {  	[tilespmem:v7+s8+$0x0] =	vst.idx.msk $0xffff, v22  }
0x9d: {  	s19 =	spop (v2sf);
	v22 =	vld.idx.msk [tilespmem:v42+s29+$0x0], $0xffff  }
0x9e: {  	(v2sf) =	vpush v21, $0x3;
	v23 =	vld.idx.msk [tilespmem:v43+s13+$0x0], $0xffff;
	s24 =	sadd.s32 $0xFFF0BE00, s19  }
0x9f: {  	s20 =	sand.u32 $0x7F, s19;
	p1 =	sgt.s32 s24, $0x0  }
0xa0: {  	v44 =	vor.u32 s20, v1;
	s24 =	simm.s32 @!p1 $0x0  }
0xa1: {  	v45 =	vadd.s32 s24, v1;
	_ =	sdelay $0x1  }
0xa2: {  	v22 =	vpsel p5, v23, v22  }
0xa3: {  	s30 =	simm.s32 $0x2900;
	[tilespmem:v8+s8+$0x0] =	vst.idx.msk $0xffff, v22  }
0xa4: {  	v22 =	vld.idx.msk [tilespmem:v44+s30+$0x0], $0xffff  }
0xa5: {  	v23 =	vld.idx.msk [tilespmem:v45+s13+$0x0], $0xffff;
	_ =	sdelay $0x1  }
0xa6: {  	v46 =	vor.u32 s20, v3  }
0xa7: {  	v47 =	vadd.s32 s24, v3  }
0xa8: {  	p6 =	sgt.s32 s19, $0xF41FF  }
0xa9: {  	v22 =	vpsel p6, v23, v22  }
0xaa: {  	[tilespmem:v9+s8+$0x0] =	vst.idx.msk $0xffff, v22  }
0xab: {  	s21 =	spop (v2sf);
	v22 =	vld.idx.msk [tilespmem:v46+s30+$0x0], $0xffff  }
0xac: {  	(v2sf) =	vpush v21, $0x4;
	v23 =	vld.idx.msk [tilespmem:v47+s13+$0x0], $0xffff;
	s24 =	sadd.s32 $0xFFF0BE00, s21  }
0xad: {  	s26 =	sand.u32 $0x7F, s21;
	p1 =	sgt.s32 s24, $0x0  }
0xae: {  	v48 =	vor.u32 s26, v1;
	s24 =	simm.s32 @!p1 $0x0  }
0xaf: {  	v49 =	vadd.s32 s24, v1;
	_ =	sdelay $0x1  }
0xb0: {  	v22 =	vpsel p6, v23, v22  }
0xb1: {  	s17 =	simm.s32 $0x3900;
	[tilespmem:v10+s8+$0x0] =	vst.idx.msk $0xffff, v22  }
0xb2: {  	v22 =	vld.idx.msk [tilespmem:v48+s17+$0x0], $0xffff  }
0xb3: {  	v23 =	vld.idx.msk [tilespmem:v49+s13+$0x0], $0xffff;
	_ =	sdelay $0x1  }
0xb4: {  	v50 =	vor.u32 s26, v3  }
0xb5: {  	v51 =	vadd.s32 s24, v3  }
0xb6: {  	p2 =	sgt.s32 s21, $0xF41FF  }
0xb7: {  	v22 =	vpsel p2, v23, v22  }
0xb8: {  	[tilespmem:v11+s8+$0x0] =	vst.idx.msk $0xffff, v22  }
0xb9: {  	s6 =	spop (v2sf);
	v22 =	vld.idx.msk [tilespmem:v50+s17+$0x0], $0xffff  }
0xba: {  	(v2sf) =	vpush v21, $0x5;
	v23 =	vld.idx.msk [tilespmem:v51+s13+$0x0], $0xffff;
	s24 =	sadd.s32 $0xFFF0BE00, s6  }
0xbb: {  	s15 =	sand.u32 $0x7F, s6;
	p1 =	sgt.s32 s24, $0x0  }
0xbc: {  	v52 =	vor.u32 s15, v1;
	s24 =	simm.s32 @!p1 $0x0  }
0xbd: {  	v53 =	vadd.s32 s24, v1;
	_ =	sdelay $0x1  }
0xbe: {  	v22 =	vpsel p2, v23, v22  }
0xbf: {  	s18 =	simm.s32 $0x4900;
	[tilespmem:v12+s8+$0x0] =	vst.idx.msk $0xffff, v22  }
0xc0: {  	v22 =	vld.idx.msk [tilespmem:v52+s18+$0x0], $0xffff  }
0xc1: {  	v23 =	vld.idx.msk [tilespmem:v53+s13+$0x0], $0xffff;
	_ =	sdelay $0x1  }
0xc2: {  	v54 =	vor.u32 s15, v3  }
0xc3: {  	v55 =	vadd.s32 s24, v3  }
0xc4: {  	p3 =	sgt.s32 s6, $0xF41FF  }
0xc5: {  	v22 =	vpsel p3, v23, v22  }
0xc6: {  	[tilespmem:v13+s8+$0x0] =	vst.idx.msk $0xffff, v22  }
0xc7: {  	s16 =	spop (v2sf);
	v22 =	vld.idx.msk [tilespmem:v54+s18+$0x0], $0xffff  }
0xc8: {  	(v2sf) =	vpush v21, $0x6;
	v23 =	vld.idx.msk [tilespmem:v55+s13+$0x0], $0xffff;
	s24 =	sadd.s32 $0xFFF0BE00, s16  }
0xc9: {  	s20 =	sand.u32 $0x7F, s16;
	p1 =	sgt.s32 s24, $0x0  }
0xca: {  	v56 =	vor.u32 s20, v1;
	s24 =	simm.s32 @!p1 $0x0  }
0xcb: {  	v57 =	vadd.s32 s24, v1;
	_ =	sdelay $0x1  }
0xcc: {  	v22 =	vpsel p3, v23, v22  }
0xcd: {  	s19 =	simm.s32 $0x5900;
	[tilespmem:v14+s8+$0x0] =	vst.idx.msk $0xffff, v22  }
0xce: {  	v22 =	vld.idx.msk [tilespmem:v56+s19+$0x0], $0xffff  }
0xcf: {  	v23 =	vld.idx.msk [tilespmem:v57+s13+$0x0], $0xffff;
	_ =	sdelay $0x1  }
0xd0: {  	v58 =	vor.u32 s20, v3  }
0xd1: {  	v59 =	vadd.s32 s24, v3  }
0xd2: {  	p4 =	sgt.s32 s16, $0xF41FF  }
0xd3: {  	v22 =	vpsel p4, v23, v22  }
0xd4: {  	[tilespmem:v15+s8+$0x0] =	vst.idx.msk $0xffff, v22  }
0xd5: {  	s21 =	spop (v2sf);
	v22 =	vld.idx.msk [tilespmem:v58+s19+$0x0], $0xffff  }
0xd6: {  	(v2sf) =	vpush v21, $0x7;
	v23 =	vld.idx.msk [tilespmem:v59+s13+$0x0], $0xffff;
	s24 =	sadd.s32 $0xFFF0BE00, s21  }
0xd7: {  	s26 =	sand.u32 $0x7F, s21;
	p1 =	sgt.s32 s24, $0x0  }
0xd8: {  	v21 =	vor.u32 s26, v1;
	s24 =	simm.s32 @!p1 $0x0  }
0xd9: {  	v60 =	vadd.s32 s24, v1;
	_ =	sdelay $0x1  }
0xda: {  	v22 =	vpsel p4, v23, v22  }
0xdb: {  	s20 =	simm.s32 $0x6900;
	[tilespmem:v16+s8+$0x0] =	vst.idx.msk $0xffff, v22  }
0xdc: {  	v21 =	vld.idx.msk [tilespmem:v21+s20+$0x0], $0xffff  }
0xdd: {  	v22 =	vld.idx.msk [tilespmem:v60+s13+$0x0], $0xffff;
	_ =	sdelay $0x1  }
0xde: {  	v23 =	vor.u32 s26, v3  }
0xdf: {  	v61 =	vadd.s32 s24, v3  }
0xe0: {  	p5 =	sgt.s32 s21, $0xF41FF  }
0xe1: {  	v21 =	vpsel p5, v22, v21  }
0xe2: {  	[tilespmem:v17+s8+$0x0] =	vst.idx.msk $0xffff, v21  }
0xe3: {  	s6 =	spop (v2sf);
	v21 =	vld.idx.msk [tilespmem:v23+s20+$0x0], $0xffff  }
0xe4: {  	v22 =	vld.idx.msk [tilespmem:v61+s13+$0x0], $0xffff;
	s24 =	sadd.s32 $0xFFF0BE00, s6  }
0xe5: {  	s15 =	sand.u32 $0x7F, s6;
	p1 =	sgt.s32 s24, $0x0  }
0xe6: {  	v23 =	vor.u32 s15, v1;
	s24 =	simm.s32 @!p1 $0x0  }
0xe7: {  	v62 =	vadd.s32 s24, v1;
	_ =	sdelay $0x1  }
0xe8: {  	v21 =	vpsel p5, v22, v21  }
0xe9: {  	s21 =	simm.s32 $0x7900;
	[tilespmem:v18+s8+$0x0] =	vst.idx.msk $0xffff, v21  }
0xea: {  	v21 =	vld.idx.msk [tilespmem:v23+s21+$0x0], $0xffff  }
0xeb: {  	v22 =	vld.idx.msk [tilespmem:v62+s13+$0x0], $0xffff;
	_ =	sdelay $0x1  }
0xec: {  	v23 =	vor.u32 s15, v3  }
0xed: {  	v63 =	vadd.s32 s24, v3  }
0xee: {  	p6 =	sgt.s32 s6, $0xF41FF  }
0xef: {  	v21 =	vpsel p6, v22, v21  }
0xf0: {  	[tilespmem:v19+s8+$0x0] =	vst.idx.msk $0xffff, v21  }
0xf1: {  	v21 =	vld.idx.msk [tilespmem:v23+s21+$0x0], $0xffff  }
0xf2: {  	v22 =	vld.idx.msk [tilespmem:v63+s13+$0x0], $0xffff;
	_ =	sdelay $0x4  }
0xf3: {  	s25 =	simm.s32 $0x4;
	v21 =	vpsel p6, v22, v21  }
0xf4: {  	s16 =	rddreg [dreg:$0x8];
	s6 =	simm.s32 $0x1000;
	s15 =	simm.s32 $0x20000;
	[tilespmem:v20+s8+$0x0] =	vst.idx.msk $0xffff, v21  }
0xf5: {  	[hbm4b:s16+s6] =	stream.strided.scatter [tilespmem:s8], [sflag:$0x4], $0x4000, s15, s6, $0x38;
	[tilespmem:$0x1D900] =	vst v63  }
0xf6: {  	_ =	swait.ge [sflag:s25], $0x4000  }
0xf7: {  	s23 =	rddreg [dreg:$0xa]  }
0xf8: {  	s26 =	rddreg [dreg:$0x9];
	s24 =	sadd.s32 $0x1, s23  }
0xf9: {  	p0 =	sne.s32 s24, s26  }
.Ltmp1:
0xfa: {  	_ = 	snop;
	(pc) =	sbr.rel @!p0 .LBB2_5-.Ltmp1, $3  }
0xfb: {  	_ =	sdelay $0x1  }
0xfc: {  	s6 =	simm.s32 $0x10900;
	[sflag:s25] =	ssyncset.done $0x0  }
0xfd: {  	s15 =	simm.s32 $0x11900;
	s16 =	simm.s32 $0x12900;
	[sflag:s25] =	ssyncadd.s32 $0xFFFFC000  }
.LBB2_1:
0xfe: {  	[dreg:$0xa] =	wrdreg s24  }
0xff: {  	s23 =	simm.s32 $0x0;
	s26 =	rddreg [dreg:$0x5]  }
0x100: {  	[tilespmem:s23], [sflag:$0x4] =	stream.linear.gather [hbm4b:s26+s23], $0x200, $0x38;
	[tilespmem:$0x1D900] =	vst v63  }
0x101: {  	_ =	swait.ge [sflag:s25], $0x200  }
0x102: {  	[sflag:s25] =	ssyncset.done $0x0  }
0x103: {  	s26 =	simm.s32 $0x200;
	s24 =	rddreg [dreg:$0x6];
	[sflag:s25] =	ssyncadd.s32 $0xFFFFFE00  }
0x104: {  	[tilespmem:s26], [sflag:$0x4] =	stream.linear.gather [hbm4b:s24+s23], $0x200, $0x38;
	[tilespmem:$0x1D900] =	vst v63  }
0x105: {  	_ =	swait.ge [sflag:s25], $0x200  }
0x106: {  	[sflag:s25] =	ssyncset.done $0x0  }
0x107: {  	s24 =	rddreg [dreg:$0x7];
	[sflag:s25] =	ssyncadd.s32 $0xFFFFFE00  }
0x108: {  	[tilespmem:s13], [sflag:$0x4] =	stream.strided.gather [hbm4b:s24+s12], $0x1000, s11, s12, $0x38;
	[tilespmem:$0x1D900] =	vst v63  }
0x109: {  	_ =	swait.ge [sflag:s25], $0x1000  }
0x10a: {  	[sflag:s25] =	ssyncset.done $0x0  }
0x10b: {  	[sflag:s25] =	ssyncadd.s32 $0xFFFFF000  }
0x10c: {  	v21 =	vld [tilespmem:$0x0]  }
0x10d: {  	v22 =	vld [tilespmem:$0x200]  }
0x10e: {  	v23 =	vld [tilespmem:$0x10]  }
0x10f: {  	v24 =	vld [tilespmem:$0x210]  }
0x110: {  	v25 =	vld [tilespmem:$0x20]  }
0x111: {  	v26 =	vld [tilespmem:$0x220]  }
0x112: {  	v27 =	vld [tilespmem:$0x30];
	[tilespmem:$0x600] =	vst v0;
	v21 =	vmul.u32 $0x186A0, v21  }
0x113: {  	v28 =	vld [tilespmem:$0x230];
	[tilespmem:$0x610] =	vst v0  }
0x114: {  	v30 =	vld [tilespmem:$0x240];
	[tilespmem:$0x880] =	vst v0;
	v21 =	vadd.s32 v22, v21;
	v22 =	vmul.u32 $0x186A0, v23  }
0x115: {  	[tilespmem:$0x890] =	vst v0;
	v23 =	vld [tilespmem:$0x40];
	v29 =	vshrl.u32 v21, $0x7  }
0x116: {  	v37 =	vld [tilespmem:$0x50];
	v36 =	vmul.u32 $0x186A0, v25;
	[tilespmem:$0x400] =	vst v21;
	v21 =	vmin.u32 v29, $0x1E83;
	v22 =	vadd.s32 v24, v22  }
0x117: {  	v38 =	vld [tilespmem:$0x250];
	[tilespmem:$0x680] =	vst v21;
	v21 =	vshrl.u32 v22, $0x7  }
0x118: {  	v40 =	vld [tilespmem:$0x60];
	v39 =	vmul.u32 $0x186A0, v27;
	[tilespmem:$0x410] =	vst v22;
	v22 =	vadd.s32 v26, v36;
	v21 =	vmin.u32 v21, $0x1E83  }
0x119: {  	v41 =	vld [tilespmem:$0x260];
	[tilespmem:$0x690] =	vst v21;
	v21 =	vshrl.u32 v22, $0x7  }
0x11a: {  	v42 =	vld [tilespmem:$0x70];
	[tilespmem:$0x420] =	vst v22;
	v22 =	vadd.s32 v28, v39;
	v23 =	vmul.u32 $0x186A0, v23;
	v21 =	vmin.u32 v21, $0x1E83  }
0x11b: {  	v43 =	vld [tilespmem:$0x270];
	[tilespmem:$0x6A0] =	vst v21;
	v21 =	vshrl.u32 v22, $0x7  }
0x11c: {  	v44 =	vld [tilespmem:$0x80];
	[tilespmem:$0x430] =	vst v22;
	v22 =	vadd.s32 v30, v23;
	v23 =	vmul.u32 $0x186A0, v37;
	v21 =	vmin.u32 v21, $0x1E83  }
0x11d: {  	v45 =	vld [tilespmem:$0x280];
	[tilespmem:$0x6B0] =	vst v21;
	v21 =	vshrl.u32 v22, $0x7  }
0x11e: {  	v46 =	vld [tilespmem:$0x90];
	[tilespmem:$0x440] =	vst v22;
	v22 =	vadd.s32 v38, v23;
	v23 =	vmul.u32 $0x186A0, v40;
	v21 =	vmin.u32 v21, $0x1E83  }
0x11f: {  	v47 =	vld [tilespmem:$0x290];
	[tilespmem:$0x6C0] =	vst v21;
	v21 =	vshrl.u32 v22, $0x7  }
0x120: {  	v48 =	vld [tilespmem:$0xA0];
	[tilespmem:$0x450] =	vst v22;
	v22 =	vadd.s32 v41, v23;
	v23 =	vmul.u32 $0x186A0, v42;
	v21 =	vmin.u32 v21, $0x1E83  }
0x121: {  	v49 =	vld [tilespmem:$0x2A0];
	[tilespmem:$0x6D0] =	vst v21;
	v21 =	vshrl.u32 v22, $0x7  }
0x122: {  	v50 =	vld [tilespmem:$0xB0];
	[tilespmem:$0x460] =	vst v22;
	v22 =	vadd.s32 v43, v23;
	v23 =	vmul.u32 $0x186A0, v44;
	v21 =	vmin.u32 v21, $0x1E83  }
0x123: {  	v51 =	vld [tilespmem:$0x2B0];
	[tilespmem:$0x6E0] =	vst v21;
	v21 =	vshrl.u32 v22, $0x7  }
0x124: {  	v52 =	vld [tilespmem:$0xC0];
	[tilespmem:$0x470] =	vst v22;
	v22 =	vadd.s32 v45, v23;
	v23 =	vmul.u32 $0x186A0, v46;
	v21 =	vmin.u32 v21, $0x1E83  }
0x125: {  	v53 =	vld [tilespmem:$0x2C0];
	[tilespmem:$0x6F0] =	vst v21;
	v21 =	vshrl.u32 v22, $0x7  }
0x126: {  	v54 =	vld [tilespmem:$0xD0];
	[tilespmem:$0x480] =	vst v22;
	v22 =	vadd.s32 v47, v23;
	v23 =	vmul.u32 $0x186A0, v48;
	v21 =	vmin.u32 v21, $0x1E83  }
0x127: {  	v55 =	vld [tilespmem:$0x2D0];
	[tilespmem:$0x700] =	vst v21;
	v21 =	vshrl.u32 v22, $0x7  }
0x128: {  	v56 =	vld [tilespmem:$0xE0];
	[tilespmem:$0x490] =	vst v22;
	v22 =	vadd.s32 v49, v23;
	v23 =	vmul.u32 $0x186A0, v50;
	v21 =	vmin.u32 v21, $0x1E83  }
0x129: {  	v57 =	vld [tilespmem:$0x2E0];
	[tilespmem:$0x710] =	vst v21;
	v21 =	vshrl.u32 v22, $0x7  }
0x12a: {  	v58 =	vld [tilespmem:$0xF0];
	[tilespmem:$0x4A0] =	vst v22;
	v22 =	vadd.s32 v51, v23;
	v23 =	vmul.u32 $0x186A0, v52;
	v21 =	vmin.u32 v21, $0x1E83  }
0x12b: {  	v59 =	vld [tilespmem:$0x2F0];
	[tilespmem:$0x720] =	vst v21;
	v21 =	vshrl.u32 v22, $0x7  }
0x12c: {  	v60 =	vld [tilespmem:$0x100];
	[tilespmem:$0x4B0] =	vst v22;
	v22 =	vadd.s32 v53, v23;
	v23 =	vmul.u32 $0x186A0, v54;
	v21 =	vmin.u32 v21, $0x1E83  }
0x12d: {  	v61 =	vld [tilespmem:$0x300];
	[tilespmem:$0x730] =	vst v21;
	v21 =	vshrl.u32 v22, $0x7  }
0x12e: {  	v62 =	vld [tilespmem:$0x110];
	[tilespmem:$0x4C0] =	vst v22;
	v22 =	vadd.s32 v55, v23;
	v23 =	vmul.u32 $0x186A0, v56;
	v21 =	vmin.u32 v21, $0x1E83  }
0x12f: {  	v63 =	vld [tilespmem:$0x310];
	[tilespmem:$0x740] =	vst v21;
	v21 =	vshrl.u32 v22, $0x7  }
0x130: {  	v33 =	vld [tilespmem:$0x120];
	[tilespmem:$0x4D0] =	vst v22;
	v22 =	vadd.s32 v57, v23;
	v23 =	vmul.u32 $0x186A0, v58;
	v21 =	vmin.u32 v21, $0x1E83  }
0x131: {  	v34 =	vld [tilespmem:$0x320];
	[tilespmem:$0x750] =	vst v21;
	v21 =	vshrl.u32 v22, $0x7  }
0x132: {  	v35 =	vld [tilespmem:$0x130];
	[tilespmem:$0x4E0] =	vst v22;
	v22 =	vadd.s32 v59, v23;
	v23 =	vmul.u32 $0x186A0, v60;
	v21 =	vmin.u32 v21, $0x1E83  }
0x133: {  	v36 =	vld [tilespmem:$0x330];
	[tilespmem:$0x760] =	vst v21;
	v21 =	vshrl.u32 v22, $0x7  }
0x134: {  	v39 =	vld [tilespmem:$0x150];
	[tilespmem:$0x4F0] =	vst v22;
	v22 =	vadd.s32 v61, v23;
	v23 =	vmul.u32 $0x186A0, v62;
	v21 =	vmin.u32 v21, $0x1E83  }
0x135: {  	v37 =	vld [tilespmem:$0x140];
	[tilespmem:$0x770] =	vst v21;
	v21 =	vshrl.u32 v22, $0x7  }
0x136: {  	v38 =	vld [tilespmem:$0x340];
	[tilespmem:$0x500] =	vst v22;
	v22 =	vadd.s32 v63, v23;
	v23 =	vmul.u32 $0x186A0, v33;
	v21 =	vmin.u32 v21, $0x1E83  }
0x137: {  	v40 =	vld [tilespmem:$0x350];
	[tilespmem:$0x780] =	vst v21;
	v21 =	vshrl.u32 v22, $0x7  }
0x138: {  	v41 =	vld [tilespmem:$0x160];
	[tilespmem:$0x510] =	vst v22;
	v22 =	vadd.s32 v34, v23;
	v23 =	vmul.u32 $0x186A0, v35;
	v21 =	vmin.u32 v21, $0x1E83  }
0x139: {  	v42 =	vld [tilespmem:$0x360];
	[tilespmem:$0x790] =	vst v21;
	v21 =	vshrl.u32 v22, $0x7  }
0x13a: {  	v43 =	vld [tilespmem:$0x170];
	[tilespmem:$0x520] =	vst v22;
	v22 =	vadd.s32 v36, v23;
	v23 =	vmul.u32 $0x186A0, v37;
	v21 =	vmin.u32 v21, $0x1E83  }
0x13b: {  	v44 =	vld [tilespmem:$0x370];
	[tilespmem:$0x7A0] =	vst v21;
	v21 =	vshrl.u32 v22, $0x7  }
0x13c: {  	v51 =	vld [tilespmem:$0x680];
	[tilespmem:$0x530] =	vst v22;
	v22 =	vadd.s32 v38, v23;
	v23 =	vmul.u32 $0x186A0, v39;
	v21 =	vmin.u32 v21, $0x1E83  }
0x13d: {  	v45 =	vld [tilespmem:$0x180];
	[tilespmem:$0x7B0] =	vst v21;
	v21 =	vshrl.u32 v22, $0x7  }
0x13e: {  	v46 =	vld [tilespmem:$0x380];
	[tilespmem:$0x540] =	vst v22;
	v22 =	vadd.s32 v40, v23;
	v23 =	vmul.u32 $0x186A0, v41;
	v21 =	vmin.u32 v21, $0x1E83  }
0x13f: {  	v47 =	vld [tilespmem:$0x190];
	[tilespmem:$0x7C0] =	vst v21;
	v21 =	vshrl.u32 v22, $0x7  }
0x140: {  	v48 =	vld [tilespmem:$0x390];
	[tilespmem:$0x550] =	vst v22;
	v22 =	vadd.s32 v42, v23;
	v23 =	vmul.u32 $0x186A0, v43;
	v21 =	vmin.u32 v21, $0x1E83  }
0x141: {  	v49 =	vld [tilespmem:$0x1A0];
	v26 =	vshll.u32 v51, $0x7;
	[tilespmem:$0x7D0] =	vst v21;
	v21 =	vshrl.u32 v22, $0x7  }
0x142: {  	v50 =	vld [tilespmem:$0x1B0];
	[tilespmem:$0x560] =	vst v22;
	v22 =	vadd.s32 v44, v23;
	v23 =	vmul.u32 $0x186A0, v45;
	v21 =	vmin.u32 v21, $0x1E83  }
0x143: {  	v52 =	vld [tilespmem:$0x3A0];
	(v2sf) =	vpush v26, $0x0;
	[tilespmem:$0x7E0] =	vst v21;
	v21 =	vshrl.u32 v22, $0x7  }
0x144: {  	v53 =	vld [tilespmem:$0x3B0];
	[tilespmem:$0x570] =	vst v22;
	v22 =	vadd.s32 v46, v23;
	v23 =	vmul.u32 $0x186A0, v47;
	v21 =	vmin.u32 v21, $0x1E83  }
0x145: {  	v54 =	vld [tilespmem:$0x1C0];
	[tilespmem:$0x7F0] =	vst v21;
	v21 =	vshrl.u32 v22, $0x7  }
0x146: {  	v55 =	vld [tilespmem:$0x3C0];
	[tilespmem:$0x580] =	vst v22;
	v22 =	vadd.s32 v48, v23;
	v23 =	vmul.u32 $0x186A0, v49;
	v21 =	vmin.u32 v21, $0x1E83  }
0x147: {  	v27 =	vmul.u32 $0x186A0, v50;
	v56 =	vld [tilespmem:$0x1D0];
	[tilespmem:$0x800] =	vst v21;
	v21 =	vshrl.u32 v22, $0x7  }
0x148: {  	(v2sf) =	vpush v26, $0x1;
	[tilespmem:$0x590] =	vst v22;
	v22 =	vadd.s32 v52, v23;
	v23 =	vld [tilespmem:$0x1E0];
	v21 =	vmin.u32 v21, $0x1E83  }
0x149: {  	v57 =	vld [tilespmem:$0x3D0];
	v24 =	vadd.s32 v53, v27;
	[tilespmem:$0x810] =	vst v21;
	v21 =	vshrl.u32 v22, $0x7  }
0x14a: {  	v58 =	vmul.u32 $0x186A0, v54;
	v59 =	vld [tilespmem:$0x3E0];
	[tilespmem:$0x5A0] =	vst v22;
	v22 =	vshrl.u32 v24, $0x7;
	v21 =	vmin.u32 v21, $0x1E83  }
0x14b: {  	[tilespmem:$0x820] =	vst v21;
	v21 =	vmin.u32 v22, $0x1E83;
	v22 =	vld [tilespmem:$0x1F0]  }
0x14c: {  	[tilespmem:$0x5B0] =	vst v24;
	(v2sf) =	vpush v26, $0x2;
	v60 =	vadd.s32 v55, v58;
	v61 =	vmul.u32 $0x186A0, v56  }
0x14d: {  	v62 =	vld [tilespmem:$0x3F0];
	[tilespmem:$0x830] =	vst v21;
	v21 =	vshrl.u32 v60, $0x7;
	v23 =	vmul.u32 $0x186A0, v23  }
0x14e: {  	[tilespmem:$0x5C0] =	vst v60;
	v63 =	vadd.s32 v57, v61;
	v21 =	vmin.u32 v21, $0x1E83  }
0x14f: {  	[tilespmem:$0x840] =	vst v21;
	v21 =	vadd.s32 v59, v23;
	v23 =	vshrl.u32 v63, $0x7  }
0x150: {  	(v2sf) =	vpush v26, $0x3;
	[tilespmem:$0x5D0] =	vst v63;
	v23 =	vmin.u32 v23, $0x1E83;
	v22 =	vmul.u32 $0x186A0, v22  }
0x151: {  	[tilespmem:$0x850] =	vst v23;
	v23 =	vshrl.u32 v21, $0x7  }
0x152: {  	s26 =	spop (v2sf);
	(v2sf) =	vpush v26, $0x4;
	[tilespmem:$0x5E0] =	vst v21;
	v21 =	vadd.s32 v62, v22;
	v22 =	vmin.u32 v23, $0x1E83  }
0x153: {  	[tilespmem:$0x860] =	vst v22;
	v22 =	vshrl.u32 v21, $0x7  }
0x154: {  	s23 =	sand.u32 $0x1FFFFF80, s26;
	[tilespmem:$0x5F0] =	vst v21;
	v21 =	vmin.u32 v22, $0x1E83  }
0x155: {  	s23 =	sadd.s32 s0, s23;
	[tilespmem:$0x870] =	vst v21  }
0x156: {  	[tilespmem:s28], [sflag:$0x1] =	stream.strided.gather [hbm4b:s23+s12], $0x1000, s11, s12, $0x38;
	[tilespmem:$0x1D900] =	vst v63  }
0x157: {  	s28 =	spop (v2sf);
	(v2sf) =	vpush v26, $0x5  }
0x158: {  	s23 =	sand.u32 $0x1FFFFF80, s28  }
0x159: {  	s23 =	sadd.s32 s0, s23  }
0x15a: {  	[tilespmem:s29], [sflag:$0x1] =	stream.strided.gather [hbm4b:s23+s12], $0x1000, s11, s12, $0x38;
	[tilespmem:$0x1D900] =	vst v63  }
0x15b: {  	s29 =	spop (v2sf);
	(v2sf) =	vpush v26, $0x6  }
0x15c: {  	s23 =	sand.u32 $0x1FFFFF80, s29  }
0x15d: {  	(v2sf) =	vpush v26, $0x7;
	s23 =	sadd.s32 s0, s23  }
0x15e: {  	[tilespmem:s30], [sflag:$0x1] =	stream.strided.gather [hbm4b:s23+s12], $0x1000, s11, s12, $0x38;
	[tilespmem:$0x1D900] =	vst v63  }
0x15f: {  	s30 =	spop (v2sf)  }
0x160: {  	s23 =	sand.u32 $0x1FFFFF80, s30  }
0x161: {  	s24 =	spop (v2sf);
	s23 =	sadd.s32 s0, s23  }
0x162: {  	[tilespmem:s17], [sflag:$0x1] =	stream.strided.gather [hbm4b:s23+s12], $0x1000, s11, s12, $0x38;
	[tilespmem:$0x1D900] =	vst v63  }
0x163: {  	s23 =	sand.u32 $0x1FFFFF80, s24  }
0x164: {  	s23 =	sadd.s32 s0, s23  }
0x165: {  	[tilespmem:s18], [sflag:$0x1] =	stream.strided.gather [hbm4b:s23+s12], $0x1000, s11, s12, $0x38;
	[tilespmem:$0x1D900] =	vst v63  }
0x166: {  	s25 =	spop (v2sf)  }
0x167: {  	s23 =	sand.u32 $0x1FFFFF80, s25  }
0x168: {  	s23 =	sadd.s32 s0, s23  }
0x169: {  	[tilespmem:s19], [sflag:$0x1] =	stream.strided.gather [hbm4b:s23+s12], $0x1000, s11, s12, $0x38;
	[tilespmem:$0x1D900] =	vst v63  }
0x16a: {  	s26 =	spop (v2sf)  }
0x16b: {  	s23 =	sand.u32 $0x1FFFFF80, s26  }
0x16c: {  	s28 =	spop (v2sf);
	s23 =	sadd.s32 s0, s23  }
0x16d: {  	[tilespmem:s20], [sflag:$0x1] =	stream.strided.gather [hbm4b:s23+s12], $0x1000, s11, s12, $0x38;
	[tilespmem:$0x1D900] =	vst v63  }
0x16e: {  	s23 =	sand.u32 $0x1FFFFF80, s28  }
0x16f: {  	s23 =	sadd.s32 s0, s23  }
0x170: {  	[tilespmem:s21], [sflag:$0x1] =	stream.strided.gather [hbm4b:s23+s12], $0x1000, s11, s12, $0x38;
	[tilespmem:$0x1D900] =	vst v63  }
0x171: {  	v21 =	vld [tilespmem:$0x688];
	_ =	sdelay $0x4  }
0x172: {  	v21 =	vshll.u32 v21, $0x7  }
0x173: {  	(v2sf) =	vpush v21, $0x0;
	_ =	sdelay $0x1  }
0x174: {  	(v2sf) =	vpush v21, $0x1;
	_ =	sdelay $0x2  }
0x175: {  	(v2sf) =	vpush v21, $0x2;
	_ =	sdelay $0x1  }
0x176: {  	(v2sf) =	vpush v21, $0x3;
	_ =	sdelay $0x3  }
0x177: {  	(v2sf) =	vpush v21, $0x4;
	_ =	sdelay $0x3  }
0x178: {  	s29 =	spop (v2sf)  }
0x179: {  	(v2sf) =	vpush v21, $0x5;
	s23 =	sand.u32 $0x1FFFFF80, s29  }
0x17a: {  	s30 =	spop (v2sf);
	s23 =	sadd.s32 s0, s23  }
0x17b: {  	[tilespmem:s31], [sflag:$0x2] =	stream.strided.gather [hbm4b:s23+s12], $0x1000, s11, s12, $0x38;
	[tilespmem:$0x1D900] =	vst v63  }
0x17c: {  	s23 =	sand.u32 $0x1FFFFF80, s30  }
0x17d: {  	(v2sf) =	vpush v21, $0x6;
	s31 =	spop (v2sf);
	s23 =	sadd.s32 s0, s23  }
0x17e: {  	[tilespmem:s1], [sflag:$0x2] =	stream.strided.gather [hbm4b:s23+s12], $0x1000, s11, s12, $0x38;
	[tilespmem:$0x1D900] =	vst v63  }
0x17f: {  	s23 =	sand.u32 $0x1FFFFF80, s31;
	s1 =	spop (v2sf);
	(v2sf) =	vpush v21, $0x7  }
0x180: {  	s23 =	sadd.s32 s0, s23  }
0x181: {  	[tilespmem:s2], [sflag:$0x2] =	stream.strided.gather [hbm4b:s23+s12], $0x1000, s11, s12, $0x38;
	[tilespmem:$0x1D900] =	vst v63  }
0x182: {  	s23 =	sand.u32 $0x1FFFFF80, s1  }
0x183: {  	s2 =	spop (v2sf);
	s23 =	sadd.s32 s0, s23  }
0x184: {  	[tilespmem:s10], [sflag:$0x2] =	stream.strided.gather [hbm4b:s23+s12], $0x1000, s11, s12, $0x38;
	[tilespmem:$0x1D900] =	vst v63  }
0x185: {  	s23 =	sand.u32 $0x1FFFFF80, s2  }
0x186: {  	s23 =	sadd.s32 s0, s23  }
0x187: {  	[tilespmem:s3], [sflag:$0x2] =	stream.strided.gather [hbm4b:s23+s12], $0x1000, s11, s12, $0x38;
	[tilespmem:$0x1D900] =	vst v63  }
0x188: {  	s3 =	spop (v2sf)  }
0x189: {  	s23 =	sand.u32 $0x1FFFFF80, s3  }
0x18a: {  	s23 =	sadd.s32 s0, s23  }
0x18b: {  	[tilespmem:s4], [sflag:$0x2] =	stream.strided.gather [hbm4b:s23+s12], $0x1000, s11, s12, $0x38;
	[tilespmem:$0x1D900] =	vst v63  }
0x18c: {  	s4 =	spop (v2sf)  }
0x18d: {  	s23 =	sand.u32 $0x1FFFFF80, s4  }
0x18e: {  	s23 =	sadd.s32 s0, s23;
	s10 =	spop (v2sf)  }
0x18f: {  	[tilespmem:s14], [sflag:$0x2] =	stream.strided.gather [hbm4b:s23+s12], $0x1000, s11, s12, $0x38;
	[tilespmem:$0x1D900] =	vst v63  }
0x190: {  	s23 =	sand.u32 $0x1FFFFF80, s10  }
0x191: {  	s23 =	sadd.s32 s0, s23  }
0x192: {  	[tilespmem:s5], [sflag:$0x2] =	stream.strided.gather [hbm4b:s23+s12], $0x1000, s11, s12, $0x38;
	[tilespmem:$0x1D900] =	vst v63  }
0x193: {  	v21 =	vld [tilespmem:$0x690];
	_ =	sdelay $0x4  }
0x194: {  	v21 =	vshll.u32 v21, $0x7  }
0x195: {  	(v2sf) =	vpush v21, $0x0  }
0x196: {  	(v2sf) =	vpush v21, $0x1;
	_ =	sdelay $0x1  }
0x197: {  	(v2sf) =	vpush v21, $0x2;
	_ =	sdelay $0x4  }
0x198: {  	(v2sf) =	vpush v21, $0x3  }
0x199: {  	(v2sf) =	vpush v21, $0x4;
	_ =	sdelay $0x5  }
0x19a: {  	s14 =	spop (v2sf);
	(v2sf) =	vpush v21, $0x5  }
0x19b: {  	s17 =	spop (v2sf);
	(v2sf) =	vpush v21, $0x6  }
0x19c: {  	s23 =	sand.u32 $0x1FFFFF80, s14  }
0x19d: {  	s23 =	sadd.s32 s0, s23;
	s18 =	spop (v2sf)  }
0x19e: {  	(v2sf) =	vpush v21, $0x7;
	[tilespmem:s6], [sflag:$0x3] =	stream.strided.gather [hbm4b:s23+s12], $0x1000, s11, s12, $0x38;
	[tilespmem:$0x1D900] =	vst v63  }
0x19f: {  	s23 =	sand.u32 $0x1FFFFF80, s17  }
0x1a0: {  	s23 =	sadd.s32 s0, s23  }
0x1a1: {  	[tilespmem:s15], [sflag:$0x3] =	stream.strided.gather [hbm4b:s23+s12], $0x1000, s11, s12, $0x38;
	[tilespmem:$0x1D900] =	vst v63  }
0x1a2: {  	s19 =	spop (v2sf);
	s23 =	sand.u32 $0x1FFFFF80, s18  }
0x1a3: {  	s20 =	sand.u32 $0x1FFFFF80, s19;
	s21 =	spop (v2sf);
	s23 =	sadd.s32 s0, s23  }
0x1a4: {  	[tilespmem:s16], [sflag:$0x3] =	stream.strided.gather [hbm4b:s23+s12], $0x1000, s11, s12, $0x38;
	[tilespmem:$0x1D900] =	vst v63  }
0x1a5: {  	s17 =	simm.s32 $0x13900;
	s25 =	sand.u32 $0x1FFFFF80, s21;
	s23 =	sadd.s32 s0, s20  }
0x1a6: {  	[tilespmem:s17], [sflag:$0x3] =	stream.strided.gather [hbm4b:s23+s12], $0x1000, s11, s12, $0x38;
	[tilespmem:$0x1D900] =	vst v63  }
0x1a7: {  	s18 =	simm.s32 $0x14900;
	s23 =	sadd.s32 s0, s25  }
0x1a8: {  	[tilespmem:s18], [sflag:$0x3] =	stream.strided.gather [hbm4b:s23+s12], $0x1000, s11, s12, $0x38;
	[tilespmem:$0x1D900] =	vst v63  }
0x1a9: {  	s26 =	spop (v2sf)  }
0x1aa: {  	s28 =	sand.u32 $0x1FFFFF80, s26;
	s29 =	spop (v2sf)  }
0x1ab: {  	s19 =	simm.s32 $0x15900;
	s23 =	sadd.s32 s0, s28;
	s30 =	sand.u32 $0x1FFFFF80, s29  }
0x1ac: {  	[tilespmem:s19], [sflag:$0x3] =	stream.strided.gather [hbm4b:s23+s12], $0x1000, s11, s12, $0x38;
	[tilespmem:$0x1D900] =	vst v63  }
0x1ad: {  	s20 =	simm.s32 $0x16900;
	s31 =	spop (v2sf);
	s23 =	sadd.s32 s0, s30  }
0x1ae: {  	[tilespmem:s20], [sflag:$0x3] =	stream.strided.gather [hbm4b:s23+s12], $0x1000, s11, s12, $0x38;
	[tilespmem:$0x1D900] =	vst v63  }
0x1af: {  	s24 =	simm.s32 $0x6A8;
	s6 =	simm.s32 $0x10900;
	s23 =	sand.u32 $0x1FFFFF80, s31  }
0x1b0: {  	s21 =	simm.s32 $0x17900;
	s15 =	simm.s32 $0x11900;
	s23 =	sadd.s32 s0, s23  }
0x1b1: {  	[tilespmem:s21], [sflag:$0x3] =	stream.strided.gather [hbm4b:s23+s12], $0x1000, s11, s12, $0x38;
	[tilespmem:$0x1D900] =	vst v63  }
0x1b2: {  	s16 =	simm.s32 $0x12900;
	s25 =	simm.s32 $0x410;
	s23 =	simm.s32 $0x17  }
.LBB2_2:
0x1b3: {  	_ =	swait.ge [sflag:s7], $0x1000  }
0x1b4: {  	[sflag:s7] =	ssyncset.done $0x0  }
0x1b5: {  	[sflag:s7] =	ssyncadd.s32 $0xFFFFF000  }
0x1b6: {  	_ =	swait.ge [sflag:s7], $0x1000  }
0x1b7: {  	[sflag:s7] =	ssyncset.done $0x0  }
0x1b8: {  	[sflag:s7] =	ssyncadd.s32 $0xFFFFF000  }
0x1b9: {  	_ =	swait.ge [sflag:s7], $0x1000  }
0x1ba: {  	[sflag:s7] =	ssyncset.done $0x0  }
0x1bb: {  	[sflag:s7] =	ssyncadd.s32 $0xFFFFF000  }
0x1bc: {  	_ =	swait.ge [sflag:s7], $0x1000  }
0x1bd: {  	[sflag:s7] =	ssyncset.done $0x0  }
0x1be: {  	[sflag:s7] =	ssyncadd.s32 $0xFFFFF000  }
0x1bf: {  	_ =	swait.ge [sflag:s7], $0x1000  }
0x1c0: {  	[sflag:s7] =	ssyncset.done $0x0  }
0x1c1: {  	[sflag:s7] =	ssyncadd.s32 $0xFFFFF000  }
0x1c2: {  	_ =	swait.ge [sflag:s7], $0x1000  }
0x1c3: {  	[sflag:s7] =	ssyncset.done $0x0  }
0x1c4: {  	[sflag:s7] =	ssyncadd.s32 $0xFFFFF000  }
0x1c5: {  	_ =	swait.ge [sflag:s7], $0x1000  }
0x1c6: {  	[sflag:s7] =	ssyncset.done $0x0  }
0x1c7: {  	[sflag:s7] =	ssyncadd.s32 $0xFFFFF000  }
0x1c8: {  	_ =	swait.ge [sflag:s7], $0x1000  }
0x1c9: {  	[sflag:s7] =	ssyncset.done $0x0  }
0x1ca: {  	[sflag:s7] =	ssyncadd.s32 $0xFFFFF000  }
0x1cb: {  	v21 =	vld [tilespmem:s25+$0xFFFFFFF0];
	_ =	sdelay $0x4  }
0x1cc: {  	(v2sf) =	vpush v21, $0x0;
	_ =	sdelay $0xe  }
0x1cd: {  	s26 =	spop (v2sf)  }
0x1ce: {  	(v2sf) =	vpush v21, $0x1;
	s28 =	sadd.s32 $0xFFF0BE00, s26  }
0x1cf: {  	s29 =	sand.u32 $0x7F, s26;
	p0 =	sgt.s32 s28, $0x0  }
0x1d0: {  	v22 =	vor.u32 s29, v1;
	s28 =	simm.s32 @!p0 $0x0  }
0x1d1: {  	v23 =	vadd.s32 s28, v1  }
0x1d2: {  	s30 =	sadd.s32 $0xFFFFFFE9, s23  }
0x1d3: {  	v24 =	vmov s30  }
0x1d4: {  	s1 =	simm.s32 $0x900;
	v25 =	vshll.u32 v24, $0x3  }
0x1d5: {  	v24 =	vand.u32 $0x78, v24;
	v25 =	vand.u32 $0x1C00, v25;
	v22 =	vld.idx.msk [tilespmem:v22+s1+$0x0], $0xffff  }
0x1d6: {  	v24 =	vor.u32 v24, v25;
	v23 =	vld.idx.msk [tilespmem:v23+s13+$0x0], $0xffff  }
0x1d7: {  	v25 =	vadd.s32 v2, v24  }
0x1d8: {  	v26 =	vor.u32 s29, v3  }
0x1d9: {  	v27 =	vadd.s32 s28, v3  }
0x1da: {  	p2 =	sgt.s32 s26, $0xF41FF  }
0x1db: {  	v22 =	vpsel p2, v23, v22  }
0x1dc: {  	[tilespmem:v25+s8+$0x0] =	vst.idx.msk $0xffff, v22  }
0x1dd: {  	s10 =	spop (v2sf);
	v22 =	vld.idx.msk [tilespmem:v26+s1+$0x0], $0xffff  }
0x1de: {  	(v2sf) =	vpush v21, $0x2;
	s28 =	sadd.s32 $0xFFF0BE00, s10;
	v23 =	vld.idx.msk [tilespmem:v27+s13+$0x0], $0xffff  }
0x1df: {  	v24 =	vadd.s32 v4, v24;
	s14 =	sand.u32 $0x7F, s10;
	p1 =	sgt.s32 s28, $0x0  }
0x1e0: {  	v43 =	vor.u32 s14, v1;
	s28 =	simm.s32 @!p1 $0x0  }
0x1e1: {  	v44 =	vadd.s32 s28, v1  }
0x1e2: {  	s3 =	sadd.s32 $0xFFFFFFEA, s23  }
0x1e3: {  	v22 =	vpsel p2, v23, v22;
	v23 =	vmov s3  }
0x1e4: {  	s2 =	simm.s32 $0x1900;
	[tilespmem:v24+s8+$0x0] =	vst.idx.msk $0xffff, v22;
	v22 =	vshll.u32 v23, $0x3  }
0x1e5: {  	v23 =	vand.u32 $0x79, v23;
	v24 =	vld.idx.msk [tilespmem:v43+s2+$0x0], $0xffff;
	v22 =	vand.u32 $0x1C00, v22  }
0x1e6: {  	v45 =	vld.idx.msk [tilespmem:v44+s13+$0x0], $0xffff;
	v22 =	vor.u32 v23, v22  }
0x1e7: {  	v23 =	vadd.s32 v2, v22  }
0x1e8: {  	v46 =	vor.u32 s14, v3  }
0x1e9: {  	v47 =	vadd.s32 s28, v3  }
0x1ea: {  	p3 =	sgt.s32 s10, $0xF41FF  }
0x1eb: {  	v24 =	vpsel p3, v45, v24  }
0x1ec: {  	[tilespmem:v23+s8+$0x0] =	vst.idx.msk $0xffff, v24  }
0x1ed: {  	s4 =	spop (v2sf);
	v23 =	vld.idx.msk [tilespmem:v46+s2+$0x0], $0xffff  }
0x1ee: {  	(v2sf) =	vpush v21, $0x3;
	s28 =	sadd.s32 $0xFFF0BE00, s4;
	v24 =	vld.idx.msk [tilespmem:v47+s13+$0x0], $0xffff  }
0x1ef: {  	s5 =	sand.u32 $0x7F, s4;
	p1 =	sgt.s32 s28, $0x0;
	v22 =	vadd.s32 v4, v22  }
0x1f0: {  	v48 =	vor.u32 s5, v1;
	s28 =	simm.s32 @!p1 $0x0  }
0x1f1: {  	v49 =	vadd.s32 s28, v1  }
0x1f2: {  	s10 =	sadd.s32 $0xFFFFFFEB, s23  }
0x1f3: {  	v50 =	vmov s10;
	v23 =	vpsel p3, v24, v23  }
0x1f4: {  	s3 =	simm.s32 $0x2900;
	[tilespmem:v22+s8+$0x0] =	vst.idx.msk $0xffff, v23;
	v22 =	vshll.u32 v50, $0x3  }
0x1f5: {  	v24 =	vand.u32 $0x7A, v50;
	v23 =	vld.idx.msk [tilespmem:v48+s3+$0x0], $0xffff;
	v22 =	vand.u32 $0x1C00, v22  }
0x1f6: {  	v51 =	vld.idx.msk [tilespmem:v49+s13+$0x0], $0xffff;
	v22 =	vor.u32 v24, v22  }
0x1f7: {  	v24 =	vadd.s32 v2, v22  }
0x1f8: {  	v52 =	vor.u32 s5, v3  }
0x1f9: {  	v53 =	vadd.s32 s28, v3  }
0x1fa: {  	p4 =	sgt.s32 s4, $0xF41FF  }
0x1fb: {  	v23 =	vpsel p4, v51, v23  }
0x1fc: {  	[tilespmem:v24+s8+$0x0] =	vst.idx.msk $0xffff, v23  }
0x1fd: {  	s14 =	spop (v2sf);
	v23 =	vld.idx.msk [tilespmem:v52+s3+$0x0], $0xffff  }
0x1fe: {  	(v2sf) =	vpush v21, $0x4;
	s28 =	sadd.s32 $0xFFF0BE00, s14;
	v24 =	vld.idx.msk [tilespmem:v53+s13+$0x0], $0xffff  }
0x1ff: {  	s5 =	sand.u32 $0x7F, s14;
	p1 =	sgt.s32 s28, $0x0;
	v22 =	vadd.s32 v4, v22  }
0x200: {  	v54 =	vor.u32 s5, v1;
	s28 =	simm.s32 @!p1 $0x0  }
0x201: {  	v55 =	vadd.s32 s28, v1  }
0x202: {  	s10 =	sadd.s32 $0xFFFFFFEC, s23  }
0x203: {  	v56 =	vmov s10;
	v23 =	vpsel p4, v24, v23  }
0x204: {  	s4 =	simm.s32 $0x3900;
	[tilespmem:v22+s8+$0x0] =	vst.idx.msk $0xffff, v23;
	v22 =	vshll.u32 v56, $0x3  }
0x205: {  	v24 =	vand.u32 $0x7B, v56;
	v23 =	vld.idx.msk [tilespmem:v54+s4+$0x0], $0xffff;
	v22 =	vand.u32 $0x1C00, v22  }
0x206: {  	v57 =	vld.idx.msk [tilespmem:v55+s13+$0x0], $0xffff;
	v22 =	vor.u32 v24, v22  }
0x207: {  	v24 =	vadd.s32 v2, v22  }
0x208: {  	v58 =	vor.u32 s5, v3  }
0x209: {  	v59 =	vadd.s32 s28, v3  }
0x20a: {  	p5 =	sgt.s32 s14, $0xF41FF  }
0x20b: {  	v23 =	vpsel p5, v57, v23  }
0x20c: {  	[tilespmem:v24+s8+$0x0] =	vst.idx.msk $0xffff, v23  }
0x20d: {  	s26 =	spop (v2sf);
	v23 =	vld.idx.msk [tilespmem:v58+s4+$0x0], $0xffff  }
0x20e: {  	(v2sf) =	vpush v21, $0x5;
	s28 =	sadd.s32 $0xFFF0BE00, s26;
	v24 =	vld.idx.msk [tilespmem:v59+s13+$0x0], $0xffff  }
0x20f: {  	s14 =	sand.u32 $0x7F, s26;
	p1 =	sgt.s32 s28, $0x0;
	v22 =	vadd.s32 v4, v22  }
0x210: {  	v60 =	vor.u32 s14, v1;
	s28 =	simm.s32 @!p1 $0x0  }
0x211: {  	v61 =	vadd.s32 s28, v1  }
0x212: {  	s10 =	sadd.s32 $0xFFFFFFED, s23  }
0x213: {  	v62 =	vmov s10;
	v23 =	vpsel p5, v24, v23  }
0x214: {  	s5 =	simm.s32 $0x4900;
	[tilespmem:v22+s8+$0x0] =	vst.idx.msk $0xffff, v23;
	v22 =	vshll.u32 v62, $0x3  }
0x215: {  	v24 =	vand.u32 $0x7C, v62;
	v23 =	vld.idx.msk [tilespmem:v60+s5+$0x0], $0xffff;
	v22 =	vand.u32 $0x1C00, v22  }
0x216: {  	v63 =	vld.idx.msk [tilespmem:v61+s13+$0x0], $0xffff;
	v22 =	vor.u32 v24, v22  }
0x217: {  	v24 =	vadd.s32 v2, v22  }
0x218: {  	v30 =	vor.u32 s14, v3  }
0x219: {  	v31 =	vadd.s32 s28, v3  }
0x21a: {  	p6 =	sgt.s32 s26, $0xF41FF  }
0x21b: {  	v23 =	vpsel p6, v63, v23  }
0x21c: {  	[tilespmem:v24+s8+$0x0] =	vst.idx.msk $0xffff, v23  }
0x21d: {  	s26 =	spop (v2sf);
	v23 =	vld.idx.msk [tilespmem:v30+s5+$0x0], $0xffff  }
0x21e: {  	(v2sf) =	vpush v21, $0x6;
	s28 =	sadd.s32 $0xFFF0BE00, s26;
	v24 =	vld.idx.msk [tilespmem:v31+s13+$0x0], $0xffff  }
0x21f: {  	s14 =	sand.u32 $0x7F, s26;
	p1 =	sgt.s32 s28, $0x0;
	v22 =	vadd.s32 v4, v22  }
0x220: {  	v32 =	vor.u32 s14, v1;
	s28 =	simm.s32 @!p1 $0x0  }
0x221: {  	v33 =	vadd.s32 s28, v1  }
0x222: {  	s10 =	sadd.s32 $0xFFFFFFEE, s23  }
0x223: {  	v34 =	vmov s10;
	v23 =	vpsel p6, v24, v23  }
0x224: {  	s10 =	simm.s32 $0x5900;
	[tilespmem:v22+s8+$0x0] =	vst.idx.msk $0xffff, v23;
	v22 =	vshll.u32 v34, $0x3  }
0x225: {  	v24 =	vand.u32 $0x7D, v34;
	v23 =	vld.idx.msk [tilespmem:v32+s10+$0x0], $0xffff;
	v22 =	vand.u32 $0x1C00, v22  }
0x226: {  	v35 =	vld.idx.msk [tilespmem:v33+s13+$0x0], $0xffff;
	v22 =	vor.u32 v24, v22  }
0x227: {  	v24 =	vadd.s32 v2, v22  }
0x228: {  	v36 =	vor.u32 s14, v3  }
0x229: {  	v37 =	vadd.s32 s28, v3  }
0x22a: {  	p2 =	sgt.s32 s26, $0xF41FF  }
0x22b: {  	v23 =	vpsel p2, v35, v23  }
0x22c: {  	[tilespmem:v24+s8+$0x0] =	vst.idx.msk $0xffff, v23  }
0x22d: {  	s26 =	spop (v2sf);
	v23 =	vld.idx.msk [tilespmem:v36+s10+$0x0], $0xffff  }
0x22e: {  	(v2sf) =	vpush v21, $0x7;
	s28 =	sadd.s32 $0xFFF0BE00, s26;
	v24 =	vld.idx.msk [tilespmem:v37+s13+$0x0], $0xffff  }
0x22f: {  	s29 =	sand.u32 $0x7F, s26;
	p1 =	sgt.s32 s28, $0x0;
	v21 =	vadd.s32 v4, v22  }
0x230: {  	s28 =	simm.s32 @!p1 $0x0;
	v22 =	vor.u32 s29, v1  }
0x231: {  	v38 =	vadd.s32 s28, v1  }
0x232: {  	s14 =	sadd.s32 $0xFFFFFFEF, s23  }
0x233: {  	v39 =	vmov s14;
	v23 =	vpsel p2, v24, v23  }
0x234: {  	s14 =	simm.s32 $0x6900;
	[tilespmem:v21+s8+$0x0] =	vst.idx.msk $0xffff, v23;
	v21 =	vshll.u32 v39, $0x3  }
0x235: {  	v23 =	vand.u32 $0x7E, v39;
	v22 =	vld.idx.msk [tilespmem:v22+s14+$0x0], $0xffff;
	v21 =	vand.u32 $0x1C00, v21  }
0x236: {  	v40 =	vld.idx.msk [tilespmem:v38+s13+$0x0], $0xffff;
	v21 =	vor.u32 v23, v21  }
0x237: {  	v23 =	vadd.s32 v2, v21  }
0x238: {  	v41 =	vor.u32 s29, v3  }
0x239: {  	v42 =	vadd.s32 s28, v3  }
0x23a: {  	p3 =	sgt.s32 s26, $0xF41FF  }
0x23b: {  	v22 =	vpsel p3, v40, v22  }
0x23c: {  	[tilespmem:v23+s8+$0x0] =	vst.idx.msk $0xffff, v22  }
0x23d: {  	s26 =	spop (v2sf);
	v22 =	vld.idx.msk [tilespmem:v41+s14+$0x0], $0xffff  }
0x23e: {  	s28 =	sadd.s32 $0xFFF0BE00, s26;
	v23 =	vld.idx.msk [tilespmem:v42+s13+$0x0], $0xffff  }
0x23f: {  	p1 =	sgt.s32 s28, $0x0;
	s29 =	sand.u32 $0x7F, s26;
	v21 =	vadd.s32 v4, v21  }
0x240: {  	s28 =	simm.s32 @!p1 $0x0;
	v43 =	vor.u32 s29, v1  }
0x241: {  	v44 =	vadd.s32 s28, v1  }
0x242: {  	s30 =	sadd.s32 $0xFFFFFFF0, s23  }
0x243: {  	v22 =	vpsel p3, v23, v22;
	v23 =	vmov s30  }
0x244: {  	s30 =	simm.s32 $0x7900;
	[tilespmem:v21+s8+$0x0] =	vst.idx.msk $0xffff, v22;
	v21 =	vshll.u32 v23, $0x3  }
0x245: {  	v23 =	vand.u32 $0x7F, v23;
	v22 =	vld.idx.msk [tilespmem:v43+s30+$0x0], $0xffff;
	v21 =	vand.u32 $0x1C00, v21  }
0x246: {  	v45 =	vld.idx.msk [tilespmem:v44+s13+$0x0], $0xffff;
	v21 =	vor.u32 v23, v21  }
0x247: {  	v23 =	vadd.s32 v2, v21  }
0x248: {  	v46 =	vor.u32 s29, v3  }
0x249: {  	v47 =	vadd.s32 s28, v3  }
0x24a: {  	p4 =	sgt.s32 s26, $0xF41FF  }
0x24b: {  	v22 =	vpsel p4, v45, v22  }
0x24c: {  	[tilespmem:v23+s8+$0x0] =	vst.idx.msk $0xffff, v22  }
0x24d: {  	v22 =	vld.idx.msk [tilespmem:v46+s30+$0x0], $0xffff  }
0x24e: {  	v23 =	vld.idx.msk [tilespmem:v47+s13+$0x0], $0xffff  }
0x24f: {  	v21 =	vadd.s32 v4, v21;
	_ =	sdelay $0x3  }
0x250: {  	v22 =	vpsel p4, v23, v22  }
0x251: {  	[tilespmem:v21+s8+$0x0] =	vst.idx.msk $0xffff, v22  }
0x252: {  	v21 =	vld [tilespmem:s24+$0xFFFFFFF0];
	_ =	sdelay $0x4  }
0x253: {  	v21 =	vshll.u32 v21, $0x7  }
0x254: {  	(v2sf) =	vpush v21, $0x0;
	_ =	sdelay $0x3  }
0x255: {  	(v2sf) =	vpush v21, $0x1;
	_ =	sdelay $0x3  }
0x256: {  	(v2sf) =	vpush v21, $0x2;
	_ =	sdelay $0x3  }
0x257: {  	(v2sf) =	vpush v21, $0x3;
	_ =	sdelay $0x2  }
0x258: {  	s29 =	spop (v2sf)  }
0x259: {  	(v2sf) =	vpush v21, $0x4;
	s26 =	sand.u32 $0x1FFFFF80, s29  }
0x25a: {  	s26 =	sadd.s32 s0, s26  }
0x25b: {  	[tilespmem:s1], [sflag:$0x1] =	stream.strided.gather [hbm4b:s26+s12], $0x1000, s11, s12, $0x38;
	[tilespmem:$0x1D900] =	vst v63  }
0x25c: {  	s1 =	spop (v2sf)  }
0x25d: {  	(v2sf) =	vpush v21, $0x5;
	s26 =	sand.u32 $0x1FFFFF80, s1  }
0x25e: {  	s26 =	sadd.s32 s0, s26  }
0x25f: {  	[tilespmem:s2], [sflag:$0x1] =	stream.strided.gather [hbm4b:s26+s12], $0x1000, s11, s12, $0x38;
	[tilespmem:$0x1D900] =	vst v63  }
0x260: {  	s2 =	spop (v2sf)  }
0x261: {  	(v2sf) =	vpush v21, $0x6;
	s26 =	sand.u32 $0x1FFFFF80, s2  }
0x262: {  	s26 =	sadd.s32 s0, s26  }
0x263: {  	[tilespmem:s3], [sflag:$0x1] =	stream.strided.gather [hbm4b:s26+s12], $0x1000, s11, s12, $0x38;
	[tilespmem:$0x1D900] =	vst v63  }
0x264: {  	s3 =	spop (v2sf)  }
0x265: {  	(v2sf) =	vpush v21, $0x7;
	s26 =	sand.u32 $0x1FFFFF80, s3  }
0x266: {  	s26 =	sadd.s32 s0, s26  }
0x267: {  	[tilespmem:s4], [sflag:$0x1] =	stream.strided.gather [hbm4b:s26+s12], $0x1000, s11, s12, $0x38;
	[tilespmem:$0x1D900] =	vst v63  }
0x268: {  	s4 =	spop (v2sf)  }
0x269: {  	s26 =	sand.u32 $0x1FFFFF80, s4  }
0x26a: {  	s26 =	sadd.s32 s0, s26  }
0x26b: {  	[tilespmem:s5], [sflag:$0x1] =	stream.strided.gather [hbm4b:s26+s12], $0x1000, s11, s12, $0x38;
	[tilespmem:$0x1D900] =	vst v63  }
0x26c: {  	s28 =	spop (v2sf)  }
0x26d: {  	s26 =	sand.u32 $0x1FFFFF80, s28  }
0x26e: {  	s26 =	sadd.s32 s0, s26  }
0x26f: {  	[tilespmem:s10], [sflag:$0x1] =	stream.strided.gather [hbm4b:s26+s12], $0x1000, s11, s12, $0x38;
	[tilespmem:$0x1D900] =	vst v63  }
0x270: {  	s29 =	spop (v2sf)  }
0x271: {  	s26 =	sand.u32 $0x1FFFFF80, s29  }
0x272: {  	s26 =	sadd.s32 s0, s26  }
0x273: {  	[tilespmem:s14], [sflag:$0x1] =	stream.strided.gather [hbm4b:s26+s12], $0x1000, s11, s12, $0x38;
	[tilespmem:$0x1D900] =	vst v63  }
0x274: {  	s1 =	spop (v2sf)  }
0x275: {  	s26 =	sand.u32 $0x1FFFFF80, s1  }
0x276: {  	s26 =	sadd.s32 s0, s26  }
0x277: {  	[tilespmem:s30], [sflag:$0x1] =	stream.strided.gather [hbm4b:s26+s12], $0x1000, s11, s12, $0x38;
	[tilespmem:$0x1D900] =	vst v63  }
0x278: {  	_ =	swait.ge [sflag:s9], $0x1000  }
0x279: {  	[sflag:s9] =	ssyncset.done $0x0  }
0x27a: {  	[sflag:s9] =	ssyncadd.s32 $0xFFFFF000  }
0x27b: {  	_ =	swait.ge [sflag:s9], $0x1000  }
0x27c: {  	[sflag:s9] =	ssyncset.done $0x0  }
0x27d: {  	[sflag:s9] =	ssyncadd.s32 $0xFFFFF000  }
0x27e: {  	_ =	swait.ge [sflag:s9], $0x1000  }
0x27f: {  	[sflag:s9] =	ssyncset.done $0x0  }
0x280: {  	[sflag:s9] =	ssyncadd.s32 $0xFFFFF000  }
0x281: {  	_ =	swait.ge [sflag:s9], $0x1000  }
0x282: {  	[sflag:s9] =	ssyncset.done $0x0  }
0x283: {  	[sflag:s9] =	ssyncadd.s32 $0xFFFFF000  }
0x284: {  	_ =	swait.ge [sflag:s9], $0x1000  }
0x285: {  	[sflag:s9] =	ssyncset.done $0x0  }
0x286: {  	[sflag:s9] =	ssyncadd.s32 $0xFFFFF000  }
0x287: {  	_ =	swait.ge [sflag:s9], $0x1000  }
0x288: {  	[sflag:s9] =	ssyncset.done $0x0  }
0x289: {  	[sflag:s9] =	ssyncadd.s32 $0xFFFFF000  }
0x28a: {  	_ =	swait.ge [sflag:s9], $0x1000  }
0x28b: {  	[sflag:s9] =	ssyncset.done $0x0  }
0x28c: {  	[sflag:s9] =	ssyncadd.s32 $0xFFFFF000  }
0x28d: {  	_ =	swait.ge [sflag:s9], $0x1000  }
0x28e: {  	[sflag:s9] =	ssyncset.done $0x0  }
0x28f: {  	[sflag:s9] =	ssyncadd.s32 $0xFFFFF000  }
0x290: {  	v21 =	vld [tilespmem:s25+$0xFFFFFFF8];
	_ =	sdelay $0x4  }
0x291: {  	(v2sf) =	vpush v21, $0x0;
	_ =	sdelay $0xe  }
0x292: {  	s2 =	spop (v2sf)  }
0x293: {  	(v2sf) =	vpush v21, $0x1;
	s28 =	sadd.s32 $0xFFF0BE00, s2  }
0x294: {  	s3 =	sand.u32 $0x7F, s2;
	p0 =	sgt.s32 s28, $0x0  }
0x295: {  	v22 =	vor.u32 s3, v1;
	s28 =	simm.s32 @!p0 $0x0  }
0x296: {  	v23 =	vadd.s32 s28, v1  }
0x297: {  	s4 =	sadd.s32 $0xFFFFFFF1, s23  }
0x298: {  	v48 =	vmov s4  }
0x299: {  	v49 =	vshll.u32 v48, $0x3;
	s5 =	simm.s32 $0x8900  }
0x29a: {  	v24 =	vand.u32 $0x78, v48;
	v25 =	vand.u32 $0x3C00, v49;
	v22 =	vld.idx.msk [tilespmem:v22+s5+$0x0], $0xffff  }
0x29b: {  	v24 =	vor.u32 v24, v25;
	v23 =	vld.idx.msk [tilespmem:v23+s13+$0x0], $0xffff  }
0x29c: {  	v25 =	vadd.s32 v2, v24  }
0x29d: {  	v50 =	vor.u32 s3, v3  }
0x29e: {  	v51 =	vadd.s32 s28, v3  }
0x29f: {  	p5 =	sgt.s32 s2, $0xF41FF  }
0x2a0: {  	v22 =	vpsel p5, v23, v22  }
0x2a1: {  	[tilespmem:v25+s8+$0x0] =	vst.idx.msk $0xffff, v22  }
0x2a2: {  	s10 =	spop (v2sf);
	v22 =	vld.idx.msk [tilespmem:v50+s5+$0x0], $0xffff  }
0x2a3: {  	(v2sf) =	vpush v21, $0x2;
	s28 =	sadd.s32 $0xFFF0BE00, s10;
	v23 =	vld.idx.msk [tilespmem:v51+s13+$0x0], $0xffff  }
0x2a4: {  	v24 =	vadd.s32 v4, v24;
	s14 =	sand.u32 $0x7F, s10;
	p1 =	sgt.s32 s28, $0x0  }
0x2a5: {  	v52 =	vor.u32 s14, v1;
	s28 =	simm.s32 @!p1 $0x0  }
0x2a6: {  	v53 =	vadd.s32 s28, v1  }
0x2a7: {  	s1 =	sadd.s32 $0xFFFFFFF2, s23  }
0x2a8: {  	v22 =	vpsel p5, v23, v22;
	v23 =	vmov s1  }
0x2a9: {  	s2 =	simm.s32 $0x9900;
	[tilespmem:v24+s8+$0x0] =	vst.idx.msk $0xffff, v22;
	v22 =	vshll.u32 v23, $0x3  }
0x2aa: {  	v23 =	vand.u32 $0x79, v23;
	v24 =	vld.idx.msk [tilespmem:v52+s2+$0x0], $0xffff;
	v22 =	vand.u32 $0x3C00, v22  }
0x2ab: {  	v54 =	vld.idx.msk [tilespmem:v53+s13+$0x0], $0xffff;
	v22 =	vor.u32 v23, v22  }
0x2ac: {  	v23 =	vadd.s32 v2, v22  }
0x2ad: {  	v55 =	vor.u32 s14, v3  }
0x2ae: {  	v56 =	vadd.s32 s28, v3  }
0x2af: {  	p6 =	sgt.s32 s10, $0xF41FF  }
0x2b0: {  	v24 =	vpsel p6, v54, v24  }
0x2b1: {  	[tilespmem:v23+s8+$0x0] =	vst.idx.msk $0xffff, v24  }
0x2b2: {  	s3 =	spop (v2sf);
	v23 =	vld.idx.msk [tilespmem:v55+s2+$0x0], $0xffff  }
0x2b3: {  	(v2sf) =	vpush v21, $0x3;
	s28 =	sadd.s32 $0xFFF0BE00, s3;
	v24 =	vld.idx.msk [tilespmem:v56+s13+$0x0], $0xffff  }
0x2b4: {  	s4 =	sand.u32 $0x7F, s3;
	p1 =	sgt.s32 s28, $0x0;
	v22 =	vadd.s32 v4, v22  }
0x2b5: {  	v57 =	vor.u32 s4, v1;
	s28 =	simm.s32 @!p1 $0x0  }
0x2b6: {  	v58 =	vadd.s32 s28, v1  }
0x2b7: {  	s5 =	sadd.s32 $0xFFFFFFF3, s23  }
0x2b8: {  	v59 =	vmov s5;
	v23 =	vpsel p6, v24, v23  }
0x2b9: {  	s10 =	simm.s32 $0xA900;
	[tilespmem:v22+s8+$0x0] =	vst.idx.msk $0xffff, v23;
	v22 =	vshll.u32 v59, $0x3  }
0x2ba: {  	v24 =	vand.u32 $0x7A, v59;
	v23 =	vld.idx.msk [tilespmem:v57+s10+$0x0], $0xffff;
	v22 =	vand.u32 $0x3C00, v22  }
0x2bb: {  	v60 =	vld.idx.msk [tilespmem:v58+s13+$0x0], $0xffff;
	v22 =	vor.u32 v24, v22  }
0x2bc: {  	v24 =	vadd.s32 v2, v22  }
0x2bd: {  	v61 =	vor.u32 s4, v3  }
0x2be: {  	v62 =	vadd.s32 s28, v3  }
0x2bf: {  	p2 =	sgt.s32 s3, $0xF41FF  }
0x2c0: {  	v23 =	vpsel p2, v60, v23  }
0x2c1: {  	[tilespmem:v24+s8+$0x0] =	vst.idx.msk $0xffff, v23  }
0x2c2: {  	s14 =	spop (v2sf);
	v23 =	vld.idx.msk [tilespmem:v61+s10+$0x0], $0xffff  }
0x2c3: {  	(v2sf) =	vpush v21, $0x4;
	s28 =	sadd.s32 $0xFFF0BE00, s14;
	v24 =	vld.idx.msk [tilespmem:v62+s13+$0x0], $0xffff  }
0x2c4: {  	s3 =	sand.u32 $0x7F, s14;
	p1 =	sgt.s32 s28, $0x0;
	v22 =	vadd.s32 v4, v22  }
0x2c5: {  	v63 =	vor.u32 s3, v1;
	s28 =	simm.s32 @!p1 $0x0  }
0x2c6: {  	v28 =	vadd.s32 s28, v1  }
0x2c7: {  	s4 =	sadd.s32 $0xFFFFFFF4, s23  }
0x2c8: {  	v29 =	vmov s4;
	v23 =	vpsel p2, v24, v23  }
0x2c9: {  	s5 =	simm.s32 $0xB900;
	[tilespmem:v22+s8+$0x0] =	vst.idx.msk $0xffff, v23;
	v22 =	vshll.u32 v29, $0x3  }
0x2ca: {  	v24 =	vand.u32 $0x7B, v29;
	v23 =	vld.idx.msk [tilespmem:v63+s5+$0x0], $0xffff;
	v22 =	vand.u32 $0x3C00, v22  }
0x2cb: {  	v30 =	vld.idx.msk [tilespmem:v28+s13+$0x0], $0xffff;
	v22 =	vor.u32 v24, v22  }
0x2cc: {  	v24 =	vadd.s32 v2, v22  }
0x2cd: {  	v31 =	vor.u32 s3, v3  }
0x2ce: {  	v32 =	vadd.s32 s28, v3  }
0x2cf: {  	p3 =	sgt.s32 s14, $0xF41FF  }
0x2d0: {  	v23 =	vpsel p3, v30, v23  }
0x2d1: {  	[tilespmem:v24+s8+$0x0] =	vst.idx.msk $0xffff, v23  }
0x2d2: {  	s14 =	spop (v2sf);
	v23 =	vld.idx.msk [tilespmem:v31+s5+$0x0], $0xffff  }
0x2d3: {  	(v2sf) =	vpush v21, $0x5;
	s28 =	sadd.s32 $0xFFF0BE00, s14;
	v24 =	vld.idx.msk [tilespmem:v32+s13+$0x0], $0xffff  }
0x2d4: {  	s3 =	sand.u32 $0x7F, s14;
	p1 =	sgt.s32 s28, $0x0;
	v22 =	vadd.s32 v4, v22  }
0x2d5: {  	v33 =	vor.u32 s3, v1;
	s28 =	simm.s32 @!p1 $0x0  }
0x2d6: {  	v34 =	vadd.s32 s28, v1  }
0x2d7: {  	s4 =	sadd.s32 $0xFFFFFFF5, s23  }
0x2d8: {  	v35 =	vmov s4;
	v23 =	vpsel p3, v24, v23  }
0x2d9: {  	s5 =	simm.s32 $0xC900;
	[tilespmem:v22+s8+$0x0] =	vst.idx.msk $0xffff, v23;
	v22 =	vshll.u32 v35, $0x3  }
0x2da: {  	v24 =	vand.u32 $0x7C, v35;
	v23 =	vld.idx.msk [tilespmem:v33+s5+$0x0], $0xffff;
	v22 =	vand.u32 $0x3C00, v22  }
0x2db: {  	v36 =	vld.idx.msk [tilespmem:v34+s13+$0x0], $0xffff;
	v22 =	vor.u32 v24, v22  }
0x2dc: {  	v24 =	vadd.s32 v2, v22  }
0x2dd: {  	v37 =	vor.u32 s3, v3  }
0x2de: {  	v38 =	vadd.s32 s28, v3  }
0x2df: {  	p4 =	sgt.s32 s14, $0xF41FF  }
0x2e0: {  	v23 =	vpsel p4, v36, v23  }
0x2e1: {  	[tilespmem:v24+s8+$0x0] =	vst.idx.msk $0xffff, v23  }
0x2e2: {  	s26 =	spop (v2sf);
	v23 =	vld.idx.msk [tilespmem:v37+s5+$0x0], $0xffff  }
0x2e3: {  	(v2sf) =	vpush v21, $0x6;
	s28 =	sadd.s32 $0xFFF0BE00, s26;
	v24 =	vld.idx.msk [tilespmem:v38+s13+$0x0], $0xffff  }
0x2e4: {  	s14 =	sand.u32 $0x7F, s26;
	p1 =	sgt.s32 s28, $0x0;
	v22 =	vadd.s32 v4, v22  }
0x2e5: {  	v39 =	vor.u32 s14, v1;
	s28 =	simm.s32 @!p1 $0x0  }
0x2e6: {  	v40 =	vadd.s32 s28, v1  }
0x2e7: {  	s4 =	sadd.s32 $0xFFFFFFF6, s23  }
0x2e8: {  	v41 =	vmov s4;
	v23 =	vpsel p4, v24, v23  }
0x2e9: {  	s5 =	simm.s32 $0xD900;
	[tilespmem:v22+s8+$0x0] =	vst.idx.msk $0xffff, v23;
	v22 =	vshll.u32 v41, $0x3  }
0x2ea: {  	v24 =	vand.u32 $0x7D, v41;
	v23 =	vld.idx.msk [tilespmem:v39+s5+$0x0], $0xffff;
	v22 =	vand.u32 $0x3C00, v22  }
0x2eb: {  	v42 =	vld.idx.msk [tilespmem:v40+s13+$0x0], $0xffff;
	v22 =	vor.u32 v24, v22  }
0x2ec: {  	v24 =	vadd.s32 v2, v22  }
0x2ed: {  	v43 =	vor.u32 s14, v3  }
0x2ee: {  	v44 =	vadd.s32 s28, v3  }
0x2ef: {  	p5 =	sgt.s32 s26, $0xF41FF  }
0x2f0: {  	v23 =	vpsel p5, v42, v23  }
0x2f1: {  	[tilespmem:v24+s8+$0x0] =	vst.idx.msk $0xffff, v23  }
0x2f2: {  	s26 =	spop (v2sf);
	v23 =	vld.idx.msk [tilespmem:v43+s5+$0x0], $0xffff  }
0x2f3: {  	(v2sf) =	vpush v21, $0x7;
	s28 =	sadd.s32 $0xFFF0BE00, s26;
	v24 =	vld.idx.msk [tilespmem:v44+s13+$0x0], $0xffff  }
0x2f4: {  	s29 =	sand.u32 $0x7F, s26;
	p1 =	sgt.s32 s28, $0x0;
	v21 =	vadd.s32 v4, v22  }
0x2f5: {  	s28 =	simm.s32 @!p1 $0x0;
	v22 =	vor.u32 s29, v1  }
0x2f6: {  	v45 =	vadd.s32 s28, v1  }
0x2f7: {  	s14 =	sadd.s32 $0xFFFFFFF7, s23  }
0x2f8: {  	v46 =	vmov s14;
	v23 =	vpsel p5, v24, v23  }
0x2f9: {  	s5 =	simm.s32 $0xE900;
	[tilespmem:v21+s8+$0x0] =	vst.idx.msk $0xffff, v23;
	v21 =	vshll.u32 v46, $0x3  }
0x2fa: {  	v23 =	vand.u32 $0x7E, v46;
	v22 =	vld.idx.msk [tilespmem:v22+s5+$0x0], $0xffff;
	v21 =	vand.u32 $0x3C00, v21  }
0x2fb: {  	v47 =	vld.idx.msk [tilespmem:v45+s13+$0x0], $0xffff;
	v21 =	vor.u32 v23, v21  }
0x2fc: {  	v23 =	vadd.s32 v2, v21  }
0x2fd: {  	v48 =	vor.u32 s29, v3  }
0x2fe: {  	v49 =	vadd.s32 s28, v3  }
0x2ff: {  	p6 =	sgt.s32 s26, $0xF41FF  }
0x300: {  	v22 =	vpsel p6, v47, v22  }
0x301: {  	[tilespmem:v23+s8+$0x0] =	vst.idx.msk $0xffff, v22  }
0x302: {  	s26 =	spop (v2sf);
	v22 =	vld.idx.msk [tilespmem:v48+s5+$0x0], $0xffff  }
0x303: {  	s28 =	sadd.s32 $0xFFF0BE00, s26;
	v23 =	vld.idx.msk [tilespmem:v49+s13+$0x0], $0xffff  }
0x304: {  	p1 =	sgt.s32 s28, $0x0;
	s29 =	sand.u32 $0x7F, s26;
	v21 =	vadd.s32 v4, v21  }
0x305: {  	s28 =	simm.s32 @!p1 $0x0;
	v50 =	vor.u32 s29, v1  }
0x306: {  	v51 =	vadd.s32 s28, v1  }
0x307: {  	s5 =	sadd.s32 $0xFFFFFFF8, s23  }
0x308: {  	v22 =	vpsel p6, v23, v22;
	v23 =	vmov s5  }
0x309: {  	s30 =	simm.s32 $0xF900;
	[tilespmem:v21+s8+$0x0] =	vst.idx.msk $0xffff, v22;
	v21 =	vshll.u32 v23, $0x3  }
0x30a: {  	v23 =	vand.u32 $0x7F, v23;
	v22 =	vld.idx.msk [tilespmem:v50+s30+$0x0], $0xffff;
	v21 =	vand.u32 $0x3C00, v21  }
0x30b: {  	v52 =	vld.idx.msk [tilespmem:v51+s13+$0x0], $0xffff;
	v21 =	vor.u32 v23, v21  }
0x30c: {  	v23 =	vadd.s32 v2, v21  }
0x30d: {  	v53 =	vor.u32 s29, v3  }
0x30e: {  	v54 =	vadd.s32 s28, v3  }
0x30f: {  	p2 =	sgt.s32 s26, $0xF41FF  }
0x310: {  	v22 =	vpsel p2, v52, v22  }
0x311: {  	[tilespmem:v23+s8+$0x0] =	vst.idx.msk $0xffff, v22  }
0x312: {  	v22 =	vld.idx.msk [tilespmem:v53+s30+$0x0], $0xffff  }
0x313: {  	v23 =	vld.idx.msk [tilespmem:v54+s13+$0x0], $0xffff  }
0x314: {  	v21 =	vadd.s32 v4, v21;
	_ =	sdelay $0x3  }
0x315: {  	v22 =	vpsel p2, v23, v22  }
0x316: {  	p0 =	seq.s32 s23, $0x1F7;
	[tilespmem:v21+s8+$0x0] =	vst.idx.msk $0xffff, v22  }
0x317: {  	v21 =	vld @!p0 [tilespmem:s24+$0xFFFFFFF8];
	_ =	sdelay $0x4  }
0x318: {  	v21 =	vshll.u32 @!p0 v21, $0x7  }
0x319: {  	(v2sf) =	vpush @!p0 v21, $0x0;
	_ =	sdelay $0x3  }
0x31a: {  	(v2sf) =	vpush @!p0 v21, $0x1;
	_ =	sdelay $0x3  }
0x31b: {  	(v2sf) =	vpush @!p0 v21, $0x2;
	_ =	sdelay $0x3  }
0x31c: {  	(v2sf) =	vpush @!p0 v21, $0x3;
	_ =	sdelay $0x2  }
0x31d: {  	s26 =	spop @!p0 (v2sf)  }
0x31e: {  	s28 =	simm.s32 @!p0 $0x400;
	(v2sf) =	vpush @!p0 v21, $0x4;
	s26 =	sand.u32 @!p0 $0x1FFFFF80, s26  }
0x31f: {  	s29 =	simm.s32 @!p0 $0x7A1400;
	s30 =	simm.s32 @!p0 $0x8900;
	s26 =	sadd.s32 @!p0 s0, s26  }
0x320: {  	[tilespmem:s30], [sflag:$0x2] =	stream.strided.gather @!p0 [hbm4b:s26+s28], $0x1000, s29, s28, $0x38;
	[tilespmem:$0x1D900] =	vst v63  }
0x321: {  	s26 =	spop @!p0 (v2sf)  }
0x322: {  	(v2sf) =	vpush @!p0 v21, $0x5;
	s26 =	sand.u32 @!p0 $0x1FFFFF80, s26  }
0x323: {  	s30 =	simm.s32 @!p0 $0x9900;
	s26 =	sadd.s32 @!p0 s0, s26  }
0x324: {  	[tilespmem:s30], [sflag:$0x2] =	stream.strided.gather @!p0 [hbm4b:s26+s28], $0x1000, s29, s28, $0x38;
	[tilespmem:$0x1D900] =	vst v63  }
0x325: {  	s26 =	spop @!p0 (v2sf)  }
0x326: {  	(v2sf) =	vpush @!p0 v21, $0x6;
	s26 =	sand.u32 @!p0 $0x1FFFFF80, s26  }
0x327: {  	s30 =	simm.s32 @!p0 $0xA900;
	s26 =	sadd.s32 @!p0 s0, s26  }
0x328: {  	[tilespmem:s30], [sflag:$0x2] =	stream.strided.gather @!p0 [hbm4b:s26+s28], $0x1000, s29, s28, $0x38;
	[tilespmem:$0x1D900] =	vst v63  }
0x329: {  	s26 =	spop @!p0 (v2sf)  }
0x32a: {  	(v2sf) =	vpush @!p0 v21, $0x7;
	s26 =	sand.u32 @!p0 $0x1FFFFF80, s26  }
0x32b: {  	s30 =	simm.s32 @!p0 $0xB900;
	s26 =	sadd.s32 @!p0 s0, s26  }
0x32c: {  	[tilespmem:s30], [sflag:$0x2] =	stream.strided.gather @!p0 [hbm4b:s26+s28], $0x1000, s29, s28, $0x38;
	[tilespmem:$0x1D900] =	vst v63  }
0x32d: {  	s26 =	spop @!p0 (v2sf)  }
0x32e: {  	s26 =	sand.u32 @!p0 $0x1FFFFF80, s26  }
0x32f: {  	s30 =	simm.s32 @!p0 $0xC900;
	s26 =	sadd.s32 @!p0 s0, s26  }
0x330: {  	[tilespmem:s30], [sflag:$0x2] =	stream.strided.gather @!p0 [hbm4b:s26+s28], $0x1000, s29, s28, $0x38;
	[tilespmem:$0x1D900] =	vst v63  }
0x331: {  	s26 =	spop @!p0 (v2sf)  }
0x332: {  	s26 =	sand.u32 @!p0 $0x1FFFFF80, s26  }
0x333: {  	s30 =	simm.s32 @!p0 $0xD900;
	s26 =	sadd.s32 @!p0 s0, s26  }
0x334: {  	[tilespmem:s30], [sflag:$0x2] =	stream.strided.gather @!p0 [hbm4b:s26+s28], $0x1000, s29, s28, $0x38;
	[tilespmem:$0x1D900] =	vst v63  }
0x335: {  	s26 =	spop @!p0 (v2sf)  }
0x336: {  	s26 =	sand.u32 @!p0 $0x1FFFFF80, s26  }
0x337: {  	s30 =	simm.s32 @!p0 $0xE900;
	s26 =	sadd.s32 @!p0 s0, s26  }
0x338: {  	[tilespmem:s30], [sflag:$0x2] =	stream.strided.gather @!p0 [hbm4b:s26+s28], $0x1000, s29, s28, $0x38;
	[tilespmem:$0x1D900] =	vst v63  }
0x339: {  	s26 =	spop @!p0 (v2sf)  }
0x33a: {  	s26 =	sand.u32 @!p0 $0x1FFFFF80, s26  }
0x33b: {  	s30 =	simm.s32 @!p0 $0xF900;
	s26 =	sadd.s32 @!p0 s0, s26  }
0x33c: {  	[tilespmem:s30], [sflag:$0x2] =	stream.strided.gather @!p0 [hbm4b:s26+s28], $0x1000, s29, s28, $0x38;
	[tilespmem:$0x1D900] =	vst v63  }
0x33d: {  	_ =	swait.ge [sflag:s22], $0x1000  }
0x33e: {  	[sflag:s22] =	ssyncset.done $0x0  }
0x33f: {  	[sflag:s22] =	ssyncadd.s32 $0xFFFFF000  }
0x340: {  	_ =	swait.ge [sflag:s22], $0x1000  }
0x341: {  	[sflag:s22] =	ssyncset.done $0x0  }
0x342: {  	[sflag:s22] =	ssyncadd.s32 $0xFFFFF000  }
0x343: {  	_ =	swait.ge [sflag:s22], $0x1000  }
0x344: {  	[sflag:s22] =	ssyncset.done $0x0  }
0x345: {  	[sflag:s22] =	ssyncadd.s32 $0xFFFFF000  }
0x346: {  	_ =	swait.ge [sflag:s22], $0x1000  }
0x347: {  	[sflag:s22] =	ssyncset.done $0x0  }
0x348: {  	[sflag:s22] =	ssyncadd.s32 $0xFFFFF000  }
0x349: {  	_ =	swait.ge [sflag:s22], $0x1000  }
0x34a: {  	[sflag:s22] =	ssyncset.done $0x0  }
0x34b: {  	[sflag:s22] =	ssyncadd.s32 $0xFFFFF000  }
0x34c: {  	_ =	swait.ge [sflag:s22], $0x1000  }
0x34d: {  	[sflag:s22] =	ssyncset.done $0x0  }
0x34e: {  	[sflag:s22] =	ssyncadd.s32 $0xFFFFF000  }
0x34f: {  	_ =	swait.ge [sflag:s22], $0x1000  }
0x350: {  	[sflag:s22] =	ssyncset.done $0x0  }
0x351: {  	[sflag:s22] =	ssyncadd.s32 $0xFFFFF000  }
0x352: {  	_ =	swait.ge [sflag:s22], $0x1000  }
0x353: {  	[sflag:s22] =	ssyncset.done $0x0  }
0x354: {  	[sflag:s22] =	ssyncadd.s32 $0xFFFFF000  }
0x355: {  	v21 =	vld [tilespmem:s25+$0x0];
	_ =	sdelay $0x4  }
0x356: {  	(v2sf) =	vpush v21, $0x0;
	_ =	sdelay $0xe  }
0x357: {  	s26 =	spop (v2sf)  }
0x358: {  	(v2sf) =	vpush v21, $0x1;
	s28 =	sadd.s32 $0xFFF0BE00, s26  }
0x359: {  	s29 =	sand.u32 $0x7F, s26;
	p1 =	sgt.s32 s28, $0x0  }
0x35a: {  	v22 =	vor.u32 s29, v1;
	s28 =	simm.s32 @!p1 $0x0  }
0x35b: {  	v23 =	vadd.s32 s28, v1  }
0x35c: {  	s30 =	sadd.s32 $0xFFFFFFF9, s23  }
0x35d: {  	v55 =	vmov s30  }
0x35e: {  	v56 =	vshll.u32 v55, $0x3  }
0x35f: {  	v24 =	vand.u32 $0x78, v55;
	v25 =	vand.u32 $0x3C00, v56;
	v22 =	vld.idx.msk [tilespmem:v22+s6+$0x0], $0xffff  }
0x360: {  	v24 =	vor.u32 v24, v25;
	v23 =	vld.idx.msk [tilespmem:v23+s13+$0x0], $0xffff  }
0x361: {  	v25 =	vadd.s32 v2, v24  }
0x362: {  	v57 =	vor.u32 s29, v3  }
0x363: {  	v58 =	vadd.s32 s28, v3  }
0x364: {  	p3 =	sgt.s32 s26, $0xF41FF  }
0x365: {  	v22 =	vpsel p3, v23, v22  }
0x366: {  	[tilespmem:v25+s8+$0x0] =	vst.idx.msk $0xffff, v22  }
0x367: {  	s26 =	spop (v2sf);
	v22 =	vld.idx.msk [tilespmem:v57+s6+$0x0], $0xffff  }
0x368: {  	(v2sf) =	vpush v21, $0x2;
	v23 =	vld.idx.msk [tilespmem:v58+s13+$0x0], $0xffff;
	s28 =	sadd.s32 $0xFFF0BE00, s26  }
0x369: {  	v24 =	vadd.s32 v4, v24;
	s29 =	sand.u32 $0x7F, s26;
	p2 =	sgt.s32 s28, $0x0  }
0x36a: {  	v59 =	vor.u32 s29, v1;
	s28 =	simm.s32 @!p2 $0x0  }
0x36b: {  	v60 =	vadd.s32 s28, v1  }
0x36c: {  	s30 =	sadd.s32 $0xFFFFFFFA, s23  }
0x36d: {  	v22 =	vpsel p3, v23, v22;
	v23 =	vmov s30  }
0x36e: {  	[tilespmem:v24+s8+$0x0] =	vst.idx.msk $0xffff, v22;
	v22 =	vshll.u32 v23, $0x3  }
0x36f: {  	v23 =	vand.u32 $0x79, v23;
	v24 =	vld.idx.msk [tilespmem:v59+s15+$0x0], $0xffff;
	v22 =	vand.u32 $0x3C00, v22  }
0x370: {  	v61 =	vld.idx.msk [tilespmem:v60+s13+$0x0], $0xffff;
	v22 =	vor.u32 v23, v22  }
0x371: {  	v23 =	vadd.s32 v2, v22  }
0x372: {  	v62 =	vor.u32 s29, v3  }
0x373: {  	v63 =	vadd.s32 s28, v3  }
0x374: {  	p4 =	sgt.s32 s26, $0xF41FF  }
0x375: {  	v24 =	vpsel p4, v61, v24  }
0x376: {  	[tilespmem:v23+s8+$0x0] =	vst.idx.msk $0xffff, v24  }
0x377: {  	s26 =	spop (v2sf);
	v23 =	vld.idx.msk [tilespmem:v62+s15+$0x0], $0xffff  }
0x378: {  	(v2sf) =	vpush v21, $0x3;
	v24 =	vld.idx.msk [tilespmem:v63+s13+$0x0], $0xffff;
	s28 =	sadd.s32 $0xFFF0BE00, s26  }
0x379: {  	v22 =	vadd.s32 v4, v22;
	s29 =	sand.u32 $0x7F, s26;
	p2 =	sgt.s32 s28, $0x0  }
0x37a: {  	v30 =	vor.u32 s29, v1;
	s28 =	simm.s32 @!p2 $0x0  }
0x37b: {  	v31 =	vadd.s32 s28, v1  }
0x37c: {  	s30 =	sadd.s32 $0xFFFFFFFB, s23  }
0x37d: {  	v32 =	vmov s30;
	v23 =	vpsel p4, v24, v23  }
0x37e: {  	[tilespmem:v22+s8+$0x0] =	vst.idx.msk $0xffff, v23;
	v22 =	vshll.u32 v32, $0x3  }
0x37f: {  	v24 =	vand.u32 $0x7A, v32;
	v23 =	vld.idx.msk [tilespmem:v30+s16+$0x0], $0xffff;
	v22 =	vand.u32 $0x3C00, v22  }
0x380: {  	v33 =	vld.idx.msk [tilespmem:v31+s13+$0x0], $0xffff;
	v22 =	vor.u32 v24, v22  }
0x381: {  	v24 =	vadd.s32 v2, v22  }
0x382: {  	v34 =	vor.u32 s29, v3  }
0x383: {  	v35 =	vadd.s32 s28, v3  }
0x384: {  	p5 =	sgt.s32 s26, $0xF41FF  }
0x385: {  	v23 =	vpsel p5, v33, v23  }
0x386: {  	[tilespmem:v24+s8+$0x0] =	vst.idx.msk $0xffff, v23  }
0x387: {  	s26 =	spop (v2sf);
	v23 =	vld.idx.msk [tilespmem:v34+s16+$0x0], $0xffff  }
0x388: {  	(v2sf) =	vpush v21, $0x4;
	v24 =	vld.idx.msk [tilespmem:v35+s13+$0x0], $0xffff;
	s28 =	sadd.s32 $0xFFF0BE00, s26  }
0x389: {  	v22 =	vadd.s32 v4, v22;
	s29 =	sand.u32 $0x7F, s26;
	p2 =	sgt.s32 s28, $0x0  }
0x38a: {  	v36 =	vor.u32 s29, v1;
	s28 =	simm.s32 @!p2 $0x0  }
0x38b: {  	v37 =	vadd.s32 s28, v1  }
0x38c: {  	s30 =	sadd.s32 $0xFFFFFFFC, s23  }
0x38d: {  	v38 =	vmov s30;
	v23 =	vpsel p5, v24, v23  }
0x38e: {  	[tilespmem:v22+s8+$0x0] =	vst.idx.msk $0xffff, v23;
	v22 =	vshll.u32 v38, $0x3  }
0x38f: {  	v24 =	vand.u32 $0x7B, v38;
	v23 =	vld.idx.msk [tilespmem:v36+s17+$0x0], $0xffff;
	v22 =	vand.u32 $0x3C00, v22  }
0x390: {  	v39 =	vld.idx.msk [tilespmem:v37+s13+$0x0], $0xffff;
	v22 =	vor.u32 v24, v22  }
0x391: {  	v24 =	vadd.s32 v2, v22  }
0x392: {  	v40 =	vor.u32 s29, v3  }
0x393: {  	v41 =	vadd.s32 s28, v3  }
0x394: {  	p6 =	sgt.s32 s26, $0xF41FF  }
0x395: {  	v23 =	vpsel p6, v39, v23  }
0x396: {  	[tilespmem:v24+s8+$0x0] =	vst.idx.msk $0xffff, v23  }
0x397: {  	s26 =	spop (v2sf);
	v23 =	vld.idx.msk [tilespmem:v40+s17+$0x0], $0xffff  }
0x398: {  	(v2sf) =	vpush v21, $0x5;
	v24 =	vld.idx.msk [tilespmem:v41+s13+$0x0], $0xffff;
	s28 =	sadd.s32 $0xFFF0BE00, s26  }
0x399: {  	v22 =	vadd.s32 v4, v22;
	s29 =	sand.u32 $0x7F, s26;
	p2 =	sgt.s32 s28, $0x0  }
0x39a: {  	v42 =	vor.u32 s29, v1;
	s28 =	simm.s32 @!p2 $0x0  }
0x39b: {  	v43 =	vadd.s32 s28, v1  }
0x39c: {  	s30 =	sadd.s32 $0xFFFFFFFD, s23  }
0x39d: {  	v44 =	vmov s30;
	v23 =	vpsel p6, v24, v23  }
0x39e: {  	[tilespmem:v22+s8+$0x0] =	vst.idx.msk $0xffff, v23;
	v22 =	vshll.u32 v44, $0x3  }
0x39f: {  	v24 =	vand.u32 $0x7C, v44;
	v23 =	vld.idx.msk [tilespmem:v42+s18+$0x0], $0xffff;
	v22 =	vand.u32 $0x3C00, v22  }
0x3a0: {  	v45 =	vld.idx.msk [tilespmem:v43+s13+$0x0], $0xffff;
	v22 =	vor.u32 v24, v22  }
0x3a1: {  	v24 =	vadd.s32 v2, v22  }
0x3a2: {  	v46 =	vor.u32 s29, v3  }
0x3a3: {  	v47 =	vadd.s32 s28, v3  }
0x3a4: {  	p3 =	sgt.s32 s26, $0xF41FF  }
0x3a5: {  	v23 =	vpsel p3, v45, v23  }
0x3a6: {  	[tilespmem:v24+s8+$0x0] =	vst.idx.msk $0xffff, v23  }
0x3a7: {  	s26 =	spop (v2sf);
	v23 =	vld.idx.msk [tilespmem:v46+s18+$0x0], $0xffff  }
0x3a8: {  	(v2sf) =	vpush v21, $0x6;
	v24 =	vld.idx.msk [tilespmem:v47+s13+$0x0], $0xffff;
	s28 =	sadd.s32 $0xFFF0BE00, s26  }
0x3a9: {  	v22 =	vadd.s32 v4, v22;
	s29 =	sand.u32 $0x7F, s26;
	p2 =	sgt.s32 s28, $0x0  }
0x3aa: {  	v48 =	vor.u32 s29, v1;
	s28 =	simm.s32 @!p2 $0x0  }
0x3ab: {  	v49 =	vadd.s32 s28, v1  }
0x3ac: {  	s30 =	sadd.s32 $0xFFFFFFFE, s23  }
0x3ad: {  	v50 =	vmov s30;
	v23 =	vpsel p3, v24, v23  }
0x3ae: {  	[tilespmem:v22+s8+$0x0] =	vst.idx.msk $0xffff, v23;
	v22 =	vshll.u32 v50, $0x3  }
0x3af: {  	v24 =	vand.u32 $0x7D, v50;
	v23 =	vld.idx.msk [tilespmem:v48+s19+$0x0], $0xffff;
	v22 =	vand.u32 $0x3C00, v22  }
0x3b0: {  	v51 =	vld.idx.msk [tilespmem:v49+s13+$0x0], $0xffff;
	v22 =	vor.u32 v24, v22  }
0x3b1: {  	v24 =	vadd.s32 v2, v22  }
0x3b2: {  	v52 =	vor.u32 s29, v3  }
0x3b3: {  	v53 =	vadd.s32 s28, v3  }
0x3b4: {  	p4 =	sgt.s32 s26, $0xF41FF  }
0x3b5: {  	v23 =	vpsel p4, v51, v23  }
0x3b6: {  	[tilespmem:v24+s8+$0x0] =	vst.idx.msk $0xffff, v23  }
0x3b7: {  	s26 =	spop (v2sf);
	v23 =	vld.idx.msk [tilespmem:v52+s19+$0x0], $0xffff  }
0x3b8: {  	(v2sf) =	vpush v21, $0x7;
	v24 =	vld.idx.msk [tilespmem:v53+s13+$0x0], $0xffff;
	s28 =	sadd.s32 $0xFFF0BE00, s26  }
0x3b9: {  	v21 =	vadd.s32 v4, v22;
	s29 =	sand.u32 $0x7F, s26;
	p2 =	sgt.s32 s28, $0x0  }
0x3ba: {  	v22 =	vor.u32 s29, v1;
	s28 =	simm.s32 @!p2 $0x0  }
0x3bb: {  	v54 =	vadd.s32 s28, v1  }
0x3bc: {  	s30 =	sadd.s32 $0xFFFFFFFF, s23  }
0x3bd: {  	v55 =	vmov s30;
	v23 =	vpsel p4, v24, v23  }
0x3be: {  	[tilespmem:v21+s8+$0x0] =	vst.idx.msk $0xffff, v23;
	v21 =	vshll.u32 v55, $0x3  }
0x3bf: {  	v23 =	vand.u32 $0x7E, v55;
	v22 =	vld.idx.msk [tilespmem:v22+s20+$0x0], $0xffff;
	v21 =	vand.u32 $0x3C00, v21  }
0x3c0: {  	v56 =	vld.idx.msk [tilespmem:v54+s13+$0x0], $0xffff;
	v21 =	vor.u32 v23, v21  }
0x3c1: {  	v23 =	vadd.s32 v2, v21  }
0x3c2: {  	v57 =	vor.u32 s29, v3  }
0x3c3: {  	v58 =	vadd.s32 s28, v3  }
0x3c4: {  	p5 =	sgt.s32 s26, $0xF41FF  }
0x3c5: {  	v22 =	vpsel p5, v56, v22  }
0x3c6: {  	[tilespmem:v23+s8+$0x0] =	vst.idx.msk $0xffff, v22  }
0x3c7: {  	v22 =	vld.idx.msk [tilespmem:v57+s20+$0x0], $0xffff;
	s20 =	spop (v2sf)  }
0x3c8: {  	v23 =	vld.idx.msk [tilespmem:v58+s13+$0x0], $0xffff;
	s28 =	sadd.s32 $0xFFF0BE00, s20  }
0x3c9: {  	v21 =	vadd.s32 v4, v21;
	s30 =	sand.u32 $0x7F, s20;
	p2 =	sgt.s32 s28, $0x0  }
0x3ca: {  	v59 =	vor.u32 s30, v1;
	s28 =	simm.s32 @!p2 $0x0  }
0x3cb: {  	v60 =	vadd.s32 s28, v1;
	_ =	sdelay $0x1  }
0x3cc: {  	v22 =	vpsel p5, v23, v22;
	v23 =	vmov s23  }
0x3cd: {  	[tilespmem:v21+s8+$0x0] =	vst.idx.msk $0xffff, v22;
	v21 =	vshll.u32 v23, $0x3  }
0x3ce: {  	v23 =	vand.u32 $0x7F, v23;
	v22 =	vld.idx.msk [tilespmem:v59+s21+$0x0], $0xffff;
	v21 =	vand.u32 $0x3C00, v21  }
0x3cf: {  	v21 =	vor.u32 v23, v21;
	v61 =	vld.idx.msk [tilespmem:v60+s13+$0x0], $0xffff  }
0x3d0: {  	v23 =	vadd.s32 v2, v21  }
0x3d1: {  	v62 =	vor.u32 s30, v3  }
0x3d2: {  	v63 =	vadd.s32 s28, v3  }
0x3d3: {  	p6 =	sgt.s32 s20, $0xF41FF  }
0x3d4: {  	v22 =	vpsel p6, v61, v22  }
0x3d5: {  	[tilespmem:v23+s8+$0x0] =	vst.idx.msk $0xffff, v22  }
0x3d6: {  	v22 =	vld.idx.msk [tilespmem:v62+s21+$0x0], $0xffff  }
0x3d7: {  	v23 =	vld.idx.msk [tilespmem:v63+s13+$0x0], $0xffff  }
0x3d8: {  	v21 =	vadd.s32 v4, v21  }
.Ltmp2:
0x3d9: {  	_ = 	snop;
	(pc) =	sbr.rel @p0 .LBB2_4-.Ltmp2, $4  }
0x3da: {  	s31 =	simm.s32 $0x8900  }
0x3db: {  	s4 =	simm.s32 $0xD900;
	s3 =	simm.s32 $0xC900;
	s1 =	simm.s32 $0x9900  }
0x3dc: {  	s14 =	simm.s32 $0xE900;
	s2 =	simm.s32 $0xA900;
	s10 =	simm.s32 $0xB900;
	v22 =	vpsel p6, v23, v22  }
0x3dd: {  	s5 =	simm.s32 $0xF900;
	s20 =	simm.s32 $0x16900;
	s21 =	simm.s32 $0x17900;
	[tilespmem:v21+s8+$0x0] =	vst.idx.msk $0xffff, v22  }
0x3de: {  	v21 =	vld [tilespmem:s24+$0x0];
	_ =	sdelay $0x4  }
0x3df: {  	v21 =	vshll.u32 v21, $0x7  }
0x3e0: {  	(v2sf) =	vpush v21, $0x0;
	_ =	sdelay $0x1  }
0x3e1: {  	(v2sf) =	vpush v21, $0x1;
	_ =	sdelay $0x1  }
0x3e2: {  	(v2sf) =	vpush v21, $0x2;
	_ =	sdelay $0x5  }
0x3e3: {  	(v2sf) =	vpush v21, $0x3;
	_ =	sdelay $0x4  }
0x3e4: {  	s26 =	spop (v2sf);
	(v2sf) =	vpush v21, $0x4;
	_ =	sdelay $0x1  }
0x3e5: {  	s5 =	spop (v2sf);
	(v2sf) =	vpush v21, $0x5  }
0x3e6: {  	s26 =	sand.u32 $0x1FFFFF80, s26  }
0x3e7: {  	s26 =	sadd.s32 s0, s26;
	s10 =	spop (v2sf)  }
0x3e8: {  	(v2sf) =	vpush v21, $0x6;
	[tilespmem:s6], [sflag:$0x3] =	stream.strided.gather [hbm4b:s26+s12], $0x1000, s11, s12, $0x38;
	[tilespmem:$0x1D900] =	vst v63  }
0x3e9: {  	s26 =	sand.u32 $0x1FFFFF80, s5  }
0x3ea: {  	s26 =	sadd.s32 s0, s26  }
0x3eb: {  	[tilespmem:s15], [sflag:$0x3] =	stream.strided.gather [hbm4b:s26+s12], $0x1000, s11, s12, $0x38;
	[tilespmem:$0x1D900] =	vst v63  }
0x3ec: {  	s26 =	sand.u32 $0x1FFFFF80, s10  }
0x3ed: {  	s14 =	spop (v2sf);
	(v2sf) =	vpush v21, $0x7;
	s26 =	sadd.s32 s0, s26  }
0x3ee: {  	[tilespmem:s16], [sflag:$0x3] =	stream.strided.gather [hbm4b:s26+s12], $0x1000, s11, s12, $0x38;
	[tilespmem:$0x1D900] =	vst v63  }
0x3ef: {  	s26 =	sand.u32 $0x1FFFFF80, s14  }
0x3f0: {  	s26 =	sadd.s32 s0, s26  }
0x3f1: {  	[tilespmem:s17], [sflag:$0x3] =	stream.strided.gather [hbm4b:s26+s12], $0x1000, s11, s12, $0x38;
	[tilespmem:$0x1D900] =	vst v63  }
0x3f2: {  	s28 =	spop (v2sf)  }
0x3f3: {  	s26 =	sand.u32 $0x1FFFFF80, s28  }
0x3f4: {  	s29 =	spop (v2sf);
	s26 =	sadd.s32 s0, s26  }
0x3f5: {  	[tilespmem:s18], [sflag:$0x3] =	stream.strided.gather [hbm4b:s26+s12], $0x1000, s11, s12, $0x38;
	[tilespmem:$0x1D900] =	vst v63  }
0x3f6: {  	s26 =	sand.u32 $0x1FFFFF80, s29  }
0x3f7: {  	s30 =	spop (v2sf);
	s26 =	sadd.s32 s0, s26  }
0x3f8: {  	[tilespmem:s19], [sflag:$0x3] =	stream.strided.gather [hbm4b:s26+s12], $0x1000, s11, s12, $0x38;
	[tilespmem:$0x1D900] =	vst v63  }
0x3f9: {  	s26 =	sand.u32 $0x1FFFFF80, s30  }
0x3fa: {  	s26 =	sadd.s32 s0, s26  }
0x3fb: {  	[tilespmem:s20], [sflag:$0x3] =	stream.strided.gather [hbm4b:s26+s12], $0x1000, s11, s12, $0x38;
	[tilespmem:$0x1D900] =	vst v63  }
.Ltmp3:
0x3fc: {  	s31 =	spop (v2sf);
	(pc) =	sbr.rel .LBB2_2-.Ltmp3, $4  }
0x3fd: {  	s26 =	sand.u32 $0x1FFFFF80, s31  }
0x3fe: {  	s23 =	sadd.s32 $0x18, s23;
	s24 =	sadd.s32 $0x18, s24;
	s26 =	sadd.s32 s0, s26  }
0x3ff: {  	[tilespmem:s21], [sflag:$0x3] =	stream.strided.gather [hbm4b:s26+s12], $0x1000, s11, s12, $0x38;
	[tilespmem:$0x1D900] =	vst v63  }
0x400: {  	s25 =	sadd.s32 $0x18, s25;
	s20 =	simm.s32 $0x16900;
	s21 =	simm.s32 $0x17900  }
.LBB2_5:
0x401: {  	_ =	sfence.sel $0x180000  }
0x402: {  	[bflag:$0x0] =	sbarrier.arrive $0xFFFF  }
0x403: {  	_ =	strace $0x90000047  }
0x404: {  	s0 =	stileid.u32;
	[bflag:$0x2] =	sbarrier.arrive $0xFFFF  }
0x405: {  	p0 =	sne.s32 s0, $0x0;
	s0 =	rddreg [dreg:$0x4]  }
0x406: {  	s0 =	sadd.s32 @!p0 $0x100000, s0  }
0x407: {  	[sflag:s0] =	ssyncadd.tile.s32 @!p0 $0x1;
	_ =	shalt  }
.Lfunc_end2:
_tile_overlayer_lowered:
.L_overlay_start_2:
0x408: {  	(tag) =	ssettag $0x2  }
0x409: {  	s0 =	rddreg [dreg:$0x0];
	s2 =	stileid.u32  }
0x40a: {  	s1 =	rddreg [dreg:$0x1];
	p0 =	sne.s32 s2, $0x0  }
0x40b: {  	s3 =	rddreg [dreg:$0x2];
	[bflag:$0x3] =	sbarrier.arrive $0xFFFF;
	s2 =	simm.s32 @!p0 $0x1C04  }
0x40c: {  	[timem:s3], [sflag:s2] =	dma.local @!p0 [hbm:s0], s1  }
0x40d: {  	s0 =	simm.s32 @!p0 $0x4  }
0x40e: {  	_ =	swait.ge @!p0 [sflag:s0], s1  }
0x40f: {  	s1 =	ssub.s32 @!p0 $0x0, s1;
	[sflag:s0] =	ssyncset.done @!p0 $0x0  }
0x410: {  	[sflag:s0] =	ssyncadd.s32 @!p0 s1  }
0x411: {  	[bflag:$0x3] =	sbarrier.arrive $0xFFFF  }
0x412: {  	_ =	shalt  }

</sc_bundles>
